<compile_context>
chip_gen: v7x
topology: tpu7x:2x2x1
jax: 0.10.2.dev20260603
libtpu: 0.0.44.dev20260713+nightly
codegen_flags: <defaults>
</compile_context>

<pallas_src>
import jax
import jax.numpy as jnp
from jax import lax
from jax.experimental import pallas as pl
from jax.experimental.pallas import tpu as pltpu
from jax.experimental.pallas import tpu_sc as plsc

N = 10000
D = 128
NC = 2
NS = 16
NW = NC * NS
CH = 64
LANES = 16
NBUF = 4
MB = 8
N_PAD = 10240
ROWS_PER_TILE = N_PAD // NS

_BCAST_DNUMS = lax.GatherDimensionNumbers(
    offset_dims=(), collapsed_slice_dims=(0,), start_index_map=(0,))


def _bcast_lane(v, i):
    idx = jnp.full((LANES, 1), i, jnp.int32)
    return lax.gather(v, idx, _BCAST_DNUMS, (1,),
                      mode=lax.GatherScatterMode.PROMISE_IN_BOUNDS)


def _sc_aggregate(x, eidx, evals, nchunks):
    nblocks = nchunks // MB
    mesh = plsc.VectorSubcoreMesh(core_axis_name="c", subcore_axis_name="s")

    def body(x_hbm, ei_hbm, ev_hbm, out_hbm,
             idxb, valb, buf, gsem, isem, vsem, acc):
        cid = lax.axis_index("c")
        sid = lax.axis_index("s")
        wid = sid * NC + cid

        pltpu.sync_copy(ei_hbm.at[wid, 0], idxb.at[0])
        pltpu.sync_copy(ev_hbm.at[wid, 0], valb.at[0])
        pltpu.async_copy(ei_hbm.at[wid, 1], idxb.at[1], isem.at[1])
        pltpu.async_copy(ev_hbm.at[wid, 1], valb.at[1], vsem.at[1])

        zeros = jnp.zeros((LANES,), jnp.float32)

        def zrow(r, _):
            for k in range(D // LANES):
                buf[0, r, pl.ds(k * LANES, LANES)] = zeros
            return 0

        lax.fori_loop(0, CH, zrow, 0)
        base = sid * ROWS_PER_TILE
        for cblk in range(ROWS_PER_TILE // CH):
            pltpu.sync_copy(buf.at[0, pl.ds(0, CH)],
                            acc.at[pl.ds(base + cblk * CH, CH)])
        plsc.subcore_barrier()

        def gather_start(b, p, i):
            pltpu.async_copy(x_hbm.at[idxb.at[p, i * 2]], buf.at[b],
                             gsem.at[b])

        def scale(b, p, i):
            def group(g, _):
                v16 = valb[p, i, pl.ds(g * LANES, LANES)]
                for ii in range(LANES):
                    vb = _bcast_lane(v16, ii)
                    e = g * LANES + ii
                    for k in range(D // LANES):
                        sl = pl.ds(k * LANES, LANES)
                        buf[b, e, sl] = buf[b, e, sl] * vb
                return 0

            lax.fori_loop(0, CH // LANES, group, 0)

        gather_start(0, 0, 0)
        gather_start(1, 0, 1)

        def step(j, _):
            kb = j // MB
            i = lax.rem(j, MB)
            p = lax.rem(kb, 2)
            pn = lax.rem(kb + 1, 2)
            b = lax.rem(j, NBUF)
            br = lax.rem(j + 2, NBUF)

            pltpu.make_async_copy(x_hbm.at[pl.ds(0, CH)], buf.at[b],
                                  gsem.at[b]).wait()
            scale(b, p, i)
            pltpu.sync_copy(buf.at[b], acc.at[idxb.at[p, i * 2 + 1]],
                            add=True)

            @pl.when((i == 1) & (kb < nblocks - 1))
            def _():
                pltpu.async_copy(ei_hbm.at[wid, kb + 1], idxb.at[pn],
                                 isem.at[pn])
                pltpu.async_copy(ev_hbm.at[wid, kb + 1], valb.at[pn],
                                 vsem.at[pn])

            @pl.when((i == MB - 2) & (kb < nblocks - 1))
            def _():
                pltpu.make_async_copy(ei_hbm.at[wid, 0], idxb.at[pn],
                                      isem.at[pn]).wait()
                pltpu.make_async_copy(ev_hbm.at[wid, 0], valb.at[pn],
                                      vsem.at[pn]).wait()

            @pl.when(j + 2 < nchunks)
            def _():
                gather_start(br, lax.rem((j + 2) // MB, 2),
                             lax.rem(j + 2, MB))
            return 0

        lax.fori_loop(0, nchunks, step, 0)
        plsc.subcore_barrier()

        sl = pl.ds(base, ROWS_PER_TILE)
        pltpu.sync_copy(acc.at[sl], out_hbm.at[cid, sl])

        lax.fori_loop(0, CH, zrow, 0)
        for cblk in range(ROWS_PER_TILE // CH):
            pltpu.sync_copy(buf.at[0, pl.ds(0, CH)],
                            acc.at[pl.ds(base + cblk * CH, CH)])

    run = pl.kernel(
        body,
        out_type=jax.ShapeDtypeStruct((NC, N_PAD, D), jnp.float32),
        mesh=mesh,
        scratch_types=[
            pltpu.VMEM((2, MB * 2, CH), jnp.int32),
            pltpu.VMEM((2, MB, CH), jnp.float32),
            pltpu.VMEM((NBUF, CH, D), jnp.float32),
            pltpu.SemaphoreType.DMA((NBUF,)),
            pltpu.SemaphoreType.DMA((2,)),
            pltpu.SemaphoreType.DMA((2,)),
            pltpu.VMEM_SHARED((N_PAD, D), jnp.float32),
        ],
    )
    return run(x, eidx, evals)


def _tc_linear_body(x_ref, w_ref, h_ref):
    h_ref[...] = lax.dot_general(x_ref[...], w_ref[...],
                                 (((1,), (1,)), ((), ())),
                                 preferred_element_type=jnp.float32)


def _tc_linear(x, W):
    BR = 1000
    return pl.pallas_call(
        _tc_linear_body,
        grid=(N // BR,),
        in_specs=[
            pl.BlockSpec((BR, D), lambda i: (i, 0)),
            pl.BlockSpec((D, D), lambda i: (0, 0)),
        ],
        out_specs=pl.BlockSpec((BR, D), lambda i: (i, 0)),
        out_shape=jax.ShapeDtypeStruct((N, D), jnp.float32),
    )(x, W)


def _tc_body(p_ref, b_ref, g_ref, be_ref, o_ref):
    h2 = p_ref[0] + p_ref[1] + b_ref[...]
    mean = jnp.mean(h2, axis=-1, keepdims=True)
    c = h2 - mean
    var = jnp.mean(c * c, axis=-1, keepdims=True)
    o_ref[...] = c * lax.rsqrt(var + 1e-5) * g_ref[...] + be_ref[...]


def _tc_epilogue(partials, bias, gamma, beta):
    BR = 1000
    grid = (N // BR,)
    return pl.pallas_call(
        _tc_body,
        grid=grid,
        in_specs=[
            pl.BlockSpec((NC, BR, D), lambda i: (0, i, 0)),
            pl.BlockSpec((1, D), lambda i: (0, 0)),
            pl.BlockSpec((1, D), lambda i: (0, 0)),
            pl.BlockSpec((1, D), lambda i: (0, 0)),
        ],
        out_specs=pl.BlockSpec((BR, D), lambda i: (i, 0)),
        out_shape=jax.ShapeDtypeStruct((N, D), jnp.float32),
    )(partials, bias.reshape(1, D), gamma.reshape(1, D),
      beta.reshape(1, D))


def kernel(x, adj_indices, adj_values, W, bias, gamma, beta):
    E = adj_values.shape[0]
    epw = -(-E // NW)
    nchunks = -(-epw // CH)
    nchunks = -(-nchunks // MB) * MB
    e_pad = NW * nchunks * CH
    nblocks = nchunks // MB

    row = adj_indices[0]
    col = adj_indices[1]
    pad = e_pad - E
    colp = jnp.pad(col, (0, pad)).reshape(NW, nblocks, MB, 1, CH)
    rowp = jnp.pad(row, (0, pad)).reshape(NW, nblocks, MB, 1, CH)
    eidx = jnp.concatenate([colp, rowp], axis=3).reshape(NW, nblocks,
                                                         MB * 2, CH)
    evals = jnp.pad(adj_values, (0, pad)).reshape(NW, nblocks, MB, CH)

    h = _tc_linear(x, W)
    partials = _sc_aggregate(h, eidx, evals, nchunks)
    return _tc_epilogue(partials, bias, gamma, beta)

# --- scband reference (transcript-rebuilt; emitter-appended) ---
"""Pipeline reference for scband-gcnlayer-12610023981198 (READ-ONLY COPY).

The authoritative reference and input builder live on the scoring server;
editing this copy changes nothing except your own understanding.
"""

import jax, jax.numpy as jnp
import numpy as np

N = 10000
E = 320000
D_IN = 128
D_OUT = 128


def setup_inputs(seed: int = 0) -> dict:
    key = jax.random.key(seed)
    k1, k2, k3, k4 = jax.random.split(key, 4)
    x = jax.random.normal(k1, (N, D_IN), dtype=jnp.float32)
    adj_indices = jax.random.randint(k2, (2, E), 0, N, dtype=jnp.int32)
    adj_values = jax.random.uniform(k3, (E,), dtype=jnp.float32)
    # Learned parameters: Linear weight (out_dim, in_dim), bias, LayerNorm gamma/beta
    W = jax.random.normal(k4, (D_OUT, D_IN), dtype=jnp.float32) * (1.0 / np.sqrt(D_IN))
    bias = jnp.zeros((D_OUT,), dtype=jnp.float32)
    gamma = jnp.ones((D_OUT,), dtype=jnp.float32)
    beta = jnp.zeros((D_OUT,), dtype=jnp.float32)
    return {"x": x, "adj_indices": adj_indices, "adj_values": adj_values,
            "W": W, "bias": bias, "gamma": gamma, "beta": beta}


def reference(x, adj_indices, adj_values, W, bias, gamma, beta):
    # h = self.W(x)  (Linear, no bias)
    h = x @ W.T
    # h = torch.sparse.mm(adj_norm, h): out[row] += val * h[col]
    row = adj_indices[0]
    col = adj_indices[1]
    msg = adj_values[:, None] * jnp.take(h, col, axis=0)
    agg = jax.ops.segment_sum(msg, row, num_segments=x.shape[0])
    # h = h + self.bias
    h2 = agg + bias
    # LayerNorm over last dim
    mean = jnp.mean(h2, axis=-1, keepdims=True)
    var = jnp.var(h2, axis=-1, keepdims=True)
    h_norm = (h2 - mean) / jnp.sqrt(var + 1e-5)
    out = h_norm * gamma + beta
    return out

if __name__ == "__main__":
    import jax
    _d = setup_inputs()
    print(jax.jit(kernel)(*tuple(_d.values())))

</pallas_src>

<mosaic_0001>
#map = affine_map<(d0, d1) -> (0, 0)>
#map1 = affine_map<(d0, d1) -> (0, 0, 0, 0)>
#map2 = affine_map<(d0, d1) -> (0, 0, 0)>
module attributes {stable_mosaic.version = 14 : i64} {
  func.func @body(%arg0: i32, %arg1: i32, %arg2: memref<10000x128xf32, #tpu.memory_space<hbm>>, %arg3: memref<32x20x16x64xi32, #tpu.memory_space<hbm>>, %arg4: memref<32x20x8x64xf32, #tpu.memory_space<hbm>>, %arg5: memref<2x10240x128xf32, #tpu.memory_space<hbm>>, %arg6: memref<2x16x64xi32, #tpu.memory_space<vmem>>, %arg7: memref<2x8x64xf32, #tpu.memory_space<vmem>>, %arg8: memref<4x64x128xf32, #tpu.memory_space<vmem>>, %arg9: memref<4x!tpu.dma_semaphore, #tpu.memory_space<semaphore_mem>>, %arg10: memref<2x!tpu.dma_semaphore, #tpu.memory_space<semaphore_mem>>, %arg11: memref<2x!tpu.dma_semaphore, #tpu.memory_space<semaphore_mem>>, %arg12: memref<10240x128xf32, #tpu.memory_space<vmem_shared>>) attributes {dimension_semantics = [#tpu.dimension_semantics<core_parallel>, #tpu.dimension_semantics<subcore_parallel>], iteration_bounds = array<i64: 2, 16>, scalar_prefetch = 0 : i64, scratch_operands = 7 : i64, tpu.core_type = #tpu.core_type<sc_vector_subcore>, window_params = [{transform_indices = #map}, {transform_indices = #map1}, {transform_indices = #map1}, {transform_indices = #map2}]} {
    %mul3A = arith.constant 2 : i32
    %mul3A_0 = arith.muli %arg1, %mul3A : i32
    %add3A = arith.addi %mul3A_0, %arg0 : i32
    %run_scoped3A = arith.constant 0 : i32
    %run_scoped3A_1 = arith.constant 0 : i32
    "tpu.region"() ({
      %run_scoped3A_161 = tpu.sem_alloc : memref<!tpu.dma_semaphore, #tpu.memory_space<semaphore_mem>>
      %dma_start3A_162 = arith.constant 0 : i32
      %dma_start3A_163 = arith.constant 0 : i32
      %dma_start3A_164 = tpu.memref_slice %arg6[%run_scoped3A_1, %dma_start3A_162, %dma_start3A_163] : memref<2x16x64xi32, #tpu.memory_space<vmem>> -> memref<1x16x64xi32, #tpu.memory_space<vmem>>
      %dma_start3A_165 = tpu.memref_squeeze %dma_start3A_164 : memref<1x16x64xi32, #tpu.memory_space<vmem>> -> memref<16x64xi32, #tpu.memory_space<vmem>>
      %dma_start3A_166 = arith.constant 0 : i32
      %dma_start3A_167 = arith.constant 0 : i32
      %dma_start3A_168 = tpu.memref_slice %arg3[%add3A, %run_scoped3A, %dma_start3A_166, %dma_start3A_167] : memref<32x20x16x64xi32, #tpu.memory_space<hbm>> -> memref<1x1x16x64xi32, #tpu.memory_space<hbm>>
      %dma_start3A_169 = tpu.memref_squeeze %dma_start3A_168 : memref<1x1x16x64xi32, #tpu.memory_space<hbm>> -> memref<16x64xi32, #tpu.memory_space<hbm>>
      %dma_start3A_170 = arith.constant 0 : i32
      %dma_start3A_171 = arith.constant 0 : i32
      %dma_start3A_172 = tpu.memref_slice %arg6[%run_scoped3A_1, %dma_start3A_170, %dma_start3A_171] : memref<2x16x64xi32, #tpu.memory_space<vmem>> -> memref<1x16x64xi32, #tpu.memory_space<vmem>>
      %dma_start3A_173 = tpu.memref_squeeze %dma_start3A_172 : memref<1x16x64xi32, #tpu.memory_space<vmem>> -> memref<16x64xi32, #tpu.memory_space<vmem>>
      %dma_start3A_174 = arith.constant 0 : i32
      %dma_start3A_175 = arith.constant 0 : i32
      %dma_start3A_176 = tpu.memref_slice %arg3[%add3A, %run_scoped3A, %dma_start3A_174, %dma_start3A_175] : memref<32x20x16x64xi32, #tpu.memory_space<hbm>> -> memref<1x1x16x64xi32, #tpu.memory_space<hbm>>
      %dma_start3A_177 = tpu.memref_squeeze %dma_start3A_176 : memref<1x1x16x64xi32, #tpu.memory_space<hbm>> -> memref<16x64xi32, #tpu.memory_space<hbm>>
      tpu.enqueue_dma source(%dma_start3A_177 : memref<16x64xi32, #tpu.memory_space<hbm>>) target(%dma_start3A_173 : memref<16x64xi32, #tpu.memory_space<vmem>>) target_semaphore(%run_scoped3A_161 : memref<!tpu.dma_semaphore, #tpu.memory_space<semaphore_mem>>)
      %dma_wait3A = arith.constant 0 : i32
      %dma_wait3A_178 = arith.constant 0 : i32
      %dma_wait3A_179 = tpu.memref_slice %arg6[%run_scoped3A_1, %dma_wait3A, %dma_wait3A_178] : memref<2x16x64xi32, #tpu.memory_space<vmem>> -> memref<1x16x64xi32, #tpu.memory_space<vmem>>
      %dma_wait3A_180 = tpu.memref_squeeze %dma_wait3A_179 : memref<1x16x64xi32, #tpu.memory_space<vmem>> -> memref<16x64xi32, #tpu.memory_space<vmem>>
      %dma_wait3A_181 = arith.constant 0 : i32
      %dma_wait3A_182 = arith.constant 0 : i32
      %dma_wait3A_183 = tpu.memref_slice %arg3[%add3A, %run_scoped3A, %dma_wait3A_181, %dma_wait3A_182] : memref<32x20x16x64xi32, #tpu.memory_space<hbm>> -> memref<1x1x16x64xi32, #tpu.memory_space<hbm>>
      %dma_wait3A_184 = tpu.memref_squeeze %dma_wait3A_183 : memref<1x1x16x64xi32, #tpu.memory_space<hbm>> -> memref<16x64xi32, #tpu.memory_space<hbm>>
      %dma_wait3A_185 = arith.constant 0 : i32
      %dma_wait3A_186 = arith.constant 0 : i32
      %dma_wait3A_187 = tpu.memref_slice %arg6[%run_scoped3A_1, %dma_wait3A_185, %dma_wait3A_186] : memref<2x16x64xi32, #tpu.memory_space<vmem>> -> memref<1x16x64xi32, #tpu.memory_space<vmem>>
      %dma_wait3A_188 = tpu.memref_squeeze %dma_wait3A_187 : memref<1x16x64xi32, #tpu.memory_space<vmem>> -> memref<16x64xi32, #tpu.memory_space<vmem>>
      %dma_wait3A_189 = arith.constant 0 : i32
      %dma_wait3A_190 = arith.constant 0 : i32
      %dma_wait3A_191 = tpu.memref_slice %arg3[%add3A, %run_scoped3A, %dma_wait3A_189, %dma_wait3A_190] : memref<32x20x16x64xi32, #tpu.memory_space<hbm>> -> memref<1x1x16x64xi32, #tpu.memory_space<hbm>>
      %dma_wait3A_192 = tpu.memref_squeeze %dma_wait3A_191 : memref<1x1x16x64xi32, #tpu.memory_space<hbm>> -> memref<16x64xi32, #tpu.memory_space<hbm>>
      tpu.wait_dma2 semaphore(%run_scoped3A_161 : memref<!tpu.dma_semaphore, #tpu.memory_space<semaphore_mem>>) src(%dma_wait3A_192 : memref<16x64xi32, #tpu.memory_space<hbm>>) dst(%dma_wait3A_188 : memref<16x64xi32, #tpu.memory_space<vmem>>)
      tpu.yield
    }) : () -> ()
    %run_scoped3A_2 = arith.constant 0 : i32
    %run_scoped3A_3 = arith.constant 0 : i32
    "tpu.region"() ({
      %run_scoped3A_161 = tpu.sem_alloc : memref<!tpu.dma_semaphore, #tpu.memory_space<semaphore_mem>>
      %dma_start3A_162 = arith.constant 0 : i32
      %dma_start3A_163 = arith.constant 0 : i32
      %dma_start3A_164 = tpu.memref_slice %arg7[%run_scoped3A_3, %dma_start3A_162, %dma_start3A_163] : memref<2x8x64xf32, #tpu.memory_space<vmem>> -> memref<1x8x64xf32, #tpu.memory_space<vmem>>
      %dma_start3A_165 = tpu.memref_squeeze %dma_start3A_164 : memref<1x8x64xf32, #tpu.memory_space<vmem>> -> memref<8x64xf32, #tpu.memory_space<vmem>>
      %dma_start3A_166 = arith.constant 0 : i32
      %dma_start3A_167 = arith.constant 0 : i32
      %dma_start3A_168 = tpu.memref_slice %arg4[%add3A, %run_scoped3A_2, %dma_start3A_166, %dma_start3A_167] : memref<32x20x8x64xf32, #tpu.memory_space<hbm>> -> memref<1x1x8x64xf32, #tpu.memory_space<hbm>>
      %dma_start3A_169 = tpu.memref_squeeze %dma_start3A_168 : memref<1x1x8x64xf32, #tpu.memory_space<hbm>> -> memref<8x64xf32, #tpu.memory_space<hbm>>
      %dma_start3A_170 = arith.constant 0 : i32
      %dma_start3A_171 = arith.constant 0 : i32
      %dma_start3A_172 = tpu.memref_slice %arg7[%run_scoped3A_3, %dma_start3A_170, %dma_start3A_171] : memref<2x8x64xf32, #tpu.memory_space<vmem>> -> memref<1x8x64xf32, #tpu.memory_space<vmem>>
      %dma_start3A_173 = tpu.memref_squeeze %dma_start3A_172 : memref<1x8x64xf32, #tpu.memory_space<vmem>> -> memref<8x64xf32, #tpu.memory_space<vmem>>
      %dma_start3A_174 = arith.constant 0 : i32
      %dma_start3A_175 = arith.constant 0 : i32
      %dma_start3A_176 = tpu.memref_slice %arg4[%add3A, %run_scoped3A_2, %dma_start3A_174, %dma_start3A_175] : memref<32x20x8x64xf32, #tpu.memory_space<hbm>> -> memref<1x1x8x64xf32, #tpu.memory_space<hbm>>
      %dma_start3A_177 = tpu.memref_squeeze %dma_start3A_176 : memref<1x1x8x64xf32, #tpu.memory_space<hbm>> -> memref<8x64xf32, #tpu.memory_space<hbm>>
      tpu.enqueue_dma source(%dma_start3A_177 : memref<8x64xf32, #tpu.memory_space<hbm>>) target(%dma_start3A_173 : memref<8x64xf32, #tpu.memory_space<vmem>>) target_semaphore(%run_scoped3A_161 : memref<!tpu.dma_semaphore, #tpu.memory_space<semaphore_mem>>)
      %dma_wait3A = arith.constant 0 : i32
      %dma_wait3A_178 = arith.constant 0 : i32
      %dma_wait3A_179 = tpu.memref_slice %arg7[%run_scoped3A_3, %dma_wait3A, %dma_wait3A_178] : memref<2x8x64xf32, #tpu.memory_space<vmem>> -> memref<1x8x64xf32, #tpu.memory_space<vmem>>
      %dma_wait3A_180 = tpu.memref_squeeze %dma_wait3A_179 : memref<1x8x64xf32, #tpu.memory_space<vmem>> -> memref<8x64xf32, #tpu.memory_space<vmem>>
      %dma_wait3A_181 = arith.constant 0 : i32
      %dma_wait3A_182 = arith.constant 0 : i32
      %dma_wait3A_183 = tpu.memref_slice %arg4[%add3A, %run_scoped3A_2, %dma_wait3A_181, %dma_wait3A_182] : memref<32x20x8x64xf32, #tpu.memory_space<hbm>> -> memref<1x1x8x64xf32, #tpu.memory_space<hbm>>
      %dma_wait3A_184 = tpu.memref_squeeze %dma_wait3A_183 : memref<1x1x8x64xf32, #tpu.memory_space<hbm>> -> memref<8x64xf32, #tpu.memory_space<hbm>>
      %dma_wait3A_185 = arith.constant 0 : i32
      %dma_wait3A_186 = arith.constant 0 : i32
      %dma_wait3A_187 = tpu.memref_slice %arg7[%run_scoped3A_3, %dma_wait3A_185, %dma_wait3A_186] : memref<2x8x64xf32, #tpu.memory_space<vmem>> -> memref<1x8x64xf32, #tpu.memory_space<vmem>>
      %dma_wait3A_188 = tpu.memref_squeeze %dma_wait3A_187 : memref<1x8x64xf32, #tpu.memory_space<vmem>> -> memref<8x64xf32, #tpu.memory_space<vmem>>
      %dma_wait3A_189 = arith.constant 0 : i32
      %dma_wait3A_190 = arith.constant 0 : i32
      %dma_wait3A_191 = tpu.memref_slice %arg4[%add3A, %run_scoped3A_2, %dma_wait3A_189, %dma_wait3A_190] : memref<32x20x8x64xf32, #tpu.memory_space<hbm>> -> memref<1x1x8x64xf32, #tpu.memory_space<hbm>>
      %dma_wait3A_192 = tpu.memref_squeeze %dma_wait3A_191 : memref<1x1x8x64xf32, #tpu.memory_space<hbm>> -> memref<8x64xf32, #tpu.memory_space<hbm>>
      tpu.wait_dma2 semaphore(%run_scoped3A_161 : memref<!tpu.dma_semaphore, #tpu.memory_space<semaphore_mem>>) src(%dma_wait3A_192 : memref<8x64xf32, #tpu.memory_space<hbm>>) dst(%dma_wait3A_188 : memref<8x64xf32, #tpu.memory_space<vmem>>)
      tpu.yield
    }) : () -> ()
    %dma_start3A = arith.constant 1 : i32
    %dma_start3A_4 = arith.constant 1 : i32
    %dma_start3A_5 = arith.constant 1 : i32
    %dma_start3A_6 = arith.constant 0 : i32
    %dma_start3A_7 = arith.constant 0 : i32
    %dma_start3A_8 = tpu.memref_slice %arg6[%dma_start3A_4, %dma_start3A_6, %dma_start3A_7] : memref<2x16x64xi32, #tpu.memory_space<vmem>> -> memref<1x16x64xi32, #tpu.memory_space<vmem>>
    %dma_start3A_9 = tpu.memref_squeeze %dma_start3A_8 : memref<1x16x64xi32, #tpu.memory_space<vmem>> -> memref<16x64xi32, #tpu.memory_space<vmem>>
    %dma_start3A_10 = arith.constant 0 : i32
    %dma_start3A_11 = arith.constant 0 : i32
    %dma_start3A_12 = tpu.memref_slice %arg3[%add3A, %dma_start3A, %dma_start3A_10, %dma_start3A_11] : memref<32x20x16x64xi32, #tpu.memory_space<hbm>> -> memref<1x1x16x64xi32, #tpu.memory_space<hbm>>
    %dma_start3A_13 = tpu.memref_squeeze %dma_start3A_12 : memref<1x1x16x64xi32, #tpu.memory_space<hbm>> -> memref<16x64xi32, #tpu.memory_space<hbm>>
    %dma_start3A_14 = tpu.memref_slice %arg10[%dma_start3A_5] : memref<2x!tpu.dma_semaphore, #tpu.memory_space<semaphore_mem>> -> memref<1x!tpu.dma_semaphore, #tpu.memory_space<semaphore_mem>>
    %dma_start3A_15 = tpu.memref_squeeze %dma_start3A_14 : memref<1x!tpu.dma_semaphore, #tpu.memory_space<semaphore_mem>> -> memref<!tpu.dma_semaphore, #tpu.memory_space<semaphore_mem>>
    %dma_start3A_16 = arith.constant 0 : i32
    %dma_start3A_17 = arith.constant 0 : i32
    %dma_start3A_18 = tpu.memref_slice %arg6[%dma_start3A_4, %dma_start3A_16, %dma_start3A_17] : memref<2x16x64xi32, #tpu.memory_space<vmem>> -> memref<1x16x64xi32, #tpu.memory_space<vmem>>
    %dma_start3A_19 = tpu.memref_squeeze %dma_start3A_18 : memref<1x16x64xi32, #tpu.memory_space<vmem>> -> memref<16x64xi32, #tpu.memory_space<vmem>>
    %dma_start3A_20 = arith.constant 0 : i32
    %dma_start3A_21 = arith.constant 0 : i32
    %dma_start3A_22 = tpu.memref_slice %arg3[%add3A, %dma_start3A, %dma_start3A_20, %dma_start3A_21] : memref<32x20x16x64xi32, #tpu.memory_space<hbm>> -> memref<1x1x16x64xi32, #tpu.memory_space<hbm>>
    %dma_start3A_23 = tpu.memref_squeeze %dma_start3A_22 : memref<1x1x16x64xi32, #tpu.memory_space<hbm>> -> memref<16x64xi32, #tpu.memory_space<hbm>>
    tpu.enqueue_dma source(%dma_start3A_23 : memref<16x64xi32, #tpu.memory_space<hbm>>) target(%dma_start3A_19 : memref<16x64xi32, #tpu.memory_space<vmem>>) target_semaphore(%dma_start3A_15 : memref<!tpu.dma_semaphore, #tpu.memory_space<semaphore_mem>>)
    %dma_start3A_24 = arith.constant 1 : i32
    %dma_start3A_25 = arith.constant 1 : i32
    %dma_start3A_26 = arith.constant 1 : i32
    %dma_start3A_27 = arith.constant 0 : i32
    %dma_start3A_28 = arith.constant 0 : i32
    %dma_start3A_29 = tpu.memref_slice %arg7[%dma_start3A_25, %dma_start3A_27, %dma_start3A_28] : memref<2x8x64xf32, #tpu.memory_space<vmem>> -> memref<1x8x64xf32, #tpu.memory_space<vmem>>
    %dma_start3A_30 = tpu.memref_squeeze %dma_start3A_29 : memref<1x8x64xf32, #tpu.memory_space<vmem>> -> memref<8x64xf32, #tpu.memory_space<vmem>>
    %dma_start3A_31 = arith.constant 0 : i32
    %dma_start3A_32 = arith.constant 0 : i32
    %dma_start3A_33 = tpu.memref_slice %arg4[%add3A, %dma_start3A_24, %dma_start3A_31, %dma_start3A_32] : memref<32x20x8x64xf32, #tpu.memory_space<hbm>> -> memref<1x1x8x64xf32, #tpu.memory_space<hbm>>
    %dma_start3A_34 = tpu.memref_squeeze %dma_start3A_33 : memref<1x1x8x64xf32, #tpu.memory_space<hbm>> -> memref<8x64xf32, #tpu.memory_space<hbm>>
    %dma_start3A_35 = tpu.memref_slice %arg11[%dma_start3A_26] : memref<2x!tpu.dma_semaphore, #tpu.memory_space<semaphore_mem>> -> memref<1x!tpu.dma_semaphore, #tpu.memory_space<semaphore_mem>>
    %dma_start3A_36 = tpu.memref_squeeze %dma_start3A_35 : memref<1x!tpu.dma_semaphore, #tpu.memory_space<semaphore_mem>> -> memref<!tpu.dma_semaphore, #tpu.memory_space<semaphore_mem>>
    %dma_start3A_37 = arith.constant 0 : i32
    %dma_start3A_38 = arith.constant 0 : i32
    %dma_start3A_39 = tpu.memref_slice %arg7[%dma_start3A_25, %dma_start3A_37, %dma_start3A_38] : memref<2x8x64xf32, #tpu.memory_space<vmem>> -> memref<1x8x64xf32, #tpu.memory_space<vmem>>
    %dma_start3A_40 = tpu.memref_squeeze %dma_start3A_39 : memref<1x8x64xf32, #tpu.memory_space<vmem>> -> memref<8x64xf32, #tpu.memory_space<vmem>>
    %dma_start3A_41 = arith.constant 0 : i32
    %dma_start3A_42 = arith.constant 0 : i32
    %dma_start3A_43 = tpu.memref_slice %arg4[%add3A, %dma_start3A_24, %dma_start3A_41, %dma_start3A_42] : memref<32x20x8x64xf32, #tpu.memory_space<hbm>> -> memref<1x1x8x64xf32, #tpu.memory_space<hbm>>
    %dma_start3A_44 = tpu.memref_squeeze %dma_start3A_43 : memref<1x1x8x64xf32, #tpu.memory_space<hbm>> -> memref<8x64xf32, #tpu.memory_space<hbm>>
    tpu.enqueue_dma source(%dma_start3A_44 : memref<8x64xf32, #tpu.memory_space<hbm>>) target(%dma_start3A_40 : memref<8x64xf32, #tpu.memory_space<vmem>>) target_semaphore(%dma_start3A_36 : memref<!tpu.dma_semaphore, #tpu.memory_space<semaphore_mem>>)
    %broadcast_in_dim3A = arith.constant 0.000000e+00 : f32
    %broadcast_in_dim3A_45 = vector.broadcast %broadcast_in_dim3A : f32 to vector<16xf32>
    %scan3A = arith.constant 0 : i32
    %scan3A_46 = arith.constant 0 : i32
    %scan3A_47 = arith.constant 64 : i32
    %scan3A_48 = arith.addi %scan3A_46, %scan3A_47 : i32
    %scan3A_49 = arith.constant 1 : i32
    %scan3A_50 = scf.for %scan3A_161 = %scan3A_46 to %scan3A_48 step %scan3A_49 iter_args(%scan3A_162 = %scan3A) -> (i32)  : i32 {
      %swap3A = arith.constant 0 : i32
      %swap3A_163 = arith.index_cast %swap3A : i32 to index
      %swap3A_164 = arith.index_cast %scan3A_161 : i32 to index
      %swap3A_165 = arith.constant 0 : index
      %swap3A_166 = tpu.vector_load %arg8[%swap3A_163, %swap3A_164, %swap3A_165] {strides = array<i32>} : memref<4x64x128xf32, #tpu.memory_space<vmem>>, vector<1x1x16xf32>,
      %swap3A_167 = vector.shape_cast %swap3A_166 : vector<1x1x16xf32> to vector<16xf32>
      %swap3A_168 = vector.shape_cast %broadcast_in_dim3A_45 : vector<16xf32> to vector<1x1x16xf32>
      tpu.vector_store %arg8[%swap3A_163, %swap3A_164, %swap3A_165], %swap3A_168 {strides = array<i32>} : memref<4x64x128xf32, #tpu.memory_space<vmem>>, vector<1x1x16xf32>,
      %swap3A_169 = arith.constant 0 : i32
      %swap3A_170 = arith.index_cast %swap3A_169 : i32 to index
      %swap3A_171 = arith.index_cast %scan3A_161 : i32 to index
      %swap3A_172 = arith.constant 16 : index
      %swap3A_173 = tpu.vector_load %arg8[%swap3A_170, %swap3A_171, %swap3A_172] {strides = array<i32>} : memref<4x64x128xf32, #tpu.memory_space<vmem>>, vector<1x1x16xf32>,
      %swap3A_174 = vector.shape_cast %swap3A_173 : vector<1x1x16xf32> to vector<16xf32>
      %swap3A_175 = vector.shape_cast %broadcast_in_dim3A_45 : vector<16xf32> to vector<1x1x16xf32>
      tpu.vector_store %arg8[%swap3A_170, %swap3A_171, %swap3A_172], %swap3A_175 {strides = array<i32>} : memref<4x64x128xf32, #tpu.memory_space<vmem>>, vector<1x1x16xf32>,
      %swap3A_176 = arith.constant 0 : i32
      %swap3A_177 = arith.index_cast %swap3A_176 : i32 to index
      %swap3A_178 = arith.index_cast %scan3A_161 : i32 to index
      %swap3A_179 = arith.constant 32 : index
      %swap3A_180 = tpu.vector_load %arg8[%swap3A_177, %swap3A_178, %swap3A_179] {strides = array<i32>} : memref<4x64x128xf32, #tpu.memory_space<vmem>>, vector<1x1x16xf32>,
      %swap3A_181 = vector.shape_cast %swap3A_180 : vector<1x1x16xf32> to vector<16xf32>
      %swap3A_182 = vector.shape_cast %broadcast_in_dim3A_45 : vector<16xf32> to vector<1x1x16xf32>
      tpu.vector_store %arg8[%swap3A_177, %swap3A_178, %swap3A_179], %swap3A_182 {strides = array<i32>} : memref<4x64x128xf32, #tpu.memory_space<vmem>>, vector<1x1x16xf32>,
      %swap3A_183 = arith.constant 0 : i32
      %swap3A_184 = arith.index_cast %swap3A_183 : i32 to index
      %swap3A_185 = arith.index_cast %scan3A_161 : i32 to index
      %swap3A_186 = arith.constant 48 : index
      %swap3A_187 = tpu.vector_load %arg8[%swap3A_184, %swap3A_185, %swap3A_186] {strides = array<i32>} : memref<4x64x128xf32, #tpu.memory_space<vmem>>, vector<1x1x16xf32>,
      %swap3A_188 = vector.shape_cast %swap3A_187 : vector<1x1x16xf32> to vector<16xf32>
      %swap3A_189 = vector.shape_cast %broadcast_in_dim3A_45 : vector<16xf32> to vector<1x1x16xf32>
      tpu.vector_store %arg8[%swap3A_184, %swap3A_185, %swap3A_186], %swap3A_189 {strides = array<i32>} : memref<4x64x128xf32, #tpu.memory_space<vmem>>, vector<1x1x16xf32>,
      %swap3A_190 = arith.constant 0 : i32
      %swap3A_191 = arith.index_cast %swap3A_190 : i32 to index
      %swap3A_192 = arith.index_cast %scan3A_161 : i32 to index
      %swap3A_193 = arith.constant 64 : index
      %swap3A_194 = tpu.vector_load %arg8[%swap3A_191, %swap3A_192, %swap3A_193] {strides = array<i32>} : memref<4x64x128xf32, #tpu.memory_space<vmem>>, vector<1x1x16xf32>,
      %swap3A_195 = vector.shape_cast %swap3A_194 : vector<1x1x16xf32> to vector<16xf32>
      %swap3A_196 = vector.shape_cast %broadcast_in_dim3A_45 : vector<16xf32> to vector<1x1x16xf32>
      tpu.vector_store %arg8[%swap3A_191, %swap3A_192, %swap3A_193], %swap3A_196 {strides = array<i32>} : memref<4x64x128xf32, #tpu.memory_space<vmem>>, vector<1x1x16xf32>,
      %swap3A_197 = arith.constant 0 : i32
      %swap3A_198 = arith.index_cast %swap3A_197 : i32 to index
      %swap3A_199 = arith.index_cast %scan3A_161 : i32 to index
      %swap3A_200 = arith.constant 80 : index
      %swap3A_201 = tpu.vector_load %arg8[%swap3A_198, %swap3A_199, %swap3A_200] {strides = array<i32>} : memref<4x64x128xf32, #tpu.memory_space<vmem>>, vector<1x1x16xf32>,
      %swap3A_202 = vector.shape_cast %swap3A_201 : vector<1x1x16xf32> to vector<16xf32>
      %swap3A_203 = vector.shape_cast %broadcast_in_dim3A_45 : vector<16xf32> to vector<1x1x16xf32>
      tpu.vector_store %arg8[%swap3A_198, %swap3A_199, %swap3A_200], %swap3A_203 {strides = array<i32>} : memref<4x64x128xf32, #tpu.memory_space<vmem>>, vector<1x1x16xf32>,
      %swap3A_204 = arith.constant 0 : i32
      %swap3A_205 = arith.index_cast %swap3A_204 : i32 to index
      %swap3A_206 = arith.index_cast %scan3A_161 : i32 to index
      %swap3A_207 = arith.constant 96 : index
      %swap3A_208 = tpu.vector_load %arg8[%swap3A_205, %swap3A_206, %swap3A_207] {strides = array<i32>} : memref<4x64x128xf32, #tpu.memory_space<vmem>>, vector<1x1x16xf32>,
      %swap3A_209 = vector.shape_cast %swap3A_208 : vector<1x1x16xf32> to vector<16xf32>
      %swap3A_210 = vector.shape_cast %broadcast_in_dim3A_45 : vector<16xf32> to vector<1x1x16xf32>
      tpu.vector_store %arg8[%swap3A_205, %swap3A_206, %swap3A_207], %swap3A_210 {strides = array<i32>} : memref<4x64x128xf32, #tpu.memory_space<vmem>>, vector<1x1x16xf32>,
      %swap3A_211 = arith.constant 0 : i32
      %swap3A_212 = arith.index_cast %swap3A_211 : i32 to index
      %swap3A_213 = arith.index_cast %scan3A_161 : i32 to index
      %swap3A_214 = arith.constant 112 : index
      %swap3A_215 = tpu.vector_load %arg8[%swap3A_212, %swap3A_213, %swap3A_214] {strides = array<i32>} : memref<4x64x128xf32, #tpu.memory_space<vmem>>, vector<1x1x16xf32>,
      %swap3A_216 = vector.shape_cast %swap3A_215 : vector<1x1x16xf32> to vector<16xf32>
      %swap3A_217 = vector.shape_cast %broadcast_in_dim3A_45 : vector<16xf32> to vector<1x1x16xf32>
      tpu.vector_store %arg8[%swap3A_212, %swap3A_213, %swap3A_214], %swap3A_217 {strides = array<i32>} : memref<4x64x128xf32, #tpu.memory_space<vmem>>, vector<1x1x16xf32>,
      %scan3A_218 = arith.constant 0 : i32
      scf.yield %scan3A_218 : i32
    }
    %scan3A_51 = arith.constant 64 : i32
    %mul3A_52 = arith.constant 640 : i32
    %mul3A_53 = arith.muli %arg1, %mul3A_52 : i32
    %add3A_54 = arith.constant 0 : i32
    %add3A_55 = arith.addi %mul3A_53, %add3A_54 : i32
    %run_scoped3A_56 = arith.constant 0 : i32
    "tpu.region"() ({
      %run_scoped3A_161 = tpu.sem_alloc : memref<!tpu.dma_semaphore, #tpu.memory_space<semaphore_mem>>
      %dma_start3A_162 = arith.constant 0 : i32
      %dma_start3A_163 = arith.constant 0 : i32
      %dma_start3A_164 = tpu.memref_slice %arg8[%run_scoped3A_56, %dma_start3A_162, %dma_start3A_163] : memref<4x64x128xf32, #tpu.memory_space<vmem>> -> memref<1x64x128xf32, #tpu.memory_space<vmem>>
      %dma_start3A_165 = tpu.memref_squeeze %dma_start3A_164 : memref<1x64x128xf32, #tpu.memory_space<vmem>> -> memref<64x128xf32, #tpu.memory_space<vmem>>
      %dma_start3A_166 = arith.constant 0 : i32
      %dma_start3A_167 = tpu.memref_slice %arg12[%add3A_55, %dma_start3A_166] : memref<10240x128xf32, #tpu.memory_space<vmem_shared>> -> memref<64x128xf32, #tpu.memory_space<vmem_shared>>
      %dma_start3A_168 = arith.constant 0 : i32
      %dma_start3A_169 = tpu.memref_slice %arg12[%add3A_55, %dma_start3A_168] : memref<10240x128xf32, #tpu.memory_space<vmem_shared>> -> memref<64x128xf32, #tpu.memory_space<vmem_shared>>
      %dma_start3A_170 = arith.constant 0 : i32
      %dma_start3A_171 = arith.constant 0 : i32
      %dma_start3A_172 = tpu.memref_slice %arg8[%run_scoped3A_56, %dma_start3A_170, %dma_start3A_171] : memref<4x64x128xf32, #tpu.memory_space<vmem>> -> memref<1x64x128xf32, #tpu.memory_space<vmem>>
      %dma_start3A_173 = tpu.memref_squeeze %dma_start3A_172 : memref<1x64x128xf32, #tpu.memory_space<vmem>> -> memref<64x128xf32, #tpu.memory_space<vmem>>
      tpu.enqueue_dma source(%dma_start3A_173 : memref<64x128xf32, #tpu.memory_space<vmem>>) target(%dma_start3A_169 : memref<64x128xf32, #tpu.memory_space<vmem_shared>>) target_semaphore(%run_scoped3A_161 : memref<!tpu.dma_semaphore, #tpu.memory_space<semaphore_mem>>)
      %dma_wait3A = arith.constant 0 : i32
      %dma_wait3A_174 = arith.constant 0 : i32
      %dma_wait3A_175 = tpu.memref_slice %arg8[%run_scoped3A_56, %dma_wait3A, %dma_wait3A_174] : memref<4x64x128xf32, #tpu.memory_space<vmem>> -> memref<1x64x128xf32, #tpu.memory_space<vmem>>
      %dma_wait3A_176 = tpu.memref_squeeze %dma_wait3A_175 : memref<1x64x128xf32, #tpu.memory_space<vmem>> -> memref<64x128xf32, #tpu.memory_space<vmem>>
      %dma_wait3A_177 = arith.constant 0 : i32
      %dma_wait3A_178 = tpu.memref_slice %arg12[%add3A_55, %dma_wait3A_177] : memref<10240x128xf32, #tpu.memory_space<vmem_shared>> -> memref<64x128xf32, #tpu.memory_space<vmem_shared>>
      %dma_wait3A_179 = arith.constant 0 : i32
      %dma_wait3A_180 = tpu.memref_slice %arg12[%add3A_55, %dma_wait3A_179] : memref<10240x128xf32, #tpu.memory_space<vmem_shared>> -> memref<64x128xf32, #tpu.memory_space<vmem_shared>>
      %dma_wait3A_181 = arith.constant 0 : i32
      %dma_wait3A_182 = arith.constant 0 : i32
      %dma_wait3A_183 = tpu.memref_slice %arg8[%run_scoped3A_56, %dma_wait3A_181, %dma_wait3A_182] : memref<4x64x128xf32, #tpu.memory_space<vmem>> -> memref<1x64x128xf32, #tpu.memory_space<vmem>>
      %dma_wait3A_184 = tpu.memref_squeeze %dma_wait3A_183 : memref<1x64x128xf32, #tpu.memory_space<vmem>> -> memref<64x128xf32, #tpu.memory_space<vmem>>
      tpu.wait_dma2 semaphore(%run_scoped3A_161 : memref<!tpu.dma_semaphore, #tpu.memory_space<semaphore_mem>>) src(%dma_wait3A_184 : memref<64x128xf32, #tpu.memory_space<vmem>>) dst(%dma_wait3A_180 : memref<64x128xf32, #tpu.memory_space<vmem_shared>>)
      tpu.yield
    }) : () -> ()
    %add3A_57 = arith.constant 64 : i32
    %add3A_58 = arith.addi %mul3A_53, %add3A_57 : i32
    %run_scoped3A_59 = arith.constant 0 : i32
    "tpu.region"() ({
      %run_scoped3A_161 = tpu.sem_alloc : memref<!tpu.dma_semaphore, #tpu.memory_space<semaphore_mem>>
      %dma_start3A_162 = arith.constant 0 : i32
      %dma_start3A_163 = arith.constant 0 : i32
      %dma_start3A_164 = tpu.memref_slice %arg8[%run_scoped3A_59, %dma_start3A_162, %dma_start3A_163] : memref<4x64x128xf32, #tpu.memory_space<vmem>> -> memref<1x64x128xf32, #tpu.memory_space<vmem>>
      %dma_start3A_165 = tpu.memref_squeeze %dma_start3A_164 : memref<1x64x128xf32, #tpu.memory_space<vmem>> -> memref<64x128xf32, #tpu.memory_space<vmem>>
      %dma_start3A_166 = arith.constant 0 : i32
      %dma_start3A_167 = tpu.memref_slice %arg12[%add3A_58, %dma_start3A_166] : memref<10240x128xf32, #tpu.memory_space<vmem_shared>> -> memref<64x128xf32, #tpu.memory_space<vmem_shared>>
      %dma_start3A_168 = arith.constant 0 : i32
      %dma_start3A_169 = tpu.memref_slice %arg12[%add3A_58, %dma_start3A_168] : memref<10240x128xf32, #tpu.memory_space<vmem_shared>> -> memref<64x128xf32, #tpu.memory_space<vmem_shared>>
      %dma_start3A_170 = arith.constant 0 : i32
      %dma_start3A_171 = arith.constant 0 : i32
      %dma_start3A_172 = tpu.memref_slice %arg8[%run_scoped3A_59, %dma_start3A_170, %dma_start3A_171] : memref<4x64x128xf32, #tpu.memory_space<vmem>> -> memref<1x64x128xf32, #tpu.memory_space<vmem>>
      %dma_start3A_173 = tpu.memref_squeeze %dma_start3A_172 : memref<1x64x128xf32, #tpu.memory_space<vmem>> -> memref<64x128xf32, #tpu.memory_space<vmem>>
      tpu.enqueue_dma source(%dma_start3A_173 : memref<64x128xf32, #tpu.memory_space<vmem>>) target(%dma_start3A_169 : memref<64x128xf32, #tpu.memory_space<vmem_shared>>) target_semaphore(%run_scoped3A_161 : memref<!tpu.dma_semaphore, #tpu.memory_space<semaphore_mem>>)
      %dma_wait3A = arith.constant 0 : i32
      %dma_wait3A_174 = arith.constant 0 : i32
      %dma_wait3A_175 = tpu.memref_slice %arg8[%run_scoped3A_59, %dma_wait3A, %dma_wait3A_174] : memref<4x64x128xf32, #tpu.memory_space<vmem>> -> memref<1x64x128xf32, #tpu.memory_space<vmem>>
      %dma_wait3A_176 = tpu.memref_squeeze %dma_wait3A_175 : memref<1x64x128xf32, #tpu.memory_space<vmem>> -> memref<64x128xf32, #tpu.memory_space<vmem>>
      %dma_wait3A_177 = arith.constant 0 : i32
      %dma_wait3A_178 = tpu.memref_slice %arg12[%add3A_58, %dma_wait3A_177] : memref<10240x128xf32, #tpu.memory_space<vmem_shared>> -> memref<64x128xf32, #tpu.memory_space<vmem_shared>>
      %dma_wait3A_179 = arith.constant 0 : i32
      %dma_wait3A_180 = tpu.memref_slice %arg12[%add3A_58, %dma_wait3A_179] : memref<10240x128xf32, #tpu.memory_space<vmem_shared>> -> memref<64x128xf32, #tpu.memory_space<vmem_shared>>
      %dma_wait3A_181 = arith.constant 0 : i32
      %dma_wait3A_182 = arith.constant 0 : i32
      %dma_wait3A_183 = tpu.memref_slice %arg8[%run_scoped3A_59, %dma_wait3A_181, %dma_wait3A_182] : memref<4x64x128xf32, #tpu.memory_space<vmem>> -> memref<1x64x128xf32, #tpu.memory_space<vmem>>
      %dma_wait3A_184 = tpu.memref_squeeze %dma_wait3A_183 : memref<1x64x128xf32, #tpu.memory_space<vmem>> -> memref<64x128xf32, #tpu.memory_space<vmem>>
      tpu.wait_dma2 semaphore(%run_scoped3A_161 : memref<!tpu.dma_semaphore, #tpu.memory_space<semaphore_mem>>) src(%dma_wait3A_184 : memref<64x128xf32, #tpu.memory_space<vmem>>) dst(%dma_wait3A_180 : memref<64x128xf32, #tpu.memory_space<vmem_shared>>)
      tpu.yield
    }) : () -> ()
    %add3A_60 = arith.constant 128 : i32
    %add3A_61 = arith.addi %mul3A_53, %add3A_60 : i32
    %run_scoped3A_62 = arith.constant 0 : i32
    "tpu.region"() ({
      %run_scoped3A_161 = tpu.sem_alloc : memref<!tpu.dma_semaphore, #tpu.memory_space<semaphore_mem>>
      %dma_start3A_162 = arith.constant 0 : i32
      %dma_start3A_163 = arith.constant 0 : i32
      %dma_start3A_164 = tpu.memref_slice %arg8[%run_scoped3A_62, %dma_start3A_162, %dma_start3A_163] : memref<4x64x128xf32, #tpu.memory_space<vmem>> -> memref<1x64x128xf32, #tpu.memory_space<vmem>>
      %dma_start3A_165 = tpu.memref_squeeze %dma_start3A_164 : memref<1x64x128xf32, #tpu.memory_space<vmem>> -> memref<64x128xf32, #tpu.memory_space<vmem>>
      %dma_start3A_166 = arith.constant 0 : i32
      %dma_start3A_167 = tpu.memref_slice %arg12[%add3A_61, %dma_start3A_166] : memref<10240x128xf32, #tpu.memory_space<vmem_shared>> -> memref<64x128xf32, #tpu.memory_space<vmem_shared>>
      %dma_start3A_168 = arith.constant 0 : i32
      %dma_start3A_169 = tpu.memref_slice %arg12[%add3A_61, %dma_start3A_168] : memref<10240x128xf32, #tpu.memory_space<vmem_shared>> -> memref<64x128xf32, #tpu.memory_space<vmem_shared>>
      %dma_start3A_170 = arith.constant 0 : i32
      %dma_start3A_171 = arith.constant 0 : i32
      %dma_start3A_172 = tpu.memref_slice %arg8[%run_scoped3A_62, %dma_start3A_170, %dma_start3A_171] : memref<4x64x128xf32, #tpu.memory_space<vmem>> -> memref<1x64x128xf32, #tpu.memory_space<vmem>>
      %dma_start3A_173 = tpu.memref_squeeze %dma_start3A_172 : memref<1x64x128xf32, #tpu.memory_space<vmem>> -> memref<64x128xf32, #tpu.memory_space<vmem>>
      tpu.enqueue_dma source(%dma_start3A_173 : memref<64x128xf32, #tpu.memory_space<vmem>>) target(%dma_start3A_169 : memref<64x128xf32, #tpu.memory_space<vmem_shared>>) target_semaphore(%run_scoped3A_161 : memref<!tpu.dma_semaphore, #tpu.memory_space<semaphore_mem>>)
      %dma_wait3A = arith.constant 0 : i32
      %dma_wait3A_174 = arith.constant 0 : i32
      %dma_wait3A_175 = tpu.memref_slice %arg8[%run_scoped3A_62, %dma_wait3A, %dma_wait3A_174] : memref<4x64x128xf32, #tpu.memory_space<vmem>> -> memref<1x64x128xf32, #tpu.memory_space<vmem>>
      %dma_wait3A_176 = tpu.memref_squeeze %dma_wait3A_175 : memref<1x64x128xf32, #tpu.memory_space<vmem>> -> memref<64x128xf32, #tpu.memory_space<vmem>>
      %dma_wait3A_177 = arith.constant 0 : i32
      %dma_wait3A_178 = tpu.memref_slice %arg12[%add3A_61, %dma_wait3A_177] : memref<10240x128xf32, #tpu.memory_space<vmem_shared>> -> memref<64x128xf32, #tpu.memory_space<vmem_shared>>
      %dma_wait3A_179 = arith.constant 0 : i32
      %dma_wait3A_180 = tpu.memref_slice %arg12[%add3A_61, %dma_wait3A_179] : memref<10240x128xf32, #tpu.memory_space<vmem_shared>> -> memref<64x128xf32, #tpu.memory_space<vmem_shared>>
      %dma_wait3A_181 = arith.constant 0 : i32
      %dma_wait3A_182 = arith.constant 0 : i32
      %dma_wait3A_183 = tpu.memref_slice %arg8[%run_scoped3A_62, %dma_wait3A_181, %dma_wait3A_182] : memref<4x64x128xf32, #tpu.memory_space<vmem>> -> memref<1x64x128xf32, #tpu.memory_space<vmem>>
      %dma_wait3A_184 = tpu.memref_squeeze %dma_wait3A_183 : memref<1x64x128xf32, #tpu.memory_space<vmem>> -> memref<64x128xf32, #tpu.memory_space<vmem>>
      tpu.wait_dma2 semaphore(%run_scoped3A_161 : memref<!tpu.dma_semaphore, #tpu.memory_space<semaphore_mem>>) src(%dma_wait3A_184 : memref<64x128xf32, #tpu.memory_space<vmem>>) dst(%dma_wait3A_180 : memref<64x128xf32, #tpu.memory_space<vmem_shared>>)
      tpu.yield
    }) : () -> ()
    %add3A_63 = arith.constant 192 : i32
    %add3A_64 = arith.addi %mul3A_53, %add3A_63 : i32
    %run_scoped3A_65 = arith.constant 0 : i32
    "tpu.region"() ({
      %run_scoped3A_161 = tpu.sem_alloc : memref<!tpu.dma_semaphore, #tpu.memory_space<semaphore_mem>>
      %dma_start3A_162 = arith.constant 0 : i32
      %dma_start3A_163 = arith.constant 0 : i32
      %dma_start3A_164 = tpu.memref_slice %arg8[%run_scoped3A_65, %dma_start3A_162, %dma_start3A_163] : memref<4x64x128xf32, #tpu.memory_space<vmem>> -> memref<1x64x128xf32, #tpu.memory_space<vmem>>
      %dma_start3A_165 = tpu.memref_squeeze %dma_start3A_164 : memref<1x64x128xf32, #tpu.memory_space<vmem>> -> memref<64x128xf32, #tpu.memory_space<vmem>>
      %dma_start3A_166 = arith.constant 0 : i32
      %dma_start3A_167 = tpu.memref_slice %arg12[%add3A_64, %dma_start3A_166] : memref<10240x128xf32, #tpu.memory_space<vmem_shared>> -> memref<64x128xf32, #tpu.memory_space<vmem_shared>>
      %dma_start3A_168 = arith.constant 0 : i32
      %dma_start3A_169 = tpu.memref_slice %arg12[%add3A_64, %dma_start3A_168] : memref<10240x128xf32, #tpu.memory_space<vmem_shared>> -> memref<64x128xf32, #tpu.memory_space<vmem_shared>>
      %dma_start3A_170 = arith.constant 0 : i32
      %dma_start3A_171 = arith.constant 0 : i32
      %dma_start3A_172 = tpu.memref_slice %arg8[%run_scoped3A_65, %dma_start3A_170, %dma_start3A_171] : memref<4x64x128xf32, #tpu.memory_space<vmem>> -> memref<1x64x128xf32, #tpu.memory_space<vmem>>
      %dma_start3A_173 = tpu.memref_squeeze %dma_start3A_172 : memref<1x64x128xf32, #tpu.memory_space<vmem>> -> memref<64x128xf32, #tpu.memory_space<vmem>>
      tpu.enqueue_dma source(%dma_start3A_173 : memref<64x128xf32, #tpu.memory_space<vmem>>) target(%dma_start3A_169 : memref<64x128xf32, #tpu.memory_space<vmem_shared>>) target_semaphore(%run_scoped3A_161 : memref<!tpu.dma_semaphore, #tpu.memory_space<semaphore_mem>>)
      %dma_wait3A = arith.constant 0 : i32
      %dma_wait3A_174 = arith.constant 0 : i32
      %dma_wait3A_175 = tpu.memref_slice %arg8[%run_scoped3A_65, %dma_wait3A, %dma_wait3A_174] : memref<4x64x128xf32, #tpu.memory_space<vmem>> -> memref<1x64x128xf32, #tpu.memory_space<vmem>>
      %dma_wait3A_176 = tpu.memref_squeeze %dma_wait3A_175 : memref<1x64x128xf32, #tpu.memory_space<vmem>> -> memref<64x128xf32, #tpu.memory_space<vmem>>
      %dma_wait3A_177 = arith.constant 0 : i32
      %dma_wait3A_178 = tpu.memref_slice %arg12[%add3A_64, %dma_wait3A_177] : memref<10240x128xf32, #tpu.memory_space<vmem_shared>> -> memref<64x128xf32, #tpu.memory_space<vmem_shared>>
      %dma_wait3A_179 = arith.constant 0 : i32
      %dma_wait3A_180 = tpu.memref_slice %arg12[%add3A_64, %dma_wait3A_179] : memref<10240x128xf32, #tpu.memory_space<vmem_shared>> -> memref<64x128xf32, #tpu.memory_space<vmem_shared>>
      %dma_wait3A_181 = arith.constant 0 : i32
      %dma_wait3A_182 = arith.constant 0 : i32
      %dma_wait3A_183 = tpu.memref_slice %arg8[%run_scoped3A_65, %dma_wait3A_181, %dma_wait3A_182] : memref<4x64x128xf32, #tpu.memory_space<vmem>> -> memref<1x64x128xf32, #tpu.memory_space<vmem>>
      %dma_wait3A_184 = tpu.memref_squeeze %dma_wait3A_183 : memref<1x64x128xf32, #tpu.memory_space<vmem>> -> memref<64x128xf32, #tpu.memory_space<vmem>>
      tpu.wait_dma2 semaphore(%run_scoped3A_161 : memref<!tpu.dma_semaphore, #tpu.memory_space<semaphore_mem>>) src(%dma_wait3A_184 : memref<64x128xf32, #tpu.memory_space<vmem>>) dst(%dma_wait3A_180 : memref<64x128xf32, #tpu.memory_space<vmem_shared>>)
      tpu.yield
    }) : () -> ()
    %add3A_66 = arith.constant 256 : i32
    %add3A_67 = arith.addi %mul3A_53, %add3A_66 : i32
    %run_scoped3A_68 = arith.constant 0 : i32
    "tpu.region"() ({
      %run_scoped3A_161 = tpu.sem_alloc : memref<!tpu.dma_semaphore, #tpu.memory_space<semaphore_mem>>
      %dma_start3A_162 = arith.constant 0 : i32
      %dma_start3A_163 = arith.constant 0 : i32
      %dma_start3A_164 = tpu.memref_slice %arg8[%run_scoped3A_68, %dma_start3A_162, %dma_start3A_163] : memref<4x64x128xf32, #tpu.memory_space<vmem>> -> memref<1x64x128xf32, #tpu.memory_space<vmem>>
      %dma_start3A_165 = tpu.memref_squeeze %dma_start3A_164 : memref<1x64x128xf32, #tpu.memory_space<vmem>> -> memref<64x128xf32, #tpu.memory_space<vmem>>
      %dma_start3A_166 = arith.constant 0 : i32
      %dma_start3A_167 = tpu.memref_slice %arg12[%add3A_67, %dma_start3A_166] : memref<10240x128xf32, #tpu.memory_space<vmem_shared>> -> memref<64x128xf32, #tpu.memory_space<vmem_shared>>
      %dma_start3A_168 = arith.constant 0 : i32
      %dma_start3A_169 = tpu.memref_slice %arg12[%add3A_67, %dma_start3A_168] : memref<10240x128xf32, #tpu.memory_space<vmem_shared>> -> memref<64x128xf32, #tpu.memory_space<vmem_shared>>
      %dma_start3A_170 = arith.constant 0 : i32
      %dma_start3A_171 = arith.constant 0 : i32
      %dma_start3A_172 = tpu.memref_slice %arg8[%run_scoped3A_68, %dma_start3A_170, %dma_start3A_171] : memref<4x64x128xf32, #tpu.memory_space<vmem>> -> memref<1x64x128xf32, #tpu.memory_space<vmem>>
      %dma_start3A_173 = tpu.memref_squeeze %dma_start3A_172 : memref<1x64x128xf32, #tpu.memory_space<vmem>> -> memref<64x128xf32, #tpu.memory_space<vmem>>
      tpu.enqueue_dma source(%dma_start3A_173 : memref<64x128xf32, #tpu.memory_space<vmem>>) target(%dma_start3A_169 : memref<64x128xf32, #tpu.memory_space<vmem_shared>>) target_semaphore(%run_scoped3A_161 : memref<!tpu.dma_semaphore, #tpu.memory_space<semaphore_mem>>)
      %dma_wait3A = arith.constant 0 : i32
      %dma_wait3A_174 = arith.constant 0 : i32
      %dma_wait3A_175 = tpu.memref_slice %arg8[%run_scoped3A_68, %dma_wait3A, %dma_wait3A_174] : memref<4x64x128xf32, #tpu.memory_space<vmem>> -> memref<1x64x128xf32, #tpu.memory_space<vmem>>
      %dma_wait3A_176 = tpu.memref_squeeze %dma_wait3A_175 : memref<1x64x128xf32, #tpu.memory_space<vmem>> -> memref<64x128xf32, #tpu.memory_space<vmem>>
      %dma_wait3A_177 = arith.constant 0 : i32
      %dma_wait3A_178 = tpu.memref_slice %arg12[%add3A_67, %dma_wait3A_177] : memref<10240x128xf32, #tpu.memory_space<vmem_shared>> -> memref<64x128xf32, #tpu.memory_space<vmem_shared>>
      %dma_wait3A_179 = arith.constant 0 : i32
      %dma_wait3A_180 = tpu.memref_slice %arg12[%add3A_67, %dma_wait3A_179] : memref<10240x128xf32, #tpu.memory_space<vmem_shared>> -> memref<64x128xf32, #tpu.memory_space<vmem_shared>>
      %dma_wait3A_181 = arith.constant 0 : i32
      %dma_wait3A_182 = arith.constant 0 : i32
      %dma_wait3A_183 = tpu.memref_slice %arg8[%run_scoped3A_68, %dma_wait3A_181, %dma_wait3A_182] : memref<4x64x128xf32, #tpu.memory_space<vmem>> -> memref<1x64x128xf32, #tpu.memory_space<vmem>>
      %dma_wait3A_184 = tpu.memref_squeeze %dma_wait3A_183 : memref<1x64x128xf32, #tpu.memory_space<vmem>> -> memref<64x128xf32, #tpu.memory_space<vmem>>
      tpu.wait_dma2 semaphore(%run_scoped3A_161 : memref<!tpu.dma_semaphore, #tpu.memory_space<semaphore_mem>>) src(%dma_wait3A_184 : memref<64x128xf32, #tpu.memory_space<vmem>>) dst(%dma_wait3A_180 : memref<64x128xf32, #tpu.memory_space<vmem_shared>>)
      tpu.yield
    }) : () -> ()
    %add3A_69 = arith.constant 320 : i32
    %add3A_70 = arith.addi %mul3A_53, %add3A_69 : i32
    %run_scoped3A_71 = arith.constant 0 : i32
    "tpu.region"() ({
      %run_scoped3A_161 = tpu.sem_alloc : memref<!tpu.dma_semaphore, #tpu.memory_space<semaphore_mem>>
      %dma_start3A_162 = arith.constant 0 : i32
      %dma_start3A_163 = arith.constant 0 : i32
      %dma_start3A_164 = tpu.memref_slice %arg8[%run_scoped3A_71, %dma_start3A_162, %dma_start3A_163] : memref<4x64x128xf32, #tpu.memory_space<vmem>> -> memref<1x64x128xf32, #tpu.memory_space<vmem>>
      %dma_start3A_165 = tpu.memref_squeeze %dma_start3A_164 : memref<1x64x128xf32, #tpu.memory_space<vmem>> -> memref<64x128xf32, #tpu.memory_space<vmem>>
      %dma_start3A_166 = arith.constant 0 : i32
      %dma_start3A_167 = tpu.memref_slice %arg12[%add3A_70, %dma_start3A_166] : memref<10240x128xf32, #tpu.memory_space<vmem_shared>> -> memref<64x128xf32, #tpu.memory_space<vmem_shared>>
      %dma_start3A_168 = arith.constant 0 : i32
      %dma_start3A_169 = tpu.memref_slice %arg12[%add3A_70, %dma_start3A_168] : memref<10240x128xf32, #tpu.memory_space<vmem_shared>> -> memref<64x128xf32, #tpu.memory_space<vmem_shared>>
      %dma_start3A_170 = arith.constant 0 : i32
      %dma_start3A_171 = arith.constant 0 : i32
      %dma_start3A_172 = tpu.memref_slice %arg8[%run_scoped3A_71, %dma_start3A_170, %dma_start3A_171] : memref<4x64x128xf32, #tpu.memory_space<vmem>> -> memref<1x64x128xf32, #tpu.memory_space<vmem>>
      %dma_start3A_173 = tpu.memref_squeeze %dma_start3A_172 : memref<1x64x128xf32, #tpu.memory_space<vmem>> -> memref<64x128xf32, #tpu.memory_space<vmem>>
      tpu.enqueue_dma source(%dma_start3A_173 : memref<64x128xf32, #tpu.memory_space<vmem>>) target(%dma_start3A_169 : memref<64x128xf32, #tpu.memory_space<vmem_shared>>) target_semaphore(%run_scoped3A_161 : memref<!tpu.dma_semaphore, #tpu.memory_space<semaphore_mem>>)
      %dma_wait3A = arith.constant 0 : i32
      %dma_wait3A_174 = arith.constant 0 : i32
      %dma_wait3A_175 = tpu.memref_slice %arg8[%run_scoped3A_71, %dma_wait3A, %dma_wait3A_174] : memref<4x64x128xf32, #tpu.memory_space<vmem>> -> memref<1x64x128xf32, #tpu.memory_space<vmem>>
      %dma_wait3A_176 = tpu.memref_squeeze %dma_wait3A_175 : memref<1x64x128xf32, #tpu.memory_space<vmem>> -> memref<64x128xf32, #tpu.memory_space<vmem>>
      %dma_wait3A_177 = arith.constant 0 : i32
      %dma_wait3A_178 = tpu.memref_slice %arg12[%add3A_70, %dma_wait3A_177] : memref<10240x128xf32, #tpu.memory_space<vmem_shared>> -> memref<64x128xf32, #tpu.memory_space<vmem_shared>>
      %dma_wait3A_179 = arith.constant 0 : i32
      %dma_wait3A_180 = tpu.memref_slice %arg12[%add3A_70, %dma_wait3A_179] : memref<10240x128xf32, #tpu.memory_space<vmem_shared>> -> memref<64x128xf32, #tpu.memory_space<vmem_shared>>
      %dma_wait3A_181 = arith.constant 0 : i32
      %dma_wait3A_182 = arith.constant 0 : i32
      %dma_wait3A_183 = tpu.memref_slice %arg8[%run_scoped3A_71, %dma_wait3A_181, %dma_wait3A_182] : memref<4x64x128xf32, #tpu.memory_space<vmem>> -> memref<1x64x128xf32, #tpu.memory_space<vmem>>
      %dma_wait3A_184 = tpu.memref_squeeze %dma_wait3A_183 : memref<1x64x128xf32, #tpu.memory_space<vmem>> -> memref<64x128xf32, #tpu.memory_space<vmem>>
      tpu.wait_dma2 semaphore(%run_scoped3A_161 : memref<!tpu.dma_semaphore, #tpu.memory_space<semaphore_mem>>) src(%dma_wait3A_184 : memref<64x128xf32, #tpu.memory_space<vmem>>) dst(%dma_wait3A_180 : memref<64x128xf32, #tpu.memory_space<vmem_shared>>)
      tpu.yield
    }) : () -> ()
    %add3A_72 = arith.constant 384 : i32
    %add3A_73 = arith.addi %mul3A_53, %add3A_72 : i32
    %run_scoped3A_74 = arith.constant 0 : i32
    "tpu.region"() ({
      %run_scoped3A_161 = tpu.sem_alloc : memref<!tpu.dma_semaphore, #tpu.memory_space<semaphore_mem>>
      %dma_start3A_162 = arith.constant 0 : i32
      %dma_start3A_163 = arith.constant 0 : i32
      %dma_start3A_164 = tpu.memref_slice %arg8[%run_scoped3A_74, %dma_start3A_162, %dma_start3A_163] : memref<4x64x128xf32, #tpu.memory_space<vmem>> -> memref<1x64x128xf32, #tpu.memory_space<vmem>>
      %dma_start3A_165 = tpu.memref_squeeze %dma_start3A_164 : memref<1x64x128xf32, #tpu.memory_space<vmem>> -> memref<64x128xf32, #tpu.memory_space<vmem>>
      %dma_start3A_166 = arith.constant 0 : i32
      %dma_start3A_167 = tpu.memref_slice %arg12[%add3A_73, %dma_start3A_166] : memref<10240x128xf32, #tpu.memory_space<vmem_shared>> -> memref<64x128xf32, #tpu.memory_space<vmem_shared>>
      %dma_start3A_168 = arith.constant 0 : i32
      %dma_start3A_169 = tpu.memref_slice %arg12[%add3A_73, %dma_start3A_168] : memref<10240x128xf32, #tpu.memory_space<vmem_shared>> -> memref<64x128xf32, #tpu.memory_space<vmem_shared>>
      %dma_start3A_170 = arith.constant 0 : i32
      %dma_start3A_171 = arith.constant 0 : i32
      %dma_start3A_172 = tpu.memref_slice %arg8[%run_scoped3A_74, %dma_start3A_170, %dma_start3A_171] : memref<4x64x128xf32, #tpu.memory_space<vmem>> -> memref<1x64x128xf32, #tpu.memory_space<vmem>>
      %dma_start3A_173 = tpu.memref_squeeze %dma_start3A_172 : memref<1x64x128xf32, #tpu.memory_space<vmem>> -> memref<64x128xf32, #tpu.memory_space<vmem>>
      tpu.enqueue_dma source(%dma_start3A_173 : memref<64x128xf32, #tpu.memory_space<vmem>>) target(%dma_start3A_169 : memref<64x128xf32, #tpu.memory_space<vmem_shared>>) target_semaphore(%run_scoped3A_161 : memref<!tpu.dma_semaphore, #tpu.memory_space<semaphore_mem>>)
      %dma_wait3A = arith.constant 0 : i32
      %dma_wait3A_174 = arith.constant 0 : i32
      %dma_wait3A_175 = tpu.memref_slice %arg8[%run_scoped3A_74, %dma_wait3A, %dma_wait3A_174] : memref<4x64x128xf32, #tpu.memory_space<vmem>> -> memref<1x64x128xf32, #tpu.memory_space<vmem>>
      %dma_wait3A_176 = tpu.memref_squeeze %dma_wait3A_175 : memref<1x64x128xf32, #tpu.memory_space<vmem>> -> memref<64x128xf32, #tpu.memory_space<vmem>>
      %dma_wait3A_177 = arith.constant 0 : i32
      %dma_wait3A_178 = tpu.memref_slice %arg12[%add3A_73, %dma_wait3A_177] : memref<10240x128xf32, #tpu.memory_space<vmem_shared>> -> memref<64x128xf32, #tpu.memory_space<vmem_shared>>
      %dma_wait3A_179 = arith.constant 0 : i32
      %dma_wait3A_180 = tpu.memref_slice %arg12[%add3A_73, %dma_wait3A_179] : memref<10240x128xf32, #tpu.memory_space<vmem_shared>> -> memref<64x128xf32, #tpu.memory_space<vmem_shared>>
      %dma_wait3A_181 = arith.constant 0 : i32
      %dma_wait3A_182 = arith.constant 0 : i32
      %dma_wait3A_183 = tpu.memref_slice %arg8[%run_scoped3A_74, %dma_wait3A_181, %dma_wait3A_182] : memref<4x64x128xf32, #tpu.memory_space<vmem>> -> memref<1x64x128xf32, #tpu.memory_space<vmem>>
      %dma_wait3A_184 = tpu.memref_squeeze %dma_wait3A_183 : memref<1x64x128xf32, #tpu.memory_space<vmem>> -> memref<64x128xf32, #tpu.memory_space<vmem>>
      tpu.wait_dma2 semaphore(%run_scoped3A_161 : memref<!tpu.dma_semaphore, #tpu.memory_space<semaphore_mem>>) src(%dma_wait3A_184 : memref<64x128xf32, #tpu.memory_space<vmem>>) dst(%dma_wait3A_180 : memref<64x128xf32, #tpu.memory_space<vmem_shared>>)
      tpu.yield
    }) : () -> ()
    %add3A_75 = arith.constant 448 : i32
    %add3A_76 = arith.addi %mul3A_53, %add3A_75 : i32
    %run_scoped3A_77 = arith.constant 0 : i32
    "tpu.region"() ({
      %run_scoped3A_161 = tpu.sem_alloc : memref<!tpu.dma_semaphore, #tpu.memory_space<semaphore_mem>>
      %dma_start3A_162 = arith.constant 0 : i32
      %dma_start3A_163 = arith.constant 0 : i32
      %dma_start3A_164 = tpu.memref_slice %arg8[%run_scoped3A_77, %dma_start3A_162, %dma_start3A_163] : memref<4x64x128xf32, #tpu.memory_space<vmem>> -> memref<1x64x128xf32, #tpu.memory_space<vmem>>
      %dma_start3A_165 = tpu.memref_squeeze %dma_start3A_164 : memref<1x64x128xf32, #tpu.memory_space<vmem>> -> memref<64x128xf32, #tpu.memory_space<vmem>>
      %dma_start3A_166 = arith.constant 0 : i32
      %dma_start3A_167 = tpu.memref_slice %arg12[%add3A_76, %dma_start3A_166] : memref<10240x128xf32, #tpu.memory_space<vmem_shared>> -> memref<64x128xf32, #tpu.memory_space<vmem_shared>>
      %dma_start3A_168 = arith.constant 0 : i32
      %dma_start3A_169 = tpu.memref_slice %arg12[%add3A_76, %dma_start3A_168] : memref<10240x128xf32, #tpu.memory_space<vmem_shared>> -> memref<64x128xf32, #tpu.memory_space<vmem_shared>>
      %dma_start3A_170 = arith.constant 0 : i32
      %dma_start3A_171 = arith.constant 0 : i32
      %dma_start3A_172 = tpu.memref_slice %arg8[%run_scoped3A_77, %dma_start3A_170, %dma_start3A_171] : memref<4x64x128xf32, #tpu.memory_space<vmem>> -> memref<1x64x128xf32, #tpu.memory_space<vmem>>
      %dma_start3A_173 = tpu.memref_squeeze %dma_start3A_172 : memref<1x64x128xf32, #tpu.memory_space<vmem>> -> memref<64x128xf32, #tpu.memory_space<vmem>>
      tpu.enqueue_dma source(%dma_start3A_173 : memref<64x128xf32, #tpu.memory_space<vmem>>) target(%dma_start3A_169 : memref<64x128xf32, #tpu.memory_space<vmem_shared>>) target_semaphore(%run_scoped3A_161 : memref<!tpu.dma_semaphore, #tpu.memory_space<semaphore_mem>>)
      %dma_wait3A = arith.constant 0 : i32
      %dma_wait3A_174 = arith.constant 0 : i32
      %dma_wait3A_175 = tpu.memref_slice %arg8[%run_scoped3A_77, %dma_wait3A, %dma_wait3A_174] : memref<4x64x128xf32, #tpu.memory_space<vmem>> -> memref<1x64x128xf32, #tpu.memory_space<vmem>>
      %dma_wait3A_176 = tpu.memref_squeeze %dma_wait3A_175 : memref<1x64x128xf32, #tpu.memory_space<vmem>> -> memref<64x128xf32, #tpu.memory_space<vmem>>
      %dma_wait3A_177 = arith.constant 0 : i32
      %dma_wait3A_178 = tpu.memref_slice %arg12[%add3A_76, %dma_wait3A_177] : memref<10240x128xf32, #tpu.memory_space<vmem_shared>> -> memref<64x128xf32, #tpu.memory_space<vmem_shared>>
      %dma_wait3A_179 = arith.constant 0 : i32
      %dma_wait3A_180 = tpu.memref_slice %arg12[%add3A_76, %dma_wait3A_179] : memref<10240x128xf32, #tpu.memory_space<vmem_shared>> -> memref<64x128xf32, #tpu.memory_space<vmem_shared>>
      %dma_wait3A_181 = arith.constant 0 : i32
      %dma_wait3A_182 = arith.constant 0 : i32
      %dma_wait3A_183 = tpu.memref_slice %arg8[%run_scoped3A_77, %dma_wait3A_181, %dma_wait3A_182] : memref<4x64x128xf32, #tpu.memory_space<vmem>> -> memref<1x64x128xf32, #tpu.memory_space<vmem>>
      %dma_wait3A_184 = tpu.memref_squeeze %dma_wait3A_183 : memref<1x64x128xf32, #tpu.memory_space<vmem>> -> memref<64x128xf32, #tpu.memory_space<vmem>>
      tpu.wait_dma2 semaphore(%run_scoped3A_161 : memref<!tpu.dma_semaphore, #tpu.memory_space<semaphore_mem>>) src(%dma_wait3A_184 : memref<64x128xf32, #tpu.memory_space<vmem>>) dst(%dma_wait3A_180 : memref<64x128xf32, #tpu.memory_space<vmem_shared>>)
      tpu.yield
    }) : () -> ()
    %add3A_78 = arith.constant 512 : i32
    %add3A_79 = arith.addi %mul3A_53, %add3A_78 : i32
    %run_scoped3A_80 = arith.constant 0 : i32
    "tpu.region"() ({
      %run_scoped3A_161 = tpu.sem_alloc : memref<!tpu.dma_semaphore, #tpu.memory_space<semaphore_mem>>
      %dma_start3A_162 = arith.constant 0 : i32
      %dma_start3A_163 = arith.constant 0 : i32
      %dma_start3A_164 = tpu.memref_slice %arg8[%run_scoped3A_80, %dma_start3A_162, %dma_start3A_163] : memref<4x64x128xf32, #tpu.memory_space<vmem>> -> memref<1x64x128xf32, #tpu.memory_space<vmem>>
      %dma_start3A_165 = tpu.memref_squeeze %dma_start3A_164 : memref<1x64x128xf32, #tpu.memory_space<vmem>> -> memref<64x128xf32, #tpu.memory_space<vmem>>
      %dma_start3A_166 = arith.constant 0 : i32
      %dma_start3A_167 = tpu.memref_slice %arg12[%add3A_79, %dma_start3A_166] : memref<10240x128xf32, #tpu.memory_space<vmem_shared>> -> memref<64x128xf32, #tpu.memory_space<vmem_shared>>
      %dma_start3A_168 = arith.constant 0 : i32
      %dma_start3A_169 = tpu.memref_slice %arg12[%add3A_79, %dma_start3A_168] : memref<10240x128xf32, #tpu.memory_space<vmem_shared>> -> memref<64x128xf32, #tpu.memory_space<vmem_shared>>
      %dma_start3A_170 = arith.constant 0 : i32
      %dma_start3A_171 = arith.constant 0 : i32
      %dma_start3A_172 = tpu.memref_slice %arg8[%run_scoped3A_80, %dma_start3A_170, %dma_start3A_171] : memref<4x64x128xf32, #tpu.memory_space<vmem>> -> memref<1x64x128xf32, #tpu.memory_space<vmem>>
      %dma_start3A_173 = tpu.memref_squeeze %dma_start3A_172 : memref<1x64x128xf32, #tpu.memory_space<vmem>> -> memref<64x128xf32, #tpu.memory_space<vmem>>
      tpu.enqueue_dma source(%dma_start3A_173 : memref<64x128xf32, #tpu.memory_space<vmem>>) target(%dma_start3A_169 : memref<64x128xf32, #tpu.memory_space<vmem_shared>>) target_semaphore(%run_scoped3A_161 : memref<!tpu.dma_semaphore, #tpu.memory_space<semaphore_mem>>)
      %dma_wait3A = arith.constant 0 : i32
      %dma_wait3A_174 = arith.constant 0 : i32
      %dma_wait3A_175 = tpu.memref_slice %arg8[%run_scoped3A_80, %dma_wait3A, %dma_wait3A_174] : memref<4x64x128xf32, #tpu.memory_space<vmem>> -> memref<1x64x128xf32, #tpu.memory_space<vmem>>
      %dma_wait3A_176 = tpu.memref_squeeze %dma_wait3A_175 : memref<1x64x128xf32, #tpu.memory_space<vmem>> -> memref<64x128xf32, #tpu.memory_space<vmem>>
      %dma_wait3A_177 = arith.constant 0 : i32
      %dma_wait3A_178 = tpu.memref_slice %arg12[%add3A_79, %dma_wait3A_177] : memref<10240x128xf32, #tpu.memory_space<vmem_shared>> -> memref<64x128xf32, #tpu.memory_space<vmem_shared>>
      %dma_wait3A_179 = arith.constant 0 : i32
      %dma_wait3A_180 = tpu.memref_slice %arg12[%add3A_79, %dma_wait3A_179] : memref<10240x128xf32, #tpu.memory_space<vmem_shared>> -> memref<64x128xf32, #tpu.memory_space<vmem_shared>>
      %dma_wait3A_181 = arith.constant 0 : i32
      %dma_wait3A_182 = arith.constant 0 : i32
      %dma_wait3A_183 = tpu.memref_slice %arg8[%run_scoped3A_80, %dma_wait3A_181, %dma_wait3A_182] : memref<4x64x128xf32, #tpu.memory_space<vmem>> -> memref<1x64x128xf32, #tpu.memory_space<vmem>>
      %dma_wait3A_184 = tpu.memref_squeeze %dma_wait3A_183 : memref<1x64x128xf32, #tpu.memory_space<vmem>> -> memref<64x128xf32, #tpu.memory_space<vmem>>
      tpu.wait_dma2 semaphore(%run_scoped3A_161 : memref<!tpu.dma_semaphore, #tpu.memory_space<semaphore_mem>>) src(%dma_wait3A_184 : memref<64x128xf32, #tpu.memory_space<vmem>>) dst(%dma_wait3A_180 : memref<64x128xf32, #tpu.memory_space<vmem_shared>>)
      tpu.yield
    }) : () -> ()
    %add3A_81 = arith.constant 576 : i32
    %add3A_82 = arith.addi %mul3A_53, %add3A_81 : i32
    %run_scoped3A_83 = arith.constant 0 : i32
    "tpu.region"() ({
      %run_scoped3A_161 = tpu.sem_alloc : memref<!tpu.dma_semaphore, #tpu.memory_space<semaphore_mem>>
      %dma_start3A_162 = arith.constant 0 : i32
      %dma_start3A_163 = arith.constant 0 : i32
      %dma_start3A_164 = tpu.memref_slice %arg8[%run_scoped3A_83, %dma_start3A_162, %dma_start3A_163] : memref<4x64x128xf32, #tpu.memory_space<vmem>> -> memref<1x64x128xf32, #tpu.memory_space<vmem>>
      %dma_start3A_165 = tpu.memref_squeeze %dma_start3A_164 : memref<1x64x128xf32, #tpu.memory_space<vmem>> -> memref<64x128xf32, #tpu.memory_space<vmem>>
      %dma_start3A_166 = arith.constant 0 : i32
      %dma_start3A_167 = tpu.memref_slice %arg12[%add3A_82, %dma_start3A_166] : memref<10240x128xf32, #tpu.memory_space<vmem_shared>> -> memref<64x128xf32, #tpu.memory_space<vmem_shared>>
      %dma_start3A_168 = arith.constant 0 : i32
      %dma_start3A_169 = tpu.memref_slice %arg12[%add3A_82, %dma_start3A_168] : memref<10240x128xf32, #tpu.memory_space<vmem_shared>> -> memref<64x128xf32, #tpu.memory_space<vmem_shared>>
      %dma_start3A_170 = arith.constant 0 : i32
      %dma_start3A_171 = arith.constant 0 : i32
      %dma_start3A_172 = tpu.memref_slice %arg8[%run_scoped3A_83, %dma_start3A_170, %dma_start3A_171] : memref<4x64x128xf32, #tpu.memory_space<vmem>> -> memref<1x64x128xf32, #tpu.memory_space<vmem>>
      %dma_start3A_173 = tpu.memref_squeeze %dma_start3A_172 : memref<1x64x128xf32, #tpu.memory_space<vmem>> -> memref<64x128xf32, #tpu.memory_space<vmem>>
      tpu.enqueue_dma source(%dma_start3A_173 : memref<64x128xf32, #tpu.memory_space<vmem>>) target(%dma_start3A_169 : memref<64x128xf32, #tpu.memory_space<vmem_shared>>) target_semaphore(%run_scoped3A_161 : memref<!tpu.dma_semaphore, #tpu.memory_space<semaphore_mem>>)
      %dma_wait3A = arith.constant 0 : i32
      %dma_wait3A_174 = arith.constant 0 : i32
      %dma_wait3A_175 = tpu.memref_slice %arg8[%run_scoped3A_83, %dma_wait3A, %dma_wait3A_174] : memref<4x64x128xf32, #tpu.memory_space<vmem>> -> memref<1x64x128xf32, #tpu.memory_space<vmem>>
      %dma_wait3A_176 = tpu.memref_squeeze %dma_wait3A_175 : memref<1x64x128xf32, #tpu.memory_space<vmem>> -> memref<64x128xf32, #tpu.memory_space<vmem>>
      %dma_wait3A_177 = arith.constant 0 : i32
      %dma_wait3A_178 = tpu.memref_slice %arg12[%add3A_82, %dma_wait3A_177] : memref<10240x128xf32, #tpu.memory_space<vmem_shared>> -> memref<64x128xf32, #tpu.memory_space<vmem_shared>>
      %dma_wait3A_179 = arith.constant 0 : i32
      %dma_wait3A_180 = tpu.memref_slice %arg12[%add3A_82, %dma_wait3A_179] : memref<10240x128xf32, #tpu.memory_space<vmem_shared>> -> memref<64x128xf32, #tpu.memory_space<vmem_shared>>
      %dma_wait3A_181 = arith.constant 0 : i32
      %dma_wait3A_182 = arith.constant 0 : i32
      %dma_wait3A_183 = tpu.memref_slice %arg8[%run_scoped3A_83, %dma_wait3A_181, %dma_wait3A_182] : memref<4x64x128xf32, #tpu.memory_space<vmem>> -> memref<1x64x128xf32, #tpu.memory_space<vmem>>
      %dma_wait3A_184 = tpu.memref_squeeze %dma_wait3A_183 : memref<1x64x128xf32, #tpu.memory_space<vmem>> -> memref<64x128xf32, #tpu.memory_space<vmem>>
      tpu.wait_dma2 semaphore(%run_scoped3A_161 : memref<!tpu.dma_semaphore, #tpu.memory_space<semaphore_mem>>) src(%dma_wait3A_184 : memref<64x128xf32, #tpu.memory_space<vmem>>) dst(%dma_wait3A_180 : memref<64x128xf32, #tpu.memory_space<vmem_shared>>)
      tpu.yield
    }) : () -> ()
    %barrier3A = arith.constant 0 : index
    tpu.barrier barrier_id(%barrier3A)
    %dma_start3A_84 = arith.constant 0 : i32
    %dma_start3A_85 = arith.constant 0 : i32
    %dma_start3A_86 = arith.constant 0 : i32
    %dma_start3A_87 = arith.constant 0 : i32
    %dma_start3A_88 = arith.constant 0 : i32
    %dma_start3A_89 = arith.constant 0 : i32
    %dma_start3A_90 = tpu.memref_slice %arg8[%dma_start3A_86, %dma_start3A_88, %dma_start3A_89] : memref<4x64x128xf32, #tpu.memory_space<vmem>> -> memref<1x64x128xf32, #tpu.memory_space<vmem>>
    %dma_start3A_91 = tpu.memref_squeeze %dma_start3A_90 : memref<1x64x128xf32, #tpu.memory_space<vmem>> -> memref<64x128xf32, #tpu.memory_space<vmem>>
    %dma_start3A_92 = arith.constant 0 : i32
    %dma_start3A_93 = tpu.memref_slice %arg6[%dma_start3A_84, %dma_start3A_85, %dma_start3A_92] : memref<2x16x64xi32, #tpu.memory_space<vmem>> -> memref<1x1x64xi32, #tpu.memory_space<vmem>>
    %dma_start3A_94 = tpu.memref_squeeze %dma_start3A_93 : memref<1x1x64xi32, #tpu.memory_space<vmem>> -> memref<64xi32, #tpu.memory_space<vmem>>
    %dma_start3A_95 = arith.constant 0 : i32
    %dma_start3A_96 = arith.constant 0 : i32
    %dma_start3A_97 = tpu.memref_slice %arg2[%dma_start3A_95, %dma_start3A_96] : memref<10000x128xf32, #tpu.memory_space<hbm>> -> memref<10000x128xf32, #tpu.memory_space<hbm>>
    %dma_start3A_98 = tpu.memref_slice %arg9[%dma_start3A_87] : memref<4x!tpu.dma_semaphore, #tpu.memory_space<semaphore_mem>> -> memref<1x!tpu.dma_semaphore, #tpu.memory_space<semaphore_mem>>
    %dma_start3A_99 = tpu.memref_squeeze %dma_start3A_98 : memref<1x!tpu.dma_semaphore, #tpu.memory_space<semaphore_mem>> -> memref<!tpu.dma_semaphore, #tpu.memory_space<semaphore_mem>>
    tpu.enqueue_indirect_dma source(%dma_start3A_97 : memref<10000x128xf32, #tpu.memory_space<hbm>>) target(%dma_start3A_91 : memref<64x128xf32, #tpu.memory_space<vmem>>) offsets(%dma_start3A_94 : memref<64xi32, #tpu.memory_space<vmem>>) semaphore(%dma_start3A_99 : memref<!tpu.dma_semaphore, #tpu.memory_space<semaphore_mem>>)
    %dma_start3A_100 = arith.constant 0 : i32
    %dma_start3A_101 = arith.constant 2 : i32
    %dma_start3A_102 = arith.constant 1 : i32
    %dma_start3A_103 = arith.constant 1 : i32
    %dma_start3A_104 = arith.constant 0 : i32
    %dma_start3A_105 = arith.constant 0 : i32
    %dma_start3A_106 = tpu.memref_slice %arg8[%dma_start3A_102, %dma_start3A_104, %dma_start3A_105] : memref<4x64x128xf32, #tpu.memory_space<vmem>> -> memref<1x64x128xf32, #tpu.memory_space<vmem>>
    %dma_start3A_107 = tpu.memref_squeeze %dma_start3A_106 : memref<1x64x128xf32, #tpu.memory_space<vmem>> -> memref<64x128xf32, #tpu.memory_space<vmem>>
    %dma_start3A_108 = arith.constant 0 : i32
    %dma_start3A_109 = tpu.memref_slice %arg6[%dma_start3A_100, %dma_start3A_101, %dma_start3A_108] : memref<2x16x64xi32, #tpu.memory_space<vmem>> -> memref<1x1x64xi32, #tpu.memory_space<vmem>>
    %dma_start3A_110 = tpu.memref_squeeze %dma_start3A_109 : memref<1x1x64xi32, #tpu.memory_space<vmem>> -> memref<64xi32, #tpu.memory_space<vmem>>
    %dma_start3A_111 = arith.constant 0 : i32
    %dma_start3A_112 = arith.constant 0 : i32
    %dma_start3A_113 = tpu.memref_slice %arg2[%dma_start3A_111, %dma_start3A_112] : memref<10000x128xf32, #tpu.memory_space<hbm>> -> memref<10000x128xf32, #tpu.memory_space<hbm>>
    %dma_start3A_114 = tpu.memref_slice %arg9[%dma_start3A_103] : memref<4x!tpu.dma_semaphore, #tpu.memory_space<semaphore_mem>> -> memref<1x!tpu.dma_semaphore, #tpu.memory_space<semaphore_mem>>
    %dma_start3A_115 = tpu.memref_squeeze %dma_start3A_114 : memref<1x!tpu.dma_semaphore, #tpu.memory_space<semaphore_mem>> -> memref<!tpu.dma_semaphore, #tpu.memory_space<semaphore_mem>>
    tpu.enqueue_indirect_dma source(%dma_start3A_113 : memref<10000x128xf32, #tpu.memory_space<hbm>>) target(%dma_start3A_107 : memref<64x128xf32, #tpu.memory_space<vmem>>) offsets(%dma_start3A_110 : memref<64xi32, #tpu.memory_space<vmem>>) semaphore(%dma_start3A_115 : memref<!tpu.dma_semaphore, #tpu.memory_space<semaphore_mem>>)
    %scan3A_116 = arith.constant 0 : i32
    %scan3A_117 = arith.constant 0 : i32
    %scan3A_118 = arith.constant 160 : i32
    %scan3A_119 = arith.addi %scan3A_117, %scan3A_118 : i32
    %scan3A_120 = arith.constant 1 : i32
    %scan3A_121 = scf.for %scan3A_161 = %scan3A_117 to %scan3A_119 step %scan3A_120 iter_args(%scan3A_162 = %scan3A_116) -> (i32)  : i32 {
      %jit3A = arith.constant 8 : i32
      %div3A = arith.divsi %scan3A_161, %jit3A : i32
      %sign3A = arith.constant 0 : i32
      %sign3A_163 = arith.cmpi sgt, %scan3A_161, %sign3A : i32
      %sign3A_164 = arith.extui %sign3A_163 : i1 to i32
      %sign3A_165 = arith.constant 0 : i32
      %sign3A_166 = arith.cmpi slt, %scan3A_161, %sign3A_165 : i32
      %sign3A_167 = arith.extui %sign3A_166 : i1 to i32
      %sign3A_168 = arith.subi %sign3A_164, %sign3A_167 : i32
      %sign3A_169 = arith.constant 0 : i32
      %sign3A_170 = arith.cmpi sgt, %jit3A, %sign3A_169 : i32
      %sign3A_171 = arith.extui %sign3A_170 : i1 to i32
      %sign3A_172 = arith.constant 0 : i32
      %sign3A_173 = arith.cmpi slt, %jit3A, %sign3A_172 : i32
      %sign3A_174 = arith.extui %sign3A_173 : i1 to i32
      %sign3A_175 = arith.subi %sign3A_171, %sign3A_174 : i32
      %ne3A = arith.cmpi ne, %sign3A_168, %sign3A_175 : i32
      %rem3A = arith.remsi %scan3A_161, %jit3A : i32
      %ne3A_176 = arith.constant 0 : i32
      %ne3A_177 = arith.cmpi ne, %rem3A, %ne3A_176 : i32
      %and3A = arith.andi %ne3A, %ne3A_177 : i1
      %sub3A = arith.constant 1 : i32
      %sub3A_178 = arith.subi %div3A, %sub3A : i32
      %select_n3A = arith.select %and3A, %sub3A_178, %div3A : i32
      %rem3A_179 = arith.constant 8 : i32
      %rem3A_180 = arith.remsi %scan3A_161, %rem3A_179 : i32
      %rem3A_181 = arith.constant 2 : i32
      %rem3A_182 = arith.remsi %select_n3A, %rem3A_181 : i32
      %add3A_183 = arith.constant 1 : i32
      %add3A_184 = arith.addi %select_n3A, %add3A_183 : i32
      %rem3A_185 = arith.constant 2 : i32
      %rem3A_186 = arith.remsi %add3A_184, %rem3A_185 : i32
      %rem3A_187 = arith.constant 4 : i32
      %rem3A_188 = arith.remsi %scan3A_161, %rem3A_187 : i32
      %add3A_189 = arith.constant 2 : i32
      %add3A_190 = arith.addi %scan3A_161, %add3A_189 : i32
      %rem3A_191 = arith.constant 4 : i32
      %rem3A_192 = arith.remsi %add3A_190, %rem3A_191 : i32
      %dma_wait3A = arith.constant 0 : i32
      %dma_wait3A_193 = arith.constant 0 : i32
      %dma_wait3A_194 = tpu.memref_slice %arg8[%rem3A_188, %dma_wait3A, %dma_wait3A_193] : memref<4x64x128xf32, #tpu.memory_space<vmem>> -> memref<1x64x128xf32, #tpu.memory_space<vmem>>
      %dma_wait3A_195 = tpu.memref_squeeze %dma_wait3A_194 : memref<1x64x128xf32, #tpu.memory_space<vmem>> -> memref<64x128xf32, #tpu.memory_space<vmem>>
      %dma_wait3A_196 = arith.constant 0 : i32
      %dma_wait3A_197 = arith.constant 0 : i32
      %dma_wait3A_198 = tpu.memref_slice %arg2[%dma_wait3A_196, %dma_wait3A_197] : memref<10000x128xf32, #tpu.memory_space<hbm>> -> memref<64x128xf32, #tpu.memory_space<hbm>>
      %dma_wait3A_199 = tpu.memref_slice %arg9[%rem3A_188] : memref<4x!tpu.dma_semaphore, #tpu.memory_space<semaphore_mem>> -> memref<1x!tpu.dma_semaphore, #tpu.memory_space<semaphore_mem>>
      %dma_wait3A_200 = tpu.memref_squeeze %dma_wait3A_199 : memref<1x!tpu.dma_semaphore, #tpu.memory_space<semaphore_mem>> -> memref<!tpu.dma_semaphore, #tpu.memory_space<semaphore_mem>>
      %dma_wait3A_201 = arith.constant 0 : i32
      %dma_wait3A_202 = arith.constant 0 : i32
      %dma_wait3A_203 = tpu.memref_slice %arg8[%rem3A_188, %dma_wait3A_201, %dma_wait3A_202] : memref<4x64x128xf32, #tpu.memory_space<vmem>> -> memref<1x64x128xf32, #tpu.memory_space<vmem>>
      %dma_wait3A_204 = tpu.memref_squeeze %dma_wait3A_203 : memref<1x64x128xf32, #tpu.memory_space<vmem>> -> memref<64x128xf32, #tpu.memory_space<vmem>>
      %dma_wait3A_205 = arith.constant 0 : i32
      %dma_wait3A_206 = arith.constant 0 : i32
      %dma_wait3A_207 = tpu.memref_slice %arg2[%dma_wait3A_205, %dma_wait3A_206] : memref<10000x128xf32, #tpu.memory_space<hbm>> -> memref<64x128xf32, #tpu.memory_space<hbm>>
      tpu.wait_dma2 semaphore(%dma_wait3A_200 : memref<!tpu.dma_semaphore, #tpu.memory_space<semaphore_mem>>) src(%dma_wait3A_207 : memref<64x128xf32, #tpu.memory_space<hbm>>) dst(%dma_wait3A_204 : memref<64x128xf32, #tpu.memory_space<vmem>>)
      %scan3A_208 = arith.constant 0 : i32
      %scan3A_209 = arith.constant 0 : i32
      %scan3A_210 = arith.constant 4 : i32
      %scan3A_211 = arith.addi %scan3A_209, %scan3A_210 : i32
      %scan3A_212 = arith.constant 1 : i32
      %scan3A_213 = scf.for %scan3A_239 = %scan3A_209 to %scan3A_211 step %scan3A_212 iter_args(%scan3A_240 = %scan3A_208) -> (i32)  : i32 {
        %mul3A_241 = arith.constant 16 : i32
        %mul3A_242 = arith.muli %scan3A_239, %mul3A_241 : i32
        %get3A = arith.index_cast %rem3A_182 : i32 to index
        %get3A_243 = arith.index_cast %rem3A_180 : i32 to index
        %get3A_244 = arith.index_cast %mul3A_242 : i32 to index
        %get3A_245 = tpu.vector_load %arg7[%get3A, %get3A_243, %get3A_244] {strides = array<i32>} : memref<2x8x64xf32, #tpu.memory_space<vmem>>, vector<1x1x16xf32>,
        %get3A_246 = vector.shape_cast %get3A_245 : vector<1x1x16xf32> to vector<16xf32>
        %broadcast_in_dim3A_247 = arith.constant 0 : i32
        %broadcast_in_dim3A_248 = vector.broadcast %broadcast_in_dim3A_247 : i32 to vector<16x1xi32>
        %gather3A = vector.shape_cast %broadcast_in_dim3A_248 : vector<16x1xi32> to vector<16xi32>
        %gather3A_249 = tpu.dynamic_gather %get3A_246[%gather3A] in [0] : vector<16xf32>, vector<16xi32> -> vector<16xf32>
        %mul3A_250 = arith.constant 16 : i32
        %mul3A_251 = arith.muli %scan3A_239, %mul3A_250 : i32
        %add3A_252 = arith.constant 0 : i32
        %add3A_253 = arith.addi %mul3A_251, %add3A_252 : i32
        %get3A_254 = arith.index_cast %rem3A_188 : i32 to index
        %get3A_255 = arith.index_cast %add3A_253 : i32 to index
        %get3A_256 = arith.constant 0 : index
        %get3A_257 = tpu.vector_load %arg8[%get3A_254, %get3A_255, %get3A_256] {strides = array<i32>} : memref<4x64x128xf32, #tpu.memory_space<vmem>>, vector<1x1x16xf32>,
        %get3A_258 = vector.shape_cast %get3A_257 : vector<1x1x16xf32> to vector<16xf32>
        %mul3A_259 = arith.mulf %get3A_258, %gather3A_249 : vector<16xf32>
        %swap3A = arith.index_cast %rem3A_188 : i32 to index
        %swap3A_260 = arith.index_cast %add3A_253 : i32 to index
        %swap3A_261 = arith.constant 0 : index
        %swap3A_262 = tpu.vector_load %arg8[%swap3A, %swap3A_260, %swap3A_261] {strides = array<i32>} : memref<4x64x128xf32, #tpu.memory_space<vmem>>, vector<1x1x16xf32>,
        %swap3A_263 = vector.shape_cast %swap3A_262 : vector<1x1x16xf32> to vector<16xf32>
        %swap3A_264 = vector.shape_cast %mul3A_259 : vector<16xf32> to vector<1x1x16xf32>
        tpu.vector_store %arg8[%swap3A, %swap3A_260, %swap3A_261], %swap3A_264 {strides = array<i32>} : memref<4x64x128xf32, #tpu.memory_space<vmem>>, vector<1x1x16xf32>,
        %get3A_265 = arith.index_cast %rem3A_188 : i32 to index
        %get3A_266 = arith.index_cast %add3A_253 : i32 to index
        %get3A_267 = arith.constant 16 : index
        %get3A_268 = tpu.vector_load %arg8[%get3A_265, %get3A_266, %get3A_267] {strides = array<i32>} : memref<4x64x128xf32, #tpu.memory_space<vmem>>, vector<1x1x16xf32>,
        %get3A_269 = vector.shape_cast %get3A_268 : vector<1x1x16xf32> to vector<16xf32>
        %mul3A_270 = arith.mulf %get3A_269, %gather3A_249 : vector<16xf32>
        %swap3A_271 = arith.index_cast %rem3A_188 : i32 to index
        %swap3A_272 = arith.index_cast %add3A_253 : i32 to index
        %swap3A_273 = arith.constant 16 : index
        %swap3A_274 = tpu.vector_load %arg8[%swap3A_271, %swap3A_272, %swap3A_273] {strides = array<i32>} : memref<4x64x128xf32, #tpu.memory_space<vmem>>, vector<1x1x16xf32>,
        %swap3A_275 = vector.shape_cast %swap3A_274 : vector<1x1x16xf32> to vector<16xf32>
        %swap3A_276 = vector.shape_cast %mul3A_270 : vector<16xf32> to vector<1x1x16xf32>
        tpu.vector_store %arg8[%swap3A_271, %swap3A_272, %swap3A_273], %swap3A_276 {strides = array<i32>} : memref<4x64x128xf32, #tpu.memory_space<vmem>>, vector<1x1x16xf32>,
        %get3A_277 = arith.index_cast %rem3A_188 : i32 to index
        %get3A_278 = arith.index_cast %add3A_253 : i32 to index
        %get3A_279 = arith.constant 32 : index
        %get3A_280 = tpu.vector_load %arg8[%get3A_277, %get3A_278, %get3A_279] {strides = array<i32>} : memref<4x64x128xf32, #tpu.memory_space<vmem>>, vector<1x1x16xf32>,
        %get3A_281 = vector.shape_cast %get3A_280 : vector<1x1x16xf32> to vector<16xf32>
        %mul3A_282 = arith.mulf %get3A_281, %gather3A_249 : vector<16xf32>
        %swap3A_283 = arith.index_cast %rem3A_188 : i32 to index
        %swap3A_284 = arith.index_cast %add3A_253 : i32 to index
        %swap3A_285 = arith.constant 32 : index
        %swap3A_286 = tpu.vector_load %arg8[%swap3A_283, %swap3A_284, %swap3A_285] {strides = array<i32>} : memref<4x64x128xf32, #tpu.memory_space<vmem>>, vector<1x1x16xf32>,
        %swap3A_287 = vector.shape_cast %swap3A_286 : vector<1x1x16xf32> to vector<16xf32>
        %swap3A_288 = vector.shape_cast %mul3A_282 : vector<16xf32> to vector<1x1x16xf32>
        tpu.vector_store %arg8[%swap3A_283, %swap3A_284, %swap3A_285], %swap3A_288 {strides = array<i32>} : memref<4x64x128xf32, #tpu.memory_space<vmem>>, vector<1x1x16xf32>,
        %get3A_289 = arith.index_cast %rem3A_188 : i32 to index
        %get3A_290 = arith.index_cast %add3A_253 : i32 to index
        %get3A_291 = arith.constant 48 : index
        %get3A_292 = tpu.vector_load %arg8[%get3A_289, %get3A_290, %get3A_291] {strides = array<i32>} : memref<4x64x128xf32, #tpu.memory_space<vmem>>, vector<1x1x16xf32>,
        %get3A_293 = vector.shape_cast %get3A_292 : vector<1x1x16xf32> to vector<16xf32>
        %mul3A_294 = arith.mulf %get3A_293, %gather3A_249 : vector<16xf32>
        %swap3A_295 = arith.index_cast %rem3A_188 : i32 to index
        %swap3A_296 = arith.index_cast %add3A_253 : i32 to index
        %swap3A_297 = arith.constant 48 : index
        %swap3A_298 = tpu.vector_load %arg8[%swap3A_295, %swap3A_296, %swap3A_297] {strides = array<i32>} : memref<4x64x128xf32, #tpu.memory_space<vmem>>, vector<1x1x16xf32>,
        %swap3A_299 = vector.shape_cast %swap3A_298 : vector<1x1x16xf32> to vector<16xf32>
        %swap3A_300 = vector.shape_cast %mul3A_294 : vector<16xf32> to vector<1x1x16xf32>
        tpu.vector_store %arg8[%swap3A_295, %swap3A_296, %swap3A_297], %swap3A_300 {strides = array<i32>} : memref<4x64x128xf32, #tpu.memory_space<vmem>>, vector<1x1x16xf32>,
        %get3A_301 = arith.index_cast %rem3A_188 : i32 to index
        %get3A_302 = arith.index_cast %add3A_253 : i32 to index
        %get3A_303 = arith.constant 64 : index
        %get3A_304 = tpu.vector_load %arg8[%get3A_301, %get3A_302, %get3A_303] {strides = array<i32>} : memref<4x64x128xf32, #tpu.memory_space<vmem>>, vector<1x1x16xf32>,
        %get3A_305 = vector.shape_cast %get3A_304 : vector<1x1x16xf32> to vector<16xf32>
        %mul3A_306 = arith.mulf %get3A_305, %gather3A_249 : vector<16xf32>
        %swap3A_307 = arith.index_cast %rem3A_188 : i32 to index
        %swap3A_308 = arith.index_cast %add3A_253 : i32 to index
        %swap3A_309 = arith.constant 64 : index
        %swap3A_310 = tpu.vector_load %arg8[%swap3A_307, %swap3A_308, %swap3A_309] {strides = array<i32>} : memref<4x64x128xf32, #tpu.memory_space<vmem>>, vector<1x1x16xf32>,
        %swap3A_311 = vector.shape_cast %swap3A_310 : vector<1x1x16xf32> to vector<16xf32>
        %swap3A_312 = vector.shape_cast %mul3A_306 : vector<16xf32> to vector<1x1x16xf32>
        tpu.vector_store %arg8[%swap3A_307, %swap3A_308, %swap3A_309], %swap3A_312 {strides = array<i32>} : memref<4x64x128xf32, #tpu.memory_space<vmem>>, vector<1x1x16xf32>,
        %get3A_313 = arith.index_cast %rem3A_188 : i32 to index
        %get3A_314 = arith.index_cast %add3A_253 : i32 to index
        %get3A_315 = arith.constant 80 : index
        %get3A_316 = tpu.vector_load %arg8[%get3A_313, %get3A_314, %get3A_315] {strides = array<i32>} : memref<4x64x128xf32, #tpu.memory_space<vmem>>, vector<1x1x16xf32>,
        %get3A_317 = vector.shape_cast %get3A_316 : vector<1x1x16xf32> to vector<16xf32>
        %mul3A_318 = arith.mulf %get3A_317, %gather3A_249 : vector<16xf32>
        %swap3A_319 = arith.index_cast %rem3A_188 : i32 to index
        %swap3A_320 = arith.index_cast %add3A_253 : i32 to index
        %swap3A_321 = arith.constant 80 : index
        %swap3A_322 = tpu.vector_load %arg8[%swap3A_319, %swap3A_320, %swap3A_321] {strides = array<i32>} : memref<4x64x128xf32, #tpu.memory_space<vmem>>, vector<1x1x16xf32>,
        %swap3A_323 = vector.shape_cast %swap3A_322 : vector<1x1x16xf32> to vector<16xf32>
        %swap3A_324 = vector.shape_cast %mul3A_318 : vector<16xf32> to vector<1x1x16xf32>
        tpu.vector_store %arg8[%swap3A_319, %swap3A_320, %swap3A_321], %swap3A_324 {strides = array<i32>} : memref<4x64x128xf32, #tpu.memory_space<vmem>>, vector<1x1x16xf32>,
        %get3A_325 = arith.index_cast %rem3A_188 : i32 to index
        %get3A_326 = arith.index_cast %add3A_253 : i32 to index
        %get3A_327 = arith.constant 96 : index
        %get3A_328 = tpu.vector_load %arg8[%get3A_325, %get3A_326, %get3A_327] {strides = array<i32>} : memref<4x64x128xf32, #tpu.memory_space<vmem>>, vector<1x1x16xf32>,
        %get3A_329 = vector.shape_cast %get3A_328 : vector<1x1x16xf32> to vector<16xf32>
        %mul3A_330 = arith.mulf %get3A_329, %gather3A_249 : vector<16xf32>
        %swap3A_331 = arith.index_cast %rem3A_188 : i32 to index
        %swap3A_332 = arith.index_cast %add3A_253 : i32 to index
        %swap3A_333 = arith.constant 96 : index
        %swap3A_334 = tpu.vector_load %arg8[%swap3A_331, %swap3A_332, %swap3A_333] {strides = array<i32>} : memref<4x64x128xf32, #tpu.memory_space<vmem>>, vector<1x1x16xf32>,
        %swap3A_335 = vector.shape_cast %swap3A_334 : vector<1x1x16xf32> to vector<16xf32>
        %swap3A_336 = vector.shape_cast %mul3A_330 : vector<16xf32> to vector<1x1x16xf32>
        tpu.vector_store %arg8[%swap3A_331, %swap3A_332, %swap3A_333], %swap3A_336 {strides = array<i32>} : memref<4x64x128xf32, #tpu.memory_space<vmem>>, vector<1x1x16xf32>,
        %get3A_337 = arith.index_cast %rem3A_188 : i32 to index
        %get3A_338 = arith.index_cast %add3A_253 : i32 to index
        %get3A_339 = arith.constant 112 : index
        %get3A_340 = tpu.vector_load %arg8[%get3A_337, %get3A_338, %get3A_339] {strides = array<i32>} : memref<4x64x128xf32, #tpu.memory_space<vmem>>, vector<1x1x16xf32>,
        %get3A_341 = vector.shape_cast %get3A_340 : vector<1x1x16xf32> to vector<16xf32>
        %mul3A_342 = arith.mulf %get3A_341, %gather3A_249 : vector<16xf32>
        %swap3A_343 = arith.index_cast %rem3A_188 : i32 to index
        %swap3A_344 = arith.index_cast %add3A_253 : i32 to index
        %swap3A_345 = arith.constant 112 : index
        %swap3A_346 = tpu.vector_load %arg8[%swap3A_343, %swap3A_344, %swap3A_345] {strides = array<i32>} : memref<4x64x128xf32, #tpu.memory_space<vmem>>, vector<1x1x16xf32>,
        %swap3A_347 = vector.shape_cast %swap3A_346 : vector<1x1x16xf32> to vector<16xf32>
        %swap3A_348 = vector.shape_cast %mul3A_342 : vector<16xf32> to vector<1x1x16xf32>
        tpu.vector_store %arg8[%swap3A_343, %swap3A_344, %swap3A_345], %swap3A_348 {strides = array<i32>} : memref<4x64x128xf32, #tpu.memory_space<vmem>>, vector<1x1x16xf32>,
        %broadcast_in_dim3A_349 = arith.constant 1 : i32
        %broadcast_in_dim3A_350 = vector.broadcast %broadcast_in_dim3A_349 : i32 to vector<16x1xi32>
        %gather3A_351 = vector.shape_cast %broadcast_in_dim3A_350 : vector<16x1xi32> to vector<16xi32>
        %gather3A_352 = tpu.dynamic_gather %get3A_246[%gather3A_351] in [0] : vector<16xf32>, vector<16xi32> -> vector<16xf32>
        %mul3A_353 = arith.constant 16 : i32
        %mul3A_354 = arith.muli %scan3A_239, %mul3A_353 : i32
        %add3A_355 = arith.constant 1 : i32
        %add3A_356 = arith.addi %mul3A_354, %add3A_355 : i32
        %get3A_357 = arith.index_cast %rem3A_188 : i32 to index
        %get3A_358 = arith.index_cast %add3A_356 : i32 to index
        %get3A_359 = arith.constant 0 : index
        %get3A_360 = tpu.vector_load %arg8[%get3A_357, %get3A_358, %get3A_359] {strides = array<i32>} : memref<4x64x128xf32, #tpu.memory_space<vmem>>, vector<1x1x16xf32>,
        %get3A_361 = vector.shape_cast %get3A_360 : vector<1x1x16xf32> to vector<16xf32>
        %mul3A_362 = arith.mulf %get3A_361, %gather3A_352 : vector<16xf32>
        %swap3A_363 = arith.index_cast %rem3A_188 : i32 to index
        %swap3A_364 = arith.index_cast %add3A_356 : i32 to index
        %swap3A_365 = arith.constant 0 : index
        %swap3A_366 = tpu.vector_load %arg8[%swap3A_363, %swap3A_364, %swap3A_365] {strides = array<i32>} : memref<4x64x128xf32, #tpu.memory_space<vmem>>, vector<1x1x16xf32>,
        %swap3A_367 = vector.shape_cast %swap3A_366 : vector<1x1x16xf32> to vector<16xf32>
        %swap3A_368 = vector.shape_cast %mul3A_362 : vector<16xf32> to vector<1x1x16xf32>
        tpu.vector_store %arg8[%swap3A_363, %swap3A_364, %swap3A_365], %swap3A_368 {strides = array<i32>} : memref<4x64x128xf32, #tpu.memory_space<vmem>>, vector<1x1x16xf32>,
        %get3A_369 = arith.index_cast %rem3A_188 : i32 to index
        %get3A_370 = arith.index_cast %add3A_356 : i32 to index
        %get3A_371 = arith.constant 16 : index
        %get3A_372 = tpu.vector_load %arg8[%get3A_369, %get3A_370, %get3A_371] {strides = array<i32>} : memref<4x64x128xf32, #tpu.memory_space<vmem>>, vector<1x1x16xf32>,
        %get3A_373 = vector.shape_cast %get3A_372 : vector<1x1x16xf32> to vector<16xf32>
        %mul3A_374 = arith.mulf %get3A_373, %gather3A_352 : vector<16xf32>
        %swap3A_375 = arith.index_cast %rem3A_188 : i32 to index
        %swap3A_376 = arith.index_cast %add3A_356 : i32 to index
        %swap3A_377 = arith.constant 16 : index
        %swap3A_378 = tpu.vector_load %arg8[%swap3A_375, %swap3A_376, %swap3A_377] {strides = array<i32>} : memref<4x64x128xf32, #tpu.memory_space<vmem>>, vector<1x1x16xf32>,
        %swap3A_379 = vector.shape_cast %swap3A_378 : vector<1x1x16xf32> to vector<16xf32>
        %swap3A_380 = vector.shape_cast %mul3A_374 : vector<16xf32> to vector<1x1x16xf32>
        tpu.vector_store %arg8[%swap3A_375, %swap3A_376, %swap3A_377], %swap3A_380 {strides = array<i32>} : memref<4x64x128xf32, #tpu.memory_space<vmem>>, vector<1x1x16xf32>,
        %get3A_381 = arith.index_cast %rem3A_188 : i32 to index
        %get3A_382 = arith.index_cast %add3A_356 : i32 to index
        %get3A_383 = arith.constant 32 : index
        %get3A_384 = tpu.vector_load %arg8[%get3A_381, %get3A_382, %get3A_383] {strides = array<i32>} : memref<4x64x128xf32, #tpu.memory_space<vmem>>, vector<1x1x16xf32>,
        %get3A_385 = vector.shape_cast %get3A_384 : vector<1x1x16xf32> to vector<16xf32>
        %mul3A_386 = arith.mulf %get3A_385, %gather3A_352 : vector<16xf32>
        %swap3A_387 = arith.index_cast %rem3A_188 : i32 to index
        %swap3A_388 = arith.index_cast %add3A_356 : i32 to index
        %swap3A_389 = arith.constant 32 : index
        %swap3A_390 = tpu.vector_load %arg8[%swap3A_387, %swap3A_388, %swap3A_389] {strides = array<i32>} : memref<4x64x128xf32, #tpu.memory_space<vmem>>, vector<1x1x16xf32>,
        %swap3A_391 = vector.shape_cast %swap3A_390 : vector<1x1x16xf32> to vector<16xf32>
        %swap3A_392 = vector.shape_cast %mul3A_386 : vector<16xf32> to vector<1x1x16xf32>
        tpu.vector_store %arg8[%swap3A_387, %swap3A_388, %swap3A_389], %swap3A_392 {strides = array<i32>} : memref<4x64x128xf32, #tpu.memory_space<vmem>>, vector<1x1x16xf32>,
        %get3A_393 = arith.index_cast %rem3A_188 : i32 to index
        %get3A_394 = arith.index_cast %add3A_356 : i32 to index
        %get3A_395 = arith.constant 48 : index
        %get3A_396 = tpu.vector_load %arg8[%get3A_393, %get3A_394, %get3A_395] {strides = array<i32>} : memref<4x64x128xf32, #tpu.memory_space<vmem>>, vector<1x1x16xf32>,
        %get3A_397 = vector.shape_cast %get3A_396 : vector<1x1x16xf32> to vector<16xf32>
        %mul3A_398 = arith.mulf %get3A_397, %gather3A_352 : vector<16xf32>
        %swap3A_399 = arith.index_cast %rem3A_188 : i32 to index
        %swap3A_400 = arith.index_cast %add3A_356 : i32 to index
        %swap3A_401 = arith.constant 48 : index
        %swap3A_402 = tpu.vector_load %arg8[%swap3A_399, %swap3A_400, %swap3A_401] {strides = array<i32>} : memref<4x64x128xf32, #tpu.memory_space<vmem>>, vector<1x1x16xf32>,
        %swap3A_403 = vector.shape_cast %swap3A_402 : vector<1x1x16xf32> to vector<16xf32>
        %swap3A_404 = vector.shape_cast %mul3A_398 : vector<16xf32> to vector<1x1x16xf32>
        tpu.vector_store %arg8[%swap3A_399, %swap3A_400, %swap3A_401], %swap3A_404 {strides = array<i32>} : memref<4x64x128xf32, #tpu.memory_space<vmem>>, vector<1x1x16xf32>,
        %get3A_405 = arith.index_cast %rem3A_188 : i32 to index
        %get3A_406 = arith.index_cast %add3A_356 : i32 to index
        %get3A_407 = arith.constant 64 : index
        %get3A_408 = tpu.vector_load %arg8[%get3A_405, %get3A_406, %get3A_407] {strides = array<i32>} : memref<4x64x128xf32, #tpu.memory_space<vmem>>, vector<1x1x16xf32>,
        %get3A_409 = vector.shape_cast %get3A_408 : vector<1x1x16xf32> to vector<16xf32>
        %mul3A_410 = arith.mulf %get3A_409, %gather3A_352 : vector<16xf32>
        %swap3A_411 = arith.index_cast %rem3A_188 : i32 to index
        %swap3A_412 = arith.index_cast %add3A_356 : i32 to index
        %swap3A_413 = arith.constant 64 : index
        %swap3A_414 = tpu.vector_load %arg8[%swap3A_411, %swap3A_412, %swap3A_413] {strides = array<i32>} : memref<4x64x128xf32, #tpu.memory_space<vmem>>, vector<1x1x16xf32>,
        %swap3A_415 = vector.shape_cast %swap3A_414 : vector<1x1x16xf32> to vector<16xf32>
        %swap3A_416 = vector.shape_cast %mul3A_410 : vector<16xf32> to vector<1x1x16xf32>
        tpu.vector_store %arg8[%swap3A_411, %swap3A_412, %swap3A_413], %swap3A_416 {strides = array<i32>} : memref<4x64x128xf32, #tpu.memory_space<vmem>>, vector<1x1x16xf32>,
        %get3A_417 = arith.index_cast %rem3A_188 : i32 to index
        %get3A_418 = arith.index_cast %add3A_356 : i32 to index
        %get3A_419 = arith.constant 80 : index
        %get3A_420 = tpu.vector_load %arg8[%get3A_417, %get3A_418, %get3A_419] {strides = array<i32>} : memref<4x64x128xf32, #tpu.memory_space<vmem>>, vector<1x1x16xf32>,
        %get3A_421 = vector.shape_cast %get3A_420 : vector<1x1x16xf32> to vector<16xf32>
        %mul3A_422 = arith.mulf %get3A_421, %gather3A_352 : vector<16xf32>
        %swap3A_423 = arith.index_cast %rem3A_188 : i32 to index
        %swap3A_424 = arith.index_cast %add3A_356 : i32 to index
        %swap3A_425 = arith.constant 80 : index
        %swap3A_426 = tpu.vector_load %arg8[%swap3A_423, %swap3A_424, %swap3A_425] {strides = array<i32>} : memref<4x64x128xf32, #tpu.memory_space<vmem>>, vector<1x1x16xf32>,
        %swap3A_427 = vector.shape_cast %swap3A_426 : vector<1x1x16xf32> to vector<16xf32>
        %swap3A_428 = vector.shape_cast %mul3A_422 : vector<16xf32> to vector<1x1x16xf32>
        tpu.vector_store %arg8[%swap3A_423, %swap3A_424, %swap3A_425], %swap3A_428 {strides = array<i32>} : memref<4x64x128xf32, #tpu.memory_space<vmem>>, vector<1x1x16xf32>,
        %get3A_429 = arith.index_cast %rem3A_188 : i32 to index
        %get3A_430 = arith.index_cast %add3A_356 : i32 to index
        %get3A_431 = arith.constant 96 : index
        %get3A_432 = tpu.vector_load %arg8[%get3A_429, %get3A_430, %get3A_431] {strides = array<i32>} : memref<4x64x128xf32, #tpu.memory_space<vmem>>, vector<1x1x16xf32>,
        %get3A_433 = vector.shape_cast %get3A_432 : vector<1x1x16xf32> to vector<16xf32>
        %mul3A_434 = arith.mulf %get3A_433, %gather3A_352 : vector<16xf32>
        %swap3A_435 = arith.index_cast %rem3A_188 : i32 to index
        %swap3A_436 = arith.index_cast %add3A_356 : i32 to index
        %swap3A_437 = arith.constant 96 : index
        %swap3A_438 = tpu.vector_load %arg8[%swap3A_435, %swap3A_436, %swap3A_437] {strides = array<i32>} : memref<4x64x128xf32, #tpu.memory_space<vmem>>, vector<1x1x16xf32>,
        %swap3A_439 = vector.shape_cast %swap3A_438 : vector<1x1x16xf32> to vector<16xf32>
        %swap3A_440 = vector.shape_cast %mul3A_434 : vector<16xf32> to vector<1x1x16xf32>
        tpu.vector_store %arg8[%swap3A_435, %swap3A_436, %swap3A_437], %swap3A_440 {strides = array<i32>} : memref<4x64x128xf32, #tpu.memory_space<vmem>>, vector<1x1x16xf32>,
        %get3A_441 = arith.index_cast %rem3A_188 : i32 to index
        %get3A_442 = arith.index_cast %add3A_356 : i32 to index
        %get3A_443 = arith.constant 112 : index
        %get3A_444 = tpu.vector_load %arg8[%get3A_441, %get3A_442, %get3A_443] {strides = array<i32>} : memref<4x64x128xf32, #tpu.memory_space<vmem>>, vector<1x1x16xf32>,
        %get3A_445 = vector.shape_cast %get3A_444 : vector<1x1x16xf32> to vector<16xf32>
        %mul3A_446 = arith.mulf %get3A_445, %gather3A_352 : vector<16xf32>
        %swap3A_447 = arith.index_cast %rem3A_188 : i32 to index
        %swap3A_448 = arith.index_cast %add3A_356 : i32 to index
        %swap3A_449 = arith.constant 112 : index
        %swap3A_450 = tpu.vector_load %arg8[%swap3A_447, %swap3A_448, %swap3A_449] {strides = array<i32>} : memref<4x64x128xf32, #tpu.memory_space<vmem>>, vector<1x1x16xf32>,
        %swap3A_451 = vector.shape_cast %swap3A_450 : vector<1x1x16xf32> to vector<16xf32>
        %swap3A_452 = vector.shape_cast %mul3A_446 : vector<16xf32> to vector<1x1x16xf32>
        tpu.vector_store %arg8[%swap3A_447, %swap3A_448, %swap3A_449], %swap3A_452 {strides = array<i32>} : memref<4x64x128xf32, #tpu.memory_space<vmem>>, vector<1x1x16xf32>,
        %broadcast_in_dim3A_453 = arith.constant 2 : i32
        %broadcast_in_dim3A_454 = vector.broadcast %broadcast_in_dim3A_453 : i32 to vector<16x1xi32>
        %gather3A_455 = vector.shape_cast %broadcast_in_dim3A_454 : vector<16x1xi32> to vector<16xi32>
        %gather3A_456 = tpu.dynamic_gather %get3A_246[%gather3A_455] in [0] : vector<16xf32>, vector<16xi32> -> vector<16xf32>
        %mul3A_457 = arith.constant 16 : i32
        %mul3A_458 = arith.muli %scan3A_239, %mul3A_457 : i32
        %add3A_459 = arith.constant 2 : i32
        %add3A_460 = arith.addi %mul3A_458, %add3A_459 : i32
        %get3A_461 = arith.index_cast %rem3A_188 : i32 to index
        %get3A_462 = arith.index_cast %add3A_460 : i32 to index
        %get3A_463 = arith.constant 0 : index
        %get3A_464 = tpu.vector_load %arg8[%get3A_461, %get3A_462, %get3A_463] {strides = array<i32>} : memref<4x64x128xf32, #tpu.memory_space<vmem>>, vector<1x1x16xf32>,
        %get3A_465 = vector.shape_cast %get3A_464 : vector<1x1x16xf32> to vector<16xf32>
        %mul3A_466 = arith.mulf %get3A_465, %gather3A_456 : vector<16xf32>
        %swap3A_467 = arith.index_cast %rem3A_188 : i32 to index
        %swap3A_468 = arith.index_cast %add3A_460 : i32 to index
        %swap3A_469 = arith.constant 0 : index
        %swap3A_470 = tpu.vector_load %arg8[%swap3A_467, %swap3A_468, %swap3A_469] {strides = array<i32>} : memref<4x64x128xf32, #tpu.memory_space<vmem>>, vector<1x1x16xf32>,
        %swap3A_471 = vector.shape_cast %swap3A_470 : vector<1x1x16xf32> to vector<16xf32>
        %swap3A_472 = vector.shape_cast %mul3A_466 : vector<16xf32> to vector<1x1x16xf32>
        tpu.vector_store %arg8[%swap3A_467, %swap3A_468, %swap3A_469], %swap3A_472 {strides = array<i32>} : memref<4x64x128xf32, #tpu.memory_space<vmem>>, vector<1x1x16xf32>,
        %get3A_473 = arith.index_cast %rem3A_188 : i32 to index
        %get3A_474 = arith.index_cast %add3A_460 : i32 to index
        %get3A_475 = arith.constant 16 : index
        %get3A_476 = tpu.vector_load %arg8[%get3A_473, %get3A_474, %get3A_475] {strides = array<i32>} : memref<4x64x128xf32, #tpu.memory_space<vmem>>, vector<1x1x16xf32>,
        %get3A_477 = vector.shape_cast %get3A_476 : vector<1x1x16xf32> to vector<16xf32>
        %mul3A_478 = arith.mulf %get3A_477, %gather3A_456 : vector<16xf32>
        %swap3A_479 = arith.index_cast %rem3A_188 : i32 to index
        %swap3A_480 = arith.index_cast %add3A_460 : i32 to index
        %swap3A_481 = arith.constant 16 : index
        %swap3A_482 = tpu.vector_load %arg8[%swap3A_479, %swap3A_480, %swap3A_481] {strides = array<i32>} : memref<4x64x128xf32, #tpu.memory_space<vmem>>, vector<1x1x16xf32>,
        %swap3A_483 = vector.shape_cast %swap3A_482 : vector<1x1x16xf32> to vector<16xf32>
        %swap3A_484 = vector.shape_cast %mul3A_478 : vector<16xf32> to vector<1x1x16xf32>
        tpu.vector_store %arg8[%swap3A_479, %swap3A_480, %swap3A_481], %swap3A_484 {strides = array<i32>} : memref<4x64x128xf32, #tpu.memory_space<vmem>>, vector<1x1x16xf32>,
        %get3A_485 = arith.index_cast %rem3A_188 : i32 to index
        %get3A_486 = arith.index_cast %add3A_460 : i32 to index
        %get3A_487 = arith.constant 32 : index
        %get3A_488 = tpu.vector_load %arg8[%get3A_485, %get3A_486, %get3A_487] {strides = array<i32>} : memref<4x64x128xf32, #tpu.memory_space<vmem>>, vector<1x1x16xf32>,
        %get3A_489 = vector.shape_cast %get3A_488 : vector<1x1x16xf32> to vector<16xf32>
        %mul3A_490 = arith.mulf %get3A_489, %gather3A_456 : vector<16xf32>
        %swap3A_491 = arith.index_cast %rem3A_188 : i32 to index
        %swap3A_492 = arith.index_cast %add3A_460 : i32 to index
        %swap3A_493 = arith.constant 32 : index
        %swap3A_494 = tpu.vector_load %arg8[%swap3A_491, %swap3A_492, %swap3A_493] {strides = array<i32>} : memref<4x64x128xf32, #tpu.memory_space<vmem>>, vector<1x1x16xf32>,
        %swap3A_495 = vector.shape_cast %swap3A_494 : vector<1x1x16xf32> to vector<16xf32>
        %swap3A_496 = vector.shape_cast %mul3A_490 : vector<16xf32> to vector<1x1x16xf32>
        tpu.vector_store %arg8[%swap3A_491, %swap3A_492, %swap3A_493], %swap3A_496 {strides = array<i32>} : memref<4x64x128xf32, #tpu.memory_space<vmem>>, vector<1x1x16xf32>,
        %get3A_497 = arith.index_cast %rem3A_188 : i32 to index
        %get3A_498 = arith.index_cast %add3A_460 : i32 to index
        %get3A_499 = arith.constant 48 : index
        %get3A_500 = tpu.vector_load %arg8[%get3A_497, %get3A_498, %get3A_499] {strides = array<i32>} : memref<4x64x128xf32, #tpu.memory_space<vmem>>, vector<1x1x16xf32>,
        %get3A_501 = vector.shape_cast %get3A_500 : vector<1x1x16xf32> to vector<16xf32>
        %mul3A_502 = arith.mulf %get3A_501, %gather3A_456 : vector<16xf32>
        %swap3A_503 = arith.index_cast %rem3A_188 : i32 to index
        %swap3A_504 = arith.index_cast %add3A_460 : i32 to index
        %swap3A_505 = arith.constant 48 : index
        %swap3A_506 = tpu.vector_load %arg8[%swap3A_503, %swap3A_504, %swap3A_505] {strides = array<i32>} : memref<4x64x128xf32, #tpu.memory_space<vmem>>, vector<1x1x16xf32>,
        %swap3A_507 = vector.shape_cast %swap3A_506 : vector<1x1x16xf32> to vector<16xf32>
        %swap3A_508 = vector.shape_cast %mul3A_502 : vector<16xf32> to vector<1x1x16xf32>
        tpu.vector_store %arg8[%swap3A_503, %swap3A_504, %swap3A_505], %swap3A_508 {strides = array<i32>} : memref<4x64x128xf32, #tpu.memory_space<vmem>>, vector<1x1x16xf32>,
        %get3A_509 = arith.index_cast %rem3A_188 : i32 to index
        %get3A_510 = arith.index_cast %add3A_460 : i32 to index
        %get3A_511 = arith.constant 64 : index
        %get3A_512 = tpu.vector_load %arg8[%get3A_509, %get3A_510, %get3A_511] {strides = array<i32>} : memref<4x64x128xf32, #tpu.memory_space<vmem>>, vector<1x1x16xf32>,
        %get3A_513 = vector.shape_cast %get3A_512 : vector<1x1x16xf32> to vector<16xf32>
        %mul3A_514 = arith.mulf %get3A_513, %gather3A_456 : vector<16xf32>
        %swap3A_515 = arith.index_cast %rem3A_188 : i32 to index
        %swap3A_516 = arith.index_cast %add3A_460 : i32 to index
        %swap3A_517 = arith.constant 64 : index
        %swap3A_518 = tpu.vector_load %arg8[%swap3A_515, %swap3A_516, %swap3A_517] {strides = array<i32>} : memref<4x64x128xf32, #tpu.memory_space<vmem>>, vector<1x1x16xf32>,
        %swap3A_519 = vector.shape_cast %swap3A_518 : vector<1x1x16xf32> to vector<16xf32>
        %swap3A_520 = vector.shape_cast %mul3A_514 : vector<16xf32> to vector<1x1x16xf32>
        tpu.vector_store %arg8[%swap3A_515, %swap3A_516, %swap3A_517], %swap3A_520 {strides = array<i32>} : memref<4x64x128xf32, #tpu.memory_space<vmem>>, vector<1x1x16xf32>,
        %get3A_521 = arith.index_cast %rem3A_188 : i32 to index
        %get3A_522 = arith.index_cast %add3A_460 : i32 to index
        %get3A_523 = arith.constant 80 : index
        %get3A_524 = tpu.vector_load %arg8[%get3A_521, %get3A_522, %get3A_523] {strides = array<i32>} : memref<4x64x128xf32, #tpu.memory_space<vmem>>, vector<1x1x16xf32>,
        %get3A_525 = vector.shape_cast %get3A_524 : vector<1x1x16xf32> to vector<16xf32>
        %mul3A_526 = arith.mulf %get3A_525, %gather3A_456 : vector<16xf32>
        %swap3A_527 = arith.index_cast %rem3A_188 : i32 to index
        %swap3A_528 = arith.index_cast %add3A_460 : i32 to index
        %swap3A_529 = arith.constant 80 : index
        %swap3A_530 = tpu.vector_load %arg8[%swap3A_527, %swap3A_528, %swap3A_529] {strides = array<i32>} : memref<4x64x128xf32, #tpu.memory_space<vmem>>, vector<1x1x16xf32>,
        %swap3A_531 = vector.shape_cast %swap3A_530 : vector<1x1x16xf32> to vector<16xf32>
        %swap3A_532 = vector.shape_cast %mul3A_526 : vector<16xf32> to vector<1x1x16xf32>
        tpu.vector_store %arg8[%swap3A_527, %swap3A_528, %swap3A_529], %swap3A_532 {strides = array<i32>} : memref<4x64x128xf32, #tpu.memory_space<vmem>>, vector<1x1x16xf32>,
        %get3A_533 = arith.index_cast %rem3A_188 : i32 to index
        %get3A_534 = arith.index_cast %add3A_460 : i32 to index
        %get3A_535 = arith.constant 96 : index
        %get3A_536 = tpu.vector_load %arg8[%get3A_533, %get3A_534, %get3A_535] {strides = array<i32>} : memref<4x64x128xf32, #tpu.memory_space<vmem>>, vector<1x1x16xf32>,
        %get3A_537 = vector.shape_cast %get3A_536 : vector<1x1x16xf32> to vector<16xf32>
        %mul3A_538 = arith.mulf %get3A_537, %gather3A_456 : vector<16xf32>
        %swap3A_539 = arith.index_cast %rem3A_188 : i32 to index
        %swap3A_540 = arith.index_cast %add3A_460 : i32 to index
        %swap3A_541 = arith.constant 96 : index
        %swap3A_542 = tpu.vector_load %arg8[%swap3A_539, %swap3A_540, %swap3A_541] {strides = array<i32>} : memref<4x64x128xf32, #tpu.memory_space<vmem>>, vector<1x1x16xf32>,
        %swap3A_543 = vector.shape_cast %swap3A_542 : vector<1x1x16xf32> to vector<16xf32>
        %swap3A_544 = vector.shape_cast %mul3A_538 : vector<16xf32> to vector<1x1x16xf32>
        tpu.vector_store %arg8[%swap3A_539, %swap3A_540, %swap3A_541], %swap3A_544 {strides = array<i32>} : memref<4x64x128xf32, #tpu.memory_space<vmem>>, vector<1x1x16xf32>,
        %get3A_545 = arith.index_cast %rem3A_188 : i32 to index
        %get3A_546 = arith.index_cast %add3A_460 : i32 to index
        %get3A_547 = arith.constant 112 : index
        %get3A_548 = tpu.vector_load %arg8[%get3A_545, %get3A_546, %get3A_547] {strides = array<i32>} : memref<4x64x128xf32, #tpu.memory_space<vmem>>, vector<1x1x16xf32>,
        %get3A_549 = vector.shape_cast %get3A_548 : vector<1x1x16xf32> to vector<16xf32>
        %mul3A_550 = arith.mulf %get3A_549, %gather3A_456 : vector<16xf32>
        %swap3A_551 = arith.index_cast %rem3A_188 : i32 to index
        %swap3A_552 = arith.index_cast %add3A_460 : i32 to index
        %swap3A_553 = arith.constant 112 : index
        %swap3A_554 = tpu.vector_load %arg8[%swap3A_551, %swap3A_552, %swap3A_553] {strides = array<i32>} : memref<4x64x128xf32, #tpu.memory_space<vmem>>, vector<1x1x16xf32>,
        %swap3A_555 = vector.shape_cast %swap3A_554 : vector<1x1x16xf32> to vector<16xf32>
        %swap3A_556 = vector.shape_cast %mul3A_550 : vector<16xf32> to vector<1x1x16xf32>
        tpu.vector_store %arg8[%swap3A_551, %swap3A_552, %swap3A_553], %swap3A_556 {strides = array<i32>} : memref<4x64x128xf32, #tpu.memory_space<vmem>>, vector<1x1x16xf32>,
        %broadcast_in_dim3A_557 = arith.constant 3 : i32
        %broadcast_in_dim3A_558 = vector.broadcast %broadcast_in_dim3A_557 : i32 to vector<16x1xi32>
        %gather3A_559 = vector.shape_cast %broadcast_in_dim3A_558 : vector<16x1xi32> to vector<16xi32>
        %gather3A_560 = tpu.dynamic_gather %get3A_246[%gather3A_559] in [0] : vector<16xf32>, vector<16xi32> -> vector<16xf32>
        %mul3A_561 = arith.constant 16 : i32
        %mul3A_562 = arith.muli %scan3A_239, %mul3A_561 : i32
        %add3A_563 = arith.constant 3 : i32
        %add3A_564 = arith.addi %mul3A_562, %add3A_563 : i32
        %get3A_565 = arith.index_cast %rem3A_188 : i32 to index
        %get3A_566 = arith.index_cast %add3A_564 : i32 to index
        %get3A_567 = arith.constant 0 : index
        %get3A_568 = tpu.vector_load %arg8[%get3A_565, %get3A_566, %get3A_567] {strides = array<i32>} : memref<4x64x128xf32, #tpu.memory_space<vmem>>, vector<1x1x16xf32>,
        %get3A_569 = vector.shape_cast %get3A_568 : vector<1x1x16xf32> to vector<16xf32>
        %mul3A_570 = arith.mulf %get3A_569, %gather3A_560 : vector<16xf32>
        %swap3A_571 = arith.index_cast %rem3A_188 : i32 to index
        %swap3A_572 = arith.index_cast %add3A_564 : i32 to index
        %swap3A_573 = arith.constant 0 : index
        %swap3A_574 = tpu.vector_load %arg8[%swap3A_571, %swap3A_572, %swap3A_573] {strides = array<i32>} : memref<4x64x128xf32, #tpu.memory_space<vmem>>, vector<1x1x16xf32>,
        %swap3A_575 = vector.shape_cast %swap3A_574 : vector<1x1x16xf32> to vector<16xf32>
        %swap3A_576 = vector.shape_cast %mul3A_570 : vector<16xf32> to vector<1x1x16xf32>
        tpu.vector_store %arg8[%swap3A_571, %swap3A_572, %swap3A_573], %swap3A_576 {strides = array<i32>} : memref<4x64x128xf32, #tpu.memory_space<vmem>>, vector<1x1x16xf32>,
        %get3A_577 = arith.index_cast %rem3A_188 : i32 to index
        %get3A_578 = arith.index_cast %add3A_564 : i32 to index
        %get3A_579 = arith.constant 16 : index
        %get3A_580 = tpu.vector_load %arg8[%get3A_577, %get3A_578, %get3A_579] {strides = array<i32>} : memref<4x64x128xf32, #tpu.memory_space<vmem>>, vector<1x1x16xf32>,
        %get3A_581 = vector.shape_cast %get3A_580 : vector<1x1x16xf32> to vector<16xf32>
        %mul3A_582 = arith.mulf %get3A_581, %gather3A_560 : vector<16xf32>
        %swap3A_583 = arith.index_cast %rem3A_188 : i32 to index
        %swap3A_584 = arith.index_cast %add3A_564 : i32 to index
        %swap3A_585 = arith.constant 16 : index
        %swap3A_586 = tpu.vector_load %arg8[%swap3A_583, %swap3A_584, %swap3A_585] {strides = array<i32>} : memref<4x64x128xf32, #tpu.memory_space<vmem>>, vector<1x1x16xf32>,
        %swap3A_587 = vector.shape_cast %swap3A_586 : vector<1x1x16xf32> to vector<16xf32>
        %swap3A_588 = vector.shape_cast %mul3A_582 : vector<16xf32> to vector<1x1x16xf32>
        tpu.vector_store %arg8[%swap3A_583, %swap3A_584, %swap3A_585], %swap3A_588 {strides = array<i32>} : memref<4x64x128xf32, #tpu.memory_space<vmem>>, vector<1x1x16xf32>,
        %get3A_589 = arith.index_cast %rem3A_188 : i32 to index
        %get3A_590 = arith.index_cast %add3A_564 : i32 to index
        %get3A_591 = arith.constant 32 : index
        %get3A_592 = tpu.vector_load %arg8[%get3A_589, %get3A_590, %get3A_591] {strides = array<i32>} : memref<4x64x128xf32, #tpu.memory_space<vmem>>, vector<1x1x16xf32>,
        %get3A_593 = vector.shape_cast %get3A_592 : vector<1x1x16xf32> to vector<16xf32>
        %mul3A_594 = arith.mulf %get3A_593, %gather3A_560 : vector<16xf32>
        %swap3A_595 = arith.index_cast %rem3A_188 : i32 to index
        %swap3A_596 = arith.index_cast %add3A_564 : i32 to index
        %swap3A_597 = arith.constant 32 : index
        %swap3A_598 = tpu.vector_load %arg8[%swap3A_595, %swap3A_596, %swap3A_597] {strides = array<i32>} : memref<4x64x128xf32, #tpu.memory_space<vmem>>, vector<1x1x16xf32>,
        %swap3A_599 = vector.shape_cast %swap3A_598 : vector<1x1x16xf32> to vector<16xf32>
        %swap3A_600 = vector.shape_cast %mul3A_594 : vector<16xf32> to vector<1x1x16xf32>
        tpu.vector_store %arg8[%swap3A_595, %swap3A_596, %swap3A_597], %swap3A_600 {strides = array<i32>} : memref<4x64x128xf32, #tpu.memory_space<vmem>>, vector<1x1x16xf32>,
        %get3A_601 = arith.index_cast %rem3A_188 : i32 to index
        %get3A_602 = arith.index_cast %add3A_564 : i32 to index
        %get3A_603 = arith.constant 48 : index
        %get3A_604 = tpu.vector_load %arg8[%get3A_601, %get3A_602, %get3A_603] {strides = array<i32>} : memref<4x64x128xf32, #tpu.memory_space<vmem>>, vector<1x1x16xf32>,
        %get3A_605 = vector.shape_cast %get3A_604 : vector<1x1x16xf32> to vector<16xf32>
        %mul3A_606 = arith.mulf %get3A_605, %gather3A_560 : vector<16xf32>
        %swap3A_607 = arith.index_cast %rem3A_188 : i32 to index
        %swap3A_608 = arith.index_cast %add3A_564 : i32 to index
        %swap3A_609 = arith.constant 48 : index
        %swap3A_610 = tpu.vector_load %arg8[%swap3A_607, %swap3A_608, %swap3A_609] {strides = array<i32>} : memref<4x64x128xf32, #tpu.memory_space<vmem>>, vector<1x1x16xf32>,
        %swap3A_611 = vector.shape_cast %swap3A_610 : vector<1x1x16xf32> to vector<16xf32>
        %swap3A_612 = vector.shape_cast %mul3A_606 : vector<16xf32> to vector<1x1x16xf32>
        tpu.vector_store %arg8[%swap3A_607, %swap3A_608, %swap3A_609], %swap3A_612 {strides = array<i32>} : memref<4x64x128xf32, #tpu.memory_space<vmem>>, vector<1x1x16xf32>,
        %get3A_613 = arith.index_cast %rem3A_188 : i32 to index
        %get3A_614 = arith.index_cast %add3A_564 : i32 to index
        %get3A_615 = arith.constant 64 : index
        %get3A_616 = tpu.vector_load %arg8[%get3A_613, %get3A_614, %get3A_615] {strides = array<i32>} : memref<4x64x128xf32, #tpu.memory_space<vmem>>, vector<1x1x16xf32>,
        %get3A_617 = vector.shape_cast %get3A_616 : vector<1x1x16xf32> to vector<16xf32>
        %mul3A_618 = arith.mulf %get3A_617, %gather3A_560 : vector<16xf32>
        %swap3A_619 = arith.index_cast %rem3A_188 : i32 to index
        %swap3A_620 = arith.index_cast %add3A_564 : i32 to index
        %swap3A_621 = arith.constant 64 : index
        %swap3A_622 = tpu.vector_load %arg8[%swap3A_619, %swap3A_620, %swap3A_621] {strides = array<i32>} : memref<4x64x128xf32, #tpu.memory_space<vmem>>, vector<1x1x16xf32>,
        %swap3A_623 = vector.shape_cast %swap3A_622 : vector<1x1x16xf32> to vector<16xf32>
        %swap3A_624 = vector.shape_cast %mul3A_618 : vector<16xf32> to vector<1x1x16xf32>
        tpu.vector_store %arg8[%swap3A_619, %swap3A_620, %swap3A_621], %swap3A_624 {strides = array<i32>} : memref<4x64x128xf32, #tpu.memory_space<vmem>>, vector<1x1x16xf32>,
        %get3A_625 = arith.index_cast %rem3A_188 : i32 to index
        %get3A_626 = arith.index_cast %add3A_564 : i32 to index
        %get3A_627 = arith.constant 80 : index
        %get3A_628 = tpu.vector_load %arg8[%get3A_625, %get3A_626, %get3A_627] {strides = array<i32>} : memref<4x64x128xf32, #tpu.memory_space<vmem>>, vector<1x1x16xf32>,
        %get3A_629 = vector.shape_cast %get3A_628 : vector<1x1x16xf32> to vector<16xf32>
        %mul3A_630 = arith.mulf %get3A_629, %gather3A_560 : vector<16xf32>
        %swap3A_631 = arith.index_cast %rem3A_188 : i32 to index
        %swap3A_632 = arith.index_cast %add3A_564 : i32 to index
        %swap3A_633 = arith.constant 80 : index
        %swap3A_634 = tpu.vector_load %arg8[%swap3A_631, %swap3A_632, %swap3A_633] {strides = array<i32>} : memref<4x64x128xf32, #tpu.memory_space<vmem>>, vector<1x1x16xf32>,
        %swap3A_635 = vector.shape_cast %swap3A_634 : vector<1x1x16xf32> to vector<16xf32>
        %swap3A_636 = vector.shape_cast %mul3A_630 : vector<16xf32> to vector<1x1x16xf32>
        tpu.vector_store %arg8[%swap3A_631, %swap3A_632, %swap3A_633], %swap3A_636 {strides = array<i32>} : memref<4x64x128xf32, #tpu.memory_space<vmem>>, vector<1x1x16xf32>,
        %get3A_637 = arith.index_cast %rem3A_188 : i32 to index
        %get3A_638 = arith.index_cast %add3A_564 : i32 to index
        %get3A_639 = arith.constant 96 : index
        %get3A_640 = tpu.vector_load %arg8[%get3A_637, %get3A_638, %get3A_639] {strides = array<i32>} : memref<4x64x128xf32, #tpu.memory_space<vmem>>, vector<1x1x16xf32>,
        %get3A_641 = vector.shape_cast %get3A_640 : vector<1x1x16xf32> to vector<16xf32>
        %mul3A_642 = arith.mulf %get3A_641, %gather3A_560 : vector<16xf32>
        %swap3A_643 = arith.index_cast %rem3A_188 : i32 to index
        %swap3A_644 = arith.index_cast %add3A_564 : i32 to index
        %swap3A_645 = arith.constant 96 : index
        %swap3A_646 = tpu.vector_load %arg8[%swap3A_643, %swap3A_644, %swap3A_645] {strides = array<i32>} : memref<4x64x128xf32, #tpu.memory_space<vmem>>, vector<1x1x16xf32>,
        %swap3A_647 = vector.shape_cast %swap3A_646 : vector<1x1x16xf32> to vector<16xf32>
        %swap3A_648 = vector.shape_cast %mul3A_642 : vector<16xf32> to vector<1x1x16xf32>
        tpu.vector_store %arg8[%swap3A_643, %swap3A_644, %swap3A_645], %swap3A_648 {strides = array<i32>} : memref<4x64x128xf32, #tpu.memory_space<vmem>>, vector<1x1x16xf32>,
        %get3A_649 = arith.index_cast %rem3A_188 : i32 to index
        %get3A_650 = arith.index_cast %add3A_564 : i32 to index
        %get3A_651 = arith.constant 112 : index
        %get3A_652 = tpu.vector_load %arg8[%get3A_649, %get3A_650, %get3A_651] {strides = array<i32>} : memref<4x64x128xf32, #tpu.memory_space<vmem>>, vector<1x1x16xf32>,
        %get3A_653 = vector.shape_cast %get3A_652 : vector<1x1x16xf32> to vector<16xf32>
        %mul3A_654 = arith.mulf %get3A_653, %gather3A_560 : vector<16xf32>
        %swap3A_655 = arith.index_cast %rem3A_188 : i32 to index
        %swap3A_656 = arith.index_cast %add3A_564 : i32 to index
        %swap3A_657 = arith.constant 112 : index
        %swap3A_658 = tpu.vector_load %arg8[%swap3A_655, %swap3A_656, %swap3A_657] {strides = array<i32>} : memref<4x64x128xf32, #tpu.memory_space<vmem>>, vector<1x1x16xf32>,
        %swap3A_659 = vector.shape_cast %swap3A_658 : vector<1x1x16xf32> to vector<16xf32>
        %swap3A_660 = vector.shape_cast %mul3A_654 : vector<16xf32> to vector<1x1x16xf32>
        tpu.vector_store %arg8[%swap3A_655, %swap3A_656, %swap3A_657], %swap3A_660 {strides = array<i32>} : memref<4x64x128xf32, #tpu.memory_space<vmem>>, vector<1x1x16xf32>,
        %broadcast_in_dim3A_661 = arith.constant 4 : i32
        %broadcast_in_dim3A_662 = vector.broadcast %broadcast_in_dim3A_661 : i32 to vector<16x1xi32>
        %gather3A_663 = vector.shape_cast %broadcast_in_dim3A_662 : vector<16x1xi32> to vector<16xi32>
        %gather3A_664 = tpu.dynamic_gather %get3A_246[%gather3A_663] in [0] : vector<16xf32>, vector<16xi32> -> vector<16xf32>
        %mul3A_665 = arith.constant 16 : i32
        %mul3A_666 = arith.muli %scan3A_239, %mul3A_665 : i32
        %add3A_667 = arith.constant 4 : i32
        %add3A_668 = arith.addi %mul3A_666, %add3A_667 : i32
        %get3A_669 = arith.index_cast %rem3A_188 : i32 to index
        %get3A_670 = arith.index_cast %add3A_668 : i32 to index
        %get3A_671 = arith.constant 0 : index
        %get3A_672 = tpu.vector_load %arg8[%get3A_669, %get3A_670, %get3A_671] {strides = array<i32>} : memref<4x64x128xf32, #tpu.memory_space<vmem>>, vector<1x1x16xf32>,
        %get3A_673 = vector.shape_cast %get3A_672 : vector<1x1x16xf32> to vector<16xf32>
        %mul3A_674 = arith.mulf %get3A_673, %gather3A_664 : vector<16xf32>
        %swap3A_675 = arith.index_cast %rem3A_188 : i32 to index
        %swap3A_676 = arith.index_cast %add3A_668 : i32 to index
        %swap3A_677 = arith.constant 0 : index
        %swap3A_678 = tpu.vector_load %arg8[%swap3A_675, %swap3A_676, %swap3A_677] {strides = array<i32>} : memref<4x64x128xf32, #tpu.memory_space<vmem>>, vector<1x1x16xf32>,
        %swap3A_679 = vector.shape_cast %swap3A_678 : vector<1x1x16xf32> to vector<16xf32>
        %swap3A_680 = vector.shape_cast %mul3A_674 : vector<16xf32> to vector<1x1x16xf32>
        tpu.vector_store %arg8[%swap3A_675, %swap3A_676, %swap3A_677], %swap3A_680 {strides = array<i32>} : memref<4x64x128xf32, #tpu.memory_space<vmem>>, vector<1x1x16xf32>,
        %get3A_681 = arith.index_cast %rem3A_188 : i32 to index
        %get3A_682 = arith.index_cast %add3A_668 : i32 to index
        %get3A_683 = arith.constant 16 : index
        %get3A_684 = tpu.vector_load %arg8[%get3A_681, %get3A_682, %get3A_683] {strides = array<i32>} : memref<4x64x128xf32, #tpu.memory_space<vmem>>, vector<1x1x16xf32>,
        %get3A_685 = vector.shape_cast %get3A_684 : vector<1x1x16xf32> to vector<16xf32>
        %mul3A_686 = arith.mulf %get3A_685, %gather3A_664 : vector<16xf32>
        %swap3A_687 = arith.index_cast %rem3A_188 : i32 to index
        %swap3A_688 = arith.index_cast %add3A_668 : i32 to index
        %swap3A_689 = arith.constant 16 : index
        %swap3A_690 = tpu.vector_load %arg8[%swap3A_687, %swap3A_688, %swap3A_689] {strides = array<i32>} : memref<4x64x128xf32, #tpu.memory_space<vmem>>, vector<1x1x16xf32>,
        %swap3A_691 = vector.shape_cast %swap3A_690 : vector<1x1x16xf32> to vector<16xf32>
        %swap3A_692 = vector.shape_cast %mul3A_686 : vector<16xf32> to vector<1x1x16xf32>
        tpu.vector_store %arg8[%swap3A_687, %swap3A_688, %swap3A_689], %swap3A_692 {strides = array<i32>} : memref<4x64x128xf32, #tpu.memory_space<vmem>>, vector<1x1x16xf32>,
        %get3A_693 = arith.index_cast %rem3A_188 : i32 to index
        %get3A_694 = arith.index_cast %add3A_668 : i32 to index
        %get3A_695 = arith.constant 32 : index
        %get3A_696 = tpu.vector_load %arg8[%get3A_693, %get3A_694, %get3A_695] {strides = array<i32>} : memref<4x64x128xf32, #tpu.memory_space<vmem>>, vector<1x1x16xf32>,
        %get3A_697 = vector.shape_cast %get3A_696 : vector<1x1x16xf32> to vector<16xf32>
        %mul3A_698 = arith.mulf %get3A_697, %gather3A_664 : vector<16xf32>
        %swap3A_699 = arith.index_cast %rem3A_188 : i32 to index
        %swap3A_700 = arith.index_cast %add3A_668 : i32 to index
        %swap3A_701 = arith.constant 32 : index
        %swap3A_702 = tpu.vector_load %arg8[%swap3A_699, %swap3A_700, %swap3A_701] {strides = array<i32>} : memref<4x64x128xf32, #tpu.memory_space<vmem>>, vector<1x1x16xf32>,
        %swap3A_703 = vector.shape_cast %swap3A_702 : vector<1x1x16xf32> to vector<16xf32>
        %swap3A_704 = vector.shape_cast %mul3A_698 : vector<16xf32> to vector<1x1x16xf32>
        tpu.vector_store %arg8[%swap3A_699, %swap3A_700, %swap3A_701], %swap3A_704 {strides = array<i32>} : memref<4x64x128xf32, #tpu.memory_space<vmem>>, vector<1x1x16xf32>,
        %get3A_705 = arith.index_cast %rem3A_188 : i32 to index
        %get3A_706 = arith.index_cast %add3A_668 : i32 to index
        %get3A_707 = arith.constant 48 : index
        %get3A_708 = tpu.vector_load %arg8[%get3A_705, %get3A_706, %get3A_707] {strides = array<i32>} : memref<4x64x128xf32, #tpu.memory_space<vmem>>, vector<1x1x16xf32>,
        %get3A_709 = vector.shape_cast %get3A_708 : vector<1x1x16xf32> to vector<16xf32>
        %mul3A_710 = arith.mulf %get3A_709, %gather3A_664 : vector<16xf32>
        %swap3A_711 = arith.index_cast %rem3A_188 : i32 to index
        %swap3A_712 = arith.index_cast %add3A_668 : i32 to index
        %swap3A_713 = arith.constant 48 : index
        %swap3A_714 = tpu.vector_load %arg8[%swap3A_711, %swap3A_712, %swap3A_713] {strides = array<i32>} : memref<4x64x128xf32, #tpu.memory_space<vmem>>, vector<1x1x16xf32>,
        %swap3A_715 = vector.shape_cast %swap3A_714 : vector<1x1x16xf32> to vector<16xf32>
        %swap3A_716 = vector.shape_cast %mul3A_710 : vector<16xf32> to vector<1x1x16xf32>
        tpu.vector_store %arg8[%swap3A_711, %swap3A_712, %swap3A_713], %swap3A_716 {strides = array<i32>} : memref<4x64x128xf32, #tpu.memory_space<vmem>>, vector<1x1x16xf32>,
        %get3A_717 = arith.index_cast %rem3A_188 : i32 to index
        %get3A_718 = arith.index_cast %add3A_668 : i32 to index
        %get3A_719 = arith.constant 64 : index
        %get3A_720 = tpu.vector_load %arg8[%get3A_717, %get3A_718, %get3A_719] {strides = array<i32>} : memref<4x64x128xf32, #tpu.memory_space<vmem>>, vector<1x1x16xf32>,
        %get3A_721 = vector.shape_cast %get3A_720 : vector<1x1x16xf32> to vector<16xf32>
        %mul3A_722 = arith.mulf %get3A_721, %gather3A_664 : vector<16xf32>
        %swap3A_723 = arith.index_cast %rem3A_188 : i32 to index
        %swap3A_724 = arith.index_cast %add3A_668 : i32 to index
        %swap3A_725 = arith.constant 64 : index
        %swap3A_726 = tpu.vector_load %arg8[%swap3A_723, %swap3A_724, %swap3A_725] {strides = array<i32>} : memref<4x64x128xf32, #tpu.memory_space<vmem>>, vector<1x1x16xf32>,
        %swap3A_727 = vector.shape_cast %swap3A_726 : vector<1x1x16xf32> to vector<16xf32>
        %swap3A_728 = vector.shape_cast %mul3A_722 : vector<16xf32> to vector<1x1x16xf32>
        tpu.vector_store %arg8[%swap3A_723, %swap3A_724, %swap3A_725], %swap3A_728 {strides = array<i32>} : memref<4x64x128xf32, #tpu.memory_space<vmem>>, vector<1x1x16xf32>,
        %get3A_729 = arith.index_cast %rem3A_188 : i32 to index
        %get3A_730 = arith.index_cast %add3A_668 : i32 to index
        %get3A_731 = arith.constant 80 : index
        %get3A_732 = tpu.vector_load %arg8[%get3A_729, %get3A_730, %get3A_731] {strides = array<i32>} : memref<4x64x128xf32, #tpu.memory_space<vmem>>, vector<1x1x16xf32>,
        %get3A_733 = vector.shape_cast %get3A_732 : vector<1x1x16xf32> to vector<16xf32>
        %mul3A_734 = arith.mulf %get3A_733, %gather3A_664 : vector<16xf32>
        %swap3A_735 = arith.index_cast %rem3A_188 : i32 to index
        %swap3A_736 = arith.index_cast %add3A_668 : i32 to index
        %swap3A_737 = arith.constant 80 : index
        %swap3A_738 = tpu.vector_load %arg8[%swap3A_735, %swap3A_736, %swap3A_737] {strides = array<i32>} : memref<4x64x128xf32, #tpu.memory_space<vmem>>, vector<1x1x16xf32>,
        %swap3A_739 = vector.shape_cast %swap3A_738 : vector<1x1x16xf32> to vector<16xf32>
        %swap3A_740 = vector.shape_cast %mul3A_734 : vector<16xf32> to vector<1x1x16xf32>
        tpu.vector_store %arg8[%swap3A_735, %swap3A_736, %swap3A_737], %swap3A_740 {strides = array<i32>} : memref<4x64x128xf32, #tpu.memory_space<vmem>>, vector<1x1x16xf32>,
        %get3A_741 = arith.index_cast %rem3A_188 : i32 to index
        %get3A_742 = arith.index_cast %add3A_668 : i32 to index
        %get3A_743 = arith.constant 96 : index
        %get3A_744 = tpu.vector_load %arg8[%get3A_741, %get3A_742, %get3A_743] {strides = array<i32>} : memref<4x64x128xf32, #tpu.memory_space<vmem>>, vector<1x1x16xf32>,
        %get3A_745 = vector.shape_cast %get3A_744 : vector<1x1x16xf32> to vector<16xf32>
        %mul3A_746 = arith.mulf %get3A_745, %gather3A_664 : vector<16xf32>
        %swap3A_747 = arith.index_cast %rem3A_188 : i32 to index
        %swap3A_748 = arith.index_cast %add3A_668 : i32 to index
        %swap3A_749 = arith.constant 96 : index
        %swap3A_750 = tpu.vector_load %arg8[%swap3A_747, %swap3A_748, %swap3A_749] {strides = array<i32>} : memref<4x64x128xf32, #tpu.memory_space<vmem>>, vector<1x1x16xf32>,
        %swap3A_751 = vector.shape_cast %swap3A_750 : vector<1x1x16xf32> to vector<16xf32>
        %swap3A_752 = vector.shape_cast %mul3A_746 : vector<16xf32> to vector<1x1x16xf32>
        tpu.vector_store %arg8[%swap3A_747, %swap3A_748, %swap3A_749], %swap3A_752 {strides = array<i32>} : memref<4x64x128xf32, #tpu.memory_space<vmem>>, vector<1x1x16xf32>,
        %get3A_753 = arith.index_cast %rem3A_188 : i32 to index
        %get3A_754 = arith.index_cast %add3A_668 : i32 to index
        %get3A_755 = arith.constant 112 : index
        %get3A_756 = tpu.vector_load %arg8[%get3A_753, %get3A_754, %get3A_755] {strides = array<i32>} : memref<4x64x128xf32, #tpu.memory_space<vmem>>, vector<1x1x16xf32>,
        %get3A_757 = vector.shape_cast %get3A_756 : vector<1x1x16xf32> to vector<16xf32>
        %mul3A_758 = arith.mulf %get3A_757, %gather3A_664 : vector<16xf32>
        %swap3A_759 = arith.index_cast %rem3A_188 : i32 to index
        %swap3A_760 = arith.index_cast %add3A_668 : i32 to index
        %swap3A_761 = arith.constant 112 : index
        %swap3A_762 = tpu.vector_load %arg8[%swap3A_759, %swap3A_760, %swap3A_761] {strides = array<i32>} : memref<4x64x128xf32, #tpu.memory_space<vmem>>, vector<1x1x16xf32>,
        %swap3A_763 = vector.shape_cast %swap3A_762 : vector<1x1x16xf32> to vector<16xf32>
        %swap3A_764 = vector.shape_cast %mul3A_758 : vector<16xf32> to vector<1x1x16xf32>
        tpu.vector_store %arg8[%swap3A_759, %swap3A_760, %swap3A_761], %swap3A_764 {strides = array<i32>} : memref<4x64x128xf32, #tpu.memory_space<vmem>>, vector<1x1x16xf32>,
        %broadcast_in_dim3A_765 = arith.constant 5 : i32
        %broadcast_in_dim3A_766 = vector.broadcast %broadcast_in_dim3A_765 : i32 to vector<16x1xi32>
        %gather3A_767 = vector.shape_cast %broadcast_in_dim3A_766 : vector<16x1xi32> to vector<16xi32>
        %gather3A_768 = tpu.dynamic_gather %get3A_246[%gather3A_767] in [0] : vector<16xf32>, vector<16xi32> -> vector<16xf32>
        %mul3A_769 = arith.constant 16 : i32
        %mul3A_770 = arith.muli %scan3A_239, %mul3A_769 : i32
        %add3A_771 = arith.constant 5 : i32
        %add3A_772 = arith.addi %mul3A_770, %add3A_771 : i32
        %get3A_773 = arith.index_cast %rem3A_188 : i32 to index
        %get3A_774 = arith.index_cast %add3A_772 : i32 to index
        %get3A_775 = arith.constant 0 : index
        %get3A_776 = tpu.vector_load %arg8[%get3A_773, %get3A_774, %get3A_775] {strides = array<i32>} : memref<4x64x128xf32, #tpu.memory_space<vmem>>, vector<1x1x16xf32>,
        %get3A_777 = vector.shape_cast %get3A_776 : vector<1x1x16xf32> to vector<16xf32>
        %mul3A_778 = arith.mulf %get3A_777, %gather3A_768 : vector<16xf32>
        %swap3A_779 = arith.index_cast %rem3A_188 : i32 to index
        %swap3A_780 = arith.index_cast %add3A_772 : i32 to index
        %swap3A_781 = arith.constant 0 : index
        %swap3A_782 = tpu.vector_load %arg8[%swap3A_779, %swap3A_780, %swap3A_781] {strides = array<i32>} : memref<4x64x128xf32, #tpu.memory_space<vmem>>, vector<1x1x16xf32>,
        %swap3A_783 = vector.shape_cast %swap3A_782 : vector<1x1x16xf32> to vector<16xf32>
        %swap3A_784 = vector.shape_cast %mul3A_778 : vector<16xf32> to vector<1x1x16xf32>
        tpu.vector_store %arg8[%swap3A_779, %swap3A_780, %swap3A_781], %swap3A_784 {strides = array<i32>} : memref<4x64x128xf32, #tpu.memory_space<vmem>>, vector<1x1x16xf32>,
        %get3A_785 = arith.index_cast %rem3A_188 : i32 to index
        %get3A_786 = arith.index_cast %add3A_772 : i32 to index
        %get3A_787 = arith.constant 16 : index
        %get3A_788 = tpu.vector_load %arg8[%get3A_785, %get3A_786, %get3A_787] {strides = array<i32>} : memref<4x64x128xf32, #tpu.memory_space<vmem>>, vector<1x1x16xf32>,
        %get3A_789 = vector.shape_cast %get3A_788 : vector<1x1x16xf32> to vector<16xf32>
        %mul3A_790 = arith.mulf %get3A_789, %gather3A_768 : vector<16xf32>
        %swap3A_791 = arith.index_cast %rem3A_188 : i32 to index
        %swap3A_792 = arith.index_cast %add3A_772 : i32 to index
        %swap3A_793 = arith.constant 16 : index
        %swap3A_794 = tpu.vector_load %arg8[%swap3A_791, %swap3A_792, %swap3A_793] {strides = array<i32>} : memref<4x64x128xf32, #tpu.memory_space<vmem>>, vector<1x1x16xf32>,
        %swap3A_795 = vector.shape_cast %swap3A_794 : vector<1x1x16xf32> to vector<16xf32>
        %swap3A_796 = vector.shape_cast %mul3A_790 : vector<16xf32> to vector<1x1x16xf32>
        tpu.vector_store %arg8[%swap3A_791, %swap3A_792, %swap3A_793], %swap3A_796 {strides = array<i32>} : memref<4x64x128xf32, #tpu.memory_space<vmem>>, vector<1x1x16xf32>,
        %get3A_797 = arith.index_cast %rem3A_188 : i32 to index
        %get3A_798 = arith.index_cast %add3A_772 : i32 to index
        %get3A_799 = arith.constant 32 : index
        %get3A_800 = tpu.vector_load %arg8[%get3A_797, %get3A_798, %get3A_799] {strides = array<i32>} : memref<4x64x128xf32, #tpu.memory_space<vmem>>, vector<1x1x16xf32>,
        %get3A_801 = vector.shape_cast %get3A_800 : vector<1x1x16xf32> to vector<16xf32>
        %mul3A_802 = arith.mulf %get3A_801, %gather3A_768 : vector<16xf32>
        %swap3A_803 = arith.index_cast %rem3A_188 : i32 to index
        %swap3A_804 = arith.index_cast %add3A_772 : i32 to index
        %swap3A_805 = arith.constant 32 : index
        %swap3A_806 = tpu.vector_load %arg8[%swap3A_803, %swap3A_804, %swap3A_805] {strides = array<i32>} : memref<4x64x128xf32, #tpu.memory_space<vmem>>, vector<1x1x16xf32>,
        %swap3A_807 = vector.shape_cast %swap3A_806 : vector<1x1x16xf32> to vector<16xf32>
        %swap3A_808 = vector.shape_cast %mul3A_802 : vector<16xf32> to vector<1x1x16xf32>
        tpu.vector_store %arg8[%swap3A_803, %swap3A_804, %swap3A_805], %swap3A_808 {strides = array<i32>} : memref<4x64x128xf32, #tpu.memory_space<vmem>>, vector<1x1x16xf32>,
        %get3A_809 = arith.index_cast %rem3A_188 : i32 to index
        %get3A_810 = arith.index_cast %add3A_772 : i32 to index
        %get3A_811 = arith.constant 48 : index
        %get3A_812 = tpu.vector_load %arg8[%get3A_809, %get3A_810, %get3A_811] {strides = array<i32>} : memref<4x64x128xf32, #tpu.memory_space<vmem>>, vector<1x1x16xf32>,
        %get3A_813 = vector.shape_cast %get3A_812 : vector<1x1x16xf32> to vector<16xf32>
        %mul3A_814 = arith.mulf %get3A_813, %gather3A_768 : vector<16xf32>
        %swap3A_815 = arith.index_cast %rem3A_188 : i32 to index
        %swap3A_816 = arith.index_cast %add3A_772 : i32 to index
        %swap3A_817 = arith.constant 48 : index
        %swap3A_818 = tpu.vector_load %arg8[%swap3A_815, %swap3A_816, %swap3A_817] {strides = array<i32>} : memref<4x64x128xf32, #tpu.memory_space<vmem>>, vector<1x1x16xf32>,
        %swap3A_819 = vector.shape_cast %swap3A_818 : vector<1x1x16xf32> to vector<16xf32>
        %swap3A_820 = vector.shape_cast %mul3A_814 : vector<16xf32> to vector<1x1x16xf32>
        tpu.vector_store %arg8[%swap3A_815, %swap3A_816, %swap3A_817], %swap3A_820 {strides = array<i32>} : memref<4x64x128xf32, #tpu.memory_space<vmem>>, vector<1x1x16xf32>,
        %get3A_821 = arith.index_cast %rem3A_188 : i32 to index
        %get3A_822 = arith.index_cast %add3A_772 : i32 to index
        %get3A_823 = arith.constant 64 : index
        %get3A_824 = tpu.vector_load %arg8[%get3A_821, %get3A_822, %get3A_823] {strides = array<i32>} : memref<4x64x128xf32, #tpu.memory_space<vmem>>, vector<1x1x16xf32>,
        %get3A_825 = vector.shape_cast %get3A_824 : vector<1x1x16xf32> to vector<16xf32>
        %mul3A_826 = arith.mulf %get3A_825, %gather3A_768 : vector<16xf32>
        %swap3A_827 = arith.index_cast %rem3A_188 : i32 to index
        %swap3A_828 = arith.index_cast %add3A_772 : i32 to index
        %swap3A_829 = arith.constant 64 : index
        %swap3A_830 = tpu.vector_load %arg8[%swap3A_827, %swap3A_828, %swap3A_829] {strides = array<i32>} : memref<4x64x128xf32, #tpu.memory_space<vmem>>, vector<1x1x16xf32>,
        %swap3A_831 = vector.shape_cast %swap3A_830 : vector<1x1x16xf32> to vector<16xf32>
        %swap3A_832 = vector.shape_cast %mul3A_826 : vector<16xf32> to vector<1x1x16xf32>
        tpu.vector_store %arg8[%swap3A_827, %swap3A_828, %swap3A_829], %swap3A_832 {strides = array<i32>} : memref<4x64x128xf32, #tpu.memory_space<vmem>>, vector<1x1x16xf32>,
        %get3A_833 = arith.index_cast %rem3A_188 : i32 to index
        %get3A_834 = arith.index_cast %add3A_772 : i32 to index
        %get3A_835 = arith.constant 80 : index
        %get3A_836 = tpu.vector_load %arg8[%get3A_833, %get3A_834, %get3A_835] {strides = array<i32>} : memref<4x64x128xf32, #tpu.memory_space<vmem>>, vector<1x1x16xf32>,
        %get3A_837 = vector.shape_cast %get3A_836 : vector<1x1x16xf32> to vector<16xf32>
        %mul3A_838 = arith.mulf %get3A_837, %gather3A_768 : vector<16xf32>
        %swap3A_839 = arith.index_cast %rem3A_188 : i32 to index
        %swap3A_840 = arith.index_cast %add3A_772 : i32 to index
        %swap3A_841 = arith.constant 80 : index
        %swap3A_842 = tpu.vector_load %arg8[%swap3A_839, %swap3A_840, %swap3A_841] {strides = array<i32>} : memref<4x64x128xf32, #tpu.memory_space<vmem>>, vector<1x1x16xf32>,
        %swap3A_843 = vector.shape_cast %swap3A_842 : vector<1x1x16xf32> to vector<16xf32>
        %swap3A_844 = vector.shape_cast %mul3A_838 : vector<16xf32> to vector<1x1x16xf32>
        tpu.vector_store %arg8[%swap3A_839, %swap3A_840, %swap3A_841], %swap3A_844 {strides = array<i32>} : memref<4x64x128xf32, #tpu.memory_space<vmem>>, vector<1x1x16xf32>,
        %get3A_845 = arith.index_cast %rem3A_188 : i32 to index
        %get3A_846 = arith.index_cast %add3A_772 : i32 to index
        %get3A_847 = arith.constant 96 : index
        %get3A_848 = tpu.vector_load %arg8[%get3A_845, %get3A_846, %get3A_847] {strides = array<i32>} : memref<4x64x128xf32, #tpu.memory_space<vmem>>, vector<1x1x16xf32>,
        %get3A_849 = vector.shape_cast %get3A_848 : vector<1x1x16xf32> to vector<16xf32>
        %mul3A_850 = arith.mulf %get3A_849, %gather3A_768 : vector<16xf32>
        %swap3A_851 = arith.index_cast %rem3A_188 : i32 to index
        %swap3A_852 = arith.index_cast %add3A_772 : i32 to index
        %swap3A_853 = arith.constant 96 : index
        %swap3A_854 = tpu.vector_load %arg8[%swap3A_851, %swap3A_852, %swap3A_853] {strides = array<i32>} : memref<4x64x128xf32, #tpu.memory_space<vmem>>, vector<1x1x16xf32>,
        %swap3A_855 = vector.shape_cast %swap3A_854 : vector<1x1x16xf32> to vector<16xf32>
        %swap3A_856 = vector.shape_cast %mul3A_850 : vector<16xf32> to vector<1x1x16xf32>
        tpu.vector_store %arg8[%swap3A_851, %swap3A_852, %swap3A_853], %swap3A_856 {strides = array<i32>} : memref<4x64x128xf32, #tpu.memory_space<vmem>>, vector<1x1x16xf32>,
        %get3A_857 = arith.index_cast %rem3A_188 : i32 to index
        %get3A_858 = arith.index_cast %add3A_772 : i32 to index
        %get3A_859 = arith.constant 112 : index
        %get3A_860 = tpu.vector_load %arg8[%get3A_857, %get3A_858, %get3A_859] {strides = array<i32>} : memref<4x64x128xf32, #tpu.memory_space<vmem>>, vector<1x1x16xf32>,
        %get3A_861 = vector.shape_cast %get3A_860 : vector<1x1x16xf32> to vector<16xf32>
        %mul3A_862 = arith.mulf %get3A_861, %gather3A_768 : vector<16xf32>
        %swap3A_863 = arith.index_cast %rem3A_188 : i32 to index
        %swap3A_864 = arith.index_cast %add3A_772 : i32 to index
        %swap3A_865 = arith.constant 112 : index
        %swap3A_866 = tpu.vector_load %arg8[%swap3A_863, %swap3A_864, %swap3A_865] {strides = array<i32>} : memref<4x64x128xf32, #tpu.memory_space<vmem>>, vector<1x1x16xf32>,
        %swap3A_867 = vector.shape_cast %swap3A_866 : vector<1x1x16xf32> to vector<16xf32>
        %swap3A_868 = vector.shape_cast %mul3A_862 : vector<16xf32> to vector<1x1x16xf32>
        tpu.vector_store %arg8[%swap3A_863, %swap3A_864, %swap3A_865], %swap3A_868 {strides = array<i32>} : memref<4x64x128xf32, #tpu.memory_space<vmem>>, vector<1x1x16xf32>,
        %broadcast_in_dim3A_869 = arith.constant 6 : i32
        %broadcast_in_dim3A_870 = vector.broadcast %broadcast_in_dim3A_869 : i32 to vector<16x1xi32>
        %gather3A_871 = vector.shape_cast %broadcast_in_dim3A_870 : vector<16x1xi32> to vector<16xi32>
        %gather3A_872 = tpu.dynamic_gather %get3A_246[%gather3A_871] in [0] : vector<16xf32>, vector<16xi32> -> vector<16xf32>
        %mul3A_873 = arith.constant 16 : i32
        %mul3A_874 = arith.muli %scan3A_239, %mul3A_873 : i32
        %add3A_875 = arith.constant 6 : i32
        %add3A_876 = arith.addi %mul3A_874, %add3A_875 : i32
        %get3A_877 = arith.index_cast %rem3A_188 : i32 to index
        %get3A_878 = arith.index_cast %add3A_876 : i32 to index
        %get3A_879 = arith.constant 0 : index
        %get3A_880 = tpu.vector_load %arg8[%get3A_877, %get3A_878, %get3A_879] {strides = array<i32>} : memref<4x64x128xf32, #tpu.memory_space<vmem>>, vector<1x1x16xf32>,
        %get3A_881 = vector.shape_cast %get3A_880 : vector<1x1x16xf32> to vector<16xf32>
        %mul3A_882 = arith.mulf %get3A_881, %gather3A_872 : vector<16xf32>
        %swap3A_883 = arith.index_cast %rem3A_188 : i32 to index
        %swap3A_884 = arith.index_cast %add3A_876 : i32 to index
        %swap3A_885 = arith.constant 0 : index
        %swap3A_886 = tpu.vector_load %arg8[%swap3A_883, %swap3A_884, %swap3A_885] {strides = array<i32>} : memref<4x64x128xf32, #tpu.memory_space<vmem>>, vector<1x1x16xf32>,
        %swap3A_887 = vector.shape_cast %swap3A_886 : vector<1x1x16xf32> to vector<16xf32>
        %swap3A_888 = vector.shape_cast %mul3A_882 : vector<16xf32> to vector<1x1x16xf32>
        tpu.vector_store %arg8[%swap3A_883, %swap3A_884, %swap3A_885], %swap3A_888 {strides = array<i32>} : memref<4x64x128xf32, #tpu.memory_space<vmem>>, vector<1x1x16xf32>,
        %get3A_889 = arith.index_cast %rem3A_188 : i32 to index
        %get3A_890 = arith.index_cast %add3A_876 : i32 to index
        %get3A_891 = arith.constant 16 : index
        %get3A_892 = tpu.vector_load %arg8[%get3A_889, %get3A_890, %get3A_891] {strides = array<i32>} : memref<4x64x128xf32, #tpu.memory_space<vmem>>, vector<1x1x16xf32>,
        %get3A_893 = vector.shape_cast %get3A_892 : vector<1x1x16xf32> to vector<16xf32>
        %mul3A_894 = arith.mulf %get3A_893, %gather3A_872 : vector<16xf32>
        %swap3A_895 = arith.index_cast %rem3A_188 : i32 to index
        %swap3A_896 = arith.index_cast %add3A_876 : i32 to index
        %swap3A_897 = arith.constant 16 : index
        %swap3A_898 = tpu.vector_load %arg8[%swap3A_895, %swap3A_896, %swap3A_897] {strides = array<i32>} : memref<4x64x128xf32, #tpu.memory_space<vmem>>, vector<1x1x16xf32>,
        %swap3A_899 = vector.shape_cast %swap3A_898 : vector<1x1x16xf32> to vector<16xf32>
        %swap3A_900 = vector.shape_cast %mul3A_894 : vector<16xf32> to vector<1x1x16xf32>
        tpu.vector_store %arg8[%swap3A_895, %swap3A_896, %swap3A_897], %swap3A_900 {strides = array<i32>} : memref<4x64x128xf32, #tpu.memory_space<vmem>>, vector<1x1x16xf32>,
        %get3A_901 = arith.index_cast %rem3A_188 : i32 to index
        %get3A_902 = arith.index_cast %add3A_876 : i32 to index
        %get3A_903 = arith.constant 32 : index
        %get3A_904 = tpu.vector_load %arg8[%get3A_901, %get3A_902, %get3A_903] {strides = array<i32>} : memref<4x64x128xf32, #tpu.memory_space<vmem>>, vector<1x1x16xf32>,
        %get3A_905 = vector.shape_cast %get3A_904 : vector<1x1x16xf32> to vector<16xf32>
        %mul3A_906 = arith.mulf %get3A_905, %gather3A_872 : vector<16xf32>
        %swap3A_907 = arith.index_cast %rem3A_188 : i32 to index
        %swap3A_908 = arith.index_cast %add3A_876 : i32 to index
        %swap3A_909 = arith.constant 32 : index
        %swap3A_910 = tpu.vector_load %arg8[%swap3A_907, %swap3A_908, %swap3A_909] {strides = array<i32>} : memref<4x64x128xf32, #tpu.memory_space<vmem>>, vector<1x1x16xf32>,
        %swap3A_911 = vector.shape_cast %swap3A_910 : vector<1x1x16xf32> to vector<16xf32>
        %swap3A_912 = vector.shape_cast %mul3A_906 : vector<16xf32> to vector<1x1x16xf32>
        tpu.vector_store %arg8[%swap3A_907, %swap3A_908, %swap3A_909], %swap3A_912 {strides = array<i32>} : memref<4x64x128xf32, #tpu.memory_space<vmem>>, vector<1x1x16xf32>,
        %get3A_913 = arith.index_cast %rem3A_188 : i32 to index
        %get3A_914 = arith.index_cast %add3A_876 : i32 to index
        %get3A_915 = arith.constant 48 : index
        %get3A_916 = tpu.vector_load %arg8[%get3A_913, %get3A_914, %get3A_915] {strides = array<i32>} : memref<4x64x128xf32, #tpu.memory_space<vmem>>, vector<1x1x16xf32>,
        %get3A_917 = vector.shape_cast %get3A_916 : vector<1x1x16xf32> to vector<16xf32>
        %mul3A_918 = arith.mulf %get3A_917, %gather3A_872 : vector<16xf32>
        %swap3A_919 = arith.index_cast %rem3A_188 : i32 to index
        %swap3A_920 = arith.index_cast %add3A_876 : i32 to index
        %swap3A_921 = arith.constant 48 : index
        %swap3A_922 = tpu.vector_load %arg8[%swap3A_919, %swap3A_920, %swap3A_921] {strides = array<i32>} : memref<4x64x128xf32, #tpu.memory_space<vmem>>, vector<1x1x16xf32>,
        %swap3A_923 = vector.shape_cast %swap3A_922 : vector<1x1x16xf32> to vector<16xf32>
        %swap3A_924 = vector.shape_cast %mul3A_918 : vector<16xf32> to vector<1x1x16xf32>
        tpu.vector_store %arg8[%swap3A_919, %swap3A_920, %swap3A_921], %swap3A_924 {strides = array<i32>} : memref<4x64x128xf32, #tpu.memory_space<vmem>>, vector<1x1x16xf32>,
        %get3A_925 = arith.index_cast %rem3A_188 : i32 to index
        %get3A_926 = arith.index_cast %add3A_876 : i32 to index
        %get3A_927 = arith.constant 64 : index
        %get3A_928 = tpu.vector_load %arg8[%get3A_925, %get3A_926, %get3A_927] {strides = array<i32>} : memref<4x64x128xf32, #tpu.memory_space<vmem>>, vector<1x1x16xf32>,
        %get3A_929 = vector.shape_cast %get3A_928 : vector<1x1x16xf32> to vector<16xf32>
        %mul3A_930 = arith.mulf %get3A_929, %gather3A_872 : vector<16xf32>
        %swap3A_931 = arith.index_cast %rem3A_188 : i32 to index
        %swap3A_932 = arith.index_cast %add3A_876 : i32 to index
        %swap3A_933 = arith.constant 64 : index
        %swap3A_934 = tpu.vector_load %arg8[%swap3A_931, %swap3A_932, %swap3A_933] {strides = array<i32>} : memref<4x64x128xf32, #tpu.memory_space<vmem>>, vector<1x1x16xf32>,
        %swap3A_935 = vector.shape_cast %swap3A_934 : vector<1x1x16xf32> to vector<16xf32>
        %swap3A_936 = vector.shape_cast %mul3A_930 : vector<16xf32> to vector<1x1x16xf32>
        tpu.vector_store %arg8[%swap3A_931, %swap3A_932, %swap3A_933], %swap3A_936 {strides = array<i32>} : memref<4x64x128xf32, #tpu.memory_space<vmem>>, vector<1x1x16xf32>,
        %get3A_937 = arith.index_cast %rem3A_188 : i32 to index
        %get3A_938 = arith.index_cast %add3A_876 : i32 to index
        %get3A_939 = arith.constant 80 : index
        %get3A_940 = tpu.vector_load %arg8[%get3A_937, %get3A_938, %get3A_939] {strides = array<i32>} : memref<4x64x128xf32, #tpu.memory_space<vmem>>, vector<1x1x16xf32>,
        %get3A_941 = vector.shape_cast %get3A_940 : vector<1x1x16xf32> to vector<16xf32>
        %mul3A_942 = arith.mulf %get3A_941, %gather3A_872 : vector<16xf32>
        %swap3A_943 = arith.index_cast %rem3A_188 : i32 to index
        %swap3A_944 = arith.index_cast %add3A_876 : i32 to index
        %swap3A_945 = arith.constant 80 : index
        %swap3A_946 = tpu.vector_load %arg8[%swap3A_943, %swap3A_944, %swap3A_945] {strides = array<i32>} : memref<4x64x128xf32, #tpu.memory_space<vmem>>, vector<1x1x16xf32>,
        %swap3A_947 = vector.shape_cast %swap3A_946 : vector<1x1x16xf32> to vector<16xf32>
        %swap3A_948 = vector.shape_cast %mul3A_942 : vector<16xf32> to vector<1x1x16xf32>
        tpu.vector_store %arg8[%swap3A_943, %swap3A_944, %swap3A_945], %swap3A_948 {strides = array<i32>} : memref<4x64x128xf32, #tpu.memory_space<vmem>>, vector<1x1x16xf32>,
        %get3A_949 = arith.index_cast %rem3A_188 : i32 to index
        %get3A_950 = arith.index_cast %add3A_876 : i32 to index
        %get3A_951 = arith.constant 96 : index
        %get3A_952 = tpu.vector_load %arg8[%get3A_949, %get3A_950, %get3A_951] {strides = array<i32>} : memref<4x64x128xf32, #tpu.memory_space<vmem>>, vector<1x1x16xf32>,
        %get3A_953 = vector.shape_cast %get3A_952 : vector<1x1x16xf32> to vector<16xf32>
        %mul3A_954 = arith.mulf %get3A_953, %gather3A_872 : vector<16xf32>
        %swap3A_955 = arith.index_cast %rem3A_188 : i32 to index
        %swap3A_956 = arith.index_cast %add3A_876 : i32 to index
        %swap3A_957 = arith.constant 96 : index
        %swap3A_958 = tpu.vector_load %arg8[%swap3A_955, %swap3A_956, %swap3A_957] {strides = array<i32>} : memref<4x64x128xf32, #tpu.memory_space<vmem>>, vector<1x1x16xf32>,
        %swap3A_959 = vector.shape_cast %swap3A_958 : vector<1x1x16xf32> to vector<16xf32>
        %swap3A_960 = vector.shape_cast %mul3A_954 : vector<16xf32> to vector<1x1x16xf32>
        tpu.vector_store %arg8[%swap3A_955, %swap3A_956, %swap3A_957], %swap3A_960 {strides = array<i32>} : memref<4x64x128xf32, #tpu.memory_space<vmem>>, vector<1x1x16xf32>,
        %get3A_961 = arith.index_cast %rem3A_188 : i32 to index
        %get3A_962 = arith.index_cast %add3A_876 : i32 to index
        %get3A_963 = arith.constant 112 : index
        %get3A_964 = tpu.vector_load %arg8[%get3A_961, %get3A_962, %get3A_963] {strides = array<i32>} : memref<4x64x128xf32, #tpu.memory_space<vmem>>, vector<1x1x16xf32>,
        %get3A_965 = vector.shape_cast %get3A_964 : vector<1x1x16xf32> to vector<16xf32>
        %mul3A_966 = arith.mulf %get3A_965, %gather3A_872 : vector<16xf32>
        %swap3A_967 = arith.index_cast %rem3A_188 : i32 to index
        %swap3A_968 = arith.index_cast %add3A_876 : i32 to index
        %swap3A_969 = arith.constant 112 : index
        %swap3A_970 = tpu.vector_load %arg8[%swap3A_967, %swap3A_968, %swap3A_969] {strides = array<i32>} : memref<4x64x128xf32, #tpu.memory_space<vmem>>, vector<1x1x16xf32>,
        %swap3A_971 = vector.shape_cast %swap3A_970 : vector<1x1x16xf32> to vector<16xf32>
        %swap3A_972 = vector.shape_cast %mul3A_966 : vector<16xf32> to vector<1x1x16xf32>
        tpu.vector_store %arg8[%swap3A_967, %swap3A_968, %swap3A_969], %swap3A_972 {strides = array<i32>} : memref<4x64x128xf32, #tpu.memory_space<vmem>>, vector<1x1x16xf32>,
        %broadcast_in_dim3A_973 = arith.constant 7 : i32
        %broadcast_in_dim3A_974 = vector.broadcast %broadcast_in_dim3A_973 : i32 to vector<16x1xi32>
        %gather3A_975 = vector.shape_cast %broadcast_in_dim3A_974 : vector<16x1xi32> to vector<16xi32>
        %gather3A_976 = tpu.dynamic_gather %get3A_246[%gather3A_975] in [0] : vector<16xf32>, vector<16xi32> -> vector<16xf32>
        %mul3A_977 = arith.constant 16 : i32
        %mul3A_978 = arith.muli %scan3A_239, %mul3A_977 : i32
        %add3A_979 = arith.constant 7 : i32
        %add3A_980 = arith.addi %mul3A_978, %add3A_979 : i32
        %get3A_981 = arith.index_cast %rem3A_188 : i32 to index
        %get3A_982 = arith.index_cast %add3A_980 : i32 to index
        %get3A_983 = arith.constant 0 : index
        %get3A_984 = tpu.vector_load %arg8[%get3A_981, %get3A_982, %get3A_983] {strides = array<i32>} : memref<4x64x128xf32, #tpu.memory_space<vmem>>, vector<1x1x16xf32>,
        %get3A_985 = vector.shape_cast %get3A_984 : vector<1x1x16xf32> to vector<16xf32>
        %mul3A_986 = arith.mulf %get3A_985, %gather3A_976 : vector<16xf32>
        %swap3A_987 = arith.index_cast %rem3A_188 : i32 to index
        %swap3A_988 = arith.index_cast %add3A_980 : i32 to index
        %swap3A_989 = arith.constant 0 : index
        %swap3A_990 = tpu.vector_load %arg8[%swap3A_987, %swap3A_988, %swap3A_989] {strides = array<i32>} : memref<4x64x128xf32, #tpu.memory_space<vmem>>, vector<1x1x16xf32>,
        %swap3A_991 = vector.shape_cast %swap3A_990 : vector<1x1x16xf32> to vector<16xf32>
        %swap3A_992 = vector.shape_cast %mul3A_986 : vector<16xf32> to vector<1x1x16xf32>
        tpu.vector_store %arg8[%swap3A_987, %swap3A_988, %swap3A_989], %swap3A_992 {strides = array<i32>} : memref<4x64x128xf32, #tpu.memory_space<vmem>>, vector<1x1x16xf32>,
        %get3A_993 = arith.index_cast %rem3A_188 : i32 to index
        %get3A_994 = arith.index_cast %add3A_980 : i32 to index
        %get3A_995 = arith.constant 16 : index
        %get3A_996 = tpu.vector_load %arg8[%get3A_993, %get3A_994, %get3A_995] {strides = array<i32>} : memref<4x64x128xf32, #tpu.memory_space<vmem>>, vector<1x1x16xf32>,
        %get3A_997 = vector.shape_cast %get3A_996 : vector<1x1x16xf32> to vector<16xf32>
        %mul3A_998 = arith.mulf %get3A_997, %gather3A_976 : vector<16xf32>
        %swap3A_999 = arith.index_cast %rem3A_188 : i32 to index
        %swap3A_1000 = arith.index_cast %add3A_980 : i32 to index
        %swap3A_1001 = arith.constant 16 : index
        %swap3A_1002 = tpu.vector_load %arg8[%swap3A_999, %swap3A_1000, %swap3A_1001] {strides = array<i32>} : memref<4x64x128xf32, #tpu.memory_space<vmem>>, vector<1x1x16xf32>,
        %swap3A_1003 = vector.shape_cast %swap3A_1002 : vector<1x1x16xf32> to vector<16xf32>
        %swap3A_1004 = vector.shape_cast %mul3A_998 : vector<16xf32> to vector<1x1x16xf32>
        tpu.vector_store %arg8[%swap3A_999, %swap3A_1000, %swap3A_1001], %swap3A_1004 {strides = array<i32>} : memref<4x64x128xf32, #tpu.memory_space<vmem>>, vector<1x1x16xf32>,
        %get3A_1005 = arith.index_cast %rem3A_188 : i32 to index
        %get3A_1006 = arith.index_cast %add3A_980 : i32 to index
        %get3A_1007 = arith.constant 32 : index
        %get3A_1008 = tpu.vector_load %arg8[%get3A_1005, %get3A_1006, %get3A_1007] {strides = array<i32>} : memref<4x64x128xf32, #tpu.memory_space<vmem>>, vector<1x1x16xf32>,
        %get3A_1009 = vector.shape_cast %get3A_1008 : vector<1x1x16xf32> to vector<16xf32>
        %mul3A_1010 = arith.mulf %get3A_1009, %gather3A_976 : vector<16xf32>
        %swap3A_1011 = arith.index_cast %rem3A_188 : i32 to index
        %swap3A_1012 = arith.index_cast %add3A_980 : i32 to index
        %swap3A_1013 = arith.constant 32 : index
        %swap3A_1014 = tpu.vector_load %arg8[%swap3A_1011, %swap3A_1012, %swap3A_1013] {strides = array<i32>} : memref<4x64x128xf32, #tpu.memory_space<vmem>>, vector<1x1x16xf32>,
        %swap3A_1015 = vector.shape_cast %swap3A_1014 : vector<1x1x16xf32> to vector<16xf32>
        %swap3A_1016 = vector.shape_cast %mul3A_1010 : vector<16xf32> to vector<1x1x16xf32>
        tpu.vector_store %arg8[%swap3A_1011, %swap3A_1012, %swap3A_1013], %swap3A_1016 {strides = array<i32>} : memref<4x64x128xf32, #tpu.memory_space<vmem>>, vector<1x1x16xf32>,
        %get3A_1017 = arith.index_cast %rem3A_188 : i32 to index
        %get3A_1018 = arith.index_cast %add3A_980 : i32 to index
        %get3A_1019 = arith.constant 48 : index
        %get3A_1020 = tpu.vector_load %arg8[%get3A_1017, %get3A_1018, %get3A_1019] {strides = array<i32>} : memref<4x64x128xf32, #tpu.memory_space<vmem>>, vector<1x1x16xf32>,
        %get3A_1021 = vector.shape_cast %get3A_1020 : vector<1x1x16xf32> to vector<16xf32>
        %mul3A_1022 = arith.mulf %get3A_1021, %gather3A_976 : vector<16xf32>
        %swap3A_1023 = arith.index_cast %rem3A_188 : i32 to index
        %swap3A_1024 = arith.index_cast %add3A_980 : i32 to index
        %swap3A_1025 = arith.constant 48 : index
        %swap3A_1026 = tpu.vector_load %arg8[%swap3A_1023, %swap3A_1024, %swap3A_1025] {strides = array<i32>} : memref<4x64x128xf32, #tpu.memory_space<vmem>>, vector<1x1x16xf32>,
        %swap3A_1027 = vector.shape_cast %swap3A_1026 : vector<1x1x16xf32> to vector<16xf32>
        %swap3A_1028 = vector.shape_cast %mul3A_1022 : vector<16xf32> to vector<1x1x16xf32>
        tpu.vector_store %arg8[%swap3A_1023, %swap3A_1024, %swap3A_1025], %swap3A_1028 {strides = array<i32>} : memref<4x64x128xf32, #tpu.memory_space<vmem>>, vector<1x1x16xf32>,
        %get3A_1029 = arith.index_cast %rem3A_188 : i32 to index
        %get3A_1030 = arith.index_cast %add3A_980 : i32 to index
        %get3A_1031 = arith.constant 64 : index
        %get3A_1032 = tpu.vector_load %arg8[%get3A_1029, %get3A_1030, %get3A_1031] {strides = array<i32>} : memref<4x64x128xf32, #tpu.memory_space<vmem>>, vector<1x1x16xf32>,
        %get3A_1033 = vector.shape_cast %get3A_1032 : vector<1x1x16xf32> to vector<16xf32>
        %mul3A_1034 = arith.mulf %get3A_1033, %gather3A_976 : vector<16xf32>
        %swap3A_1035 = arith.index_cast %rem3A_188 : i32 to index
        %swap3A_1036 = arith.index_cast %add3A_980 : i32 to index
        %swap3A_1037 = arith.constant 64 : index
        %swap3A_1038 = tpu.vector_load %arg8[%swap3A_1035, %swap3A_1036, %swap3A_1037] {strides = array<i32>} : memref<4x64x128xf32, #tpu.memory_space<vmem>>, vector<1x1x16xf32>,
        %swap3A_1039 = vector.shape_cast %swap3A_1038 : vector<1x1x16xf32> to vector<16xf32>
        %swap3A_1040 = vector.shape_cast %mul3A_1034 : vector<16xf32> to vector<1x1x16xf32>
        tpu.vector_store %arg8[%swap3A_1035, %swap3A_1036, %swap3A_1037], %swap3A_1040 {strides = array<i32>} : memref<4x64x128xf32, #tpu.memory_space<vmem>>, vector<1x1x16xf32>,
        %get3A_1041 = arith.index_cast %rem3A_188 : i32 to index
        %get3A_1042 = arith.index_cast %add3A_980 : i32 to index
        %get3A_1043 = arith.constant 80 : index
        %get3A_1044 = tpu.vector_load %arg8[%get3A_1041, %get3A_1042, %get3A_1043] {strides = array<i32>} : memref<4x64x128xf32, #tpu.memory_space<vmem>>, vector<1x1x16xf32>,
        %get3A_1045 = vector.shape_cast %get3A_1044 : vector<1x1x16xf32> to vector<16xf32>
        %mul3A_1046 = arith.mulf %get3A_1045, %gather3A_976 : vector<16xf32>
        %swap3A_1047 = arith.index_cast %rem3A_188 : i32 to index
        %swap3A_1048 = arith.index_cast %add3A_980 : i32 to index
        %swap3A_1049 = arith.constant 80 : index
        %swap3A_1050 = tpu.vector_load %arg8[%swap3A_1047, %swap3A_1048, %swap3A_1049] {strides = array<i32>} : memref<4x64x128xf32, #tpu.memory_space<vmem>>, vector<1x1x16xf32>,
        %swap3A_1051 = vector.shape_cast %swap3A_1050 : vector<1x1x16xf32> to vector<16xf32>
        %swap3A_1052 = vector.shape_cast %mul3A_1046 : vector<16xf32> to vector<1x1x16xf32>
        tpu.vector_store %arg8[%swap3A_1047, %swap3A_1048, %swap3A_1049], %swap3A_1052 {strides = array<i32>} : memref<4x64x128xf32, #tpu.memory_space<vmem>>, vector<1x1x16xf32>,
        %get3A_1053 = arith.index_cast %rem3A_188 : i32 to index
        %get3A_1054 = arith.index_cast %add3A_980 : i32 to index
        %get3A_1055 = arith.constant 96 : index
        %get3A_1056 = tpu.vector_load %arg8[%get3A_1053, %get3A_1054, %get3A_1055] {strides = array<i32>} : memref<4x64x128xf32, #tpu.memory_space<vmem>>, vector<1x1x16xf32>,
        %get3A_1057 = vector.shape_cast %get3A_1056 : vector<1x1x16xf32> to vector<16xf32>
        %mul3A_1058 = arith.mulf %get3A_1057, %gather3A_976 : vector<16xf32>
        %swap3A_1059 = arith.index_cast %rem3A_188 : i32 to index
        %swap3A_1060 = arith.index_cast %add3A_980 : i32 to index
        %swap3A_1061 = arith.constant 96 : index
        %swap3A_1062 = tpu.vector_load %arg8[%swap3A_1059, %swap3A_1060, %swap3A_1061] {strides = array<i32>} : memref<4x64x128xf32, #tpu.memory_space<vmem>>, vector<1x1x16xf32>,
        %swap3A_1063 = vector.shape_cast %swap3A_1062 : vector<1x1x16xf32> to vector<16xf32>
        %swap3A_1064 = vector.shape_cast %mul3A_1058 : vector<16xf32> to vector<1x1x16xf32>
        tpu.vector_store %arg8[%swap3A_1059, %swap3A_1060, %swap3A_1061], %swap3A_1064 {strides = array<i32>} : memref<4x64x128xf32, #tpu.memory_space<vmem>>, vector<1x1x16xf32>,
        %get3A_1065 = arith.index_cast %rem3A_188 : i32 to index
        %get3A_1066 = arith.index_cast %add3A_980 : i32 to index
        %get3A_1067 = arith.constant 112 : index
        %get3A_1068 = tpu.vector_load %arg8[%get3A_1065, %get3A_1066, %get3A_1067] {strides = array<i32>} : memref<4x64x128xf32, #tpu.memory_space<vmem>>, vector<1x1x16xf32>,
        %get3A_1069 = vector.shape_cast %get3A_1068 : vector<1x1x16xf32> to vector<16xf32>
        %mul3A_1070 = arith.mulf %get3A_1069, %gather3A_976 : vector<16xf32>
        %swap3A_1071 = arith.index_cast %rem3A_188 : i32 to index
        %swap3A_1072 = arith.index_cast %add3A_980 : i32 to index
        %swap3A_1073 = arith.constant 112 : index
        %swap3A_1074 = tpu.vector_load %arg8[%swap3A_1071, %swap3A_1072, %swap3A_1073] {strides = array<i32>} : memref<4x64x128xf32, #tpu.memory_space<vmem>>, vector<1x1x16xf32>,
        %swap3A_1075 = vector.shape_cast %swap3A_1074 : vector<1x1x16xf32> to vector<16xf32>
        %swap3A_1076 = vector.shape_cast %mul3A_1070 : vector<16xf32> to vector<1x1x16xf32>
        tpu.vector_store %arg8[%swap3A_1071, %swap3A_1072, %swap3A_1073], %swap3A_1076 {strides = array<i32>} : memref<4x64x128xf32, #tpu.memory_space<vmem>>, vector<1x1x16xf32>,
        %broadcast_in_dim3A_1077 = arith.constant 8 : i32
        %broadcast_in_dim3A_1078 = vector.broadcast %broadcast_in_dim3A_1077 : i32 to vector<16x1xi32>
        %gather3A_1079 = vector.shape_cast %broadcast_in_dim3A_1078 : vector<16x1xi32> to vector<16xi32>
        %gather3A_1080 = tpu.dynamic_gather %get3A_246[%gather3A_1079] in [0] : vector<16xf32>, vector<16xi32> -> vector<16xf32>
        %mul3A_1081 = arith.constant 16 : i32
        %mul3A_1082 = arith.muli %scan3A_239, %mul3A_1081 : i32
        %add3A_1083 = arith.constant 8 : i32
        %add3A_1084 = arith.addi %mul3A_1082, %add3A_1083 : i32
        %get3A_1085 = arith.index_cast %rem3A_188 : i32 to index
        %get3A_1086 = arith.index_cast %add3A_1084 : i32 to index
        %get3A_1087 = arith.constant 0 : index
        %get3A_1088 = tpu.vector_load %arg8[%get3A_1085, %get3A_1086, %get3A_1087] {strides = array<i32>} : memref<4x64x128xf32, #tpu.memory_space<vmem>>, vector<1x1x16xf32>,
        %get3A_1089 = vector.shape_cast %get3A_1088 : vector<1x1x16xf32> to vector<16xf32>
        %mul3A_1090 = arith.mulf %get3A_1089, %gather3A_1080 : vector<16xf32>
        %swap3A_1091 = arith.index_cast %rem3A_188 : i32 to index
        %swap3A_1092 = arith.index_cast %add3A_1084 : i32 to index
        %swap3A_1093 = arith.constant 0 : index
        %swap3A_1094 = tpu.vector_load %arg8[%swap3A_1091, %swap3A_1092, %swap3A_1093] {strides = array<i32>} : memref<4x64x128xf32, #tpu.memory_space<vmem>>, vector<1x1x16xf32>,
        %swap3A_1095 = vector.shape_cast %swap3A_1094 : vector<1x1x16xf32> to vector<16xf32>
        %swap3A_1096 = vector.shape_cast %mul3A_1090 : vector<16xf32> to vector<1x1x16xf32>
        tpu.vector_store %arg8[%swap3A_1091, %swap3A_1092, %swap3A_1093], %swap3A_1096 {strides = array<i32>} : memref<4x64x128xf32, #tpu.memory_space<vmem>>, vector<1x1x16xf32>,
        %get3A_1097 = arith.index_cast %rem3A_188 : i32 to index
        %get3A_1098 = arith.index_cast %add3A_1084 : i32 to index
        %get3A_1099 = arith.constant 16 : index
        %get3A_1100 = tpu.vector_load %arg8[%get3A_1097, %get3A_1098, %get3A_1099] {strides = array<i32>} : memref<4x64x128xf32, #tpu.memory_space<vmem>>, vector<1x1x16xf32>,
        %get3A_1101 = vector.shape_cast %get3A_1100 : vector<1x1x16xf32> to vector<16xf32>
        %mul3A_1102 = arith.mulf %get3A_1101, %gather3A_1080 : vector<16xf32>
        %swap3A_1103 = arith.index_cast %rem3A_188 : i32 to index
        %swap3A_1104 = arith.index_cast %add3A_1084 : i32 to index
        %swap3A_1105 = arith.constant 16 : index
        %swap3A_1106 = tpu.vector_load %arg8[%swap3A_1103, %swap3A_1104, %swap3A_1105] {strides = array<i32>} : memref<4x64x128xf32, #tpu.memory_space<vmem>>, vector<1x1x16xf32>,
        %swap3A_1107 = vector.shape_cast %swap3A_1106 : vector<1x1x16xf32> to vector<16xf32>
        %swap3A_1108 = vector.shape_cast %mul3A_1102 : vector<16xf32> to vector<1x1x16xf32>
        tpu.vector_store %arg8[%swap3A_1103, %swap3A_1104, %swap3A_1105], %swap3A_1108 {strides = array<i32>} : memref<4x64x128xf32, #tpu.memory_space<vmem>>, vector<1x1x16xf32>,
        %get3A_1109 = arith.index_cast %rem3A_188 : i32 to index
        %get3A_1110 = arith.index_cast %add3A_1084 : i32 to index
        %get3A_1111 = arith.constant 32 : index
        %get3A_1112 = tpu.vector_load %arg8[%get3A_1109, %get3A_1110, %get3A_1111] {strides = array<i32>} : memref<4x64x128xf32, #tpu.memory_space<vmem>>, vector<1x1x16xf32>,
        %get3A_1113 = vector.shape_cast %get3A_1112 : vector<1x1x16xf32> to vector<16xf32>
        %mul3A_1114 = arith.mulf %get3A_1113, %gather3A_1080 : vector<16xf32>
        %swap3A_1115 = arith.index_cast %rem3A_188 : i32 to index
        %swap3A_1116 = arith.index_cast %add3A_1084 : i32 to index
        %swap3A_1117 = arith.constant 32 : index
        %swap3A_1118 = tpu.vector_load %arg8[%swap3A_1115, %swap3A_1116, %swap3A_1117] {strides = array<i32>} : memref<4x64x128xf32, #tpu.memory_space<vmem>>, vector<1x1x16xf32>,
        %swap3A_1119 = vector.shape_cast %swap3A_1118 : vector<1x1x16xf32> to vector<16xf32>
        %swap3A_1120 = vector.shape_cast %mul3A_1114 : vector<16xf32> to vector<1x1x16xf32>
        tpu.vector_store %arg8[%swap3A_1115, %swap3A_1116, %swap3A_1117], %swap3A_1120 {strides = array<i32>} : memref<4x64x128xf32, #tpu.memory_space<vmem>>, vector<1x1x16xf32>,
        %get3A_1121 = arith.index_cast %rem3A_188 : i32 to index
        %get3A_1122 = arith.index_cast %add3A_1084 : i32 to index
        %get3A_1123 = arith.constant 48 : index
        %get3A_1124 = tpu.vector_load %arg8[%get3A_1121, %get3A_1122, %get3A_1123] {strides = array<i32>} : memref<4x64x128xf32, #tpu.memory_space<vmem>>, vector<1x1x16xf32>,
        %get3A_1125 = vector.shape_cast %get3A_1124 : vector<1x1x16xf32> to vector<16xf32>
        %mul3A_1126 = arith.mulf %get3A_1125, %gather3A_1080 : vector<16xf32>
        %swap3A_1127 = arith.index_cast %rem3A_188 : i32 to index
        %swap3A_1128 = arith.index_cast %add3A_1084 : i32 to index
        %swap3A_1129 = arith.constant 48 : index
        %swap3A_1130 = tpu.vector_load %arg8[%swap3A_1127, %swap3A_1128, %swap3A_1129] {strides = array<i32>} : memref<4x64x128xf32, #tpu.memory_space<vmem>>, vector<1x1x16xf32>,
        %swap3A_1131 = vector.shape_cast %swap3A_1130 : vector<1x1x16xf32> to vector<16xf32>
        %swap3A_1132 = vector.shape_cast %mul3A_1126 : vector<16xf32> to vector<1x1x16xf32>
        tpu.vector_store %arg8[%swap3A_1127, %swap3A_1128, %swap3A_1129], %swap3A_1132 {strides = array<i32>} : memref<4x64x128xf32, #tpu.memory_space<vmem>>, vector<1x1x16xf32>,
        %get3A_1133 = arith.index_cast %rem3A_188 : i32 to index
        %get3A_1134 = arith.index_cast %add3A_1084 : i32 to index
        %get3A_1135 = arith.constant 64 : index
        %get3A_1136 = tpu.vector_load %arg8[%get3A_1133, %get3A_1134, %get3A_1135] {strides = array<i32>} : memref<4x64x128xf32, #tpu.memory_space<vmem>>, vector<1x1x16xf32>,
        %get3A_1137 = vector.shape_cast %get3A_1136 : vector<1x1x16xf32> to vector<16xf32>
        %mul3A_1138 = arith.mulf %get3A_1137, %gather3A_1080 : vector<16xf32>
        %swap3A_1139 = arith.index_cast %rem3A_188 : i32 to index
        %swap3A_1140 = arith.index_cast %add3A_1084 : i32 to index
        %swap3A_1141 = arith.constant 64 : index
        %swap3A_1142 = tpu.vector_load %arg8[%swap3A_1139, %swap3A_1140, %swap3A_1141] {strides = array<i32>} : memref<4x64x128xf32, #tpu.memory_space<vmem>>, vector<1x1x16xf32>,
        %swap3A_1143 = vector.shape_cast %swap3A_1142 : vector<1x1x16xf32> to vector<16xf32>
        %swap3A_1144 = vector.shape_cast %mul3A_1138 : vector<16xf32> to vector<1x1x16xf32>
        tpu.vector_store %arg8[%swap3A_1139, %swap3A_1140, %swap3A_1141], %swap3A_1144 {strides = array<i32>} : memref<4x64x128xf32, #tpu.memory_space<vmem>>, vector<1x1x16xf32>,
        %get3A_1145 = arith.index_cast %rem3A_188 : i32 to index
        %get3A_1146 = arith.index_cast %add3A_1084 : i32 to index
        %get3A_1147 = arith.constant 80 : index
        %get3A_1148 = tpu.vector_load %arg8[%get3A_1145, %get3A_1146, %get3A_1147] {strides = array<i32>} : memref<4x64x128xf32, #tpu.memory_space<vmem>>, vector<1x1x16xf32>,
        %get3A_1149 = vector.shape_cast %get3A_1148 : vector<1x1x16xf32> to vector<16xf32>
        %mul3A_1150 = arith.mulf %get3A_1149, %gather3A_1080 : vector<16xf32>
        %swap3A_1151 = arith.index_cast %rem3A_188 : i32 to index
        %swap3A_1152 = arith.index_cast %add3A_1084 : i32 to index
        %swap3A_1153 = arith.constant 80 : index
        %swap3A_1154 = tpu.vector_load %arg8[%swap3A_1151, %swap3A_1152, %swap3A_1153] {strides = array<i32>} : memref<4x64x128xf32, #tpu.memory_space<vmem>>, vector<1x1x16xf32>,
        %swap3A_1155 = vector.shape_cast %swap3A_1154 : vector<1x1x16xf32> to vector<16xf32>
        %swap3A_1156 = vector.shape_cast %mul3A_1150 : vector<16xf32> to vector<1x1x16xf32>
        tpu.vector_store %arg8[%swap3A_1151, %swap3A_1152, %swap3A_1153], %swap3A_1156 {strides = array<i32>} : memref<4x64x128xf32, #tpu.memory_space<vmem>>, vector<1x1x16xf32>,
        %get3A_1157 = arith.index_cast %rem3A_188 : i32 to index
        %get3A_1158 = arith.index_cast %add3A_1084 : i32 to index
        %get3A_1159 = arith.constant 96 : index
        %get3A_1160 = tpu.vector_load %arg8[%get3A_1157, %get3A_1158, %get3A_1159] {strides = array<i32>} : memref<4x64x128xf32, #tpu.memory_space<vmem>>, vector<1x1x16xf32>,
        %get3A_1161 = vector.shape_cast %get3A_1160 : vector<1x1x16xf32> to vector<16xf32>
        %mul3A_1162 = arith.mulf %get3A_1161, %gather3A_1080 : vector<16xf32>
        %swap3A_1163 = arith.index_cast %rem3A_188 : i32 to index
        %swap3A_1164 = arith.index_cast %add3A_1084 : i32 to index
        %swap3A_1165 = arith.constant 96 : index
        %swap3A_1166 = tpu.vector_load %arg8[%swap3A_1163, %swap3A_1164, %swap3A_1165] {strides = array<i32>} : memref<4x64x128xf32, #tpu.memory_space<vmem>>, vector<1x1x16xf32>,
        %swap3A_1167 = vector.shape_cast %swap3A_1166 : vector<1x1x16xf32> to vector<16xf32>
        %swap3A_1168 = vector.shape_cast %mul3A_1162 : vector<16xf32> to vector<1x1x16xf32>
        tpu.vector_store %arg8[%swap3A_1163, %swap3A_1164, %swap3A_1165], %swap3A_1168 {strides = array<i32>} : memref<4x64x128xf32, #tpu.memory_space<vmem>>, vector<1x1x16xf32>,
        %get3A_1169 = arith.index_cast %rem3A_188 : i32 to index
        %get3A_1170 = arith.index_cast %add3A_1084 : i32 to index
        %get3A_1171 = arith.constant 112 : index
        %get3A_1172 = tpu.vector_load %arg8[%get3A_1169, %get3A_1170, %get3A_1171] {strides = array<i32>} : memref<4x64x128xf32, #tpu.memory_space<vmem>>, vector<1x1x16xf32>,
        %get3A_1173 = vector.shape_cast %get3A_1172 : vector<1x1x16xf32> to vector<16xf32>
        %mul3A_1174 = arith.mulf %get3A_1173, %gather3A_1080 : vector<16xf32>
        %swap3A_1175 = arith.index_cast %rem3A_188 : i32 to index
        %swap3A_1176 = arith.index_cast %add3A_1084 : i32 to index
        %swap3A_1177 = arith.constant 112 : index
        %swap3A_1178 = tpu.vector_load %arg8[%swap3A_1175, %swap3A_1176, %swap3A_1177] {strides = array<i32>} : memref<4x64x128xf32, #tpu.memory_space<vmem>>, vector<1x1x16xf32>,
        %swap3A_1179 = vector.shape_cast %swap3A_1178 : vector<1x1x16xf32> to vector<16xf32>
        %swap3A_1180 = vector.shape_cast %mul3A_1174 : vector<16xf32> to vector<1x1x16xf32>
        tpu.vector_store %arg8[%swap3A_1175, %swap3A_1176, %swap3A_1177], %swap3A_1180 {strides = array<i32>} : memref<4x64x128xf32, #tpu.memory_space<vmem>>, vector<1x1x16xf32>,
        %broadcast_in_dim3A_1181 = arith.constant 9 : i32
        %broadcast_in_dim3A_1182 = vector.broadcast %broadcast_in_dim3A_1181 : i32 to vector<16x1xi32>
        %gather3A_1183 = vector.shape_cast %broadcast_in_dim3A_1182 : vector<16x1xi32> to vector<16xi32>
        %gather3A_1184 = tpu.dynamic_gather %get3A_246[%gather3A_1183] in [0] : vector<16xf32>, vector<16xi32> -> vector<16xf32>
        %mul3A_1185 = arith.constant 16 : i32
        %mul3A_1186 = arith.muli %scan3A_239, %mul3A_1185 : i32
        %add3A_1187 = arith.constant 9 : i32
        %add3A_1188 = arith.addi %mul3A_1186, %add3A_1187 : i32
        %get3A_1189 = arith.index_cast %rem3A_188 : i32 to index
        %get3A_1190 = arith.index_cast %add3A_1188 : i32 to index
        %get3A_1191 = arith.constant 0 : index
        %get3A_1192 = tpu.vector_load %arg8[%get3A_1189, %get3A_1190, %get3A_1191] {strides = array<i32>} : memref<4x64x128xf32, #tpu.memory_space<vmem>>, vector<1x1x16xf32>,
        %get3A_1193 = vector.shape_cast %get3A_1192 : vector<1x1x16xf32> to vector<16xf32>
        %mul3A_1194 = arith.mulf %get3A_1193, %gather3A_1184 : vector<16xf32>
        %swap3A_1195 = arith.index_cast %rem3A_188 : i32 to index
        %swap3A_1196 = arith.index_cast %add3A_1188 : i32 to index
        %swap3A_1197 = arith.constant 0 : index
        %swap3A_1198 = tpu.vector_load %arg8[%swap3A_1195, %swap3A_1196, %swap3A_1197] {strides = array<i32>} : memref<4x64x128xf32, #tpu.memory_space<vmem>>, vector<1x1x16xf32>,
        %swap3A_1199 = vector.shape_cast %swap3A_1198 : vector<1x1x16xf32> to vector<16xf32>
        %swap3A_1200 = vector.shape_cast %mul3A_1194 : vector<16xf32> to vector<1x1x16xf32>
        tpu.vector_store %arg8[%swap3A_1195, %swap3A_1196, %swap3A_1197], %swap3A_1200 {strides = array<i32>} : memref<4x64x128xf32, #tpu.memory_space<vmem>>, vector<1x1x16xf32>,
        %get3A_1201 = arith.index_cast %rem3A_188 : i32 to index
        %get3A_1202 = arith.index_cast %add3A_1188 : i32 to index
        %get3A_1203 = arith.constant 16 : index
        %get3A_1204 = tpu.vector_load %arg8[%get3A_1201, %get3A_1202, %get3A_1203] {strides = array<i32>} : memref<4x64x128xf32, #tpu.memory_space<vmem>>, vector<1x1x16xf32>,
        %get3A_1205 = vector.shape_cast %get3A_1204 : vector<1x1x16xf32> to vector<16xf32>
        %mul3A_1206 = arith.mulf %get3A_1205, %gather3A_1184 : vector<16xf32>
        %swap3A_1207 = arith.index_cast %rem3A_188 : i32 to index
        %swap3A_1208 = arith.index_cast %add3A_1188 : i32 to index
        %swap3A_1209 = arith.constant 16 : index
        %swap3A_1210 = tpu.vector_load %arg8[%swap3A_1207, %swap3A_1208, %swap3A_1209] {strides = array<i32>} : memref<4x64x128xf32, #tpu.memory_space<vmem>>, vector<1x1x16xf32>,
        %swap3A_1211 = vector.shape_cast %swap3A_1210 : vector<1x1x16xf32> to vector<16xf32>
        %swap3A_1212 = vector.shape_cast %mul3A_1206 : vector<16xf32> to vector<1x1x16xf32>
        tpu.vector_store %arg8[%swap3A_1207, %swap3A_1208, %swap3A_1209], %swap3A_1212 {strides = array<i32>} : memref<4x64x128xf32, #tpu.memory_space<vmem>>, vector<1x1x16xf32>,
        %get3A_1213 = arith.index_cast %rem3A_188 : i32 to index
        %get3A_1214 = arith.index_cast %add3A_1188 : i32 to index
        %get3A_1215 = arith.constant 32 : index
        %get3A_1216 = tpu.vector_load %arg8[%get3A_1213, %get3A_1214, %get3A_1215] {strides = array<i32>} : memref<4x64x128xf32, #tpu.memory_space<vmem>>, vector<1x1x16xf32>,
        %get3A_1217 = vector.shape_cast %get3A_1216 : vector<1x1x16xf32> to vector<16xf32>
        %mul3A_1218 = arith.mulf %get3A_1217, %gather3A_1184 : vector<16xf32>
        %swap3A_1219 = arith.index_cast %rem3A_188 : i32 to index
        %swap3A_1220 = arith.index_cast %add3A_1188 : i32 to index
        %swap3A_1221 = arith.constant 32 : index
        %swap3A_1222 = tpu.vector_load %arg8[%swap3A_1219, %swap3A_1220, %swap3A_1221] {strides = array<i32>} : memref<4x64x128xf32, #tpu.memory_space<vmem>>, vector<1x1x16xf32>,
        %swap3A_1223 = vector.shape_cast %swap3A_1222 : vector<1x1x16xf32> to vector<16xf32>
        %swap3A_1224 = vector.shape_cast %mul3A_1218 : vector<16xf32> to vector<1x1x16xf32>
        tpu.vector_store %arg8[%swap3A_1219, %swap3A_1220, %swap3A_1221], %swap3A_1224 {strides = array<i32>} : memref<4x64x128xf32, #tpu.memory_space<vmem>>, vector<1x1x16xf32>,
        %get3A_1225 = arith.index_cast %rem3A_188 : i32 to index
        %get3A_1226 = arith.index_cast %add3A_1188 : i32 to index
        %get3A_1227 = arith.constant 48 : index
        %get3A_1228 = tpu.vector_load %arg8[%get3A_1225, %get3A_1226, %get3A_1227] {strides = array<i32>} : memref<4x64x128xf32, #tpu.memory_space<vmem>>, vector<1x1x16xf32>,
        %get3A_1229 = vector.shape_cast %get3A_1228 : vector<1x1x16xf32> to vector<16xf32>
        %mul3A_1230 = arith.mulf %get3A_1229, %gather3A_1184 : vector<16xf32>
        %swap3A_1231 = arith.index_cast %rem3A_188 : i32 to index
        %swap3A_1232 = arith.index_cast %add3A_1188 : i32 to index
        %swap3A_1233 = arith.constant 48 : index
        %swap3A_1234 = tpu.vector_load %arg8[%swap3A_1231, %swap3A_1232, %swap3A_1233] {strides = array<i32>} : memref<4x64x128xf32, #tpu.memory_space<vmem>>, vector<1x1x16xf32>,
        %swap3A_1235 = vector.shape_cast %swap3A_1234 : vector<1x1x16xf32> to vector<16xf32>
        %swap3A_1236 = vector.shape_cast %mul3A_1230 : vector<16xf32> to vector<1x1x16xf32>
        tpu.vector_store %arg8[%swap3A_1231, %swap3A_1232, %swap3A_1233], %swap3A_1236 {strides = array<i32>} : memref<4x64x128xf32, #tpu.memory_space<vmem>>, vector<1x1x16xf32>,
        %get3A_1237 = arith.index_cast %rem3A_188 : i32 to index
        %get3A_1238 = arith.index_cast %add3A_1188 : i32 to index
        %get3A_1239 = arith.constant 64 : index
        %get3A_1240 = tpu.vector_load %arg8[%get3A_1237, %get3A_1238, %get3A_1239] {strides = array<i32>} : memref<4x64x128xf32, #tpu.memory_space<vmem>>, vector<1x1x16xf32>,
        %get3A_1241 = vector.shape_cast %get3A_1240 : vector<1x1x16xf32> to vector<16xf32>
        %mul3A_1242 = arith.mulf %get3A_1241, %gather3A_1184 : vector<16xf32>
        %swap3A_1243 = arith.index_cast %rem3A_188 : i32 to index
        %swap3A_1244 = arith.index_cast %add3A_1188 : i32 to index
        %swap3A_1245 = arith.constant 64 : index
        %swap3A_1246 = tpu.vector_load %arg8[%swap3A_1243, %swap3A_1244, %swap3A_1245] {strides = array<i32>} : memref<4x64x128xf32, #tpu.memory_space<vmem>>, vector<1x1x16xf32>,
        %swap3A_1247 = vector.shape_cast %swap3A_1246 : vector<1x1x16xf32> to vector<16xf32>
        %swap3A_1248 = vector.shape_cast %mul3A_1242 : vector<16xf32> to vector<1x1x16xf32>
        tpu.vector_store %arg8[%swap3A_1243, %swap3A_1244, %swap3A_1245], %swap3A_1248 {strides = array<i32>} : memref<4x64x128xf32, #tpu.memory_space<vmem>>, vector<1x1x16xf32>,
        %get3A_1249 = arith.index_cast %rem3A_188 : i32 to index
        %get3A_1250 = arith.index_cast %add3A_1188 : i32 to index
        %get3A_1251 = arith.constant 80 : index
        %get3A_1252 = tpu.vector_load %arg8[%get3A_1249, %get3A_1250, %get3A_1251] {strides = array<i32>} : memref<4x64x128xf32, #tpu.memory_space<vmem>>, vector<1x1x16xf32>,
        %get3A_1253 = vector.shape_cast %get3A_1252 : vector<1x1x16xf32> to vector<16xf32>
        %mul3A_1254 = arith.mulf %get3A_1253, %gather3A_1184 : vector<16xf32>
        %swap3A_1255 = arith.index_cast %rem3A_188 : i32 to index
        %swap3A_1256 = arith.index_cast %add3A_1188 : i32 to index
        %swap3A_1257 = arith.constant 80 : index
        %swap3A_1258 = tpu.vector_load %arg8[%swap3A_1255, %swap3A_1256, %swap3A_1257] {strides = array<i32>} : memref<4x64x128xf32, #tpu.memory_space<vmem>>, vector<1x1x16xf32>,
        %swap3A_1259 = vector.shape_cast %swap3A_1258 : vector<1x1x16xf32> to vector<16xf32>
        %swap3A_1260 = vector.shape_cast %mul3A_1254 : vector<16xf32> to vector<1x1x16xf32>
        tpu.vector_store %arg8[%swap3A_1255, %swap3A_1256, %swap3A_1257], %swap3A_1260 {strides = array<i32>} : memref<4x64x128xf32, #tpu.memory_space<vmem>>, vector<1x1x16xf32>,
        %get3A_1261 = arith.index_cast %rem3A_188 : i32 to index
        %get3A_1262 = arith.index_cast %add3A_1188 : i32 to index
        %get3A_1263 = arith.constant 96 : index
        %get3A_1264 = tpu.vector_load %arg8[%get3A_1261, %get3A_1262, %get3A_1263] {strides = array<i32>} : memref<4x64x128xf32, #tpu.memory_space<vmem>>, vector<1x1x16xf32>,
        %get3A_1265 = vector.shape_cast %get3A_1264 : vector<1x1x16xf32> to vector<16xf32>
        %mul3A_1266 = arith.mulf %get3A_1265, %gather3A_1184 : vector<16xf32>
        %swap3A_1267 = arith.index_cast %rem3A_188 : i32 to index
        %swap3A_1268 = arith.index_cast %add3A_1188 : i32 to index
        %swap3A_1269 = arith.constant 96 : index
        %swap3A_1270 = tpu.vector_load %arg8[%swap3A_1267, %swap3A_1268, %swap3A_1269] {strides = array<i32>} : memref<4x64x128xf32, #tpu.memory_space<vmem>>, vector<1x1x16xf32>,
        %swap3A_1271 = vector.shape_cast %swap3A_1270 : vector<1x1x16xf32> to vector<16xf32>
        %swap3A_1272 = vector.shape_cast %mul3A_1266 : vector<16xf32> to vector<1x1x16xf32>
        tpu.vector_store %arg8[%swap3A_1267, %swap3A_1268, %swap3A_1269], %swap3A_1272 {strides = array<i32>} : memref<4x64x128xf32, #tpu.memory_space<vmem>>, vector<1x1x16xf32>,
        %get3A_1273 = arith.index_cast %rem3A_188 : i32 to index
        %get3A_1274 = arith.index_cast %add3A_1188 : i32 to index
        %get3A_1275 = arith.constant 112 : index
        %get3A_1276 = tpu.vector_load %arg8[%get3A_1273, %get3A_1274, %get3A_1275] {strides = array<i32>} : memref<4x64x128xf32, #tpu.memory_space<vmem>>, vector<1x1x16xf32>,
        %get3A_1277 = vector.shape_cast %get3A_1276 : vector<1x1x16xf32> to vector<16xf32>
        %mul3A_1278 = arith.mulf %get3A_1277, %gather3A_1184 : vector<16xf32>
        %swap3A_1279 = arith.index_cast %rem3A_188 : i32 to index
        %swap3A_1280 = arith.index_cast %add3A_1188 : i32 to index
        %swap3A_1281 = arith.constant 112 : index
        %swap3A_1282 = tpu.vector_load %arg8[%swap3A_1279, %swap3A_1280, %swap3A_1281] {strides = array<i32>} : memref<4x64x128xf32, #tpu.memory_space<vmem>>, vector<1x1x16xf32>,
        %swap3A_1283 = vector.shape_cast %swap3A_1282 : vector<1x1x16xf32> to vector<16xf32>
        %swap3A_1284 = vector.shape_cast %mul3A_1278 : vector<16xf32> to vector<1x1x16xf32>
        tpu.vector_store %arg8[%swap3A_1279, %swap3A_1280, %swap3A_1281], %swap3A_1284 {strides = array<i32>} : memref<4x64x128xf32, #tpu.memory_space<vmem>>, vector<1x1x16xf32>,
        %broadcast_in_dim3A_1285 = arith.constant 10 : i32
        %broadcast_in_dim3A_1286 = vector.broadcast %broadcast_in_dim3A_1285 : i32 to vector<16x1xi32>
        %gather3A_1287 = vector.shape_cast %broadcast_in_dim3A_1286 : vector<16x1xi32> to vector<16xi32>
        %gather3A_1288 = tpu.dynamic_gather %get3A_246[%gather3A_1287] in [0] : vector<16xf32>, vector<16xi32> -> vector<16xf32>
        %mul3A_1289 = arith.constant 16 : i32
        %mul3A_1290 = arith.muli %scan3A_239, %mul3A_1289 : i32
        %add3A_1291 = arith.constant 10 : i32
        %add3A_1292 = arith.addi %mul3A_1290, %add3A_1291 : i32
        %get3A_1293 = arith.index_cast %rem3A_188 : i32 to index
        %get3A_1294 = arith.index_cast %add3A_1292 : i32 to index
        %get3A_1295 = arith.constant 0 : index
        %get3A_1296 = tpu.vector_load %arg8[%get3A_1293, %get3A_1294, %get3A_1295] {strides = array<i32>} : memref<4x64x128xf32, #tpu.memory_space<vmem>>, vector<1x1x16xf32>,
        %get3A_1297 = vector.shape_cast %get3A_1296 : vector<1x1x16xf32> to vector<16xf32>
        %mul3A_1298 = arith.mulf %get3A_1297, %gather3A_1288 : vector<16xf32>
        %swap3A_1299 = arith.index_cast %rem3A_188 : i32 to index
        %swap3A_1300 = arith.index_cast %add3A_1292 : i32 to index
        %swap3A_1301 = arith.constant 0 : index
        %swap3A_1302 = tpu.vector_load %arg8[%swap3A_1299, %swap3A_1300, %swap3A_1301] {strides = array<i32>} : memref<4x64x128xf32, #tpu.memory_space<vmem>>, vector<1x1x16xf32>,
        %swap3A_1303 = vector.shape_cast %swap3A_1302 : vector<1x1x16xf32> to vector<16xf32>
        %swap3A_1304 = vector.shape_cast %mul3A_1298 : vector<16xf32> to vector<1x1x16xf32>
        tpu.vector_store %arg8[%swap3A_1299, %swap3A_1300, %swap3A_1301], %swap3A_1304 {strides = array<i32>} : memref<4x64x128xf32, #tpu.memory_space<vmem>>, vector<1x1x16xf32>,
        %get3A_1305 = arith.index_cast %rem3A_188 : i32 to index
        %get3A_1306 = arith.index_cast %add3A_1292 : i32 to index
        %get3A_1307 = arith.constant 16 : index
        %get3A_1308 = tpu.vector_load %arg8[%get3A_1305, %get3A_1306, %get3A_1307] {strides = array<i32>} : memref<4x64x128xf32, #tpu.memory_space<vmem>>, vector<1x1x16xf32>,
        %get3A_1309 = vector.shape_cast %get3A_1308 : vector<1x1x16xf32> to vector<16xf32>
        %mul3A_1310 = arith.mulf %get3A_1309, %gather3A_1288 : vector<16xf32>
        %swap3A_1311 = arith.index_cast %rem3A_188 : i32 to index
        %swap3A_1312 = arith.index_cast %add3A_1292 : i32 to index
        %swap3A_1313 = arith.constant 16 : index
        %swap3A_1314 = tpu.vector_load %arg8[%swap3A_1311, %swap3A_1312, %swap3A_1313] {strides = array<i32>} : memref<4x64x128xf32, #tpu.memory_space<vmem>>, vector<1x1x16xf32>,
        %swap3A_1315 = vector.shape_cast %swap3A_1314 : vector<1x1x16xf32> to vector<16xf32>
        %swap3A_1316 = vector.shape_cast %mul3A_1310 : vector<16xf32> to vector<1x1x16xf32>
        tpu.vector_store %arg8[%swap3A_1311, %swap3A_1312, %swap3A_1313], %swap3A_1316 {strides = array<i32>} : memref<4x64x128xf32, #tpu.memory_space<vmem>>, vector<1x1x16xf32>,
        %get3A_1317 = arith.index_cast %rem3A_188 : i32 to index
        %get3A_1318 = arith.index_cast %add3A_1292 : i32 to index
        %get3A_1319 = arith.constant 32 : index
        %get3A_1320 = tpu.vector_load %arg8[%get3A_1317, %get3A_1318, %get3A_1319] {strides = array<i32>} : memref<4x64x128xf32, #tpu.memory_space<vmem>>, vector<1x1x16xf32>,
        %get3A_1321 = vector.shape_cast %get3A_1320 : vector<1x1x16xf32> to vector<16xf32>
        %mul3A_1322 = arith.mulf %get3A_1321, %gather3A_1288 : vector<16xf32>
        %swap3A_1323 = arith.index_cast %rem3A_188 : i32 to index
        %swap3A_1324 = arith.index_cast %add3A_1292 : i32 to index
        %swap3A_1325 = arith.constant 32 : index
        %swap3A_1326 = tpu.vector_load %arg8[%swap3A_1323, %swap3A_1324, %swap3A_1325] {strides = array<i32>} : memref<4x64x128xf32, #tpu.memory_space<vmem>>, vector<1x1x16xf32>,
        %swap3A_1327 = vector.shape_cast %swap3A_1326 : vector<1x1x16xf32> to vector<16xf32>
        %swap3A_1328 = vector.shape_cast %mul3A_1322 : vector<16xf32> to vector<1x1x16xf32>
        tpu.vector_store %arg8[%swap3A_1323, %swap3A_1324, %swap3A_1325], %swap3A_1328 {strides = array<i32>} : memref<4x64x128xf32, #tpu.memory_space<vmem>>, vector<1x1x16xf32>,
        %get3A_1329 = arith.index_cast %rem3A_188 : i32 to index
        %get3A_1330 = arith.index_cast %add3A_1292 : i32 to index
        %get3A_1331 = arith.constant 48 : index
        %get3A_1332 = tpu.vector_load %arg8[%get3A_1329, %get3A_1330, %get3A_1331] {strides = array<i32>} : memref<4x64x128xf32, #tpu.memory_space<vmem>>, vector<1x1x16xf32>,
        %get3A_1333 = vector.shape_cast %get3A_1332 : vector<1x1x16xf32> to vector<16xf32>
        %mul3A_1334 = arith.mulf %get3A_1333, %gather3A_1288 : vector<16xf32>
        %swap3A_1335 = arith.index_cast %rem3A_188 : i32 to index
        %swap3A_1336 = arith.index_cast %add3A_1292 : i32 to index
        %swap3A_1337 = arith.constant 48 : index
        %swap3A_1338 = tpu.vector_load %arg8[%swap3A_1335, %swap3A_1336, %swap3A_1337] {strides = array<i32>} : memref<4x64x128xf32, #tpu.memory_space<vmem>>, vector<1x1x16xf32>,
        %swap3A_1339 = vector.shape_cast %swap3A_1338 : vector<1x1x16xf32> to vector<16xf32>
        %swap3A_1340 = vector.shape_cast %mul3A_1334 : vector<16xf32> to vector<1x1x16xf32>
        tpu.vector_store %arg8[%swap3A_1335, %swap3A_1336, %swap3A_1337], %swap3A_1340 {strides = array<i32>} : memref<4x64x128xf32, #tpu.memory_space<vmem>>, vector<1x1x16xf32>,
        %get3A_1341 = arith.index_cast %rem3A_188 : i32 to index
        %get3A_1342 = arith.index_cast %add3A_1292 : i32 to index
        %get3A_1343 = arith.constant 64 : index
        %get3A_1344 = tpu.vector_load %arg8[%get3A_1341, %get3A_1342, %get3A_1343] {strides = array<i32>} : memref<4x64x128xf32, #tpu.memory_space<vmem>>, vector<1x1x16xf32>,
        %get3A_1345 = vector.shape_cast %get3A_1344 : vector<1x1x16xf32> to vector<16xf32>
        %mul3A_1346 = arith.mulf %get3A_1345, %gather3A_1288 : vector<16xf32>
        %swap3A_1347 = arith.index_cast %rem3A_188 : i32 to index
        %swap3A_1348 = arith.index_cast %add3A_1292 : i32 to index
        %swap3A_1349 = arith.constant 64 : index
        %swap3A_1350 = tpu.vector_load %arg8[%swap3A_1347, %swap3A_1348, %swap3A_1349] {strides = array<i32>} : memref<4x64x128xf32, #tpu.memory_space<vmem>>, vector<1x1x16xf32>,
        %swap3A_1351 = vector.shape_cast %swap3A_1350 : vector<1x1x16xf32> to vector<16xf32>
        %swap3A_1352 = vector.shape_cast %mul3A_1346 : vector<16xf32> to vector<1x1x16xf32>
        tpu.vector_store %arg8[%swap3A_1347, %swap3A_1348, %swap3A_1349], %swap3A_1352 {strides = array<i32>} : memref<4x64x128xf32, #tpu.memory_space<vmem>>, vector<1x1x16xf32>,
        %get3A_1353 = arith.index_cast %rem3A_188 : i32 to index
        %get3A_1354 = arith.index_cast %add3A_1292 : i32 to index
        %get3A_1355 = arith.constant 80 : index
        %get3A_1356 = tpu.vector_load %arg8[%get3A_1353, %get3A_1354, %get3A_1355] {strides = array<i32>} : memref<4x64x128xf32, #tpu.memory_space<vmem>>, vector<1x1x16xf32>,
        %get3A_1357 = vector.shape_cast %get3A_1356 : vector<1x1x16xf32> to vector<16xf32>
        %mul3A_1358 = arith.mulf %get3A_1357, %gather3A_1288 : vector<16xf32>
        %swap3A_1359 = arith.index_cast %rem3A_188 : i32 to index
        %swap3A_1360 = arith.index_cast %add3A_1292 : i32 to index
        %swap3A_1361 = arith.constant 80 : index
        %swap3A_1362 = tpu.vector_load %arg8[%swap3A_1359, %swap3A_1360, %swap3A_1361] {strides = array<i32>} : memref<4x64x128xf32, #tpu.memory_space<vmem>>, vector<1x1x16xf32>,
        %swap3A_1363 = vector.shape_cast %swap3A_1362 : vector<1x1x16xf32> to vector<16xf32>
        %swap3A_1364 = vector.shape_cast %mul3A_1358 : vector<16xf32> to vector<1x1x16xf32>
        tpu.vector_store %arg8[%swap3A_1359, %swap3A_1360, %swap3A_1361], %swap3A_1364 {strides = array<i32>} : memref<4x64x128xf32, #tpu.memory_space<vmem>>, vector<1x1x16xf32>,
        %get3A_1365 = arith.index_cast %rem3A_188 : i32 to index
        %get3A_1366 = arith.index_cast %add3A_1292 : i32 to index
        %get3A_1367 = arith.constant 96 : index
        %get3A_1368 = tpu.vector_load %arg8[%get3A_1365, %get3A_1366, %get3A_1367] {strides = array<i32>} : memref<4x64x128xf32, #tpu.memory_space<vmem>>, vector<1x1x16xf32>,
        %get3A_1369 = vector.shape_cast %get3A_1368 : vector<1x1x16xf32> to vector<16xf32>
        %mul3A_1370 = arith.mulf %get3A_1369, %gather3A_1288 : vector<16xf32>
        %swap3A_1371 = arith.index_cast %rem3A_188 : i32 to index
        %swap3A_1372 = arith.index_cast %add3A_1292 : i32 to index
        %swap3A_1373 = arith.constant 96 : index
        %swap3A_1374 = tpu.vector_load %arg8[%swap3A_1371, %swap3A_1372, %swap3A_1373] {strides = array<i32>} : memref<4x64x128xf32, #tpu.memory_space<vmem>>, vector<1x1x16xf32>,
        %swap3A_1375 = vector.shape_cast %swap3A_1374 : vector<1x1x16xf32> to vector<16xf32>
        %swap3A_1376 = vector.shape_cast %mul3A_1370 : vector<16xf32> to vector<1x1x16xf32>
        tpu.vector_store %arg8[%swap3A_1371, %swap3A_1372, %swap3A_1373], %swap3A_1376 {strides = array<i32>} : memref<4x64x128xf32, #tpu.memory_space<vmem>>, vector<1x1x16xf32>,
        %get3A_1377 = arith.index_cast %rem3A_188 : i32 to index
        %get3A_1378 = arith.index_cast %add3A_1292 : i32 to index
        %get3A_1379 = arith.constant 112 : index
        %get3A_1380 = tpu.vector_load %arg8[%get3A_1377, %get3A_1378, %get3A_1379] {strides = array<i32>} : memref<4x64x128xf32, #tpu.memory_space<vmem>>, vector<1x1x16xf32>,
        %get3A_1381 = vector.shape_cast %get3A_1380 : vector<1x1x16xf32> to vector<16xf32>
        %mul3A_1382 = arith.mulf %get3A_1381, %gather3A_1288 : vector<16xf32>
        %swap3A_1383 = arith.index_cast %rem3A_188 : i32 to index
        %swap3A_1384 = arith.index_cast %add3A_1292 : i32 to index
        %swap3A_1385 = arith.constant 112 : index
        %swap3A_1386 = tpu.vector_load %arg8[%swap3A_1383, %swap3A_1384, %swap3A_1385] {strides = array<i32>} : memref<4x64x128xf32, #tpu.memory_space<vmem>>, vector<1x1x16xf32>,
        %swap3A_1387 = vector.shape_cast %swap3A_1386 : vector<1x1x16xf32> to vector<16xf32>
        %swap3A_1388 = vector.shape_cast %mul3A_1382 : vector<16xf32> to vector<1x1x16xf32>
        tpu.vector_store %arg8[%swap3A_1383, %swap3A_1384, %swap3A_1385], %swap3A_1388 {strides = array<i32>} : memref<4x64x128xf32, #tpu.memory_space<vmem>>, vector<1x1x16xf32>,
        %broadcast_in_dim3A_1389 = arith.constant 11 : i32
        %broadcast_in_dim3A_1390 = vector.broadcast %broadcast_in_dim3A_1389 : i32 to vector<16x1xi32>
        %gather3A_1391 = vector.shape_cast %broadcast_in_dim3A_1390 : vector<16x1xi32> to vector<16xi32>
        %gather3A_1392 = tpu.dynamic_gather %get3A_246[%gather3A_1391] in [0] : vector<16xf32>, vector<16xi32> -> vector<16xf32>
        %mul3A_1393 = arith.constant 16 : i32
        %mul3A_1394 = arith.muli %scan3A_239, %mul3A_1393 : i32
        %add3A_1395 = arith.constant 11 : i32
        %add3A_1396 = arith.addi %mul3A_1394, %add3A_1395 : i32
        %get3A_1397 = arith.index_cast %rem3A_188 : i32 to index
        %get3A_1398 = arith.index_cast %add3A_1396 : i32 to index
        %get3A_1399 = arith.constant 0 : index
        %get3A_1400 = tpu.vector_load %arg8[%get3A_1397, %get3A_1398, %get3A_1399] {strides = array<i32>} : memref<4x64x128xf32, #tpu.memory_space<vmem>>, vector<1x1x16xf32>,
        %get3A_1401 = vector.shape_cast %get3A_1400 : vector<1x1x16xf32> to vector<16xf32>
        %mul3A_1402 = arith.mulf %get3A_1401, %gather3A_1392 : vector<16xf32>
        %swap3A_1403 = arith.index_cast %rem3A_188 : i32 to index
        %swap3A_1404 = arith.index_cast %add3A_1396 : i32 to index
        %swap3A_1405 = arith.constant 0 : index
        %swap3A_1406 = tpu.vector_load %arg8[%swap3A_1403, %swap3A_1404, %swap3A_1405] {strides = array<i32>} : memref<4x64x128xf32, #tpu.memory_space<vmem>>, vector<1x1x16xf32>,
        %swap3A_1407 = vector.shape_cast %swap3A_1406 : vector<1x1x16xf32> to vector<16xf32>
        %swap3A_1408 = vector.shape_cast %mul3A_1402 : vector<16xf32> to vector<1x1x16xf32>
        tpu.vector_store %arg8[%swap3A_1403, %swap3A_1404, %swap3A_1405], %swap3A_1408 {strides = array<i32>} : memref<4x64x128xf32, #tpu.memory_space<vmem>>, vector<1x1x16xf32>,
        %get3A_1409 = arith.index_cast %rem3A_188 : i32 to index
        %get3A_1410 = arith.index_cast %add3A_1396 : i32 to index
        %get3A_1411 = arith.constant 16 : index
        %get3A_1412 = tpu.vector_load %arg8[%get3A_1409, %get3A_1410, %get3A_1411] {strides = array<i32>} : memref<4x64x128xf32, #tpu.memory_space<vmem>>, vector<1x1x16xf32>,
        %get3A_1413 = vector.shape_cast %get3A_1412 : vector<1x1x16xf32> to vector<16xf32>
        %mul3A_1414 = arith.mulf %get3A_1413, %gather3A_1392 : vector<16xf32>
        %swap3A_1415 = arith.index_cast %rem3A_188 : i32 to index
        %swap3A_1416 = arith.index_cast %add3A_1396 : i32 to index
        %swap3A_1417 = arith.constant 16 : index
        %swap3A_1418 = tpu.vector_load %arg8[%swap3A_1415, %swap3A_1416, %swap3A_1417] {strides = array<i32>} : memref<4x64x128xf32, #tpu.memory_space<vmem>>, vector<1x1x16xf32>,
        %swap3A_1419 = vector.shape_cast %swap3A_1418 : vector<1x1x16xf32> to vector<16xf32>
        %swap3A_1420 = vector.shape_cast %mul3A_1414 : vector<16xf32> to vector<1x1x16xf32>
        tpu.vector_store %arg8[%swap3A_1415, %swap3A_1416, %swap3A_1417], %swap3A_1420 {strides = array<i32>} : memref<4x64x128xf32, #tpu.memory_space<vmem>>, vector<1x1x16xf32>,
        %get3A_1421 = arith.index_cast %rem3A_188 : i32 to index
        %get3A_1422 = arith.index_cast %add3A_1396 : i32 to index
        %get3A_1423 = arith.constant 32 : index
        %get3A_1424 = tpu.vector_load %arg8[%get3A_1421, %get3A_1422, %get3A_1423] {strides = array<i32>} : memref<4x64x128xf32, #tpu.memory_space<vmem>>, vector<1x1x16xf32>,
        %get3A_1425 = vector.shape_cast %get3A_1424 : vector<1x1x16xf32> to vector<16xf32>
        %mul3A_1426 = arith.mulf %get3A_1425, %gather3A_1392 : vector<16xf32>
        %swap3A_1427 = arith.index_cast %rem3A_188 : i32 to index
        %swap3A_1428 = arith.index_cast %add3A_1396 : i32 to index
        %swap3A_1429 = arith.constant 32 : index
        %swap3A_1430 = tpu.vector_load %arg8[%swap3A_1427, %swap3A_1428, %swap3A_1429] {strides = array<i32>} : memref<4x64x128xf32, #tpu.memory_space<vmem>>, vector<1x1x16xf32>,
        %swap3A_1431 = vector.shape_cast %swap3A_1430 : vector<1x1x16xf32> to vector<16xf32>
        %swap3A_1432 = vector.shape_cast %mul3A_1426 : vector<16xf32> to vector<1x1x16xf32>
        tpu.vector_store %arg8[%swap3A_1427, %swap3A_1428, %swap3A_1429], %swap3A_1432 {strides = array<i32>} : memref<4x64x128xf32, #tpu.memory_space<vmem>>, vector<1x1x16xf32>,
        %get3A_1433 = arith.index_cast %rem3A_188 : i32 to index
        %get3A_1434 = arith.index_cast %add3A_1396 : i32 to index
        %get3A_1435 = arith.constant 48 : index
        %get3A_1436 = tpu.vector_load %arg8[%get3A_1433, %get3A_1434, %get3A_1435] {strides = array<i32>} : memref<4x64x128xf32, #tpu.memory_space<vmem>>, vector<1x1x16xf32>,
        %get3A_1437 = vector.shape_cast %get3A_1436 : vector<1x1x16xf32> to vector<16xf32>
        %mul3A_1438 = arith.mulf %get3A_1437, %gather3A_1392 : vector<16xf32>
        %swap3A_1439 = arith.index_cast %rem3A_188 : i32 to index
        %swap3A_1440 = arith.index_cast %add3A_1396 : i32 to index
        %swap3A_1441 = arith.constant 48 : index
        %swap3A_1442 = tpu.vector_load %arg8[%swap3A_1439, %swap3A_1440, %swap3A_1441] {strides = array<i32>} : memref<4x64x128xf32, #tpu.memory_space<vmem>>, vector<1x1x16xf32>,
        %swap3A_1443 = vector.shape_cast %swap3A_1442 : vector<1x1x16xf32> to vector<16xf32>
        %swap3A_1444 = vector.shape_cast %mul3A_1438 : vector<16xf32> to vector<1x1x16xf32>
        tpu.vector_store %arg8[%swap3A_1439, %swap3A_1440, %swap3A_1441], %swap3A_1444 {strides = array<i32>} : memref<4x64x128xf32, #tpu.memory_space<vmem>>, vector<1x1x16xf32>,
        %get3A_1445 = arith.index_cast %rem3A_188 : i32 to index
        %get3A_1446 = arith.index_cast %add3A_1396 : i32 to index
        %get3A_1447 = arith.constant 64 : index
        %get3A_1448 = tpu.vector_load %arg8[%get3A_1445, %get3A_1446, %get3A_1447] {strides = array<i32>} : memref<4x64x128xf32, #tpu.memory_space<vmem>>, vector<1x1x16xf32>,
        %get3A_1449 = vector.shape_cast %get3A_1448 : vector<1x1x16xf32> to vector<16xf32>
        %mul3A_1450 = arith.mulf %get3A_1449, %gather3A_1392 : vector<16xf32>
        %swap3A_1451 = arith.index_cast %rem3A_188 : i32 to index
        %swap3A_1452 = arith.index_cast %add3A_1396 : i32 to index
        %swap3A_1453 = arith.constant 64 : index
        %swap3A_1454 = tpu.vector_load %arg8[%swap3A_1451, %swap3A_1452, %swap3A_1453] {strides = array<i32>} : memref<4x64x128xf32, #tpu.memory_space<vmem>>, vector<1x1x16xf32>,
        %swap3A_1455 = vector.shape_cast %swap3A_1454 : vector<1x1x16xf32> to vector<16xf32>
        %swap3A_1456 = vector.shape_cast %mul3A_1450 : vector<16xf32> to vector<1x1x16xf32>
        tpu.vector_store %arg8[%swap3A_1451, %swap3A_1452, %swap3A_1453], %swap3A_1456 {strides = array<i32>} : memref<4x64x128xf32, #tpu.memory_space<vmem>>, vector<1x1x16xf32>,
        %get3A_1457 = arith.index_cast %rem3A_188 : i32 to index
        %get3A_1458 = arith.index_cast %add3A_1396 : i32 to index
        %get3A_1459 = arith.constant 80 : index
        %get3A_1460 = tpu.vector_load %arg8[%get3A_1457, %get3A_1458, %get3A_1459] {strides = array<i32>} : memref<4x64x128xf32, #tpu.memory_space<vmem>>, vector<1x1x16xf32>,
        %get3A_1461 = vector.shape_cast %get3A_1460 : vector<1x1x16xf32> to vector<16xf32>
        %mul3A_1462 = arith.mulf %get3A_1461, %gather3A_1392 : vector<16xf32>
        %swap3A_1463 = arith.index_cast %rem3A_188 : i32 to index
        %swap3A_1464 = arith.index_cast %add3A_1396 : i32 to index
        %swap3A_1465 = arith.constant 80 : index
        %swap3A_1466 = tpu.vector_load %arg8[%swap3A_1463, %swap3A_1464, %swap3A_1465] {strides = array<i32>} : memref<4x64x128xf32, #tpu.memory_space<vmem>>, vector<1x1x16xf32>,
        %swap3A_1467 = vector.shape_cast %swap3A_1466 : vector<1x1x16xf32> to vector<16xf32>
        %swap3A_1468 = vector.shape_cast %mul3A_1462 : vector<16xf32> to vector<1x1x16xf32>
        tpu.vector_store %arg8[%swap3A_1463, %swap3A_1464, %swap3A_1465], %swap3A_1468 {strides = array<i32>} : memref<4x64x128xf32, #tpu.memory_space<vmem>>, vector<1x1x16xf32>,
        %get3A_1469 = arith.index_cast %rem3A_188 : i32 to index
        %get3A_1470 = arith.index_cast %add3A_1396 : i32 to index
        %get3A_1471 = arith.constant 96 : index
        %get3A_1472 = tpu.vector_load %arg8[%get3A_1469, %get3A_1470, %get3A_1471] {strides = array<i32>} : memref<4x64x128xf32, #tpu.memory_space<vmem>>, vector<1x1x16xf32>,
        %get3A_1473 = vector.shape_cast %get3A_1472 : vector<1x1x16xf32> to vector<16xf32>
        %mul3A_1474 = arith.mulf %get3A_1473, %gather3A_1392 : vector<16xf32>
        %swap3A_1475 = arith.index_cast %rem3A_188 : i32 to index
        %swap3A_1476 = arith.index_cast %add3A_1396 : i32 to index
        %swap3A_1477 = arith.constant 96 : index
        %swap3A_1478 = tpu.vector_load %arg8[%swap3A_1475, %swap3A_1476, %swap3A_1477] {strides = array<i32>} : memref<4x64x128xf32, #tpu.memory_space<vmem>>, vector<1x1x16xf32>,
        %swap3A_1479 = vector.shape_cast %swap3A_1478 : vector<1x1x16xf32> to vector<16xf32>
        %swap3A_1480 = vector.shape_cast %mul3A_1474 : vector<16xf32> to vector<1x1x16xf32>
        tpu.vector_store %arg8[%swap3A_1475, %swap3A_1476, %swap3A_1477], %swap3A_1480 {strides = array<i32>} : memref<4x64x128xf32, #tpu.memory_space<vmem>>, vector<1x1x16xf32>,
        %get3A_1481 = arith.index_cast %rem3A_188 : i32 to index
        %get3A_1482 = arith.index_cast %add3A_1396 : i32 to index
        %get3A_1483 = arith.constant 112 : index
        %get3A_1484 = tpu.vector_load %arg8[%get3A_1481, %get3A_1482, %get3A_1483] {strides = array<i32>} : memref<4x64x128xf32, #tpu.memory_space<vmem>>, vector<1x1x16xf32>,
        %get3A_1485 = vector.shape_cast %get3A_1484 : vector<1x1x16xf32> to vector<16xf32>
        %mul3A_1486 = arith.mulf %get3A_1485, %gather3A_1392 : vector<16xf32>
        %swap3A_1487 = arith.index_cast %rem3A_188 : i32 to index
        %swap3A_1488 = arith.index_cast %add3A_1396 : i32 to index
        %swap3A_1489 = arith.constant 112 : index
        %swap3A_1490 = tpu.vector_load %arg8[%swap3A_1487, %swap3A_1488, %swap3A_1489] {strides = array<i32>} : memref<4x64x128xf32, #tpu.memory_space<vmem>>, vector<1x1x16xf32>,
        %swap3A_1491 = vector.shape_cast %swap3A_1490 : vector<1x1x16xf32> to vector<16xf32>
        %swap3A_1492 = vector.shape_cast %mul3A_1486 : vector<16xf32> to vector<1x1x16xf32>
        tpu.vector_store %arg8[%swap3A_1487, %swap3A_1488, %swap3A_1489], %swap3A_1492 {strides = array<i32>} : memref<4x64x128xf32, #tpu.memory_space<vmem>>, vector<1x1x16xf32>,
        %broadcast_in_dim3A_1493 = arith.constant 12 : i32
        %broadcast_in_dim3A_1494 = vector.broadcast %broadcast_in_dim3A_1493 : i32 to vector<16x1xi32>
        %gather3A_1495 = vector.shape_cast %broadcast_in_dim3A_1494 : vector<16x1xi32> to vector<16xi32>
        %gather3A_1496 = tpu.dynamic_gather %get3A_246[%gather3A_1495] in [0] : vector<16xf32>, vector<16xi32> -> vector<16xf32>
        %mul3A_1497 = arith.constant 16 : i32
        %mul3A_1498 = arith.muli %scan3A_239, %mul3A_1497 : i32
        %add3A_1499 = arith.constant 12 : i32
        %add3A_1500 = arith.addi %mul3A_1498, %add3A_1499 : i32
        %get3A_1501 = arith.index_cast %rem3A_188 : i32 to index
        %get3A_1502 = arith.index_cast %add3A_1500 : i32 to index
        %get3A_1503 = arith.constant 0 : index
        %get3A_1504 = tpu.vector_load %arg8[%get3A_1501, %get3A_1502, %get3A_1503] {strides = array<i32>} : memref<4x64x128xf32, #tpu.memory_space<vmem>>, vector<1x1x16xf32>,
        %get3A_1505 = vector.shape_cast %get3A_1504 : vector<1x1x16xf32> to vector<16xf32>
        %mul3A_1506 = arith.mulf %get3A_1505, %gather3A_1496 : vector<16xf32>
        %swap3A_1507 = arith.index_cast %rem3A_188 : i32 to index
        %swap3A_1508 = arith.index_cast %add3A_1500 : i32 to index
        %swap3A_1509 = arith.constant 0 : index
        %swap3A_1510 = tpu.vector_load %arg8[%swap3A_1507, %swap3A_1508, %swap3A_1509] {strides = array<i32>} : memref<4x64x128xf32, #tpu.memory_space<vmem>>, vector<1x1x16xf32>,
        %swap3A_1511 = vector.shape_cast %swap3A_1510 : vector<1x1x16xf32> to vector<16xf32>
        %swap3A_1512 = vector.shape_cast %mul3A_1506 : vector<16xf32> to vector<1x1x16xf32>
        tpu.vector_store %arg8[%swap3A_1507, %swap3A_1508, %swap3A_1509], %swap3A_1512 {strides = array<i32>} : memref<4x64x128xf32, #tpu.memory_space<vmem>>, vector<1x1x16xf32>,
        %get3A_1513 = arith.index_cast %rem3A_188 : i32 to index
        %get3A_1514 = arith.index_cast %add3A_1500 : i32 to index
        %get3A_1515 = arith.constant 16 : index
        %get3A_1516 = tpu.vector_load %arg8[%get3A_1513, %get3A_1514, %get3A_1515] {strides = array<i32>} : memref<4x64x128xf32, #tpu.memory_space<vmem>>, vector<1x1x16xf32>,
        %get3A_1517 = vector.shape_cast %get3A_1516 : vector<1x1x16xf32> to vector<16xf32>
        %mul3A_1518 = arith.mulf %get3A_1517, %gather3A_1496 : vector<16xf32>
        %swap3A_1519 = arith.index_cast %rem3A_188 : i32 to index
        %swap3A_1520 = arith.index_cast %add3A_1500 : i32 to index
        %swap3A_1521 = arith.constant 16 : index
        %swap3A_1522 = tpu.vector_load %arg8[%swap3A_1519, %swap3A_1520, %swap3A_1521] {strides = array<i32>} : memref<4x64x128xf32, #tpu.memory_space<vmem>>, vector<1x1x16xf32>,
        %swap3A_1523 = vector.shape_cast %swap3A_1522 : vector<1x1x16xf32> to vector<16xf32>
        %swap3A_1524 = vector.shape_cast %mul3A_1518 : vector<16xf32> to vector<1x1x16xf32>
        tpu.vector_store %arg8[%swap3A_1519, %swap3A_1520, %swap3A_1521], %swap3A_1524 {strides = array<i32>} : memref<4x64x128xf32, #tpu.memory_space<vmem>>, vector<1x1x16xf32>,
        %get3A_1525 = arith.index_cast %rem3A_188 : i32 to index
        %get3A_1526 = arith.index_cast %add3A_1500 : i32 to index
        %get3A_1527 = arith.constant 32 : index
        %get3A_1528 = tpu.vector_load %arg8[%get3A_1525, %get3A_1526, %get3A_1527] {strides = array<i32>} : memref<4x64x128xf32, #tpu.memory_space<vmem>>, vector<1x1x16xf32>,
        %get3A_1529 = vector.shape_cast %get3A_1528 : vector<1x1x16xf32> to vector<16xf32>
        %mul3A_1530 = arith.mulf %get3A_1529, %gather3A_1496 : vector<16xf32>
        %swap3A_1531 = arith.index_cast %rem3A_188 : i32 to index
        %swap3A_1532 = arith.index_cast %add3A_1500 : i32 to index
        %swap3A_1533 = arith.constant 32 : index
        %swap3A_1534 = tpu.vector_load %arg8[%swap3A_1531, %swap3A_1532, %swap3A_1533] {strides = array<i32>} : memref<4x64x128xf32, #tpu.memory_space<vmem>>, vector<1x1x16xf32>,
        %swap3A_1535 = vector.shape_cast %swap3A_1534 : vector<1x1x16xf32> to vector<16xf32>
        %swap3A_1536 = vector.shape_cast %mul3A_1530 : vector<16xf32> to vector<1x1x16xf32>
        tpu.vector_store %arg8[%swap3A_1531, %swap3A_1532, %swap3A_1533], %swap3A_1536 {strides = array<i32>} : memref<4x64x128xf32, #tpu.memory_space<vmem>>, vector<1x1x16xf32>,
        %get3A_1537 = arith.index_cast %rem3A_188 : i32 to index
        %get3A_1538 = arith.index_cast %add3A_1500 : i32 to index
        %get3A_1539 = arith.constant 48 : index
        %get3A_1540 = tpu.vector_load %arg8[%get3A_1537, %get3A_1538, %get3A_1539] {strides = array<i32>} : memref<4x64x128xf32, #tpu.memory_space<vmem>>, vector<1x1x16xf32>,
        %get3A_1541 = vector.shape_cast %get3A_1540 : vector<1x1x16xf32> to vector<16xf32>
        %mul3A_1542 = arith.mulf %get3A_1541, %gather3A_1496 : vector<16xf32>
        %swap3A_1543 = arith.index_cast %rem3A_188 : i32 to index
        %swap3A_1544 = arith.index_cast %add3A_1500 : i32 to index
        %swap3A_1545 = arith.constant 48 : index
        %swap3A_1546 = tpu.vector_load %arg8[%swap3A_1543, %swap3A_1544, %swap3A_1545] {strides = array<i32>} : memref<4x64x128xf32, #tpu.memory_space<vmem>>, vector<1x1x16xf32>,
        %swap3A_1547 = vector.shape_cast %swap3A_1546 : vector<1x1x16xf32> to vector<16xf32>
        %swap3A_1548 = vector.shape_cast %mul3A_1542 : vector<16xf32> to vector<1x1x16xf32>
        tpu.vector_store %arg8[%swap3A_1543, %swap3A_1544, %swap3A_1545], %swap3A_1548 {strides = array<i32>} : memref<4x64x128xf32, #tpu.memory_space<vmem>>, vector<1x1x16xf32>,
        %get3A_1549 = arith.index_cast %rem3A_188 : i32 to index
        %get3A_1550 = arith.index_cast %add3A_1500 : i32 to index
        %get3A_1551 = arith.constant 64 : index
        %get3A_1552 = tpu.vector_load %arg8[%get3A_1549, %get3A_1550, %get3A_1551] {strides = array<i32>} : memref<4x64x128xf32, #tpu.memory_space<vmem>>, vector<1x1x16xf32>,
        %get3A_1553 = vector.shape_cast %get3A_1552 : vector<1x1x16xf32> to vector<16xf32>
        %mul3A_1554 = arith.mulf %get3A_1553, %gather3A_1496 : vector<16xf32>
        %swap3A_1555 = arith.index_cast %rem3A_188 : i32 to index
        %swap3A_1556 = arith.index_cast %add3A_1500 : i32 to index
        %swap3A_1557 = arith.constant 64 : index
        %swap3A_1558 = tpu.vector_load %arg8[%swap3A_1555, %swap3A_1556, %swap3A_1557] {strides = array<i32>} : memref<4x64x128xf32, #tpu.memory_space<vmem>>, vector<1x1x16xf32>,
        %swap3A_1559 = vector.shape_cast %swap3A_1558 : vector<1x1x16xf32> to vector<16xf32>
        %swap3A_1560 = vector.shape_cast %mul3A_1554 : vector<16xf32> to vector<1x1x16xf32>
        tpu.vector_store %arg8[%swap3A_1555, %swap3A_1556, %swap3A_1557], %swap3A_1560 {strides = array<i32>} : memref<4x64x128xf32, #tpu.memory_space<vmem>>, vector<1x1x16xf32>,
        %get3A_1561 = arith.index_cast %rem3A_188 : i32 to index
        %get3A_1562 = arith.index_cast %add3A_1500 : i32 to index
        %get3A_1563 = arith.constant 80 : index
        %get3A_1564 = tpu.vector_load %arg8[%get3A_1561, %get3A_1562, %get3A_1563] {strides = array<i32>} : memref<4x64x128xf32, #tpu.memory_space<vmem>>, vector<1x1x16xf32>,
        %get3A_1565 = vector.shape_cast %get3A_1564 : vector<1x1x16xf32> to vector<16xf32>
        %mul3A_1566 = arith.mulf %get3A_1565, %gather3A_1496 : vector<16xf32>
        %swap3A_1567 = arith.index_cast %rem3A_188 : i32 to index
        %swap3A_1568 = arith.index_cast %add3A_1500 : i32 to index
        %swap3A_1569 = arith.constant 80 : index
        %swap3A_1570 = tpu.vector_load %arg8[%swap3A_1567, %swap3A_1568, %swap3A_1569] {strides = array<i32>} : memref<4x64x128xf32, #tpu.memory_space<vmem>>, vector<1x1x16xf32>,
        %swap3A_1571 = vector.shape_cast %swap3A_1570 : vector<1x1x16xf32> to vector<16xf32>
        %swap3A_1572 = vector.shape_cast %mul3A_1566 : vector<16xf32> to vector<1x1x16xf32>
        tpu.vector_store %arg8[%swap3A_1567, %swap3A_1568, %swap3A_1569], %swap3A_1572 {strides = array<i32>} : memref<4x64x128xf32, #tpu.memory_space<vmem>>, vector<1x1x16xf32>,
        %get3A_1573 = arith.index_cast %rem3A_188 : i32 to index
        %get3A_1574 = arith.index_cast %add3A_1500 : i32 to index
        %get3A_1575 = arith.constant 96 : index
        %get3A_1576 = tpu.vector_load %arg8[%get3A_1573, %get3A_1574, %get3A_1575] {strides = array<i32>} : memref<4x64x128xf32, #tpu.memory_space<vmem>>, vector<1x1x16xf32>,
        %get3A_1577 = vector.shape_cast %get3A_1576 : vector<1x1x16xf32> to vector<16xf32>
        %mul3A_1578 = arith.mulf %get3A_1577, %gather3A_1496 : vector<16xf32>
        %swap3A_1579 = arith.index_cast %rem3A_188 : i32 to index
        %swap3A_1580 = arith.index_cast %add3A_1500 : i32 to index
        %swap3A_1581 = arith.constant 96 : index
        %swap3A_1582 = tpu.vector_load %arg8[%swap3A_1579, %swap3A_1580, %swap3A_1581] {strides = array<i32>} : memref<4x64x128xf32, #tpu.memory_space<vmem>>, vector<1x1x16xf32>,
        %swap3A_1583 = vector.shape_cast %swap3A_1582 : vector<1x1x16xf32> to vector<16xf32>
        %swap3A_1584 = vector.shape_cast %mul3A_1578 : vector<16xf32> to vector<1x1x16xf32>
        tpu.vector_store %arg8[%swap3A_1579, %swap3A_1580, %swap3A_1581], %swap3A_1584 {strides = array<i32>} : memref<4x64x128xf32, #tpu.memory_space<vmem>>, vector<1x1x16xf32>,
        %get3A_1585 = arith.index_cast %rem3A_188 : i32 to index
        %get3A_1586 = arith.index_cast %add3A_1500 : i32 to index
        %get3A_1587 = arith.constant 112 : index
        %get3A_1588 = tpu.vector_load %arg8[%get3A_1585, %get3A_1586, %get3A_1587] {strides = array<i32>} : memref<4x64x128xf32, #tpu.memory_space<vmem>>, vector<1x1x16xf32>,
        %get3A_1589 = vector.shape_cast %get3A_1588 : vector<1x1x16xf32> to vector<16xf32>
        %mul3A_1590 = arith.mulf %get3A_1589, %gather3A_1496 : vector<16xf32>
        %swap3A_1591 = arith.index_cast %rem3A_188 : i32 to index
        %swap3A_1592 = arith.index_cast %add3A_1500 : i32 to index
        %swap3A_1593 = arith.constant 112 : index
        %swap3A_1594 = tpu.vector_load %arg8[%swap3A_1591, %swap3A_1592, %swap3A_1593] {strides = array<i32>} : memref<4x64x128xf32, #tpu.memory_space<vmem>>, vector<1x1x16xf32>,
        %swap3A_1595 = vector.shape_cast %swap3A_1594 : vector<1x1x16xf32> to vector<16xf32>
        %swap3A_1596 = vector.shape_cast %mul3A_1590 : vector<16xf32> to vector<1x1x16xf32>
        tpu.vector_store %arg8[%swap3A_1591, %swap3A_1592, %swap3A_1593], %swap3A_1596 {strides = array<i32>} : memref<4x64x128xf32, #tpu.memory_space<vmem>>, vector<1x1x16xf32>,
        %broadcast_in_dim3A_1597 = arith.constant 13 : i32
        %broadcast_in_dim3A_1598 = vector.broadcast %broadcast_in_dim3A_1597 : i32 to vector<16x1xi32>
        %gather3A_1599 = vector.shape_cast %broadcast_in_dim3A_1598 : vector<16x1xi32> to vector<16xi32>
        %gather3A_1600 = tpu.dynamic_gather %get3A_246[%gather3A_1599] in [0] : vector<16xf32>, vector<16xi32> -> vector<16xf32>
        %mul3A_1601 = arith.constant 16 : i32
        %mul3A_1602 = arith.muli %scan3A_239, %mul3A_1601 : i32
        %add3A_1603 = arith.constant 13 : i32
        %add3A_1604 = arith.addi %mul3A_1602, %add3A_1603 : i32
        %get3A_1605 = arith.index_cast %rem3A_188 : i32 to index
        %get3A_1606 = arith.index_cast %add3A_1604 : i32 to index
        %get3A_1607 = arith.constant 0 : index
        %get3A_1608 = tpu.vector_load %arg8[%get3A_1605, %get3A_1606, %get3A_1607] {strides = array<i32>} : memref<4x64x128xf32, #tpu.memory_space<vmem>>, vector<1x1x16xf32>,
        %get3A_1609 = vector.shape_cast %get3A_1608 : vector<1x1x16xf32> to vector<16xf32>
        %mul3A_1610 = arith.mulf %get3A_1609, %gather3A_1600 : vector<16xf32>
        %swap3A_1611 = arith.index_cast %rem3A_188 : i32 to index
        %swap3A_1612 = arith.index_cast %add3A_1604 : i32 to index
        %swap3A_1613 = arith.constant 0 : index
        %swap3A_1614 = tpu.vector_load %arg8[%swap3A_1611, %swap3A_1612, %swap3A_1613] {strides = array<i32>} : memref<4x64x128xf32, #tpu.memory_space<vmem>>, vector<1x1x16xf32>,
        %swap3A_1615 = vector.shape_cast %swap3A_1614 : vector<1x1x16xf32> to vector<16xf32>
        %swap3A_1616 = vector.shape_cast %mul3A_1610 : vector<16xf32> to vector<1x1x16xf32>
        tpu.vector_store %arg8[%swap3A_1611, %swap3A_1612, %swap3A_1613], %swap3A_1616 {strides = array<i32>} : memref<4x64x128xf32, #tpu.memory_space<vmem>>, vector<1x1x16xf32>,
        %get3A_1617 = arith.index_cast %rem3A_188 : i32 to index
        %get3A_1618 = arith.index_cast %add3A_1604 : i32 to index
        %get3A_1619 = arith.constant 16 : index
        %get3A_1620 = tpu.vector_load %arg8[%get3A_1617, %get3A_1618, %get3A_1619] {strides = array<i32>} : memref<4x64x128xf32, #tpu.memory_space<vmem>>, vector<1x1x16xf32>,
        %get3A_1621 = vector.shape_cast %get3A_1620 : vector<1x1x16xf32> to vector<16xf32>
        %mul3A_1622 = arith.mulf %get3A_1621, %gather3A_1600 : vector<16xf32>
        %swap3A_1623 = arith.index_cast %rem3A_188 : i32 to index
        %swap3A_1624 = arith.index_cast %add3A_1604 : i32 to index
        %swap3A_1625 = arith.constant 16 : index
        %swap3A_1626 = tpu.vector_load %arg8[%swap3A_1623, %swap3A_1624, %swap3A_1625] {strides = array<i32>} : memref<4x64x128xf32, #tpu.memory_space<vmem>>, vector<1x1x16xf32>,
        %swap3A_1627 = vector.shape_cast %swap3A_1626 : vector<1x1x16xf32> to vector<16xf32>
        %swap3A_1628 = vector.shape_cast %mul3A_1622 : vector<16xf32> to vector<1x1x16xf32>
        tpu.vector_store %arg8[%swap3A_1623, %swap3A_1624, %swap3A_1625], %swap3A_1628 {strides = array<i32>} : memref<4x64x128xf32, #tpu.memory_space<vmem>>, vector<1x1x16xf32>,
        %get3A_1629 = arith.index_cast %rem3A_188 : i32 to index
        %get3A_1630 = arith.index_cast %add3A_1604 : i32 to index
        %get3A_1631 = arith.constant 32 : index
        %get3A_1632 = tpu.vector_load %arg8[%get3A_1629, %get3A_1630, %get3A_1631] {strides = array<i32>} : memref<4x64x128xf32, #tpu.memory_space<vmem>>, vector<1x1x16xf32>,
        %get3A_1633 = vector.shape_cast %get3A_1632 : vector<1x1x16xf32> to vector<16xf32>
        %mul3A_1634 = arith.mulf %get3A_1633, %gather3A_1600 : vector<16xf32>
        %swap3A_1635 = arith.index_cast %rem3A_188 : i32 to index
        %swap3A_1636 = arith.index_cast %add3A_1604 : i32 to index
        %swap3A_1637 = arith.constant 32 : index
        %swap3A_1638 = tpu.vector_load %arg8[%swap3A_1635, %swap3A_1636, %swap3A_1637] {strides = array<i32>} : memref<4x64x128xf32, #tpu.memory_space<vmem>>, vector<1x1x16xf32>,
        %swap3A_1639 = vector.shape_cast %swap3A_1638 : vector<1x1x16xf32> to vector<16xf32>
        %swap3A_1640 = vector.shape_cast %mul3A_1634 : vector<16xf32> to vector<1x1x16xf32>
        tpu.vector_store %arg8[%swap3A_1635, %swap3A_1636, %swap3A_1637], %swap3A_1640 {strides = array<i32>} : memref<4x64x128xf32, #tpu.memory_space<vmem>>, vector<1x1x16xf32>,
        %get3A_1641 = arith.index_cast %rem3A_188 : i32 to index
        %get3A_1642 = arith.index_cast %add3A_1604 : i32 to index
        %get3A_1643 = arith.constant 48 : index
        %get3A_1644 = tpu.vector_load %arg8[%get3A_1641, %get3A_1642, %get3A_1643] {strides = array<i32>} : memref<4x64x128xf32, #tpu.memory_space<vmem>>, vector<1x1x16xf32>,
        %get3A_1645 = vector.shape_cast %get3A_1644 : vector<1x1x16xf32> to vector<16xf32>
        %mul3A_1646 = arith.mulf %get3A_1645, %gather3A_1600 : vector<16xf32>
        %swap3A_1647 = arith.index_cast %rem3A_188 : i32 to index
        %swap3A_1648 = arith.index_cast %add3A_1604 : i32 to index
        %swap3A_1649 = arith.constant 48 : index
        %swap3A_1650 = tpu.vector_load %arg8[%swap3A_1647, %swap3A_1648, %swap3A_1649] {strides = array<i32>} : memref<4x64x128xf32, #tpu.memory_space<vmem>>, vector<1x1x16xf32>,
        %swap3A_1651 = vector.shape_cast %swap3A_1650 : vector<1x1x16xf32> to vector<16xf32>
        %swap3A_1652 = vector.shape_cast %mul3A_1646 : vector<16xf32> to vector<1x1x16xf32>
        tpu.vector_store %arg8[%swap3A_1647, %swap3A_1648, %swap3A_1649], %swap3A_1652 {strides = array<i32>} : memref<4x64x128xf32, #tpu.memory_space<vmem>>, vector<1x1x16xf32>,
        %get3A_1653 = arith.index_cast %rem3A_188 : i32 to index
        %get3A_1654 = arith.index_cast %add3A_1604 : i32 to index
        %get3A_1655 = arith.constant 64 : index
        %get3A_1656 = tpu.vector_load %arg8[%get3A_1653, %get3A_1654, %get3A_1655] {strides = array<i32>} : memref<4x64x128xf32, #tpu.memory_space<vmem>>, vector<1x1x16xf32>,
        %get3A_1657 = vector.shape_cast %get3A_1656 : vector<1x1x16xf32> to vector<16xf32>
        %mul3A_1658 = arith.mulf %get3A_1657, %gather3A_1600 : vector<16xf32>
        %swap3A_1659 = arith.index_cast %rem3A_188 : i32 to index
        %swap3A_1660 = arith.index_cast %add3A_1604 : i32 to index
        %swap3A_1661 = arith.constant 64 : index
        %swap3A_1662 = tpu.vector_load %arg8[%swap3A_1659, %swap3A_1660, %swap3A_1661] {strides = array<i32>} : memref<4x64x128xf32, #tpu.memory_space<vmem>>, vector<1x1x16xf32>,
        %swap3A_1663 = vector.shape_cast %swap3A_1662 : vector<1x1x16xf32> to vector<16xf32>
        %swap3A_1664 = vector.shape_cast %mul3A_1658 : vector<16xf32> to vector<1x1x16xf32>
        tpu.vector_store %arg8[%swap3A_1659, %swap3A_1660, %swap3A_1661], %swap3A_1664 {strides = array<i32>} : memref<4x64x128xf32, #tpu.memory_space<vmem>>, vector<1x1x16xf32>,
        %get3A_1665 = arith.index_cast %rem3A_188 : i32 to index
        %get3A_1666 = arith.index_cast %add3A_1604 : i32 to index
        %get3A_1667 = arith.constant 80 : index
        %get3A_1668 = tpu.vector_load %arg8[%get3A_1665, %get3A_1666, %get3A_1667] {strides = array<i32>} : memref<4x64x128xf32, #tpu.memory_space<vmem>>, vector<1x1x16xf32>,
        %get3A_1669 = vector.shape_cast %get3A_1668 : vector<1x1x16xf32> to vector<16xf32>
        %mul3A_1670 = arith.mulf %get3A_1669, %gather3A_1600 : vector<16xf32>
        %swap3A_1671 = arith.index_cast %rem3A_188 : i32 to index
        %swap3A_1672 = arith.index_cast %add3A_1604 : i32 to index
        %swap3A_1673 = arith.constant 80 : index
        %swap3A_1674 = tpu.vector_load %arg8[%swap3A_1671, %swap3A_1672, %swap3A_1673] {strides = array<i32>} : memref<4x64x128xf32, #tpu.memory_space<vmem>>, vector<1x1x16xf32>,
        %swap3A_1675 = vector.shape_cast %swap3A_1674 : vector<1x1x16xf32> to vector<16xf32>
        %swap3A_1676 = vector.shape_cast %mul3A_1670 : vector<16xf32> to vector<1x1x16xf32>
        tpu.vector_store %arg8[%swap3A_1671, %swap3A_1672, %swap3A_1673], %swap3A_1676 {strides = array<i32>} : memref<4x64x128xf32, #tpu.memory_space<vmem>>, vector<1x1x16xf32>,
        %get3A_1677 = arith.index_cast %rem3A_188 : i32 to index
        %get3A_1678 = arith.index_cast %add3A_1604 : i32 to index
        %get3A_1679 = arith.constant 96 : index
        %get3A_1680 = tpu.vector_load %arg8[%get3A_1677, %get3A_1678, %get3A_1679] {strides = array<i32>} : memref<4x64x128xf32, #tpu.memory_space<vmem>>, vector<1x1x16xf32>,
        %get3A_1681 = vector.shape_cast %get3A_1680 : vector<1x1x16xf32> to vector<16xf32>
        %mul3A_1682 = arith.mulf %get3A_1681, %gather3A_1600 : vector<16xf32>
        %swap3A_1683 = arith.index_cast %rem3A_188 : i32 to index
        %swap3A_1684 = arith.index_cast %add3A_1604 : i32 to index
        %swap3A_1685 = arith.constant 96 : index
        %swap3A_1686 = tpu.vector_load %arg8[%swap3A_1683, %swap3A_1684, %swap3A_1685] {strides = array<i32>} : memref<4x64x128xf32, #tpu.memory_space<vmem>>, vector<1x1x16xf32>,
        %swap3A_1687 = vector.shape_cast %swap3A_1686 : vector<1x1x16xf32> to vector<16xf32>
        %swap3A_1688 = vector.shape_cast %mul3A_1682 : vector<16xf32> to vector<1x1x16xf32>
        tpu.vector_store %arg8[%swap3A_1683, %swap3A_1684, %swap3A_1685], %swap3A_1688 {strides = array<i32>} : memref<4x64x128xf32, #tpu.memory_space<vmem>>, vector<1x1x16xf32>,
        %get3A_1689 = arith.index_cast %rem3A_188 : i32 to index
        %get3A_1690 = arith.index_cast %add3A_1604 : i32 to index
        %get3A_1691 = arith.constant 112 : index
        %get3A_1692 = tpu.vector_load %arg8[%get3A_1689, %get3A_1690, %get3A_1691] {strides = array<i32>} : memref<4x64x128xf32, #tpu.memory_space<vmem>>, vector<1x1x16xf32>,
        %get3A_1693 = vector.shape_cast %get3A_1692 : vector<1x1x16xf32> to vector<16xf32>
        %mul3A_1694 = arith.mulf %get3A_1693, %gather3A_1600 : vector<16xf32>
        %swap3A_1695 = arith.index_cast %rem3A_188 : i32 to index
        %swap3A_1696 = arith.index_cast %add3A_1604 : i32 to index
        %swap3A_1697 = arith.constant 112 : index
        %swap3A_1698 = tpu.vector_load %arg8[%swap3A_1695, %swap3A_1696, %swap3A_1697] {strides = array<i32>} : memref<4x64x128xf32, #tpu.memory_space<vmem>>, vector<1x1x16xf32>,
        %swap3A_1699 = vector.shape_cast %swap3A_1698 : vector<1x1x16xf32> to vector<16xf32>
        %swap3A_1700 = vector.shape_cast %mul3A_1694 : vector<16xf32> to vector<1x1x16xf32>
        tpu.vector_store %arg8[%swap3A_1695, %swap3A_1696, %swap3A_1697], %swap3A_1700 {strides = array<i32>} : memref<4x64x128xf32, #tpu.memory_space<vmem>>, vector<1x1x16xf32>,
        %broadcast_in_dim3A_1701 = arith.constant 14 : i32
        %broadcast_in_dim3A_1702 = vector.broadcast %broadcast_in_dim3A_1701 : i32 to vector<16x1xi32>
        %gather3A_1703 = vector.shape_cast %broadcast_in_dim3A_1702 : vector<16x1xi32> to vector<16xi32>
        %gather3A_1704 = tpu.dynamic_gather %get3A_246[%gather3A_1703] in [0] : vector<16xf32>, vector<16xi32> -> vector<16xf32>
        %mul3A_1705 = arith.constant 16 : i32
        %mul3A_1706 = arith.muli %scan3A_239, %mul3A_1705 : i32
        %add3A_1707 = arith.constant 14 : i32
        %add3A_1708 = arith.addi %mul3A_1706, %add3A_1707 : i32
        %get3A_1709 = arith.index_cast %rem3A_188 : i32 to index
        %get3A_1710 = arith.index_cast %add3A_1708 : i32 to index
        %get3A_1711 = arith.constant 0 : index
        %get3A_1712 = tpu.vector_load %arg8[%get3A_1709, %get3A_1710, %get3A_1711] {strides = array<i32>} : memref<4x64x128xf32, #tpu.memory_space<vmem>>, vector<1x1x16xf32>,
        %get3A_1713 = vector.shape_cast %get3A_1712 : vector<1x1x16xf32> to vector<16xf32>
        %mul3A_1714 = arith.mulf %get3A_1713, %gather3A_1704 : vector<16xf32>
        %swap3A_1715 = arith.index_cast %rem3A_188 : i32 to index
        %swap3A_1716 = arith.index_cast %add3A_1708 : i32 to index
        %swap3A_1717 = arith.constant 0 : index
        %swap3A_1718 = tpu.vector_load %arg8[%swap3A_1715, %swap3A_1716, %swap3A_1717] {strides = array<i32>} : memref<4x64x128xf32, #tpu.memory_space<vmem>>, vector<1x1x16xf32>,
        %swap3A_1719 = vector.shape_cast %swap3A_1718 : vector<1x1x16xf32> to vector<16xf32>
        %swap3A_1720 = vector.shape_cast %mul3A_1714 : vector<16xf32> to vector<1x1x16xf32>
        tpu.vector_store %arg8[%swap3A_1715, %swap3A_1716, %swap3A_1717], %swap3A_1720 {strides = array<i32>} : memref<4x64x128xf32, #tpu.memory_space<vmem>>, vector<1x1x16xf32>,
        %get3A_1721 = arith.index_cast %rem3A_188 : i32 to index
        %get3A_1722 = arith.index_cast %add3A_1708 : i32 to index
        %get3A_1723 = arith.constant 16 : index
        %get3A_1724 = tpu.vector_load %arg8[%get3A_1721, %get3A_1722, %get3A_1723] {strides = array<i32>} : memref<4x64x128xf32, #tpu.memory_space<vmem>>, vector<1x1x16xf32>,
        %get3A_1725 = vector.shape_cast %get3A_1724 : vector<1x1x16xf32> to vector<16xf32>
        %mul3A_1726 = arith.mulf %get3A_1725, %gather3A_1704 : vector<16xf32>
        %swap3A_1727 = arith.index_cast %rem3A_188 : i32 to index
        %swap3A_1728 = arith.index_cast %add3A_1708 : i32 to index
        %swap3A_1729 = arith.constant 16 : index
        %swap3A_1730 = tpu.vector_load %arg8[%swap3A_1727, %swap3A_1728, %swap3A_1729] {strides = array<i32>} : memref<4x64x128xf32, #tpu.memory_space<vmem>>, vector<1x1x16xf32>,
        %swap3A_1731 = vector.shape_cast %swap3A_1730 : vector<1x1x16xf32> to vector<16xf32>
        %swap3A_1732 = vector.shape_cast %mul3A_1726 : vector<16xf32> to vector<1x1x16xf32>
        tpu.vector_store %arg8[%swap3A_1727, %swap3A_1728, %swap3A_1729], %swap3A_1732 {strides = array<i32>} : memref<4x64x128xf32, #tpu.memory_space<vmem>>, vector<1x1x16xf32>,
        %get3A_1733 = arith.index_cast %rem3A_188 : i32 to index
        %get3A_1734 = arith.index_cast %add3A_1708 : i32 to index
        %get3A_1735 = arith.constant 32 : index
        %get3A_1736 = tpu.vector_load %arg8[%get3A_1733, %get3A_1734, %get3A_1735] {strides = array<i32>} : memref<4x64x128xf32, #tpu.memory_space<vmem>>, vector<1x1x16xf32>,
        %get3A_1737 = vector.shape_cast %get3A_1736 : vector<1x1x16xf32> to vector<16xf32>
        %mul3A_1738 = arith.mulf %get3A_1737, %gather3A_1704 : vector<16xf32>
        %swap3A_1739 = arith.index_cast %rem3A_188 : i32 to index
        %swap3A_1740 = arith.index_cast %add3A_1708 : i32 to index
        %swap3A_1741 = arith.constant 32 : index
        %swap3A_1742 = tpu.vector_load %arg8[%swap3A_1739, %swap3A_1740, %swap3A_1741] {strides = array<i32>} : memref<4x64x128xf32, #tpu.memory_space<vmem>>, vector<1x1x16xf32>,
        %swap3A_1743 = vector.shape_cast %swap3A_1742 : vector<1x1x16xf32> to vector<16xf32>
        %swap3A_1744 = vector.shape_cast %mul3A_1738 : vector<16xf32> to vector<1x1x16xf32>
        tpu.vector_store %arg8[%swap3A_1739, %swap3A_1740, %swap3A_1741], %swap3A_1744 {strides = array<i32>} : memref<4x64x128xf32, #tpu.memory_space<vmem>>, vector<1x1x16xf32>,
        %get3A_1745 = arith.index_cast %rem3A_188 : i32 to index
        %get3A_1746 = arith.index_cast %add3A_1708 : i32 to index
        %get3A_1747 = arith.constant 48 : index
        %get3A_1748 = tpu.vector_load %arg8[%get3A_1745, %get3A_1746, %get3A_1747] {strides = array<i32>} : memref<4x64x128xf32, #tpu.memory_space<vmem>>, vector<1x1x16xf32>,
        %get3A_1749 = vector.shape_cast %get3A_1748 : vector<1x1x16xf32> to vector<16xf32>
        %mul3A_1750 = arith.mulf %get3A_1749, %gather3A_1704 : vector<16xf32>
        %swap3A_1751 = arith.index_cast %rem3A_188 : i32 to index
        %swap3A_1752 = arith.index_cast %add3A_1708 : i32 to index
        %swap3A_1753 = arith.constant 48 : index
        %swap3A_1754 = tpu.vector_load %arg8[%swap3A_1751, %swap3A_1752, %swap3A_1753] {strides = array<i32>} : memref<4x64x128xf32, #tpu.memory_space<vmem>>, vector<1x1x16xf32>,
        %swap3A_1755 = vector.shape_cast %swap3A_1754 : vector<1x1x16xf32> to vector<16xf32>
        %swap3A_1756 = vector.shape_cast %mul3A_1750 : vector<16xf32> to vector<1x1x16xf32>
        tpu.vector_store %arg8[%swap3A_1751, %swap3A_1752, %swap3A_1753], %swap3A_1756 {strides = array<i32>} : memref<4x64x128xf32, #tpu.memory_space<vmem>>, vector<1x1x16xf32>,
        %get3A_1757 = arith.index_cast %rem3A_188 : i32 to index
        %get3A_1758 = arith.index_cast %add3A_1708 : i32 to index
        %get3A_1759 = arith.constant 64 : index
        %get3A_1760 = tpu.vector_load %arg8[%get3A_1757, %get3A_1758, %get3A_1759] {strides = array<i32>} : memref<4x64x128xf32, #tpu.memory_space<vmem>>, vector<1x1x16xf32>,
        %get3A_1761 = vector.shape_cast %get3A_1760 : vector<1x1x16xf32> to vector<16xf32>
        %mul3A_1762 = arith.mulf %get3A_1761, %gather3A_1704 : vector<16xf32>
        %swap3A_1763 = arith.index_cast %rem3A_188 : i32 to index
        %swap3A_1764 = arith.index_cast %add3A_1708 : i32 to index
        %swap3A_1765 = arith.constant 64 : index
        %swap3A_1766 = tpu.vector_load %arg8[%swap3A_1763, %swap3A_1764, %swap3A_1765] {strides = array<i32>} : memref<4x64x128xf32, #tpu.memory_space<vmem>>, vector<1x1x16xf32>,
        %swap3A_1767 = vector.shape_cast %swap3A_1766 : vector<1x1x16xf32> to vector<16xf32>
        %swap3A_1768 = vector.shape_cast %mul3A_1762 : vector<16xf32> to vector<1x1x16xf32>
        tpu.vector_store %arg8[%swap3A_1763, %swap3A_1764, %swap3A_1765], %swap3A_1768 {strides = array<i32>} : memref<4x64x128xf32, #tpu.memory_space<vmem>>, vector<1x1x16xf32>,
        %get3A_1769 = arith.index_cast %rem3A_188 : i32 to index
        %get3A_1770 = arith.index_cast %add3A_1708 : i32 to index
        %get3A_1771 = arith.constant 80 : index
        %get3A_1772 = tpu.vector_load %arg8[%get3A_1769, %get3A_1770, %get3A_1771] {strides = array<i32>} : memref<4x64x128xf32, #tpu.memory_space<vmem>>, vector<1x1x16xf32>,
        %get3A_1773 = vector.shape_cast %get3A_1772 : vector<1x1x16xf32> to vector<16xf32>
        %mul3A_1774 = arith.mulf %get3A_1773, %gather3A_1704 : vector<16xf32>
        %swap3A_1775 = arith.index_cast %rem3A_188 : i32 to index
        %swap3A_1776 = arith.index_cast %add3A_1708 : i32 to index
        %swap3A_1777 = arith.constant 80 : index
        %swap3A_1778 = tpu.vector_load %arg8[%swap3A_1775, %swap3A_1776, %swap3A_1777] {strides = array<i32>} : memref<4x64x128xf32, #tpu.memory_space<vmem>>, vector<1x1x16xf32>,
        %swap3A_1779 = vector.shape_cast %swap3A_1778 : vector<1x1x16xf32> to vector<16xf32>
        %swap3A_1780 = vector.shape_cast %mul3A_1774 : vector<16xf32> to vector<1x1x16xf32>
        tpu.vector_store %arg8[%swap3A_1775, %swap3A_1776, %swap3A_1777], %swap3A_1780 {strides = array<i32>} : memref<4x64x128xf32, #tpu.memory_space<vmem>>, vector<1x1x16xf32>,
        %get3A_1781 = arith.index_cast %rem3A_188 : i32 to index
        %get3A_1782 = arith.index_cast %add3A_1708 : i32 to index
        %get3A_1783 = arith.constant 96 : index
        %get3A_1784 = tpu.vector_load %arg8[%get3A_1781, %get3A_1782, %get3A_1783] {strides = array<i32>} : memref<4x64x128xf32, #tpu.memory_space<vmem>>, vector<1x1x16xf32>,
        %get3A_1785 = vector.shape_cast %get3A_1784 : vector<1x1x16xf32> to vector<16xf32>
        %mul3A_1786 = arith.mulf %get3A_1785, %gather3A_1704 : vector<16xf32>
        %swap3A_1787 = arith.index_cast %rem3A_188 : i32 to index
        %swap3A_1788 = arith.index_cast %add3A_1708 : i32 to index
        %swap3A_1789 = arith.constant 96 : index
        %swap3A_1790 = tpu.vector_load %arg8[%swap3A_1787, %swap3A_1788, %swap3A_1789] {strides = array<i32>} : memref<4x64x128xf32, #tpu.memory_space<vmem>>, vector<1x1x16xf32>,
        %swap3A_1791 = vector.shape_cast %swap3A_1790 : vector<1x1x16xf32> to vector<16xf32>
        %swap3A_1792 = vector.shape_cast %mul3A_1786 : vector<16xf32> to vector<1x1x16xf32>
        tpu.vector_store %arg8[%swap3A_1787, %swap3A_1788, %swap3A_1789], %swap3A_1792 {strides = array<i32>} : memref<4x64x128xf32, #tpu.memory_space<vmem>>, vector<1x1x16xf32>,
        %get3A_1793 = arith.index_cast %rem3A_188 : i32 to index
        %get3A_1794 = arith.index_cast %add3A_1708 : i32 to index
        %get3A_1795 = arith.constant 112 : index
        %get3A_1796 = tpu.vector_load %arg8[%get3A_1793, %get3A_1794, %get3A_1795] {strides = array<i32>} : memref<4x64x128xf32, #tpu.memory_space<vmem>>, vector<1x1x16xf32>,
        %get3A_1797 = vector.shape_cast %get3A_1796 : vector<1x1x16xf32> to vector<16xf32>
        %mul3A_1798 = arith.mulf %get3A_1797, %gather3A_1704 : vector<16xf32>
        %swap3A_1799 = arith.index_cast %rem3A_188 : i32 to index
        %swap3A_1800 = arith.index_cast %add3A_1708 : i32 to index
        %swap3A_1801 = arith.constant 112 : index
        %swap3A_1802 = tpu.vector_load %arg8[%swap3A_1799, %swap3A_1800, %swap3A_1801] {strides = array<i32>} : memref<4x64x128xf32, #tpu.memory_space<vmem>>, vector<1x1x16xf32>,
        %swap3A_1803 = vector.shape_cast %swap3A_1802 : vector<1x1x16xf32> to vector<16xf32>
        %swap3A_1804 = vector.shape_cast %mul3A_1798 : vector<16xf32> to vector<1x1x16xf32>
        tpu.vector_store %arg8[%swap3A_1799, %swap3A_1800, %swap3A_1801], %swap3A_1804 {strides = array<i32>} : memref<4x64x128xf32, #tpu.memory_space<vmem>>, vector<1x1x16xf32>,
        %broadcast_in_dim3A_1805 = arith.constant 15 : i32
        %broadcast_in_dim3A_1806 = vector.broadcast %broadcast_in_dim3A_1805 : i32 to vector<16x1xi32>
        %gather3A_1807 = vector.shape_cast %broadcast_in_dim3A_1806 : vector<16x1xi32> to vector<16xi32>
        %gather3A_1808 = tpu.dynamic_gather %get3A_246[%gather3A_1807] in [0] : vector<16xf32>, vector<16xi32> -> vector<16xf32>
        %mul3A_1809 = arith.constant 16 : i32
        %mul3A_1810 = arith.muli %scan3A_239, %mul3A_1809 : i32
        %add3A_1811 = arith.constant 15 : i32
        %add3A_1812 = arith.addi %mul3A_1810, %add3A_1811 : i32
        %get3A_1813 = arith.index_cast %rem3A_188 : i32 to index
        %get3A_1814 = arith.index_cast %add3A_1812 : i32 to index
        %get3A_1815 = arith.constant 0 : index
        %get3A_1816 = tpu.vector_load %arg8[%get3A_1813, %get3A_1814, %get3A_1815] {strides = array<i32>} : memref<4x64x128xf32, #tpu.memory_space<vmem>>, vector<1x1x16xf32>,
        %get3A_1817 = vector.shape_cast %get3A_1816 : vector<1x1x16xf32> to vector<16xf32>
        %mul3A_1818 = arith.mulf %get3A_1817, %gather3A_1808 : vector<16xf32>
        %swap3A_1819 = arith.index_cast %rem3A_188 : i32 to index
        %swap3A_1820 = arith.index_cast %add3A_1812 : i32 to index
        %swap3A_1821 = arith.constant 0 : index
        %swap3A_1822 = tpu.vector_load %arg8[%swap3A_1819, %swap3A_1820, %swap3A_1821] {strides = array<i32>} : memref<4x64x128xf32, #tpu.memory_space<vmem>>, vector<1x1x16xf32>,
        %swap3A_1823 = vector.shape_cast %swap3A_1822 : vector<1x1x16xf32> to vector<16xf32>
        %swap3A_1824 = vector.shape_cast %mul3A_1818 : vector<16xf32> to vector<1x1x16xf32>
        tpu.vector_store %arg8[%swap3A_1819, %swap3A_1820, %swap3A_1821], %swap3A_1824 {strides = array<i32>} : memref<4x64x128xf32, #tpu.memory_space<vmem>>, vector<1x1x16xf32>,
        %get3A_1825 = arith.index_cast %rem3A_188 : i32 to index
        %get3A_1826 = arith.index_cast %add3A_1812 : i32 to index
        %get3A_1827 = arith.constant 16 : index
        %get3A_1828 = tpu.vector_load %arg8[%get3A_1825, %get3A_1826, %get3A_1827] {strides = array<i32>} : memref<4x64x128xf32, #tpu.memory_space<vmem>>, vector<1x1x16xf32>,
        %get3A_1829 = vector.shape_cast %get3A_1828 : vector<1x1x16xf32> to vector<16xf32>
        %mul3A_1830 = arith.mulf %get3A_1829, %gather3A_1808 : vector<16xf32>
        %swap3A_1831 = arith.index_cast %rem3A_188 : i32 to index
        %swap3A_1832 = arith.index_cast %add3A_1812 : i32 to index
        %swap3A_1833 = arith.constant 16 : index
        %swap3A_1834 = tpu.vector_load %arg8[%swap3A_1831, %swap3A_1832, %swap3A_1833] {strides = array<i32>} : memref<4x64x128xf32, #tpu.memory_space<vmem>>, vector<1x1x16xf32>,
        %swap3A_1835 = vector.shape_cast %swap3A_1834 : vector<1x1x16xf32> to vector<16xf32>
        %swap3A_1836 = vector.shape_cast %mul3A_1830 : vector<16xf32> to vector<1x1x16xf32>
        tpu.vector_store %arg8[%swap3A_1831, %swap3A_1832, %swap3A_1833], %swap3A_1836 {strides = array<i32>} : memref<4x64x128xf32, #tpu.memory_space<vmem>>, vector<1x1x16xf32>,
        %get3A_1837 = arith.index_cast %rem3A_188 : i32 to index
        %get3A_1838 = arith.index_cast %add3A_1812 : i32 to index
        %get3A_1839 = arith.constant 32 : index
        %get3A_1840 = tpu.vector_load %arg8[%get3A_1837, %get3A_1838, %get3A_1839] {strides = array<i32>} : memref<4x64x128xf32, #tpu.memory_space<vmem>>, vector<1x1x16xf32>,
        %get3A_1841 = vector.shape_cast %get3A_1840 : vector<1x1x16xf32> to vector<16xf32>
        %mul3A_1842 = arith.mulf %get3A_1841, %gather3A_1808 : vector<16xf32>
        %swap3A_1843 = arith.index_cast %rem3A_188 : i32 to index
        %swap3A_1844 = arith.index_cast %add3A_1812 : i32 to index
        %swap3A_1845 = arith.constant 32 : index
        %swap3A_1846 = tpu.vector_load %arg8[%swap3A_1843, %swap3A_1844, %swap3A_1845] {strides = array<i32>} : memref<4x64x128xf32, #tpu.memory_space<vmem>>, vector<1x1x16xf32>,
        %swap3A_1847 = vector.shape_cast %swap3A_1846 : vector<1x1x16xf32> to vector<16xf32>
        %swap3A_1848 = vector.shape_cast %mul3A_1842 : vector<16xf32> to vector<1x1x16xf32>
        tpu.vector_store %arg8[%swap3A_1843, %swap3A_1844, %swap3A_1845], %swap3A_1848 {strides = array<i32>} : memref<4x64x128xf32, #tpu.memory_space<vmem>>, vector<1x1x16xf32>,
        %get3A_1849 = arith.index_cast %rem3A_188 : i32 to index
        %get3A_1850 = arith.index_cast %add3A_1812 : i32 to index
        %get3A_1851 = arith.constant 48 : index
        %get3A_1852 = tpu.vector_load %arg8[%get3A_1849, %get3A_1850, %get3A_1851] {strides = array<i32>} : memref<4x64x128xf32, #tpu.memory_space<vmem>>, vector<1x1x16xf32>,
        %get3A_1853 = vector.shape_cast %get3A_1852 : vector<1x1x16xf32> to vector<16xf32>
        %mul3A_1854 = arith.mulf %get3A_1853, %gather3A_1808 : vector<16xf32>
        %swap3A_1855 = arith.index_cast %rem3A_188 : i32 to index
        %swap3A_1856 = arith.index_cast %add3A_1812 : i32 to index
        %swap3A_1857 = arith.constant 48 : index
        %swap3A_1858 = tpu.vector_load %arg8[%swap3A_1855, %swap3A_1856, %swap3A_1857] {strides = array<i32>} : memref<4x64x128xf32, #tpu.memory_space<vmem>>, vector<1x1x16xf32>,
        %swap3A_1859 = vector.shape_cast %swap3A_1858 : vector<1x1x16xf32> to vector<16xf32>
        %swap3A_1860 = vector.shape_cast %mul3A_1854 : vector<16xf32> to vector<1x1x16xf32>
        tpu.vector_store %arg8[%swap3A_1855, %swap3A_1856, %swap3A_1857], %swap3A_1860 {strides = array<i32>} : memref<4x64x128xf32, #tpu.memory_space<vmem>>, vector<1x1x16xf32>,
        %get3A_1861 = arith.index_cast %rem3A_188 : i32 to index
        %get3A_1862 = arith.index_cast %add3A_1812 : i32 to index
        %get3A_1863 = arith.constant 64 : index
        %get3A_1864 = tpu.vector_load %arg8[%get3A_1861, %get3A_1862, %get3A_1863] {strides = array<i32>} : memref<4x64x128xf32, #tpu.memory_space<vmem>>, vector<1x1x16xf32>,
        %get3A_1865 = vector.shape_cast %get3A_1864 : vector<1x1x16xf32> to vector<16xf32>
        %mul3A_1866 = arith.mulf %get3A_1865, %gather3A_1808 : vector<16xf32>
        %swap3A_1867 = arith.index_cast %rem3A_188 : i32 to index
        %swap3A_1868 = arith.index_cast %add3A_1812 : i32 to index
        %swap3A_1869 = arith.constant 64 : index
        %swap3A_1870 = tpu.vector_load %arg8[%swap3A_1867, %swap3A_1868, %swap3A_1869] {strides = array<i32>} : memref<4x64x128xf32, #tpu.memory_space<vmem>>, vector<1x1x16xf32>,
        %swap3A_1871 = vector.shape_cast %swap3A_1870 : vector<1x1x16xf32> to vector<16xf32>
        %swap3A_1872 = vector.shape_cast %mul3A_1866 : vector<16xf32> to vector<1x1x16xf32>
        tpu.vector_store %arg8[%swap3A_1867, %swap3A_1868, %swap3A_1869], %swap3A_1872 {strides = array<i32>} : memref<4x64x128xf32, #tpu.memory_space<vmem>>, vector<1x1x16xf32>,
        %get3A_1873 = arith.index_cast %rem3A_188 : i32 to index
        %get3A_1874 = arith.index_cast %add3A_1812 : i32 to index
        %get3A_1875 = arith.constant 80 : index
        %get3A_1876 = tpu.vector_load %arg8[%get3A_1873, %get3A_1874, %get3A_1875] {strides = array<i32>} : memref<4x64x128xf32, #tpu.memory_space<vmem>>, vector<1x1x16xf32>,
        %get3A_1877 = vector.shape_cast %get3A_1876 : vector<1x1x16xf32> to vector<16xf32>
        %mul3A_1878 = arith.mulf %get3A_1877, %gather3A_1808 : vector<16xf32>
        %swap3A_1879 = arith.index_cast %rem3A_188 : i32 to index
        %swap3A_1880 = arith.index_cast %add3A_1812 : i32 to index
        %swap3A_1881 = arith.constant 80 : index
        %swap3A_1882 = tpu.vector_load %arg8[%swap3A_1879, %swap3A_1880, %swap3A_1881] {strides = array<i32>} : memref<4x64x128xf32, #tpu.memory_space<vmem>>, vector<1x1x16xf32>,
        %swap3A_1883 = vector.shape_cast %swap3A_1882 : vector<1x1x16xf32> to vector<16xf32>
        %swap3A_1884 = vector.shape_cast %mul3A_1878 : vector<16xf32> to vector<1x1x16xf32>
        tpu.vector_store %arg8[%swap3A_1879, %swap3A_1880, %swap3A_1881], %swap3A_1884 {strides = array<i32>} : memref<4x64x128xf32, #tpu.memory_space<vmem>>, vector<1x1x16xf32>,
        %get3A_1885 = arith.index_cast %rem3A_188 : i32 to index
        %get3A_1886 = arith.index_cast %add3A_1812 : i32 to index
        %get3A_1887 = arith.constant 96 : index
        %get3A_1888 = tpu.vector_load %arg8[%get3A_1885, %get3A_1886, %get3A_1887] {strides = array<i32>} : memref<4x64x128xf32, #tpu.memory_space<vmem>>, vector<1x1x16xf32>,
        %get3A_1889 = vector.shape_cast %get3A_1888 : vector<1x1x16xf32> to vector<16xf32>
        %mul3A_1890 = arith.mulf %get3A_1889, %gather3A_1808 : vector<16xf32>
        %swap3A_1891 = arith.index_cast %rem3A_188 : i32 to index
        %swap3A_1892 = arith.index_cast %add3A_1812 : i32 to index
        %swap3A_1893 = arith.constant 96 : index
        %swap3A_1894 = tpu.vector_load %arg8[%swap3A_1891, %swap3A_1892, %swap3A_1893] {strides = array<i32>} : memref<4x64x128xf32, #tpu.memory_space<vmem>>, vector<1x1x16xf32>,
        %swap3A_1895 = vector.shape_cast %swap3A_1894 : vector<1x1x16xf32> to vector<16xf32>
        %swap3A_1896 = vector.shape_cast %mul3A_1890 : vector<16xf32> to vector<1x1x16xf32>
        tpu.vector_store %arg8[%swap3A_1891, %swap3A_1892, %swap3A_1893], %swap3A_1896 {strides = array<i32>} : memref<4x64x128xf32, #tpu.memory_space<vmem>>, vector<1x1x16xf32>,
        %get3A_1897 = arith.index_cast %rem3A_188 : i32 to index
        %get3A_1898 = arith.index_cast %add3A_1812 : i32 to index
        %get3A_1899 = arith.constant 112 : index
        %get3A_1900 = tpu.vector_load %arg8[%get3A_1897, %get3A_1898, %get3A_1899] {strides = array<i32>} : memref<4x64x128xf32, #tpu.memory_space<vmem>>, vector<1x1x16xf32>,
        %get3A_1901 = vector.shape_cast %get3A_1900 : vector<1x1x16xf32> to vector<16xf32>
        %mul3A_1902 = arith.mulf %get3A_1901, %gather3A_1808 : vector<16xf32>
        %swap3A_1903 = arith.index_cast %rem3A_188 : i32 to index
        %swap3A_1904 = arith.index_cast %add3A_1812 : i32 to index
        %swap3A_1905 = arith.constant 112 : index
        %swap3A_1906 = tpu.vector_load %arg8[%swap3A_1903, %swap3A_1904, %swap3A_1905] {strides = array<i32>} : memref<4x64x128xf32, #tpu.memory_space<vmem>>, vector<1x1x16xf32>,
        %swap3A_1907 = vector.shape_cast %swap3A_1906 : vector<1x1x16xf32> to vector<16xf32>
        %swap3A_1908 = vector.shape_cast %mul3A_1902 : vector<16xf32> to vector<1x1x16xf32>
        tpu.vector_store %arg8[%swap3A_1903, %swap3A_1904, %swap3A_1905], %swap3A_1908 {strides = array<i32>} : memref<4x64x128xf32, #tpu.memory_space<vmem>>, vector<1x1x16xf32>,
        %scan3A_1909 = arith.constant 0 : i32
        scf.yield %scan3A_1909 : i32
      }
      %scan3A_214 = arith.constant 4 : i32
      %mul3A_215 = arith.constant 2 : i32
      %mul3A_216 = arith.muli %rem3A_180, %mul3A_215 : i32
      %add3A_217 = arith.constant 1 : i32
      %add3A_218 = arith.addi %mul3A_216, %add3A_217 : i32
      "tpu.region"() ({
        %run_scoped3A_239 = tpu.sem_alloc : memref<!tpu.dma_semaphore, #tpu.memory_space<semaphore_mem>>
        %dma_start3A_240 = arith.constant 0 : i32
        %dma_start3A_241 = arith.constant 0 : i32
        %dma_start3A_242 = tpu.memref_slice %arg8[%rem3A_188, %dma_start3A_240, %dma_start3A_241] : memref<4x64x128xf32, #tpu.memory_space<vmem>> -> memref<1x64x128xf32, #tpu.memory_space<vmem>>
        %dma_start3A_243 = tpu.memref_squeeze %dma_start3A_242 : memref<1x64x128xf32, #tpu.memory_space<vmem>> -> memref<64x128xf32, #tpu.memory_space<vmem>>
        %dma_start3A_244 = arith.constant 0 : i32
        %dma_start3A_245 = tpu.memref_slice %arg6[%rem3A_182, %add3A_218, %dma_start3A_244] : memref<2x16x64xi32, #tpu.memory_space<vmem>> -> memref<1x1x64xi32, #tpu.memory_space<vmem>>
        %dma_start3A_246 = tpu.memref_squeeze %dma_start3A_245 : memref<1x1x64xi32, #tpu.memory_space<vmem>> -> memref<64xi32, #tpu.memory_space<vmem>>
        %dma_start3A_247 = arith.constant 0 : i32
        %dma_start3A_248 = arith.constant 0 : i32
        %dma_start3A_249 = tpu.memref_slice %arg12[%dma_start3A_247, %dma_start3A_248] : memref<10240x128xf32, #tpu.memory_space<vmem_shared>> -> memref<10240x128xf32, #tpu.memory_space<vmem_shared>>
        tpu.enqueue_indirect_dma source(%dma_start3A_243 : memref<64x128xf32, #tpu.memory_space<vmem>>) target(%dma_start3A_249 : memref<10240x128xf32, #tpu.memory_space<vmem_shared>>) offsets(%dma_start3A_246 : memref<64xi32, #tpu.memory_space<vmem>>) semaphore(%run_scoped3A_239 : memref<!tpu.dma_semaphore, #tpu.memory_space<semaphore_mem>>) {add = true}
        %dma_wait3A_250 = arith.constant 0 : i32
        %dma_wait3A_251 = arith.constant 0 : i32
        %dma_wait3A_252 = tpu.memref_slice %arg8[%rem3A_188, %dma_wait3A_250, %dma_wait3A_251] : memref<4x64x128xf32, #tpu.memory_space<vmem>> -> memref<1x64x128xf32, #tpu.memory_space<vmem>>
        %dma_wait3A_253 = tpu.memref_squeeze %dma_wait3A_252 : memref<1x64x128xf32, #tpu.memory_space<vmem>> -> memref<64x128xf32, #tpu.memory_space<vmem>>
        %dma_wait3A_254 = arith.constant 0 : i32
        %dma_wait3A_255 = tpu.memref_slice %arg6[%rem3A_182, %add3A_218, %dma_wait3A_254] : memref<2x16x64xi32, #tpu.memory_space<vmem>> -> memref<1x1x64xi32, #tpu.memory_space<vmem>>
        %dma_wait3A_256 = tpu.memref_squeeze %dma_wait3A_255 : memref<1x1x64xi32, #tpu.memory_space<vmem>> -> memref<64xi32, #tpu.memory_space<vmem>>
        %dma_wait3A_257 = arith.constant 0 : i32
        %dma_wait3A_258 = arith.constant 0 : i32
        %dma_wait3A_259 = tpu.memref_slice %arg12[%dma_wait3A_257, %dma_wait3A_258] : memref<10240x128xf32, #tpu.memory_space<vmem_shared>> -> memref<10240x128xf32, #tpu.memory_space<vmem_shared>>
        tpu.wait_indirect_dma semaphore(%run_scoped3A_239 : memref<!tpu.dma_semaphore, #tpu.memory_space<semaphore_mem>>) src(%dma_wait3A_253 : memref<64x128xf32, #tpu.memory_space<vmem>>) dst(%dma_wait3A_259 : memref<10240x128xf32, #tpu.memory_space<vmem_shared>>)
        tpu.yield
      }) : () -> ()
      %eq3A = arith.constant 1 : i32
      %eq3A_219 = arith.cmpi eq, %rem3A_180, %eq3A : i32
      %lt3A = arith.constant 19 : i32
      %lt3A_220 = arith.cmpi slt, %select_n3A, %lt3A : i32
      %and3A_221 = arith.andi %eq3A_219, %lt3A_220 : i1
      %convert_element_type3A = arith.extui %and3A_221 : i1 to i32
      %cond3A = arith.constant 0 : i32
      %cond3A_222 = arith.cmpi ne, %convert_element_type3A, %cond3A : i32
      scf.if %cond3A_222 {
        %add3A_239 = arith.constant 1 : i32
        %add3A_240 = arith.addi %select_n3A, %add3A_239 : i32
        %dma_start3A_241 = arith.constant 0 : i32
        %dma_start3A_242 = arith.constant 0 : i32
        %dma_start3A_243 = tpu.memref_slice %arg6[%rem3A_186, %dma_start3A_241, %dma_start3A_242] : memref<2x16x64xi32, #tpu.memory_space<vmem>> -> memref<1x16x64xi32, #tpu.memory_space<vmem>>
        %dma_start3A_244 = tpu.memref_squeeze %dma_start3A_243 : memref<1x16x64xi32, #tpu.memory_space<vmem>> -> memref<16x64xi32, #tpu.memory_space<vmem>>
        %dma_start3A_245 = arith.constant 0 : i32
        %dma_start3A_246 = arith.constant 0 : i32
        %dma_start3A_247 = tpu.memref_slice %arg3[%add3A, %add3A_240, %dma_start3A_245, %dma_start3A_246] : memref<32x20x16x64xi32, #tpu.memory_space<hbm>> -> memref<1x1x16x64xi32, #tpu.memory_space<hbm>>
        %dma_start3A_248 = tpu.memref_squeeze %dma_start3A_247 : memref<1x1x16x64xi32, #tpu.memory_space<hbm>> -> memref<16x64xi32, #tpu.memory_space<hbm>>
        %dma_start3A_249 = tpu.memref_slice %arg10[%rem3A_186] : memref<2x!tpu.dma_semaphore, #tpu.memory_space<semaphore_mem>> -> memref<1x!tpu.dma_semaphore, #tpu.memory_space<semaphore_mem>>
        %dma_start3A_250 = tpu.memref_squeeze %dma_start3A_249 : memref<1x!tpu.dma_semaphore, #tpu.memory_space<semaphore_mem>> -> memref<!tpu.dma_semaphore, #tpu.memory_space<semaphore_mem>>
        %dma_start3A_251 = arith.constant 0 : i32
        %dma_start3A_252 = arith.constant 0 : i32
        %dma_start3A_253 = tpu.memref_slice %arg6[%rem3A_186, %dma_start3A_251, %dma_start3A_252] : memref<2x16x64xi32, #tpu.memory_space<vmem>> -> memref<1x16x64xi32, #tpu.memory_space<vmem>>
        %dma_start3A_254 = tpu.memref_squeeze %dma_start3A_253 : memref<1x16x64xi32, #tpu.memory_space<vmem>> -> memref<16x64xi32, #tpu.memory_space<vmem>>
        %dma_start3A_255 = arith.constant 0 : i32
        %dma_start3A_256 = arith.constant 0 : i32
        %dma_start3A_257 = tpu.memref_slice %arg3[%add3A, %add3A_240, %dma_start3A_255, %dma_start3A_256] : memref<32x20x16x64xi32, #tpu.memory_space<hbm>> -> memref<1x1x16x64xi32, #tpu.memory_space<hbm>>
        %dma_start3A_258 = tpu.memref_squeeze %dma_start3A_257 : memref<1x1x16x64xi32, #tpu.memory_space<hbm>> -> memref<16x64xi32, #tpu.memory_space<hbm>>
        tpu.enqueue_dma source(%dma_start3A_258 : memref<16x64xi32, #tpu.memory_space<hbm>>) target(%dma_start3A_254 : memref<16x64xi32, #tpu.memory_space<vmem>>) target_semaphore(%dma_start3A_250 : memref<!tpu.dma_semaphore, #tpu.memory_space<semaphore_mem>>)
        %add3A_259 = arith.constant 1 : i32
        %add3A_260 = arith.addi %select_n3A, %add3A_259 : i32
        %dma_start3A_261 = arith.constant 0 : i32
        %dma_start3A_262 = arith.constant 0 : i32
        %dma_start3A_263 = tpu.memref_slice %arg7[%rem3A_186, %dma_start3A_261, %dma_start3A_262] : memref<2x8x64xf32, #tpu.memory_space<vmem>> -> memref<1x8x64xf32, #tpu.memory_space<vmem>>
        %dma_start3A_264 = tpu.memref_squeeze %dma_start3A_263 : memref<1x8x64xf32, #tpu.memory_space<vmem>> -> memref<8x64xf32, #tpu.memory_space<vmem>>
        %dma_start3A_265 = arith.constant 0 : i32
        %dma_start3A_266 = arith.constant 0 : i32
        %dma_start3A_267 = tpu.memref_slice %arg4[%add3A, %add3A_260, %dma_start3A_265, %dma_start3A_266] : memref<32x20x8x64xf32, #tpu.memory_space<hbm>> -> memref<1x1x8x64xf32, #tpu.memory_space<hbm>>
        %dma_start3A_268 = tpu.memref_squeeze %dma_start3A_267 : memref<1x1x8x64xf32, #tpu.memory_space<hbm>> -> memref<8x64xf32, #tpu.memory_space<hbm>>
        %dma_start3A_269 = tpu.memref_slice %arg11[%rem3A_186] : memref<2x!tpu.dma_semaphore, #tpu.memory_space<semaphore_mem>> -> memref<1x!tpu.dma_semaphore, #tpu.memory_space<semaphore_mem>>
        %dma_start3A_270 = tpu.memref_squeeze %dma_start3A_269 : memref<1x!tpu.dma_semaphore, #tpu.memory_space<semaphore_mem>> -> memref<!tpu.dma_semaphore, #tpu.memory_space<semaphore_mem>>
        %dma_start3A_271 = arith.constant 0 : i32
        %dma_start3A_272 = arith.constant 0 : i32
        %dma_start3A_273 = tpu.memref_slice %arg7[%rem3A_186, %dma_start3A_271, %dma_start3A_272] : memref<2x8x64xf32, #tpu.memory_space<vmem>> -> memref<1x8x64xf32, #tpu.memory_space<vmem>>
        %dma_start3A_274 = tpu.memref_squeeze %dma_start3A_273 : memref<1x8x64xf32, #tpu.memory_space<vmem>> -> memref<8x64xf32, #tpu.memory_space<vmem>>
        %dma_start3A_275 = arith.constant 0 : i32
        %dma_start3A_276 = arith.constant 0 : i32
        %dma_start3A_277 = tpu.memref_slice %arg4[%add3A, %add3A_260, %dma_start3A_275, %dma_start3A_276] : memref<32x20x8x64xf32, #tpu.memory_space<hbm>> -> memref<1x1x8x64xf32, #tpu.memory_space<hbm>>
        %dma_start3A_278 = tpu.memref_squeeze %dma_start3A_277 : memref<1x1x8x64xf32, #tpu.memory_space<hbm>> -> memref<8x64xf32, #tpu.memory_space<hbm>>
        tpu.enqueue_dma source(%dma_start3A_278 : memref<8x64xf32, #tpu.memory_space<hbm>>) target(%dma_start3A_274 : memref<8x64xf32, #tpu.memory_space<vmem>>) target_semaphore(%dma_start3A_270 : memref<!tpu.dma_semaphore, #tpu.memory_space<semaphore_mem>>)
      } else {
      }
      %eq3A_223 = arith.constant 6 : i32
      %eq3A_224 = arith.cmpi eq, %rem3A_180, %eq3A_223 : i32
      %lt3A_225 = arith.constant 19 : i32
      %lt3A_226 = arith.cmpi slt, %select_n3A, %lt3A_225 : i32
      %and3A_227 = arith.andi %eq3A_224, %lt3A_226 : i1
      %convert_element_type3A_228 = arith.extui %and3A_227 : i1 to i32
      %cond3A_229 = arith.constant 0 : i32
      %cond3A_230 = arith.cmpi ne, %convert_element_type3A_228, %cond3A_229 : i32
      scf.if %cond3A_230 {
        %dma_wait3A_239 = arith.constant 0 : i32
        %dma_wait3A_240 = arith.constant 0 : i32
        %dma_wait3A_241 = arith.constant 0 : i32
        %dma_wait3A_242 = tpu.memref_slice %arg6[%rem3A_186, %dma_wait3A_240, %dma_wait3A_241] : memref<2x16x64xi32, #tpu.memory_space<vmem>> -> memref<1x16x64xi32, #tpu.memory_space<vmem>>
        %dma_wait3A_243 = tpu.memref_squeeze %dma_wait3A_242 : memref<1x16x64xi32, #tpu.memory_space<vmem>> -> memref<16x64xi32, #tpu.memory_space<vmem>>
        %dma_wait3A_244 = arith.constant 0 : i32
        %dma_wait3A_245 = arith.constant 0 : i32
        %dma_wait3A_246 = tpu.memref_slice %arg3[%add3A, %dma_wait3A_239, %dma_wait3A_244, %dma_wait3A_245] : memref<32x20x16x64xi32, #tpu.memory_space<hbm>> -> memref<1x1x16x64xi32, #tpu.memory_space<hbm>>
        %dma_wait3A_247 = tpu.memref_squeeze %dma_wait3A_246 : memref<1x1x16x64xi32, #tpu.memory_space<hbm>> -> memref<16x64xi32, #tpu.memory_space<hbm>>
        %dma_wait3A_248 = tpu.memref_slice %arg10[%rem3A_186] : memref<2x!tpu.dma_semaphore, #tpu.memory_space<semaphore_mem>> -> memref<1x!tpu.dma_semaphore, #tpu.memory_space<semaphore_mem>>
        %dma_wait3A_249 = tpu.memref_squeeze %dma_wait3A_248 : memref<1x!tpu.dma_semaphore, #tpu.memory_space<semaphore_mem>> -> memref<!tpu.dma_semaphore, #tpu.memory_space<semaphore_mem>>
        %dma_wait3A_250 = arith.constant 0 : i32
        %dma_wait3A_251 = arith.constant 0 : i32
        %dma_wait3A_252 = tpu.memref_slice %arg6[%rem3A_186, %dma_wait3A_250, %dma_wait3A_251] : memref<2x16x64xi32, #tpu.memory_space<vmem>> -> memref<1x16x64xi32, #tpu.memory_space<vmem>>
        %dma_wait3A_253 = tpu.memref_squeeze %dma_wait3A_252 : memref<1x16x64xi32, #tpu.memory_space<vmem>> -> memref<16x64xi32, #tpu.memory_space<vmem>>
        %dma_wait3A_254 = arith.constant 0 : i32
        %dma_wait3A_255 = arith.constant 0 : i32
        %dma_wait3A_256 = tpu.memref_slice %arg3[%add3A, %dma_wait3A_239, %dma_wait3A_254, %dma_wait3A_255] : memref<32x20x16x64xi32, #tpu.memory_space<hbm>> -> memref<1x1x16x64xi32, #tpu.memory_space<hbm>>
        %dma_wait3A_257 = tpu.memref_squeeze %dma_wait3A_256 : memref<1x1x16x64xi32, #tpu.memory_space<hbm>> -> memref<16x64xi32, #tpu.memory_space<hbm>>
        tpu.wait_dma2 semaphore(%dma_wait3A_249 : memref<!tpu.dma_semaphore, #tpu.memory_space<semaphore_mem>>) src(%dma_wait3A_257 : memref<16x64xi32, #tpu.memory_space<hbm>>) dst(%dma_wait3A_253 : memref<16x64xi32, #tpu.memory_space<vmem>>)
        %dma_wait3A_258 = arith.constant 0 : i32
        %dma_wait3A_259 = arith.constant 0 : i32
        %dma_wait3A_260 = arith.constant 0 : i32
        %dma_wait3A_261 = tpu.memref_slice %arg7[%rem3A_186, %dma_wait3A_259, %dma_wait3A_260] : memref<2x8x64xf32, #tpu.memory_space<vmem>> -> memref<1x8x64xf32, #tpu.memory_space<vmem>>
        %dma_wait3A_262 = tpu.memref_squeeze %dma_wait3A_261 : memref<1x8x64xf32, #tpu.memory_space<vmem>> -> memref<8x64xf32, #tpu.memory_space<vmem>>
        %dma_wait3A_263 = arith.constant 0 : i32
        %dma_wait3A_264 = arith.constant 0 : i32
        %dma_wait3A_265 = tpu.memref_slice %arg4[%add3A, %dma_wait3A_258, %dma_wait3A_263, %dma_wait3A_264] : memref<32x20x8x64xf32, #tpu.memory_space<hbm>> -> memref<1x1x8x64xf32, #tpu.memory_space<hbm>>
        %dma_wait3A_266 = tpu.memref_squeeze %dma_wait3A_265 : memref<1x1x8x64xf32, #tpu.memory_space<hbm>> -> memref<8x64xf32, #tpu.memory_space<hbm>>
        %dma_wait3A_267 = tpu.memref_slice %arg11[%rem3A_186] : memref<2x!tpu.dma_semaphore, #tpu.memory_space<semaphore_mem>> -> memref<1x!tpu.dma_semaphore, #tpu.memory_space<semaphore_mem>>
        %dma_wait3A_268 = tpu.memref_squeeze %dma_wait3A_267 : memref<1x!tpu.dma_semaphore, #tpu.memory_space<semaphore_mem>> -> memref<!tpu.dma_semaphore, #tpu.memory_space<semaphore_mem>>
        %dma_wait3A_269 = arith.constant 0 : i32
        %dma_wait3A_270 = arith.constant 0 : i32
        %dma_wait3A_271 = tpu.memref_slice %arg7[%rem3A_186, %dma_wait3A_269, %dma_wait3A_270] : memref<2x8x64xf32, #tpu.memory_space<vmem>> -> memref<1x8x64xf32, #tpu.memory_space<vmem>>
        %dma_wait3A_272 = tpu.memref_squeeze %dma_wait3A_271 : memref<1x8x64xf32, #tpu.memory_space<vmem>> -> memref<8x64xf32, #tpu.memory_space<vmem>>
        %dma_wait3A_273 = arith.constant 0 : i32
        %dma_wait3A_274 = arith.constant 0 : i32
        %dma_wait3A_275 = tpu.memref_slice %arg4[%add3A, %dma_wait3A_258, %dma_wait3A_273, %dma_wait3A_274] : memref<32x20x8x64xf32, #tpu.memory_space<hbm>> -> memref<1x1x8x64xf32, #tpu.memory_space<hbm>>
        %dma_wait3A_276 = tpu.memref_squeeze %dma_wait3A_275 : memref<1x1x8x64xf32, #tpu.memory_space<hbm>> -> memref<8x64xf32, #tpu.memory_space<hbm>>
        tpu.wait_dma2 semaphore(%dma_wait3A_268 : memref<!tpu.dma_semaphore, #tpu.memory_space<semaphore_mem>>) src(%dma_wait3A_276 : memref<8x64xf32, #tpu.memory_space<hbm>>) dst(%dma_wait3A_272 : memref<8x64xf32, #tpu.memory_space<vmem>>)
      } else {
      }
      %add3A_231 = arith.constant 2 : i32
      %add3A_232 = arith.addi %scan3A_161, %add3A_231 : i32
      %lt3A_233 = arith.constant 160 : i32
      %lt3A_234 = arith.cmpi slt, %add3A_232, %lt3A_233 : i32
      %convert_element_type3A_235 = arith.extui %lt3A_234 : i1 to i32
      %cond3A_236 = arith.constant 0 : i32
      %cond3A_237 = arith.cmpi ne, %convert_element_type3A_235, %cond3A_236 : i32
      scf.if %cond3A_237 {
        %add3A_239 = arith.constant 2 : i32
        %add3A_240 = arith.addi %scan3A_161, %add3A_239 : i32
        %jit3A_241 = arith.constant 8 : i32
        %div3A_242 = arith.divsi %add3A_240, %jit3A_241 : i32
        %sign3A_243 = arith.constant 0 : i32
        %sign3A_244 = arith.cmpi sgt, %add3A_240, %sign3A_243 : i32
        %sign3A_245 = arith.extui %sign3A_244 : i1 to i32
        %sign3A_246 = arith.constant 0 : i32
        %sign3A_247 = arith.cmpi slt, %add3A_240, %sign3A_246 : i32
        %sign3A_248 = arith.extui %sign3A_247 : i1 to i32
        %sign3A_249 = arith.subi %sign3A_245, %sign3A_248 : i32
        %sign3A_250 = arith.constant 0 : i32
        %sign3A_251 = arith.cmpi sgt, %jit3A_241, %sign3A_250 : i32
        %sign3A_252 = arith.extui %sign3A_251 : i1 to i32
        %sign3A_253 = arith.constant 0 : i32
        %sign3A_254 = arith.cmpi slt, %jit3A_241, %sign3A_253 : i32
        %sign3A_255 = arith.extui %sign3A_254 : i1 to i32
        %sign3A_256 = arith.subi %sign3A_252, %sign3A_255 : i32
        %ne3A_257 = arith.cmpi ne, %sign3A_249, %sign3A_256 : i32
        %rem3A_258 = arith.remsi %add3A_240, %jit3A_241 : i32
        %ne3A_259 = arith.constant 0 : i32
        %ne3A_260 = arith.cmpi ne, %rem3A_258, %ne3A_259 : i32
        %and3A_261 = arith.andi %ne3A_257, %ne3A_260 : i1
        %sub3A_262 = arith.constant 1 : i32
        %sub3A_263 = arith.subi %div3A_242, %sub3A_262 : i32
        %select_n3A_264 = arith.select %and3A_261, %sub3A_263, %div3A_242 : i32
        %rem3A_265 = arith.constant 2 : i32
        %rem3A_266 = arith.remsi %select_n3A_264, %rem3A_265 : i32
        %add3A_267 = arith.constant 2 : i32
        %add3A_268 = arith.addi %scan3A_161, %add3A_267 : i32
        %rem3A_269 = arith.constant 8 : i32
        %rem3A_270 = arith.remsi %add3A_268, %rem3A_269 : i32
        %mul3A_271 = arith.constant 2 : i32
        %mul3A_272 = arith.muli %rem3A_270, %mul3A_271 : i32
        %dma_start3A_273 = arith.constant 0 : i32
        %dma_start3A_274 = arith.constant 0 : i32
        %dma_start3A_275 = tpu.memref_slice %arg8[%rem3A_192, %dma_start3A_273, %dma_start3A_274] : memref<4x64x128xf32, #tpu.memory_space<vmem>> -> memref<1x64x128xf32, #tpu.memory_space<vmem>>
        %dma_start3A_276 = tpu.memref_squeeze %dma_start3A_275 : memref<1x64x128xf32, #tpu.memory_space<vmem>> -> memref<64x128xf32, #tpu.memory_space<vmem>>
        %dma_start3A_277 = arith.constant 0 : i32
        %dma_start3A_278 = tpu.memref_slice %arg6[%rem3A_266, %mul3A_272, %dma_start3A_277] : memref<2x16x64xi32, #tpu.memory_space<vmem>> -> memref<1x1x64xi32, #tpu.memory_space<vmem>>
        %dma_start3A_279 = tpu.memref_squeeze %dma_start3A_278 : memref<1x1x64xi32, #tpu.memory_space<vmem>> -> memref<64xi32, #tpu.memory_space<vmem>>
        %dma_start3A_280 = arith.constant 0 : i32
        %dma_start3A_281 = arith.constant 0 : i32
        %dma_start3A_282 = tpu.memref_slice %arg2[%dma_start3A_280, %dma_start3A_281] : memref<10000x128xf32, #tpu.memory_space<hbm>> -> memref<10000x128xf32, #tpu.memory_space<hbm>>
        %dma_start3A_283 = tpu.memref_slice %arg9[%rem3A_192] : memref<4x!tpu.dma_semaphore, #tpu.memory_space<semaphore_mem>> -> memref<1x!tpu.dma_semaphore, #tpu.memory_space<semaphore_mem>>
        %dma_start3A_284 = tpu.memref_squeeze %dma_start3A_283 : memref<1x!tpu.dma_semaphore, #tpu.memory_space<semaphore_mem>> -> memref<!tpu.dma_semaphore, #tpu.memory_space<semaphore_mem>>
        tpu.enqueue_indirect_dma source(%dma_start3A_282 : memref<10000x128xf32, #tpu.memory_space<hbm>>) target(%dma_start3A_276 : memref<64x128xf32, #tpu.memory_space<vmem>>) offsets(%dma_start3A_279 : memref<64xi32, #tpu.memory_space<vmem>>) semaphore(%dma_start3A_284 : memref<!tpu.dma_semaphore, #tpu.memory_space<semaphore_mem>>)
      } else {
      }
      %scan3A_238 = arith.constant 0 : i32
      scf.yield %scan3A_238 : i32
    }
    %scan3A_122 = arith.constant 160 : i32
    %barrier3A_123 = arith.constant 0 : index
    tpu.barrier barrier_id(%barrier3A_123)
    "tpu.region"() ({
      %run_scoped3A_161 = tpu.sem_alloc : memref<!tpu.dma_semaphore, #tpu.memory_space<semaphore_mem>>
      %dma_start3A_162 = arith.constant 0 : i32
      %dma_start3A_163 = tpu.memref_slice %arg5[%arg0, %mul3A_53, %dma_start3A_162] : memref<2x10240x128xf32, #tpu.memory_space<hbm>> -> memref<1x640x128xf32, #tpu.memory_space<hbm>>
      %dma_start3A_164 = tpu.memref_squeeze %dma_start3A_163 : memref<1x640x128xf32, #tpu.memory_space<hbm>> -> memref<640x128xf32, #tpu.memory_space<hbm>>
      %dma_start3A_165 = arith.constant 0 : i32
      %dma_start3A_166 = tpu.memref_slice %arg12[%mul3A_53, %dma_start3A_165] : memref<10240x128xf32, #tpu.memory_space<vmem_shared>> -> memref<640x128xf32, #tpu.memory_space<vmem_shared>>
      tpu.enqueue_dma source(%dma_start3A_166 : memref<640x128xf32, #tpu.memory_space<vmem_shared>>) target(%dma_start3A_164 : memref<640x128xf32, #tpu.memory_space<hbm>>) target_semaphore(%run_scoped3A_161 : memref<!tpu.dma_semaphore, #tpu.memory_space<semaphore_mem>>)
      %dma_wait3A = arith.constant 0 : i32
      %dma_wait3A_167 = tpu.memref_slice %arg5[%arg0, %mul3A_53, %dma_wait3A] : memref<2x10240x128xf32, #tpu.memory_space<hbm>> -> memref<1x640x128xf32, #tpu.memory_space<hbm>>
      %dma_wait3A_168 = tpu.memref_squeeze %dma_wait3A_167 : memref<1x640x128xf32, #tpu.memory_space<hbm>> -> memref<640x128xf32, #tpu.memory_space<hbm>>
      %dma_wait3A_169 = arith.constant 0 : i32
      %dma_wait3A_170 = tpu.memref_slice %arg12[%mul3A_53, %dma_wait3A_169] : memref<10240x128xf32, #tpu.memory_space<vmem_shared>> -> memref<640x128xf32, #tpu.memory_space<vmem_shared>>
      tpu.wait_dma2 semaphore(%run_scoped3A_161 : memref<!tpu.dma_semaphore, #tpu.memory_space<semaphore_mem>>) src(%dma_wait3A_170 : memref<640x128xf32, #tpu.memory_space<vmem_shared>>) dst(%dma_wait3A_168 : memref<640x128xf32, #tpu.memory_space<hbm>>)
      tpu.yield
    }) : () -> ()
    %scan3A_124 = arith.constant 0 : i32
    %scan3A_125 = arith.constant 0 : i32
    %scan3A_126 = arith.constant 64 : i32
    %scan3A_127 = arith.addi %scan3A_125, %scan3A_126 : i32
    %scan3A_128 = arith.constant 1 : i32
    %scan3A_129 = scf.for %scan3A_161 = %scan3A_125 to %scan3A_127 step %scan3A_128 iter_args(%scan3A_162 = %scan3A_124) -> (i32)  : i32 {
      %swap3A = arith.constant 0 : i32
      %swap3A_163 = arith.index_cast %swap3A : i32 to index
      %swap3A_164 = arith.index_cast %scan3A_161 : i32 to index
      %swap3A_165 = arith.constant 0 : index
      %swap3A_166 = tpu.vector_load %arg8[%swap3A_163, %swap3A_164, %swap3A_165] {strides = array<i32>} : memref<4x64x128xf32, #tpu.memory_space<vmem>>, vector<1x1x16xf32>,
      %swap3A_167 = vector.shape_cast %swap3A_166 : vector<1x1x16xf32> to vector<16xf32>
      %swap3A_168 = vector.shape_cast %broadcast_in_dim3A_45 : vector<16xf32> to vector<1x1x16xf32>
      tpu.vector_store %arg8[%swap3A_163, %swap3A_164, %swap3A_165], %swap3A_168 {strides = array<i32>} : memref<4x64x128xf32, #tpu.memory_space<vmem>>, vector<1x1x16xf32>,
      %swap3A_169 = arith.constant 0 : i32
      %swap3A_170 = arith.index_cast %swap3A_169 : i32 to index
      %swap3A_171 = arith.index_cast %scan3A_161 : i32 to index
      %swap3A_172 = arith.constant 16 : index
      %swap3A_173 = tpu.vector_load %arg8[%swap3A_170, %swap3A_171, %swap3A_172] {strides = array<i32>} : memref<4x64x128xf32, #tpu.memory_space<vmem>>, vector<1x1x16xf32>,
      %swap3A_174 = vector.shape_cast %swap3A_173 : vector<1x1x16xf32> to vector<16xf32>
      %swap3A_175 = vector.shape_cast %broadcast_in_dim3A_45 : vector<16xf32> to vector<1x1x16xf32>
      tpu.vector_store %arg8[%swap3A_170, %swap3A_171, %swap3A_172], %swap3A_175 {strides = array<i32>} : memref<4x64x128xf32, #tpu.memory_space<vmem>>, vector<1x1x16xf32>,
      %swap3A_176 = arith.constant 0 : i32
      %swap3A_177 = arith.index_cast %swap3A_176 : i32 to index
      %swap3A_178 = arith.index_cast %scan3A_161 : i32 to index
      %swap3A_179 = arith.constant 32 : index
      %swap3A_180 = tpu.vector_load %arg8[%swap3A_177, %swap3A_178, %swap3A_179] {strides = array<i32>} : memref<4x64x128xf32, #tpu.memory_space<vmem>>, vector<1x1x16xf32>,
      %swap3A_181 = vector.shape_cast %swap3A_180 : vector<1x1x16xf32> to vector<16xf32>
      %swap3A_182 = vector.shape_cast %broadcast_in_dim3A_45 : vector<16xf32> to vector<1x1x16xf32>
      tpu.vector_store %arg8[%swap3A_177, %swap3A_178, %swap3A_179], %swap3A_182 {strides = array<i32>} : memref<4x64x128xf32, #tpu.memory_space<vmem>>, vector<1x1x16xf32>,
      %swap3A_183 = arith.constant 0 : i32
      %swap3A_184 = arith.index_cast %swap3A_183 : i32 to index
      %swap3A_185 = arith.index_cast %scan3A_161 : i32 to index
      %swap3A_186 = arith.constant 48 : index
      %swap3A_187 = tpu.vector_load %arg8[%swap3A_184, %swap3A_185, %swap3A_186] {strides = array<i32>} : memref<4x64x128xf32, #tpu.memory_space<vmem>>, vector<1x1x16xf32>,
      %swap3A_188 = vector.shape_cast %swap3A_187 : vector<1x1x16xf32> to vector<16xf32>
      %swap3A_189 = vector.shape_cast %broadcast_in_dim3A_45 : vector<16xf32> to vector<1x1x16xf32>
      tpu.vector_store %arg8[%swap3A_184, %swap3A_185, %swap3A_186], %swap3A_189 {strides = array<i32>} : memref<4x64x128xf32, #tpu.memory_space<vmem>>, vector<1x1x16xf32>,
      %swap3A_190 = arith.constant 0 : i32
      %swap3A_191 = arith.index_cast %swap3A_190 : i32 to index
      %swap3A_192 = arith.index_cast %scan3A_161 : i32 to index
      %swap3A_193 = arith.constant 64 : index
      %swap3A_194 = tpu.vector_load %arg8[%swap3A_191, %swap3A_192, %swap3A_193] {strides = array<i32>} : memref<4x64x128xf32, #tpu.memory_space<vmem>>, vector<1x1x16xf32>,
      %swap3A_195 = vector.shape_cast %swap3A_194 : vector<1x1x16xf32> to vector<16xf32>
      %swap3A_196 = vector.shape_cast %broadcast_in_dim3A_45 : vector<16xf32> to vector<1x1x16xf32>
      tpu.vector_store %arg8[%swap3A_191, %swap3A_192, %swap3A_193], %swap3A_196 {strides = array<i32>} : memref<4x64x128xf32, #tpu.memory_space<vmem>>, vector<1x1x16xf32>,
      %swap3A_197 = arith.constant 0 : i32
      %swap3A_198 = arith.index_cast %swap3A_197 : i32 to index
      %swap3A_199 = arith.index_cast %scan3A_161 : i32 to index
      %swap3A_200 = arith.constant 80 : index
      %swap3A_201 = tpu.vector_load %arg8[%swap3A_198, %swap3A_199, %swap3A_200] {strides = array<i32>} : memref<4x64x128xf32, #tpu.memory_space<vmem>>, vector<1x1x16xf32>,
      %swap3A_202 = vector.shape_cast %swap3A_201 : vector<1x1x16xf32> to vector<16xf32>
      %swap3A_203 = vector.shape_cast %broadcast_in_dim3A_45 : vector<16xf32> to vector<1x1x16xf32>
      tpu.vector_store %arg8[%swap3A_198, %swap3A_199, %swap3A_200], %swap3A_203 {strides = array<i32>} : memref<4x64x128xf32, #tpu.memory_space<vmem>>, vector<1x1x16xf32>,
      %swap3A_204 = arith.constant 0 : i32
      %swap3A_205 = arith.index_cast %swap3A_204 : i32 to index
      %swap3A_206 = arith.index_cast %scan3A_161 : i32 to index
      %swap3A_207 = arith.constant 96 : index
      %swap3A_208 = tpu.vector_load %arg8[%swap3A_205, %swap3A_206, %swap3A_207] {strides = array<i32>} : memref<4x64x128xf32, #tpu.memory_space<vmem>>, vector<1x1x16xf32>,
      %swap3A_209 = vector.shape_cast %swap3A_208 : vector<1x1x16xf32> to vector<16xf32>
      %swap3A_210 = vector.shape_cast %broadcast_in_dim3A_45 : vector<16xf32> to vector<1x1x16xf32>
      tpu.vector_store %arg8[%swap3A_205, %swap3A_206, %swap3A_207], %swap3A_210 {strides = array<i32>} : memref<4x64x128xf32, #tpu.memory_space<vmem>>, vector<1x1x16xf32>,
      %swap3A_211 = arith.constant 0 : i32
      %swap3A_212 = arith.index_cast %swap3A_211 : i32 to index
      %swap3A_213 = arith.index_cast %scan3A_161 : i32 to index
      %swap3A_214 = arith.constant 112 : index
      %swap3A_215 = tpu.vector_load %arg8[%swap3A_212, %swap3A_213, %swap3A_214] {strides = array<i32>} : memref<4x64x128xf32, #tpu.memory_space<vmem>>, vector<1x1x16xf32>,
      %swap3A_216 = vector.shape_cast %swap3A_215 : vector<1x1x16xf32> to vector<16xf32>
      %swap3A_217 = vector.shape_cast %broadcast_in_dim3A_45 : vector<16xf32> to vector<1x1x16xf32>
      tpu.vector_store %arg8[%swap3A_212, %swap3A_213, %swap3A_214], %swap3A_217 {strides = array<i32>} : memref<4x64x128xf32, #tpu.memory_space<vmem>>, vector<1x1x16xf32>,
      %scan3A_218 = arith.constant 0 : i32
      scf.yield %scan3A_218 : i32
    }
    %scan3A_130 = arith.constant 64 : i32
    %add3A_131 = arith.constant 0 : i32
    %add3A_132 = arith.addi %mul3A_53, %add3A_131 : i32
    %run_scoped3A_133 = arith.constant 0 : i32
    "tpu.region"() ({
      %run_scoped3A_161 = tpu.sem_alloc : memref<!tpu.dma_semaphore, #tpu.memory_space<semaphore_mem>>
      %dma_start3A_162 = arith.constant 0 : i32
      %dma_start3A_163 = arith.constant 0 : i32
      %dma_start3A_164 = tpu.memref_slice %arg8[%run_scoped3A_133, %dma_start3A_162, %dma_start3A_163] : memref<4x64x128xf32, #tpu.memory_space<vmem>> -> memref<1x64x128xf32, #tpu.memory_space<vmem>>
      %dma_start3A_165 = tpu.memref_squeeze %dma_start3A_164 : memref<1x64x128xf32, #tpu.memory_space<vmem>> -> memref<64x128xf32, #tpu.memory_space<vmem>>
      %dma_start3A_166 = arith.constant 0 : i32
      %dma_start3A_167 = tpu.memref_slice %arg12[%add3A_132, %dma_start3A_166] : memref<10240x128xf32, #tpu.memory_space<vmem_shared>> -> memref<64x128xf32, #tpu.memory_space<vmem_shared>>
      %dma_start3A_168 = arith.constant 0 : i32
      %dma_start3A_169 = tpu.memref_slice %arg12[%add3A_132, %dma_start3A_168] : memref<10240x128xf32, #tpu.memory_space<vmem_shared>> -> memref<64x128xf32, #tpu.memory_space<vmem_shared>>
      %dma_start3A_170 = arith.constant 0 : i32
      %dma_start3A_171 = arith.constant 0 : i32
      %dma_start3A_172 = tpu.memref_slice %arg8[%run_scoped3A_133, %dma_start3A_170, %dma_start3A_171] : memref<4x64x128xf32, #tpu.memory_space<vmem>> -> memref<1x64x128xf32, #tpu.memory_space<vmem>>
      %dma_start3A_173 = tpu.memref_squeeze %dma_start3A_172 : memref<1x64x128xf32, #tpu.memory_space<vmem>> -> memref<64x128xf32, #tpu.memory_space<vmem>>
      tpu.enqueue_dma source(%dma_start3A_173 : memref<64x128xf32, #tpu.memory_space<vmem>>) target(%dma_start3A_169 : memref<64x128xf32, #tpu.memory_space<vmem_shared>>) target_semaphore(%run_scoped3A_161 : memref<!tpu.dma_semaphore, #tpu.memory_space<semaphore_mem>>)
      %dma_wait3A = arith.constant 0 : i32
      %dma_wait3A_174 = arith.constant 0 : i32
      %dma_wait3A_175 = tpu.memref_slice %arg8[%run_scoped3A_133, %dma_wait3A, %dma_wait3A_174] : memref<4x64x128xf32, #tpu.memory_space<vmem>> -> memref<1x64x128xf32, #tpu.memory_space<vmem>>
      %dma_wait3A_176 = tpu.memref_squeeze %dma_wait3A_175 : memref<1x64x128xf32, #tpu.memory_space<vmem>> -> memref<64x128xf32, #tpu.memory_space<vmem>>
      %dma_wait3A_177 = arith.constant 0 : i32
      %dma_wait3A_178 = tpu.memref_slice %arg12[%add3A_132, %dma_wait3A_177] : memref<10240x128xf32, #tpu.memory_space<vmem_shared>> -> memref<64x128xf32, #tpu.memory_space<vmem_shared>>
      %dma_wait3A_179 = arith.constant 0 : i32
      %dma_wait3A_180 = tpu.memref_slice %arg12[%add3A_132, %dma_wait3A_179] : memref<10240x128xf32, #tpu.memory_space<vmem_shared>> -> memref<64x128xf32, #tpu.memory_space<vmem_shared>>
      %dma_wait3A_181 = arith.constant 0 : i32
      %dma_wait3A_182 = arith.constant 0 : i32
      %dma_wait3A_183 = tpu.memref_slice %arg8[%run_scoped3A_133, %dma_wait3A_181, %dma_wait3A_182] : memref<4x64x128xf32, #tpu.memory_space<vmem>> -> memref<1x64x128xf32, #tpu.memory_space<vmem>>
      %dma_wait3A_184 = tpu.memref_squeeze %dma_wait3A_183 : memref<1x64x128xf32, #tpu.memory_space<vmem>> -> memref<64x128xf32, #tpu.memory_space<vmem>>
      tpu.wait_dma2 semaphore(%run_scoped3A_161 : memref<!tpu.dma_semaphore, #tpu.memory_space<semaphore_mem>>) src(%dma_wait3A_184 : memref<64x128xf32, #tpu.memory_space<vmem>>) dst(%dma_wait3A_180 : memref<64x128xf32, #tpu.memory_space<vmem_shared>>)
      tpu.yield
    }) : () -> ()
    %add3A_134 = arith.constant 64 : i32
    %add3A_135 = arith.addi %mul3A_53, %add3A_134 : i32
    %run_scoped3A_136 = arith.constant 0 : i32
    "tpu.region"() ({
      %run_scoped3A_161 = tpu.sem_alloc : memref<!tpu.dma_semaphore, #tpu.memory_space<semaphore_mem>>
      %dma_start3A_162 = arith.constant 0 : i32
      %dma_start3A_163 = arith.constant 0 : i32
      %dma_start3A_164 = tpu.memref_slice %arg8[%run_scoped3A_136, %dma_start3A_162, %dma_start3A_163] : memref<4x64x128xf32, #tpu.memory_space<vmem>> -> memref<1x64x128xf32, #tpu.memory_space<vmem>>
      %dma_start3A_165 = tpu.memref_squeeze %dma_start3A_164 : memref<1x64x128xf32, #tpu.memory_space<vmem>> -> memref<64x128xf32, #tpu.memory_space<vmem>>
      %dma_start3A_166 = arith.constant 0 : i32
      %dma_start3A_167 = tpu.memref_slice %arg12[%add3A_135, %dma_start3A_166] : memref<10240x128xf32, #tpu.memory_space<vmem_shared>> -> memref<64x128xf32, #tpu.memory_space<vmem_shared>>
      %dma_start3A_168 = arith.constant 0 : i32
      %dma_start3A_169 = tpu.memref_slice %arg12[%add3A_135, %dma_start3A_168] : memref<10240x128xf32, #tpu.memory_space<vmem_shared>> -> memref<64x128xf32, #tpu.memory_space<vmem_shared>>
      %dma_start3A_170 = arith.constant 0 : i32
      %dma_start3A_171 = arith.constant 0 : i32
      %dma_start3A_172 = tpu.memref_slice %arg8[%run_scoped3A_136, %dma_start3A_170, %dma_start3A_171] : memref<4x64x128xf32, #tpu.memory_space<vmem>> -> memref<1x64x128xf32, #tpu.memory_space<vmem>>
      %dma_start3A_173 = tpu.memref_squeeze %dma_start3A_172 : memref<1x64x128xf32, #tpu.memory_space<vmem>> -> memref<64x128xf32, #tpu.memory_space<vmem>>
      tpu.enqueue_dma source(%dma_start3A_173 : memref<64x128xf32, #tpu.memory_space<vmem>>) target(%dma_start3A_169 : memref<64x128xf32, #tpu.memory_space<vmem_shared>>) target_semaphore(%run_scoped3A_161 : memref<!tpu.dma_semaphore, #tpu.memory_space<semaphore_mem>>)
      %dma_wait3A = arith.constant 0 : i32
      %dma_wait3A_174 = arith.constant 0 : i32
      %dma_wait3A_175 = tpu.memref_slice %arg8[%run_scoped3A_136, %dma_wait3A, %dma_wait3A_174] : memref<4x64x128xf32, #tpu.memory_space<vmem>> -> memref<1x64x128xf32, #tpu.memory_space<vmem>>
      %dma_wait3A_176 = tpu.memref_squeeze %dma_wait3A_175 : memref<1x64x128xf32, #tpu.memory_space<vmem>> -> memref<64x128xf32, #tpu.memory_space<vmem>>
      %dma_wait3A_177 = arith.constant 0 : i32
      %dma_wait3A_178 = tpu.memref_slice %arg12[%add3A_135, %dma_wait3A_177] : memref<10240x128xf32, #tpu.memory_space<vmem_shared>> -> memref<64x128xf32, #tpu.memory_space<vmem_shared>>
      %dma_wait3A_179 = arith.constant 0 : i32
      %dma_wait3A_180 = tpu.memref_slice %arg12[%add3A_135, %dma_wait3A_179] : memref<10240x128xf32, #tpu.memory_space<vmem_shared>> -> memref<64x128xf32, #tpu.memory_space<vmem_shared>>
      %dma_wait3A_181 = arith.constant 0 : i32
      %dma_wait3A_182 = arith.constant 0 : i32
      %dma_wait3A_183 = tpu.memref_slice %arg8[%run_scoped3A_136, %dma_wait3A_181, %dma_wait3A_182] : memref<4x64x128xf32, #tpu.memory_space<vmem>> -> memref<1x64x128xf32, #tpu.memory_space<vmem>>
      %dma_wait3A_184 = tpu.memref_squeeze %dma_wait3A_183 : memref<1x64x128xf32, #tpu.memory_space<vmem>> -> memref<64x128xf32, #tpu.memory_space<vmem>>
      tpu.wait_dma2 semaphore(%run_scoped3A_161 : memref<!tpu.dma_semaphore, #tpu.memory_space<semaphore_mem>>) src(%dma_wait3A_184 : memref<64x128xf32, #tpu.memory_space<vmem>>) dst(%dma_wait3A_180 : memref<64x128xf32, #tpu.memory_space<vmem_shared>>)
      tpu.yield
    }) : () -> ()
    %add3A_137 = arith.constant 128 : i32
    %add3A_138 = arith.addi %mul3A_53, %add3A_137 : i32
    %run_scoped3A_139 = arith.constant 0 : i32
    "tpu.region"() ({
      %run_scoped3A_161 = tpu.sem_alloc : memref<!tpu.dma_semaphore, #tpu.memory_space<semaphore_mem>>
      %dma_start3A_162 = arith.constant 0 : i32
      %dma_start3A_163 = arith.constant 0 : i32
      %dma_start3A_164 = tpu.memref_slice %arg8[%run_scoped3A_139, %dma_start3A_162, %dma_start3A_163] : memref<4x64x128xf32, #tpu.memory_space<vmem>> -> memref<1x64x128xf32, #tpu.memory_space<vmem>>
      %dma_start3A_165 = tpu.memref_squeeze %dma_start3A_164 : memref<1x64x128xf32, #tpu.memory_space<vmem>> -> memref<64x128xf32, #tpu.memory_space<vmem>>
      %dma_start3A_166 = arith.constant 0 : i32
      %dma_start3A_167 = tpu.memref_slice %arg12[%add3A_138, %dma_start3A_166] : memref<10240x128xf32, #tpu.memory_space<vmem_shared>> -> memref<64x128xf32, #tpu.memory_space<vmem_shared>>
      %dma_start3A_168 = arith.constant 0 : i32
      %dma_start3A_169 = tpu.memref_slice %arg12[%add3A_138, %dma_start3A_168] : memref<10240x128xf32, #tpu.memory_space<vmem_shared>> -> memref<64x128xf32, #tpu.memory_space<vmem_shared>>
      %dma_start3A_170 = arith.constant 0 : i32
      %dma_start3A_171 = arith.constant 0 : i32
      %dma_start3A_172 = tpu.memref_slice %arg8[%run_scoped3A_139, %dma_start3A_170, %dma_start3A_171] : memref<4x64x128xf32, #tpu.memory_space<vmem>> -> memref<1x64x128xf32, #tpu.memory_space<vmem>>
      %dma_start3A_173 = tpu.memref_squeeze %dma_start3A_172 : memref<1x64x128xf32, #tpu.memory_space<vmem>> -> memref<64x128xf32, #tpu.memory_space<vmem>>
      tpu.enqueue_dma source(%dma_start3A_173 : memref<64x128xf32, #tpu.memory_space<vmem>>) target(%dma_start3A_169 : memref<64x128xf32, #tpu.memory_space<vmem_shared>>) target_semaphore(%run_scoped3A_161 : memref<!tpu.dma_semaphore, #tpu.memory_space<semaphore_mem>>)
      %dma_wait3A = arith.constant 0 : i32
      %dma_wait3A_174 = arith.constant 0 : i32
      %dma_wait3A_175 = tpu.memref_slice %arg8[%run_scoped3A_139, %dma_wait3A, %dma_wait3A_174] : memref<4x64x128xf32, #tpu.memory_space<vmem>> -> memref<1x64x128xf32, #tpu.memory_space<vmem>>
      %dma_wait3A_176 = tpu.memref_squeeze %dma_wait3A_175 : memref<1x64x128xf32, #tpu.memory_space<vmem>> -> memref<64x128xf32, #tpu.memory_space<vmem>>
      %dma_wait3A_177 = arith.constant 0 : i32
      %dma_wait3A_178 = tpu.memref_slice %arg12[%add3A_138, %dma_wait3A_177] : memref<10240x128xf32, #tpu.memory_space<vmem_shared>> -> memref<64x128xf32, #tpu.memory_space<vmem_shared>>
      %dma_wait3A_179 = arith.constant 0 : i32
      %dma_wait3A_180 = tpu.memref_slice %arg12[%add3A_138, %dma_wait3A_179] : memref<10240x128xf32, #tpu.memory_space<vmem_shared>> -> memref<64x128xf32, #tpu.memory_space<vmem_shared>>
      %dma_wait3A_181 = arith.constant 0 : i32
      %dma_wait3A_182 = arith.constant 0 : i32
      %dma_wait3A_183 = tpu.memref_slice %arg8[%run_scoped3A_139, %dma_wait3A_181, %dma_wait3A_182] : memref<4x64x128xf32, #tpu.memory_space<vmem>> -> memref<1x64x128xf32, #tpu.memory_space<vmem>>
      %dma_wait3A_184 = tpu.memref_squeeze %dma_wait3A_183 : memref<1x64x128xf32, #tpu.memory_space<vmem>> -> memref<64x128xf32, #tpu.memory_space<vmem>>
      tpu.wait_dma2 semaphore(%run_scoped3A_161 : memref<!tpu.dma_semaphore, #tpu.memory_space<semaphore_mem>>) src(%dma_wait3A_184 : memref<64x128xf32, #tpu.memory_space<vmem>>) dst(%dma_wait3A_180 : memref<64x128xf32, #tpu.memory_space<vmem_shared>>)
      tpu.yield
    }) : () -> ()
    %add3A_140 = arith.constant 192 : i32
    %add3A_141 = arith.addi %mul3A_53, %add3A_140 : i32
    %run_scoped3A_142 = arith.constant 0 : i32
    "tpu.region"() ({
      %run_scoped3A_161 = tpu.sem_alloc : memref<!tpu.dma_semaphore, #tpu.memory_space<semaphore_mem>>
      %dma_start3A_162 = arith.constant 0 : i32
      %dma_start3A_163 = arith.constant 0 : i32
      %dma_start3A_164 = tpu.memref_slice %arg8[%run_scoped3A_142, %dma_start3A_162, %dma_start3A_163] : memref<4x64x128xf32, #tpu.memory_space<vmem>> -> memref<1x64x128xf32, #tpu.memory_space<vmem>>
      %dma_start3A_165 = tpu.memref_squeeze %dma_start3A_164 : memref<1x64x128xf32, #tpu.memory_space<vmem>> -> memref<64x128xf32, #tpu.memory_space<vmem>>
      %dma_start3A_166 = arith.constant 0 : i32
      %dma_start3A_167 = tpu.memref_slice %arg12[%add3A_141, %dma_start3A_166] : memref<10240x128xf32, #tpu.memory_space<vmem_shared>> -> memref<64x128xf32, #tpu.memory_space<vmem_shared>>
      %dma_start3A_168 = arith.constant 0 : i32
      %dma_start3A_169 = tpu.memref_slice %arg12[%add3A_141, %dma_start3A_168] : memref<10240x128xf32, #tpu.memory_space<vmem_shared>> -> memref<64x128xf32, #tpu.memory_space<vmem_shared>>
      %dma_start3A_170 = arith.constant 0 : i32
      %dma_start3A_171 = arith.constant 0 : i32
      %dma_start3A_172 = tpu.memref_slice %arg8[%run_scoped3A_142, %dma_start3A_170, %dma_start3A_171] : memref<4x64x128xf32, #tpu.memory_space<vmem>> -> memref<1x64x128xf32, #tpu.memory_space<vmem>>
      %dma_start3A_173 = tpu.memref_squeeze %dma_start3A_172 : memref<1x64x128xf32, #tpu.memory_space<vmem>> -> memref<64x128xf32, #tpu.memory_space<vmem>>
      tpu.enqueue_dma source(%dma_start3A_173 : memref<64x128xf32, #tpu.memory_space<vmem>>) target(%dma_start3A_169 : memref<64x128xf32, #tpu.memory_space<vmem_shared>>) target_semaphore(%run_scoped3A_161 : memref<!tpu.dma_semaphore, #tpu.memory_space<semaphore_mem>>)
      %dma_wait3A = arith.constant 0 : i32
      %dma_wait3A_174 = arith.constant 0 : i32
      %dma_wait3A_175 = tpu.memref_slice %arg8[%run_scoped3A_142, %dma_wait3A, %dma_wait3A_174] : memref<4x64x128xf32, #tpu.memory_space<vmem>> -> memref<1x64x128xf32, #tpu.memory_space<vmem>>
      %dma_wait3A_176 = tpu.memref_squeeze %dma_wait3A_175 : memref<1x64x128xf32, #tpu.memory_space<vmem>> -> memref<64x128xf32, #tpu.memory_space<vmem>>
      %dma_wait3A_177 = arith.constant 0 : i32
      %dma_wait3A_178 = tpu.memref_slice %arg12[%add3A_141, %dma_wait3A_177] : memref<10240x128xf32, #tpu.memory_space<vmem_shared>> -> memref<64x128xf32, #tpu.memory_space<vmem_shared>>
      %dma_wait3A_179 = arith.constant 0 : i32
      %dma_wait3A_180 = tpu.memref_slice %arg12[%add3A_141, %dma_wait3A_179] : memref<10240x128xf32, #tpu.memory_space<vmem_shared>> -> memref<64x128xf32, #tpu.memory_space<vmem_shared>>
      %dma_wait3A_181 = arith.constant 0 : i32
      %dma_wait3A_182 = arith.constant 0 : i32
      %dma_wait3A_183 = tpu.memref_slice %arg8[%run_scoped3A_142, %dma_wait3A_181, %dma_wait3A_182] : memref<4x64x128xf32, #tpu.memory_space<vmem>> -> memref<1x64x128xf32, #tpu.memory_space<vmem>>
      %dma_wait3A_184 = tpu.memref_squeeze %dma_wait3A_183 : memref<1x64x128xf32, #tpu.memory_space<vmem>> -> memref<64x128xf32, #tpu.memory_space<vmem>>
      tpu.wait_dma2 semaphore(%run_scoped3A_161 : memref<!tpu.dma_semaphore, #tpu.memory_space<semaphore_mem>>) src(%dma_wait3A_184 : memref<64x128xf32, #tpu.memory_space<vmem>>) dst(%dma_wait3A_180 : memref<64x128xf32, #tpu.memory_space<vmem_shared>>)
      tpu.yield
    }) : () -> ()
    %add3A_143 = arith.constant 256 : i32
    %add3A_144 = arith.addi %mul3A_53, %add3A_143 : i32
    %run_scoped3A_145 = arith.constant 0 : i32
    "tpu.region"() ({
      %run_scoped3A_161 = tpu.sem_alloc : memref<!tpu.dma_semaphore, #tpu.memory_space<semaphore_mem>>
      %dma_start3A_162 = arith.constant 0 : i32
      %dma_start3A_163 = arith.constant 0 : i32
      %dma_start3A_164 = tpu.memref_slice %arg8[%run_scoped3A_145, %dma_start3A_162, %dma_start3A_163] : memref<4x64x128xf32, #tpu.memory_space<vmem>> -> memref<1x64x128xf32, #tpu.memory_space<vmem>>
      %dma_start3A_165 = tpu.memref_squeeze %dma_start3A_164 : memref<1x64x128xf32, #tpu.memory_space<vmem>> -> memref<64x128xf32, #tpu.memory_space<vmem>>
      %dma_start3A_166 = arith.constant 0 : i32
      %dma_start3A_167 = tpu.memref_slice %arg12[%add3A_144, %dma_start3A_166] : memref<10240x128xf32, #tpu.memory_space<vmem_shared>> -> memref<64x128xf32, #tpu.memory_space<vmem_shared>>
      %dma_start3A_168 = arith.constant 0 : i32
      %dma_start3A_169 = tpu.memref_slice %arg12[%add3A_144, %dma_start3A_168] : memref<10240x128xf32, #tpu.memory_space<vmem_shared>> -> memref<64x128xf32, #tpu.memory_space<vmem_shared>>
      %dma_start3A_170 = arith.constant 0 : i32
      %dma_start3A_171 = arith.constant 0 : i32
      %dma_start3A_172 = tpu.memref_slice %arg8[%run_scoped3A_145, %dma_start3A_170, %dma_start3A_171] : memref<4x64x128xf32, #tpu.memory_space<vmem>> -> memref<1x64x128xf32, #tpu.memory_space<vmem>>
      %dma_start3A_173 = tpu.memref_squeeze %dma_start3A_172 : memref<1x64x128xf32, #tpu.memory_space<vmem>> -> memref<64x128xf32, #tpu.memory_space<vmem>>
      tpu.enqueue_dma source(%dma_start3A_173 : memref<64x128xf32, #tpu.memory_space<vmem>>) target(%dma_start3A_169 : memref<64x128xf32, #tpu.memory_space<vmem_shared>>) target_semaphore(%run_scoped3A_161 : memref<!tpu.dma_semaphore, #tpu.memory_space<semaphore_mem>>)
      %dma_wait3A = arith.constant 0 : i32
      %dma_wait3A_174 = arith.constant 0 : i32
      %dma_wait3A_175 = tpu.memref_slice %arg8[%run_scoped3A_145, %dma_wait3A, %dma_wait3A_174] : memref<4x64x128xf32, #tpu.memory_space<vmem>> -> memref<1x64x128xf32, #tpu.memory_space<vmem>>
      %dma_wait3A_176 = tpu.memref_squeeze %dma_wait3A_175 : memref<1x64x128xf32, #tpu.memory_space<vmem>> -> memref<64x128xf32, #tpu.memory_space<vmem>>
      %dma_wait3A_177 = arith.constant 0 : i32
      %dma_wait3A_178 = tpu.memref_slice %arg12[%add3A_144, %dma_wait3A_177] : memref<10240x128xf32, #tpu.memory_space<vmem_shared>> -> memref<64x128xf32, #tpu.memory_space<vmem_shared>>
      %dma_wait3A_179 = arith.constant 0 : i32
      %dma_wait3A_180 = tpu.memref_slice %arg12[%add3A_144, %dma_wait3A_179] : memref<10240x128xf32, #tpu.memory_space<vmem_shared>> -> memref<64x128xf32, #tpu.memory_space<vmem_shared>>
      %dma_wait3A_181 = arith.constant 0 : i32
      %dma_wait3A_182 = arith.constant 0 : i32
      %dma_wait3A_183 = tpu.memref_slice %arg8[%run_scoped3A_145, %dma_wait3A_181, %dma_wait3A_182] : memref<4x64x128xf32, #tpu.memory_space<vmem>> -> memref<1x64x128xf32, #tpu.memory_space<vmem>>
      %dma_wait3A_184 = tpu.memref_squeeze %dma_wait3A_183 : memref<1x64x128xf32, #tpu.memory_space<vmem>> -> memref<64x128xf32, #tpu.memory_space<vmem>>
      tpu.wait_dma2 semaphore(%run_scoped3A_161 : memref<!tpu.dma_semaphore, #tpu.memory_space<semaphore_mem>>) src(%dma_wait3A_184 : memref<64x128xf32, #tpu.memory_space<vmem>>) dst(%dma_wait3A_180 : memref<64x128xf32, #tpu.memory_space<vmem_shared>>)
      tpu.yield
    }) : () -> ()
    %add3A_146 = arith.constant 320 : i32
    %add3A_147 = arith.addi %mul3A_53, %add3A_146 : i32
    %run_scoped3A_148 = arith.constant 0 : i32
    "tpu.region"() ({
      %run_scoped3A_161 = tpu.sem_alloc : memref<!tpu.dma_semaphore, #tpu.memory_space<semaphore_mem>>
      %dma_start3A_162 = arith.constant 0 : i32
      %dma_start3A_163 = arith.constant 0 : i32
      %dma_start3A_164 = tpu.memref_slice %arg8[%run_scoped3A_148, %dma_start3A_162, %dma_start3A_163] : memref<4x64x128xf32, #tpu.memory_space<vmem>> -> memref<1x64x128xf32, #tpu.memory_space<vmem>>
      %dma_start3A_165 = tpu.memref_squeeze %dma_start3A_164 : memref<1x64x128xf32, #tpu.memory_space<vmem>> -> memref<64x128xf32, #tpu.memory_space<vmem>>
      %dma_start3A_166 = arith.constant 0 : i32
      %dma_start3A_167 = tpu.memref_slice %arg12[%add3A_147, %dma_start3A_166] : memref<10240x128xf32, #tpu.memory_space<vmem_shared>> -> memref<64x128xf32, #tpu.memory_space<vmem_shared>>
      %dma_start3A_168 = arith.constant 0 : i32
      %dma_start3A_169 = tpu.memref_slice %arg12[%add3A_147, %dma_start3A_168] : memref<10240x128xf32, #tpu.memory_space<vmem_shared>> -> memref<64x128xf32, #tpu.memory_space<vmem_shared>>
      %dma_start3A_170 = arith.constant 0 : i32
      %dma_start3A_171 = arith.constant 0 : i32
      %dma_start3A_172 = tpu.memref_slice %arg8[%run_scoped3A_148, %dma_start3A_170, %dma_start3A_171] : memref<4x64x128xf32, #tpu.memory_space<vmem>> -> memref<1x64x128xf32, #tpu.memory_space<vmem>>
      %dma_start3A_173 = tpu.memref_squeeze %dma_start3A_172 : memref<1x64x128xf32, #tpu.memory_space<vmem>> -> memref<64x128xf32, #tpu.memory_space<vmem>>
      tpu.enqueue_dma source(%dma_start3A_173 : memref<64x128xf32, #tpu.memory_space<vmem>>) target(%dma_start3A_169 : memref<64x128xf32, #tpu.memory_space<vmem_shared>>) target_semaphore(%run_scoped3A_161 : memref<!tpu.dma_semaphore, #tpu.memory_space<semaphore_mem>>)
      %dma_wait3A = arith.constant 0 : i32
      %dma_wait3A_174 = arith.constant 0 : i32
      %dma_wait3A_175 = tpu.memref_slice %arg8[%run_scoped3A_148, %dma_wait3A, %dma_wait3A_174] : memref<4x64x128xf32, #tpu.memory_space<vmem>> -> memref<1x64x128xf32, #tpu.memory_space<vmem>>
      %dma_wait3A_176 = tpu.memref_squeeze %dma_wait3A_175 : memref<1x64x128xf32, #tpu.memory_space<vmem>> -> memref<64x128xf32, #tpu.memory_space<vmem>>
      %dma_wait3A_177 = arith.constant 0 : i32
      %dma_wait3A_178 = tpu.memref_slice %arg12[%add3A_147, %dma_wait3A_177] : memref<10240x128xf32, #tpu.memory_space<vmem_shared>> -> memref<64x128xf32, #tpu.memory_space<vmem_shared>>
      %dma_wait3A_179 = arith.constant 0 : i32
      %dma_wait3A_180 = tpu.memref_slice %arg12[%add3A_147, %dma_wait3A_179] : memref<10240x128xf32, #tpu.memory_space<vmem_shared>> -> memref<64x128xf32, #tpu.memory_space<vmem_shared>>
      %dma_wait3A_181 = arith.constant 0 : i32
      %dma_wait3A_182 = arith.constant 0 : i32
      %dma_wait3A_183 = tpu.memref_slice %arg8[%run_scoped3A_148, %dma_wait3A_181, %dma_wait3A_182] : memref<4x64x128xf32, #tpu.memory_space<vmem>> -> memref<1x64x128xf32, #tpu.memory_space<vmem>>
      %dma_wait3A_184 = tpu.memref_squeeze %dma_wait3A_183 : memref<1x64x128xf32, #tpu.memory_space<vmem>> -> memref<64x128xf32, #tpu.memory_space<vmem>>
      tpu.wait_dma2 semaphore(%run_scoped3A_161 : memref<!tpu.dma_semaphore, #tpu.memory_space<semaphore_mem>>) src(%dma_wait3A_184 : memref<64x128xf32, #tpu.memory_space<vmem>>) dst(%dma_wait3A_180 : memref<64x128xf32, #tpu.memory_space<vmem_shared>>)
      tpu.yield
    }) : () -> ()
    %add3A_149 = arith.constant 384 : i32
    %add3A_150 = arith.addi %mul3A_53, %add3A_149 : i32
    %run_scoped3A_151 = arith.constant 0 : i32
    "tpu.region"() ({
      %run_scoped3A_161 = tpu.sem_alloc : memref<!tpu.dma_semaphore, #tpu.memory_space<semaphore_mem>>
      %dma_start3A_162 = arith.constant 0 : i32
      %dma_start3A_163 = arith.constant 0 : i32
      %dma_start3A_164 = tpu.memref_slice %arg8[%run_scoped3A_151, %dma_start3A_162, %dma_start3A_163] : memref<4x64x128xf32, #tpu.memory_space<vmem>> -> memref<1x64x128xf32, #tpu.memory_space<vmem>>
      %dma_start3A_165 = tpu.memref_squeeze %dma_start3A_164 : memref<1x64x128xf32, #tpu.memory_space<vmem>> -> memref<64x128xf32, #tpu.memory_space<vmem>>
      %dma_start3A_166 = arith.constant 0 : i32
      %dma_start3A_167 = tpu.memref_slice %arg12[%add3A_150, %dma_start3A_166] : memref<10240x128xf32, #tpu.memory_space<vmem_shared>> -> memref<64x128xf32, #tpu.memory_space<vmem_shared>>
      %dma_start3A_168 = arith.constant 0 : i32
      %dma_start3A_169 = tpu.memref_slice %arg12[%add3A_150, %dma_start3A_168] : memref<10240x128xf32, #tpu.memory_space<vmem_shared>> -> memref<64x128xf32, #tpu.memory_space<vmem_shared>>
      %dma_start3A_170 = arith.constant 0 : i32
      %dma_start3A_171 = arith.constant 0 : i32
      %dma_start3A_172 = tpu.memref_slice %arg8[%run_scoped3A_151, %dma_start3A_170, %dma_start3A_171] : memref<4x64x128xf32, #tpu.memory_space<vmem>> -> memref<1x64x128xf32, #tpu.memory_space<vmem>>
      %dma_start3A_173 = tpu.memref_squeeze %dma_start3A_172 : memref<1x64x128xf32, #tpu.memory_space<vmem>> -> memref<64x128xf32, #tpu.memory_space<vmem>>
      tpu.enqueue_dma source(%dma_start3A_173 : memref<64x128xf32, #tpu.memory_space<vmem>>) target(%dma_start3A_169 : memref<64x128xf32, #tpu.memory_space<vmem_shared>>) target_semaphore(%run_scoped3A_161 : memref<!tpu.dma_semaphore, #tpu.memory_space<semaphore_mem>>)
      %dma_wait3A = arith.constant 0 : i32
      %dma_wait3A_174 = arith.constant 0 : i32
      %dma_wait3A_175 = tpu.memref_slice %arg8[%run_scoped3A_151, %dma_wait3A, %dma_wait3A_174] : memref<4x64x128xf32, #tpu.memory_space<vmem>> -> memref<1x64x128xf32, #tpu.memory_space<vmem>>
      %dma_wait3A_176 = tpu.memref_squeeze %dma_wait3A_175 : memref<1x64x128xf32, #tpu.memory_space<vmem>> -> memref<64x128xf32, #tpu.memory_space<vmem>>
      %dma_wait3A_177 = arith.constant 0 : i32
      %dma_wait3A_178 = tpu.memref_slice %arg12[%add3A_150, %dma_wait3A_177] : memref<10240x128xf32, #tpu.memory_space<vmem_shared>> -> memref<64x128xf32, #tpu.memory_space<vmem_shared>>
      %dma_wait3A_179 = arith.constant 0 : i32
      %dma_wait3A_180 = tpu.memref_slice %arg12[%add3A_150, %dma_wait3A_179] : memref<10240x128xf32, #tpu.memory_space<vmem_shared>> -> memref<64x128xf32, #tpu.memory_space<vmem_shared>>
      %dma_wait3A_181 = arith.constant 0 : i32
      %dma_wait3A_182 = arith.constant 0 : i32
      %dma_wait3A_183 = tpu.memref_slice %arg8[%run_scoped3A_151, %dma_wait3A_181, %dma_wait3A_182] : memref<4x64x128xf32, #tpu.memory_space<vmem>> -> memref<1x64x128xf32, #tpu.memory_space<vmem>>
      %dma_wait3A_184 = tpu.memref_squeeze %dma_wait3A_183 : memref<1x64x128xf32, #tpu.memory_space<vmem>> -> memref<64x128xf32, #tpu.memory_space<vmem>>
      tpu.wait_dma2 semaphore(%run_scoped3A_161 : memref<!tpu.dma_semaphore, #tpu.memory_space<semaphore_mem>>) src(%dma_wait3A_184 : memref<64x128xf32, #tpu.memory_space<vmem>>) dst(%dma_wait3A_180 : memref<64x128xf32, #tpu.memory_space<vmem_shared>>)
      tpu.yield
    }) : () -> ()
    %add3A_152 = arith.constant 448 : i32
    %add3A_153 = arith.addi %mul3A_53, %add3A_152 : i32
    %run_scoped3A_154 = arith.constant 0 : i32
    "tpu.region"() ({
      %run_scoped3A_161 = tpu.sem_alloc : memref<!tpu.dma_semaphore, #tpu.memory_space<semaphore_mem>>
      %dma_start3A_162 = arith.constant 0 : i32
      %dma_start3A_163 = arith.constant 0 : i32
      %dma_start3A_164 = tpu.memref_slice %arg8[%run_scoped3A_154, %dma_start3A_162, %dma_start3A_163] : memref<4x64x128xf32, #tpu.memory_space<vmem>> -> memref<1x64x128xf32, #tpu.memory_space<vmem>>
      %dma_start3A_165 = tpu.memref_squeeze %dma_start3A_164 : memref<1x64x128xf32, #tpu.memory_space<vmem>> -> memref<64x128xf32, #tpu.memory_space<vmem>>
      %dma_start3A_166 = arith.constant 0 : i32
      %dma_start3A_167 = tpu.memref_slice %arg12[%add3A_153, %dma_start3A_166] : memref<10240x128xf32, #tpu.memory_space<vmem_shared>> -> memref<64x128xf32, #tpu.memory_space<vmem_shared>>
      %dma_start3A_168 = arith.constant 0 : i32
      %dma_start3A_169 = tpu.memref_slice %arg12[%add3A_153, %dma_start3A_168] : memref<10240x128xf32, #tpu.memory_space<vmem_shared>> -> memref<64x128xf32, #tpu.memory_space<vmem_shared>>
      %dma_start3A_170 = arith.constant 0 : i32
      %dma_start3A_171 = arith.constant 0 : i32
      %dma_start3A_172 = tpu.memref_slice %arg8[%run_scoped3A_154, %dma_start3A_170, %dma_start3A_171] : memref<4x64x128xf32, #tpu.memory_space<vmem>> -> memref<1x64x128xf32, #tpu.memory_space<vmem>>
      %dma_start3A_173 = tpu.memref_squeeze %dma_start3A_172 : memref<1x64x128xf32, #tpu.memory_space<vmem>> -> memref<64x128xf32, #tpu.memory_space<vmem>>
      tpu.enqueue_dma source(%dma_start3A_173 : memref<64x128xf32, #tpu.memory_space<vmem>>) target(%dma_start3A_169 : memref<64x128xf32, #tpu.memory_space<vmem_shared>>) target_semaphore(%run_scoped3A_161 : memref<!tpu.dma_semaphore, #tpu.memory_space<semaphore_mem>>)
      %dma_wait3A = arith.constant 0 : i32
      %dma_wait3A_174 = arith.constant 0 : i32
      %dma_wait3A_175 = tpu.memref_slice %arg8[%run_scoped3A_154, %dma_wait3A, %dma_wait3A_174] : memref<4x64x128xf32, #tpu.memory_space<vmem>> -> memref<1x64x128xf32, #tpu.memory_space<vmem>>
      %dma_wait3A_176 = tpu.memref_squeeze %dma_wait3A_175 : memref<1x64x128xf32, #tpu.memory_space<vmem>> -> memref<64x128xf32, #tpu.memory_space<vmem>>
      %dma_wait3A_177 = arith.constant 0 : i32
      %dma_wait3A_178 = tpu.memref_slice %arg12[%add3A_153, %dma_wait3A_177] : memref<10240x128xf32, #tpu.memory_space<vmem_shared>> -> memref<64x128xf32, #tpu.memory_space<vmem_shared>>
      %dma_wait3A_179 = arith.constant 0 : i32
      %dma_wait3A_180 = tpu.memref_slice %arg12[%add3A_153, %dma_wait3A_179] : memref<10240x128xf32, #tpu.memory_space<vmem_shared>> -> memref<64x128xf32, #tpu.memory_space<vmem_shared>>
      %dma_wait3A_181 = arith.constant 0 : i32
      %dma_wait3A_182 = arith.constant 0 : i32
      %dma_wait3A_183 = tpu.memref_slice %arg8[%run_scoped3A_154, %dma_wait3A_181, %dma_wait3A_182] : memref<4x64x128xf32, #tpu.memory_space<vmem>> -> memref<1x64x128xf32, #tpu.memory_space<vmem>>
      %dma_wait3A_184 = tpu.memref_squeeze %dma_wait3A_183 : memref<1x64x128xf32, #tpu.memory_space<vmem>> -> memref<64x128xf32, #tpu.memory_space<vmem>>
      tpu.wait_dma2 semaphore(%run_scoped3A_161 : memref<!tpu.dma_semaphore, #tpu.memory_space<semaphore_mem>>) src(%dma_wait3A_184 : memref<64x128xf32, #tpu.memory_space<vmem>>) dst(%dma_wait3A_180 : memref<64x128xf32, #tpu.memory_space<vmem_shared>>)
      tpu.yield
    }) : () -> ()
    %add3A_155 = arith.constant 512 : i32
    %add3A_156 = arith.addi %mul3A_53, %add3A_155 : i32
    %run_scoped3A_157 = arith.constant 0 : i32
    "tpu.region"() ({
      %run_scoped3A_161 = tpu.sem_alloc : memref<!tpu.dma_semaphore, #tpu.memory_space<semaphore_mem>>
      %dma_start3A_162 = arith.constant 0 : i32
      %dma_start3A_163 = arith.constant 0 : i32
      %dma_start3A_164 = tpu.memref_slice %arg8[%run_scoped3A_157, %dma_start3A_162, %dma_start3A_163] : memref<4x64x128xf32, #tpu.memory_space<vmem>> -> memref<1x64x128xf32, #tpu.memory_space<vmem>>
      %dma_start3A_165 = tpu.memref_squeeze %dma_start3A_164 : memref<1x64x128xf32, #tpu.memory_space<vmem>> -> memref<64x128xf32, #tpu.memory_space<vmem>>
      %dma_start3A_166 = arith.constant 0 : i32
      %dma_start3A_167 = tpu.memref_slice %arg12[%add3A_156, %dma_start3A_166] : memref<10240x128xf32, #tpu.memory_space<vmem_shared>> -> memref<64x128xf32, #tpu.memory_space<vmem_shared>>
      %dma_start3A_168 = arith.constant 0 : i32
      %dma_start3A_169 = tpu.memref_slice %arg12[%add3A_156, %dma_start3A_168] : memref<10240x128xf32, #tpu.memory_space<vmem_shared>> -> memref<64x128xf32, #tpu.memory_space<vmem_shared>>
      %dma_start3A_170 = arith.constant 0 : i32
      %dma_start3A_171 = arith.constant 0 : i32
      %dma_start3A_172 = tpu.memref_slice %arg8[%run_scoped3A_157, %dma_start3A_170, %dma_start3A_171] : memref<4x64x128xf32, #tpu.memory_space<vmem>> -> memref<1x64x128xf32, #tpu.memory_space<vmem>>
      %dma_start3A_173 = tpu.memref_squeeze %dma_start3A_172 : memref<1x64x128xf32, #tpu.memory_space<vmem>> -> memref<64x128xf32, #tpu.memory_space<vmem>>
      tpu.enqueue_dma source(%dma_start3A_173 : memref<64x128xf32, #tpu.memory_space<vmem>>) target(%dma_start3A_169 : memref<64x128xf32, #tpu.memory_space<vmem_shared>>) target_semaphore(%run_scoped3A_161 : memref<!tpu.dma_semaphore, #tpu.memory_space<semaphore_mem>>)
      %dma_wait3A = arith.constant 0 : i32
      %dma_wait3A_174 = arith.constant 0 : i32
      %dma_wait3A_175 = tpu.memref_slice %arg8[%run_scoped3A_157, %dma_wait3A, %dma_wait3A_174] : memref<4x64x128xf32, #tpu.memory_space<vmem>> -> memref<1x64x128xf32, #tpu.memory_space<vmem>>
      %dma_wait3A_176 = tpu.memref_squeeze %dma_wait3A_175 : memref<1x64x128xf32, #tpu.memory_space<vmem>> -> memref<64x128xf32, #tpu.memory_space<vmem>>
      %dma_wait3A_177 = arith.constant 0 : i32
      %dma_wait3A_178 = tpu.memref_slice %arg12[%add3A_156, %dma_wait3A_177] : memref<10240x128xf32, #tpu.memory_space<vmem_shared>> -> memref<64x128xf32, #tpu.memory_space<vmem_shared>>
      %dma_wait3A_179 = arith.constant 0 : i32
      %dma_wait3A_180 = tpu.memref_slice %arg12[%add3A_156, %dma_wait3A_179] : memref<10240x128xf32, #tpu.memory_space<vmem_shared>> -> memref<64x128xf32, #tpu.memory_space<vmem_shared>>
      %dma_wait3A_181 = arith.constant 0 : i32
      %dma_wait3A_182 = arith.constant 0 : i32
      %dma_wait3A_183 = tpu.memref_slice %arg8[%run_scoped3A_157, %dma_wait3A_181, %dma_wait3A_182] : memref<4x64x128xf32, #tpu.memory_space<vmem>> -> memref<1x64x128xf32, #tpu.memory_space<vmem>>
      %dma_wait3A_184 = tpu.memref_squeeze %dma_wait3A_183 : memref<1x64x128xf32, #tpu.memory_space<vmem>> -> memref<64x128xf32, #tpu.memory_space<vmem>>
      tpu.wait_dma2 semaphore(%run_scoped3A_161 : memref<!tpu.dma_semaphore, #tpu.memory_space<semaphore_mem>>) src(%dma_wait3A_184 : memref<64x128xf32, #tpu.memory_space<vmem>>) dst(%dma_wait3A_180 : memref<64x128xf32, #tpu.memory_space<vmem_shared>>)
      tpu.yield
    }) : () -> ()
    %add3A_158 = arith.constant 576 : i32
    %add3A_159 = arith.addi %mul3A_53, %add3A_158 : i32
    %run_scoped3A_160 = arith.constant 0 : i32
    "tpu.region"() ({
      %run_scoped3A_161 = tpu.sem_alloc : memref<!tpu.dma_semaphore, #tpu.memory_space<semaphore_mem>>
      %dma_start3A_162 = arith.constant 0 : i32
      %dma_start3A_163 = arith.constant 0 : i32
      %dma_start3A_164 = tpu.memref_slice %arg8[%run_scoped3A_160, %dma_start3A_162, %dma_start3A_163] : memref<4x64x128xf32, #tpu.memory_space<vmem>> -> memref<1x64x128xf32, #tpu.memory_space<vmem>>
      %dma_start3A_165 = tpu.memref_squeeze %dma_start3A_164 : memref<1x64x128xf32, #tpu.memory_space<vmem>> -> memref<64x128xf32, #tpu.memory_space<vmem>>
      %dma_start3A_166 = arith.constant 0 : i32
      %dma_start3A_167 = tpu.memref_slice %arg12[%add3A_159, %dma_start3A_166] : memref<10240x128xf32, #tpu.memory_space<vmem_shared>> -> memref<64x128xf32, #tpu.memory_space<vmem_shared>>
      %dma_start3A_168 = arith.constant 0 : i32
      %dma_start3A_169 = tpu.memref_slice %arg12[%add3A_159, %dma_start3A_168] : memref<10240x128xf32, #tpu.memory_space<vmem_shared>> -> memref<64x128xf32, #tpu.memory_space<vmem_shared>>
      %dma_start3A_170 = arith.constant 0 : i32
      %dma_start3A_171 = arith.constant 0 : i32
      %dma_start3A_172 = tpu.memref_slice %arg8[%run_scoped3A_160, %dma_start3A_170, %dma_start3A_171] : memref<4x64x128xf32, #tpu.memory_space<vmem>> -> memref<1x64x128xf32, #tpu.memory_space<vmem>>
      %dma_start3A_173 = tpu.memref_squeeze %dma_start3A_172 : memref<1x64x128xf32, #tpu.memory_space<vmem>> -> memref<64x128xf32, #tpu.memory_space<vmem>>
      tpu.enqueue_dma source(%dma_start3A_173 : memref<64x128xf32, #tpu.memory_space<vmem>>) target(%dma_start3A_169 : memref<64x128xf32, #tpu.memory_space<vmem_shared>>) target_semaphore(%run_scoped3A_161 : memref<!tpu.dma_semaphore, #tpu.memory_space<semaphore_mem>>)
      %dma_wait3A = arith.constant 0 : i32
      %dma_wait3A_174 = arith.constant 0 : i32
      %dma_wait3A_175 = tpu.memref_slice %arg8[%run_scoped3A_160, %dma_wait3A, %dma_wait3A_174] : memref<4x64x128xf32, #tpu.memory_space<vmem>> -> memref<1x64x128xf32, #tpu.memory_space<vmem>>
      %dma_wait3A_176 = tpu.memref_squeeze %dma_wait3A_175 : memref<1x64x128xf32, #tpu.memory_space<vmem>> -> memref<64x128xf32, #tpu.memory_space<vmem>>
      %dma_wait3A_177 = arith.constant 0 : i32
      %dma_wait3A_178 = tpu.memref_slice %arg12[%add3A_159, %dma_wait3A_177] : memref<10240x128xf32, #tpu.memory_space<vmem_shared>> -> memref<64x128xf32, #tpu.memory_space<vmem_shared>>
      %dma_wait3A_179 = arith.constant 0 : i32
      %dma_wait3A_180 = tpu.memref_slice %arg12[%add3A_159, %dma_wait3A_179] : memref<10240x128xf32, #tpu.memory_space<vmem_shared>> -> memref<64x128xf32, #tpu.memory_space<vmem_shared>>
      %dma_wait3A_181 = arith.constant 0 : i32
      %dma_wait3A_182 = arith.constant 0 : i32
      %dma_wait3A_183 = tpu.memref_slice %arg8[%run_scoped3A_160, %dma_wait3A_181, %dma_wait3A_182] : memref<4x64x128xf32, #tpu.memory_space<vmem>> -> memref<1x64x128xf32, #tpu.memory_space<vmem>>
      %dma_wait3A_184 = tpu.memref_squeeze %dma_wait3A_183 : memref<1x64x128xf32, #tpu.memory_space<vmem>> -> memref<64x128xf32, #tpu.memory_space<vmem>>
      tpu.wait_dma2 semaphore(%run_scoped3A_161 : memref<!tpu.dma_semaphore, #tpu.memory_space<semaphore_mem>>) src(%dma_wait3A_184 : memref<64x128xf32, #tpu.memory_space<vmem>>) dst(%dma_wait3A_180 : memref<64x128xf32, #tpu.memory_space<vmem_shared>>)
      tpu.yield
    }) : () -> ()
    return
  }
}

module attributes {stable_mosaic.version = 14 : i64} {
  func.func @_tc_linear_body(%arg0: i32, %arg1: memref<1000x128xf32, #tpu.memory_space<vmem>>, %arg2: memref<128x128xf32, #tpu.memory_space<vmem>>, %arg3: memref<1000x128xf32, #tpu.memory_space<vmem>>) attributes {dimension_semantics = [#tpu.dimension_semantics<arbitrary>], iteration_bounds = array<i64: 10>, scalar_prefetch = 0 : i64, scratch_operands = 0 : i64, tpu.core_type = #tpu.core_type<tc>, window_params = [{transform_indices = @transform_0, window_bounds = array<i64: 1000, 128>}, {pipeline_mode = #tpu.pipeline_mode<synchronous>, transform_indices = @transform_1, window_bounds = array<i64: 128, 128>}, {transform_indices = @transform_2, window_bounds = array<i64: 1000, 128>}]} {
    %get3A = arith.constant 0 : index
    %get3A_0 = arith.constant 0 : index
    %get3A_1 = vector.load %arg1[%get3A, %get3A_0] : memref<1000x128xf32, #tpu.memory_space<vmem>>, vector<1000x128xf32>
    %get3A_2 = arith.constant 0 : index
    %get3A_3 = arith.constant 0 : index
    %get3A_4 = vector.load %arg2[%get3A_2, %get3A_3] : memref<128x128xf32, #tpu.memory_space<vmem>>, vector<128x128xf32>
    %dot_general3A = arith.constant dense<0.000000e+00> : vector<1000x128xf32>
    %dot_general3A_5 = tpu.matmul %get3A_1, %get3A_4, %dot_general3A {dimension_numbers = #tpu.dot_dimension_numbers<[1], [1], [0], [0], [0, 0, 1, 0], [], []>, transpose_lhs_hint = false} : vector<1000x128xf32>, vector<128x128xf32>, vector<1000x128xf32> -> vector<1000x128xf32>
    %swap3A = arith.constant 0 : index
    %swap3A_6 = arith.constant 0 : index
    %swap3A_7 = vector.load %arg3[%swap3A, %swap3A_6] : memref<1000x128xf32, #tpu.memory_space<vmem>>, vector<1000x128xf32>
    tpu.vector_store %arg3[%swap3A, %swap3A_6], %dot_general3A_5 {strides = array<i32>} : memref<1000x128xf32, #tpu.memory_space<vmem>>, vector<1000x128xf32>,
    return
  }
  func.func @transform_0(%arg0: i32) -> (i32, i32) {
    %c0_i32 = arith.constant 0 : i32
    %c0_i32_0 = arith.constant 0 : i32
    return %arg0, %c0_i32 : i32, i32
  }
  func.func @transform_1(%arg0: i32) -> (i32, i32) {
    %c0_i32 = arith.constant 0 : i32
    %c0_i32_0 = arith.constant 0 : i32
    %c0_i32_1 = arith.constant 0 : i32
    return %c0_i32, %c0_i32_0 : i32, i32
  }
  func.func @transform_2(%arg0: i32) -> (i32, i32) {
    %c0_i32 = arith.constant 0 : i32
    %c0_i32_0 = arith.constant 0 : i32
    return %arg0, %c0_i32 : i32, i32
  }
}

module attributes {stable_mosaic.version = 14 : i64} {
  func.func @_tc_body(%arg0: i32, %arg1: memref<2x1000x128xf32, #tpu.memory_space<vmem>>, %arg2: memref<1x128xf32, #tpu.memory_space<vmem>>, %arg3: memref<1x128xf32, #tpu.memory_space<vmem>>, %arg4: memref<1x128xf32, #tpu.memory_space<vmem>>, %arg5: memref<1000x128xf32, #tpu.memory_space<vmem>>) attributes {dimension_semantics = [#tpu.dimension_semantics<arbitrary>], iteration_bounds = array<i64: 10>, scalar_prefetch = 0 : i64, scratch_operands = 0 : i64, tpu.core_type = #tpu.core_type<tc>, window_params = [{transform_indices = @transform_0, window_bounds = array<i64: 2, 1000, 128>}, {pipeline_mode = #tpu.pipeline_mode<synchronous>, transform_indices = @transform_1, window_bounds = array<i64: 1, 128>}, {pipeline_mode = #tpu.pipeline_mode<synchronous>, transform_indices = @transform_2, window_bounds = array<i64: 1, 128>}, {pipeline_mode = #tpu.pipeline_mode<synchronous>, transform_indices = @transform_3, window_bounds = array<i64: 1, 128>}, {transform_indices = @transform_4, window_bounds = array<i64: 1000, 128>}]} {
    %get3A = arith.constant 0 : index
    %get3A_0 = arith.constant 0 : index
    %get3A_1 = arith.constant 0 : index
    %get3A_2 = vector.load %arg1[%get3A, %get3A_0, %get3A_1] : memref<2x1000x128xf32, #tpu.memory_space<vmem>>, vector<1x1000x128xf32>
    %get3A_3 = vector.shape_cast %get3A_2 : vector<1x1000x128xf32> to vector<1000x128xf32>
    %get3A_4 = arith.constant 1 : index
    %get3A_5 = arith.constant 0 : index
    %get3A_6 = arith.constant 0 : index
    %get3A_7 = vector.load %arg1[%get3A_4, %get3A_5, %get3A_6] : memref<2x1000x128xf32, #tpu.memory_space<vmem>>, vector<1x1000x128xf32>
    %get3A_8 = vector.shape_cast %get3A_7 : vector<1x1000x128xf32> to vector<1000x128xf32>
    %add3A = arith.addf %get3A_3, %get3A_8 : vector<1000x128xf32>
    %get3A_9 = arith.constant 0 : index
    %get3A_10 = arith.constant 0 : index
    %get3A_11 = vector.load %arg2[%get3A_9, %get3A_10] : memref<1x128xf32, #tpu.memory_space<vmem>>, vector<1x128xf32>
    %add3A_12 = vector.broadcast %get3A_11 : vector<1x128xf32> to vector<1000x128xf32>
    %add3A_13 = arith.addf %add3A, %add3A_12 : vector<1000x128xf32>
    %reduce_sum3A = arith.constant dense<0.000000e+00> : vector<1000xf32>
    %reduce_sum3A_14 = vector.multi_reduction <add>, %add3A_13, %reduce_sum3A [1] : vector<1000x128xf32> to vector<1000xf32>
    %broadcast_in_dim3A = vector.shape_cast %reduce_sum3A_14 : vector<1000xf32> to vector<1000x1xf32>
    %div3A = arith.constant 1.280000e+02 : f32
    %div3A_15 = vector.broadcast %div3A : f32 to vector<1000x1xf32>
    %div3A_16 = arith.divf %broadcast_in_dim3A, %div3A_15 : vector<1000x1xf32>
    %sub3A = vector.broadcast %div3A_16 : vector<1000x1xf32> to vector<1000x128xf32>
    %sub3A_17 = arith.subf %add3A_13, %sub3A : vector<1000x128xf32>
    %mul3A = arith.mulf %sub3A_17, %sub3A_17 : vector<1000x128xf32>
    %reduce_sum3A_18 = arith.constant dense<0.000000e+00> : vector<1000xf32>
    %reduce_sum3A_19 = vector.multi_reduction <add>, %mul3A, %reduce_sum3A_18 [1] : vector<1000x128xf32> to vector<1000xf32>
    %broadcast_in_dim3A_20 = vector.shape_cast %reduce_sum3A_19 : vector<1000xf32> to vector<1000x1xf32>
    %div3A_21 = arith.constant 1.280000e+02 : f32
    %div3A_22 = vector.broadcast %div3A_21 : f32 to vector<1000x1xf32>
    %div3A_23 = arith.divf %broadcast_in_dim3A_20, %div3A_22 : vector<1000x1xf32>
    %add3A_24 = arith.constant 9.99999974E-6 : f32
    %add3A_25 = vector.broadcast %add3A_24 : f32 to vector<1000x1xf32>
    %add3A_26 = arith.addf %div3A_23, %add3A_25 : vector<1000x1xf32>
    %rsqrt3A = math.rsqrt %add3A_26 : vector<1000x1xf32>
    %mul3A_27 = vector.broadcast %rsqrt3A : vector<1000x1xf32> to vector<1000x128xf32>
    %mul3A_28 = arith.mulf %sub3A_17, %mul3A_27 : vector<1000x128xf32>
    %get3A_29 = arith.constant 0 : index
    %get3A_30 = arith.constant 0 : index
    %get3A_31 = vector.load %arg3[%get3A_29, %get3A_30] : memref<1x128xf32, #tpu.memory_space<vmem>>, vector<1x128xf32>
    %mul3A_32 = vector.broadcast %get3A_31 : vector<1x128xf32> to vector<1000x128xf32>
    %mul3A_33 = arith.mulf %mul3A_28, %mul3A_32 : vector<1000x128xf32>
    %get3A_34 = arith.constant 0 : index
    %get3A_35 = arith.constant 0 : index
    %get3A_36 = vector.load %arg4[%get3A_34, %get3A_35] : memref<1x128xf32, #tpu.memory_space<vmem>>, vector<1x128xf32>
    %add3A_37 = vector.broadcast %get3A_36 : vector<1x128xf32> to vector<1000x128xf32>
    %add3A_38 = arith.addf %mul3A_33, %add3A_37 : vector<1000x128xf32>
    %swap3A = arith.constant 0 : index
    %swap3A_39 = arith.constant 0 : index
    %swap3A_40 = vector.load %arg5[%swap3A, %swap3A_39] : memref<1000x128xf32, #tpu.memory_space<vmem>>, vector<1000x128xf32>
    tpu.vector_store %arg5[%swap3A, %swap3A_39], %add3A_38 {strides = array<i32>} : memref<1000x128xf32, #tpu.memory_space<vmem>>, vector<1000x128xf32>,
    return
  }
  func.func @transform_0(%arg0: i32) -> (i32, i32, i32) {
    %c0_i32 = arith.constant 0 : i32
    %c0_i32_0 = arith.constant 0 : i32
    %c0_i32_1 = arith.constant 0 : i32
    return %c0_i32, %arg0, %c0_i32_0 : i32, i32, i32
  }
  func.func @transform_1(%arg0: i32) -> (i32, i32) {
    %c0_i32 = arith.constant 0 : i32
    %c0_i32_0 = arith.constant 0 : i32
    %c0_i32_1 = arith.constant 0 : i32
    return %c0_i32, %c0_i32_0 : i32, i32
  }
  func.func @transform_2(%arg0: i32) -> (i32, i32) {
    %c0_i32 = arith.constant 0 : i32
    %c0_i32_0 = arith.constant 0 : i32
    %c0_i32_1 = arith.constant 0 : i32
    return %c0_i32, %c0_i32_0 : i32, i32
  }
  func.func @transform_3(%arg0: i32) -> (i32, i32) {
    %c0_i32 = arith.constant 0 : i32
    %c0_i32_0 = arith.constant 0 : i32
    %c0_i32_1 = arith.constant 0 : i32
    return %c0_i32, %c0_i32_0 : i32, i32
  }
  func.func @transform_4(%arg0: i32) -> (i32, i32) {
    %c0_i32 = arith.constant 0 : i32
    %c0_i32_0 = arith.constant 0 : i32
    return %arg0, %c0_i32 : i32, i32
  }
}

</mosaic_0001>

<sc_bundles>
// kernel: kernel.5.cloned.1.call-start
scs
__scs_entry_jumppad:
0x0: {  	(pc) =	sbr.rel $0x88, $3  }
0x1: {  	(tag) =	ssettag $0x0;
	lr =	simm.s32 $0x1  }
0x2: {  	[smem:$0x3F9A] =	sst lr;
	_ =	strace $0xD0000000  }
0x3: {  	_ = 	snop  }
0x4: {  	_ = 	snop  }
0x5: {  	_ = 	snop  }
0x6: {  	_ = 	snop  }
0x7: {  	_ = 	snop  }
__scs_overlays_trampoline_lowered:
0x8: {  	[smem:$0x3FA9] =	sst s0  }
0x9: {  	[smem:$0x3FAA] =	sst s1  }
0xa: {  	[smem:$0x3FAB] =	sst s2  }
0xb: {  	[smem:$0x3FAC] =	sst s3  }
0xc: {  	[smem:$0x3FAD] =	sst s4  }
0xd: {  	[smem:$0x3FAE] =	sst s5  }
0xe: {  	[smem:$0x3FAF] =	sst s6  }
0xf: {  	[smem:$0x3FB0] =	sst s7  }
0x10: {  	[smem:$0x3FB1] =	sst s8  }
0x11: {  	[smem:$0x3FB2] =	sst s9;
	s0 =	simm.s32 @!p0 $0x0  }
0x12: {  	s1 =	sld [smem:$0x3F98];
	s0 =	simm.s32 @p0 $0x1  }
0x13: {  	[smem:$0x3FB3] =	sst s0;
	s0 =	simm.s32 @!p1 $0x0  }
0x14: {  	s2 =	sld [smem:$0x3F97];
	s0 =	simm.s32 @p1 $0x1  }
0x15: {  	[smem:$0x3FB4] =	sst s0;
	s0 =	simm.s32 @!p2 $0x0  }
0x16: {  	s3 =	sld [smem:$0x3FDB];
	s0 =	simm.s32 @p2 $0x1  }
0x17: {  	s4 =	simm.s32 $0x1BF5;
	[smem:$0x3FB6] =	sst s0  }
0x18: {  	s0 =	sld [smem:$0x3F99];
	_ =	swait.ge [sflag:s4], $0x0  }
0x19: {  	s7 =	sld [smem:$0x3F9A]  }
0x1a: {  	s8 =	sadd.s32 $0xFFFFE003, lr  }
0x1b: {  	s9 =	sadd.s32 $0xFFFFFEF7, lr;
	s5 =	simm.s32 $0xFFFFFFFF;
	p2 =	slt.u32 s8, $0xFFFFF086  }
0x1c: {  	p1 =	slt.u32 s9, $0xF7A;
	s5 =	simm.s32 @!p2 $0x0  }
0x1d: {  	s5 =	simm.s32 @p1 $0x1;
	p0 =	seq.s32 s7, s2  }
0x1e: {  	s7 =	smul.u32 @!p0 $0xF7A, s2;
	p2 =	seq.s32 @!p0 s5, $0x0  }
0x1f: {  	s9 =	smul.u32 $0xF7A, s1;
	s8 =	simm.s32 @!p0 $0x1BF5;
	p2 =	por !p2, p0  }
0x20: {  	[sflag:s8] =	ssyncset.s32 @!p0 $0xFFFFF086;
	s6 =	sadd.s32 @!p0 s3, s7;
	s7 =	simm.s32 @!p0 $0x108  }
0x21: {  	s3 =	sadd.s32 s3, s9;
	s6 =	sadd.s32 @!p0 $0x88, s6;
	s7 =	simm.s32 @p2 $0x1082  }
0x22: {  	[simem:s7], [sflag:s8] =	dma.local @!p0 [hbm:s6], $0xF7A  }
0x23: {  	s9 =	sor.u32 $0xD0000000, s2;
	s6 =	simm.s32 $0x108;
	_ =	swait.ge @!p0 [sflag:s8], $0x0  }
0x24: {  	s3 =	sadd.s32 $0x88, s3;
	s6 =	simm.s32 @!p1 $0x1082;
	[sflag:s4] =	ssyncset.s32 $0xFFFFF086  }
0x25: {  	[simem:s6], [sflag:s4] =	dma.local [hbm:s3], $0xF7A  }
0x26: {  	[smem:$0x3F9A] =	sst s1;
	(tag) =	ssettag s2;
	_ =	strace s9  }
0x27: {  	s1 =	sld [smem:$0x3FAA]  }
0x28: {  	s2 =	sld [smem:$0x3FAB]  }
0x29: {  	s4 =	sld [smem:$0x3FAD]  }
0x2a: {  	p0 =	seq.s32 s5, $0x0;
	s5 =	sld [smem:$0x3FAE]  }
0x2b: {  	s6 =	sld [smem:$0x3FAF]  }
0x2c: {  	s7 =	sld [smem:$0x3FB0]  }
0x2d: {  	s3 =	simm.s32 $0x108;
	s8 =	sld [smem:$0x3FB1]  }
0x2e: {  	s3 =	simm.s32 @!p0 $0x1082;
	s9 =	sld [smem:$0x3FB2]  }
0x2f: {  	lr =	sadd.s32 s0, s3;
	s0 =	sld [smem:$0x3FA9]  }
0x30: {  	s3 =	sld [smem:$0x3FAC]  }
0x31: {  	[smem:$0x3FB5] =	sst s10  }
0x32: {  	s10 =	sld [smem:$0x3FB3];
	_ =	sdelay $0x3  }
0x33: {  	p0 =	seq.s32 s10, $0x1;
	s10 =	sld [smem:$0x3FB5];
	_ =	sdelay $0x3  }
0x34: {  	[smem:$0x3FB5] =	sst s10  }
0x35: {  	s10 =	sld [smem:$0x3FB4];
	_ =	sdelay $0x3  }
0x36: {  	p1 =	seq.s32 s10, $0x1;
	s10 =	sld [smem:$0x3FB5];
	_ =	sdelay $0x3  }
0x37: {  	[smem:$0x3FB5] =	sst s10  }
0x38: {  	s10 =	sld [smem:$0x3FB6]  }
0x39: {  	_ = 	snop;
	(pc) =	sbr.ind lr, $3  }
0x3a: {  	_ = 	snop  }
0x3b: {  	_ = 	snop  }
0x3c: {  	p2 =	seq.s32 s10, $0x1;
	s10 =	sld [smem:$0x3FB5]  }
0x3d: {  	_ =	shalt  }
0x3e: {  	_ =	shalt  }
0x3f: {  	_ =	shalt  }
0x40: {  	_ =	shalt  }
0x41: {  	_ =	shalt  }
0x42: {  	_ =	shalt  }
0x43: {  	_ =	shalt  }
0x44: {  	_ =	shalt  }
0x45: {  	_ =	shalt  }
0x46: {  	_ =	shalt  }
0x47: {  	_ =	shalt  }
0x48: {  	_ =	shalt  }
0x49: {  	_ =	shalt  }
0x4a: {  	_ =	shalt  }
0x4b: {  	_ =	shalt  }
0x4c: {  	_ =	shalt  }
0x4d: {  	_ =	shalt  }
0x4e: {  	_ =	shalt  }
0x4f: {  	_ =	shalt  }
0x50: {  	_ =	shalt  }
0x51: {  	_ =	shalt  }
0x52: {  	_ =	shalt  }
0x53: {  	_ =	shalt  }
0x54: {  	_ =	shalt  }
0x55: {  	_ =	shalt  }
0x56: {  	_ =	shalt  }
0x57: {  	_ =	shalt  }
0x58: {  	_ =	shalt  }
0x59: {  	_ =	shalt  }
0x5a: {  	_ =	shalt  }
0x5b: {  	_ =	shalt  }
0x5c: {  	_ =	shalt  }
0x5d: {  	_ =	shalt  }
0x5e: {  	_ =	shalt  }
0x5f: {  	_ =	shalt  }
0x60: {  	_ =	shalt  }
0x61: {  	_ =	shalt  }
0x62: {  	_ =	shalt  }
0x63: {  	_ =	shalt  }
0x64: {  	_ =	shalt  }
0x65: {  	_ =	shalt  }
0x66: {  	_ =	shalt  }
0x67: {  	_ =	shalt  }
0x68: {  	_ =	shalt  }
0x69: {  	_ =	shalt  }
0x6a: {  	_ =	shalt  }
0x6b: {  	_ =	shalt  }
0x6c: {  	_ =	shalt  }
0x6d: {  	_ =	shalt  }
0x6e: {  	_ =	shalt  }
0x6f: {  	_ =	shalt  }
0x70: {  	_ =	shalt  }
0x71: {  	_ =	shalt  }
0x72: {  	_ =	shalt  }
0x73: {  	_ =	shalt  }
0x74: {  	_ =	shalt  }
0x75: {  	_ =	shalt  }
0x76: {  	_ =	shalt  }
0x77: {  	_ =	shalt  }
0x78: {  	_ =	shalt  }
0x79: {  	_ =	shalt  }
0x7a: {  	_ =	shalt  }
0x7b: {  	_ =	shalt  }
0x7c: {  	_ =	shalt  }
0x7d: {  	_ =	shalt  }
0x7e: {  	_ =	shalt  }
0x7f: {  	_ =	shalt  }
0x80: {  	_ =	shalt  }
0x81: {  	_ =	shalt  }
0x82: {  	_ =	shalt  }
0x83: {  	_ =	shalt  }
0x84: {  	_ =	shalt  }
0x85: {  	_ =	shalt  }
0x86: {  	_ =	shalt  }
0x87: {  	_ =	shalt  }
.Lfunc_end0:
.L_simem_size_0:
called_computation_lowered:
.L_overlay_start_0:
0x88: {  	s2 =	sld [smem:$0x3FD9]  }
0x89: {  	s3 =	sld [smem:$0x3FFE];
	_ =	sdelay $0x1  }
0x8a: {  	s1 =	srdreg.scid  }
0x8b: {  	s0 =	sand.u32 $0x1, s1  }
0x8c: {  	s17 =	sshll.u32 s0, $0xA;
	s2 =	sadd.s32 s3, s2  }
0x8d: {  	s2 =	sadd.s32 s2, s17  }
0x8e: {  	[smem:$0x3FC1] =	sst s2  }
0x8f: {  	_ = 	snop  }
0x90: {  	s2 =	sld [smem:$0x3FD0];
	(tm) =	ssettm $0x1  }
0x91: {  	s18 =	sld [smem:$0x3FFB];
	_ =	sdelay $0x3  }
0x92: {  	_ =	strace s18  }
0x93: {  	s3 =	sld [smem:$0x3FFC];
	_ =	sdelay $0x3  }
0x94: {  	_ =	strace s3  }
0x95: {  	s3 =	sld [smem:$0x3FFD];
	_ =	sdelay $0x3  }
0x96: {  	_ =	strace s3  }
0x97: {  	_ =	strace $0x8FFFFFFF  }
0x98: {  	s19 =	sld [smem:$0x3FDB];
	_ =	sdelay $0x1  }
0x99: {  	s4 =	simm.s32 $_scs_section_size  }
0x9a: {  	s5 =	simm.s32 $_size__tile_overlayer_lowered;
	s6 =	simm.s32 $_tile_overlayer_lowered  }
0x9b: {  	s22 =	simm.s32 $0x1BFF;
	s21 =	sshll.u32 s6, $0x1;
	s3 =	sadd.s32 s4, s19  }
0x9c: {  	s7 =	simm.s32 $0x0;
	s20 =	sshll.u32 s5, $0x1;
	s5 =	sadd.s32 s21, s3  }
0x9d: {  	[timem:s7], [sflag:s22] =	dma.local [hbm:s5], s20  }
0x9e: {  	_ =	swait.ge [sflag:s22], s20  }
0x9f: {  	s4 =	ssub.s32 $0x0, s20;
	[sflag:s22] =	ssyncset.done $0x0  }
0xa0: {  	[sflag:s22] =	ssyncadd.s32 s4;
	_ =	sdelay $0x1  }
0xa1: {  	s23 =	simm.s32 $0x1B8B  }
0xa2: {  	_ =	swait.ge [sflag:s23], $0x1  }
0xa3: {  	[sflag:s23] =	ssyncset.done $0x0  }
0xa4: {  	s25 =	simm.s32 $0x1B8E;
	s24 =	sld [smem:$0x3FFE];
	[sflag:s23] =	ssyncadd.s32 $0xFFFFFFFF  }
0xa5: {  	s26 =	simm.s32 $execute0_lowered;
	[smem:$0x3FD2] =	sst s25  }
0xa6: {  	s5 =	sshll.u32 s26, $0x1;
	_ =	strace $0x80000046;
	[dreg:$0x1] =	wrdreg $0xFFFFFFFF  }
0xa7: {  	s28 =	simm.s32 $_size_execute0_lowered;
	s3 =	sadd.s32 s3, s5;
	[dreg:$0x0] =	wrdreg $0x0  }
0xa8: {  	s5 =	sshll.u32 s28, $0x1;
	[dreg:$0x2] =	wrdreg s3  }
0xa9: {  	[dreg:$0x3] =	wrdreg s5  }
0xaa: {  	[dreg:$0x4] =	wrdreg $0xC0  }
0xab: {  	_ =	task [dreg:s7], $0x5FFFF  }
0xac: {  	[dreg:$0x1] =	wrdreg $0xFFFFFFFF  }
0xad: {  	[dreg:$0x0] =	wrdreg $0x60  }
0xae: {  	[dreg:$0x2] =	wrdreg s2  }
0xaf: {  	[dreg:$0x3] =	wrdreg s24  }
0xb0: {  	[dreg:$0x4] =	wrdreg $0x98000  }
0xb1: {  	[dreg:$0x5] =	wrdreg $0x9  }
0xb2: {  	_ =	task.clear_ibuf [dreg:s7], $0x6FFFF;
	_ =	strace $0x90000046  }
0xb3: {  	s29 =	simm.s32 $0x9;
	_ =	strace $0x80000048  }
0xb4: {  	_ =	swait.ge [sflag:s29], $0x1  }
0xb5: {  	[sflag:s29] =	ssyncadd.s32 $0xFFFFFFFF  }
0xb6: {  	_ =	strace $0x90000048  }
0xb7: {  	_ =	sfence  }
0xb8: {  	s30 =	sld [smem:$0x0];
	_ =	sdelay $0x2  }
0xb9: {  	s31 =	sshll.u32 s1, $0xD;
	s1 =	sshrl.u32 s1, $0x2  }
0xba: {  	s3 =	sand.u32 $0x4000, s31;
	s1 =	sadd.s32 s1, s30  }
0xbb: {  	s0 =	sor.u32 s3, s0;
	s1 =	sshll.u32 s1, $0x11  }
0xbc: {  	s0 =	sor.u32 s1, s0  }
0xbd: {  	s0 =	sadd.s32 $0x8F2B, s0  }
0xbe: {  	[sflag:s0] =	ssyncadd.remote.s32 $0x1  }
0xbf: {  	_ =	sfence.sel $0xFFFF  }
0xc0: {  	[dreg:$0x0] =	wrdreg $0xFFFFFFFF;
	(pc) =	sbr.abs _section_cstart, $3  }
0xc1: {  	[dreg:$0x1] =	wrdreg $0xFFFFFFFF  }
0xc2: {  	_ =	task.clear_ibuf [dreg:s7], $0x2FFFF;
	_ =	strace $0x9FFFFFFF  }
0xc3: {  	(tm) =	ssettm $0x7FFFFFFF  }
tec
execute0_lowered:
.L_overlay_start_1:
0x0: {  	(tag) =	ssettag $0x1  }
0x1: {  	s1 =	rddreg [dreg:$0x0]  }
0x2: {  	s0 =	rddreg [dreg:$0x1]  }
0x3: {  	s3 =	rddreg [dreg:$0x2]  }
0x4: {  	s2 =	srdreg.scid;
	s4 =	simm.s32 $0x0;
	s11 =	stileid.u32  }
0x5: {  	s30 =	simm.s32 $0x1800;
	s31 =	simm.s32 $0x40;
	s28 =	simm.s32 $0x0  }
0x6: {  	s2 =	sand.u32 $0x1, s2;
	[smem:$0x7FF] =	sst s4;
	s9 =	smul.u32 $0x14000, s11  }
0x7: {  	s5 =	sshll.u32 s11, $0x1;
	s6 =	sadd.s32 $0x1200, s0;
	s11 =	smul.u32 $0x50000, s11  }
0x8: {  	s8 =	smul.u32 $0x140000, s2;
	_ =	strace $0x80000047;
	s10 =	sor.u32 s2, s5  }
0x9: {  	s5 =	sadd.s32 $0x15200, s0;
	s2 =	ssub.s32 $0x2, s2;
	s7 =	smul.u32 $0xA000, s10  }
0xa: {  	s24 =	sshrl.u32 s2, $0x1;
	s11 =	sshrl.u32 s11, $0x2;
	s9 =	sadd.s32 s9, s8  }
0xb: {  	s8 =	smul.u32 $0x5000, s10;
	s2 =	ssub.s32 s2, s24;
	s12 =	sadd.s32 s11, s3  }
0xc: {  	s9 =	sshrl.u32 s9, $0x3;
	s25 =	sshrl.u32 s7, $0x3;
	s14 =	sadd.s32 $0x2000, s12  }
0xd: {  	s15 =	sadd.s32 $0x4000, s12;
	s16 =	sadd.s32 $0x6000, s12;
	s17 =	sadd.s32 $0x8000, s12  }
0xe: {  	v0 =	vimm.f32 $0.0e+00;
	v1 =	vimm.s32 $0x0;
	s18 =	sadd.s32 $0xA000, s12;
	s19 =	sadd.s32 $0xC000, s12;
	s20 =	sadd.s32 $0xE000, s12  }
0xf: {  	v2 =	vimm.s32 $0x1;
	v3 =	vimm.s32 $0x2;
	v4 =	vimm.s32 $0x3;
	s21 =	sadd.s32 $0x10000, s12;
	s0 =	sadd.s32 s9, s0;
	s9 =	sadd.s32 s5, s25  }
0x10: {  	v5 =	vimm.s32 $0x4;
	v6 =	vimm.s32 $0x5;
	v7 =	vimm.s32 $0x6;
	s26 =	sshrl.u32 s8, $0x3;
	[dreg:$0x4] =	wrdreg s9;
	s9 =	sadd.s32 $0x100, s9  }
0x11: {  	v8 =	vimm.s32 $0x7;
	v9 =	vimm.s32 $0x8;
	v10 =	vimm.s32 $0x9;
	s10 =	sadd.s32 s6, s26;
	s0 =	sadd.s32 $0x3D200, s0;
	[dreg:$0x5] =	wrdreg s9  }
0x12: {  	v11 =	vimm.s32 $0xA;
	v12 =	vimm.s32 $0xB;
	v13 =	vimm.s32 $0xC;
	s22 =	sadd.s32 $0x12000, s12;
	s29 =	sadd.s32 $0x80, s10;
	[dreg:$0x7] =	wrdreg s0  }
0x13: {  	v14 =	vimm.s32 $0xD;
	v15 =	vimm.s32 $0xE;
	v16 =	vimm.s32 $0xF;
	s24 =	smax.u32 s2, $0x1;
	s25 =	simm.s32 $0x9;
	[dreg:$0x6] =	wrdreg s29  }
.LBB2_1:
0x14: {  	s0 =	rddreg [dreg:$0x4]  }
0x15: {  	[tilespmem:s4], [sflag:$0x9] =	stream.linear.gather [hbm4b:s0+s4], $0x800, $0x38;
	[tilespmem:$0x1D800] =	vst v63  }
0x16: {  	_ =	swait.ge [sflag:s25], $0x800  }
0x17: {  	[sflag:s25] =	ssyncset.done $0x0  }
0x18: {  	s13 =	simm.s32 $0x1000;
	[sflag:s25] =	ssyncadd.s32 $0xFFFFF800  }
0x19: {  	[tilespmem:s13], [sflag:$0x9] =	stream.linear.gather [hbm4b:s10+s4], $0x400, $0x38;
	[tilespmem:$0x1D800] =	vst v63  }
0x1a: {  	_ =	swait.ge [sflag:s25], $0x400  }
0x1b: {  	s2 =	simm.s32 $0x800;
	[sflag:s25] =	ssyncset.done $0x0  }
0x1c: {  	s29 =	simm.s32 $0x1400;
	s23 =	rddreg [dreg:$0x5];
	[sflag:s25] =	ssyncadd.s32 $0xFFFFFC00  }
0x1d: {  	[tilespmem:s2], [sflag:$0x6] =	stream.linear.gather [hbm4b:s23+s4], $0x800, $0x38;
	[tilespmem:$0x1D800] =	vst v63  }
0x1e: {  	s0 =	simm.s32 $0x0;
	s26 =	rddreg [dreg:$0x6];
	s2 =	simm.s32 $0x200  }
0x1f: {  	[tilespmem:s29], [sflag:$0x8] =	stream.linear.gather [hbm4b:s26+s4], $0x400, $0x38;
	[tilespmem:$0x1D800] =	vst v63  }
.LBB2_2:
0x20: {  	p0 =	sne.s32 s2, $0x7E00;
	[tilespmem:s0+$0x1870] =	vst v0  }
0x21: {  	[tilespmem:s0+$0x1800] =	vst v0  }
0x22: {  	[tilespmem:s0+$0x1810] =	vst v0  }
.Ltmp0:
0x23: {  	[tilespmem:s0+$0x1820] =	vst v0;
	(pc) =	sbr.rel @p0 .LBB2_2-.Ltmp0, $4  }
0x24: {  	[tilespmem:s0+$0x1830] =	vst v0  }
0x25: {  	[tilespmem:s0+$0x1840] =	vst v0  }
0x26: {  	[tilespmem:s0+$0x1850] =	vst v0  }
0x27: {  	[tilespmem:s0+$0x1860] =	vst v0;
	s0 =	sshra.s32 s2, $0x2;
	s2 =	sadd.s32 $0x200, s2  }
0x28: {  	[tilespmem:s0+$0x1870] =	vst v0  }
0x29: {  	[tilespmem:s0+$0x1800] =	vst v0  }
0x2a: {  	[tilespmem:s0+$0x1810] =	vst v0  }
0x2b: {  	[tilespmem:s0+$0x1820] =	vst v0  }
0x2c: {  	[tilespmem:s0+$0x1830] =	vst v0  }
0x2d: {  	[tilespmem:s0+$0x1840] =	vst v0  }
0x2e: {  	[tilespmem:s0+$0x1850] =	vst v0  }
0x2f: {  	[tilespmem:s0+$0x1860] =	vst v0  }
0x30: {  	[spmem:s12] =	stream.linear.scatter [tilespmem:s30], [sflag:$0x9], $0x2000, $0x38;
	[tilespmem:$0x1D800] =	vst v63  }
0x31: {  	_ =	swait.ge [sflag:s25], $0x2000  }
0x32: {  	[sflag:s25] =	ssyncset.done $0x0  }
0x33: {  	[sflag:s25] =	ssyncadd.s32 $0xFFFFE000  }
0x34: {  	[spmem:s14] =	stream.linear.scatter [tilespmem:s30], [sflag:$0x9], $0x2000, $0x38;
	[tilespmem:$0x1D800] =	vst v63  }
0x35: {  	_ =	swait.ge [sflag:s25], $0x2000  }
0x36: {  	[sflag:s25] =	ssyncset.done $0x0  }
0x37: {  	[sflag:s25] =	ssyncadd.s32 $0xFFFFE000  }
0x38: {  	[spmem:s15] =	stream.linear.scatter [tilespmem:s30], [sflag:$0x9], $0x2000, $0x38;
	[tilespmem:$0x1D800] =	vst v63  }
0x39: {  	_ =	swait.ge [sflag:s25], $0x2000  }
0x3a: {  	[sflag:s25] =	ssyncset.done $0x0  }
0x3b: {  	[sflag:s25] =	ssyncadd.s32 $0xFFFFE000  }
0x3c: {  	[spmem:s16] =	stream.linear.scatter [tilespmem:s30], [sflag:$0x9], $0x2000, $0x38;
	[tilespmem:$0x1D800] =	vst v63  }
0x3d: {  	_ =	swait.ge [sflag:s25], $0x2000  }
0x3e: {  	[sflag:s25] =	ssyncset.done $0x0  }
0x3f: {  	[sflag:s25] =	ssyncadd.s32 $0xFFFFE000  }
0x40: {  	[spmem:s17] =	stream.linear.scatter [tilespmem:s30], [sflag:$0x9], $0x2000, $0x38;
	[tilespmem:$0x1D800] =	vst v63  }
0x41: {  	_ =	swait.ge [sflag:s25], $0x2000  }
0x42: {  	[sflag:s25] =	ssyncset.done $0x0  }
0x43: {  	[sflag:s25] =	ssyncadd.s32 $0xFFFFE000  }
0x44: {  	[spmem:s18] =	stream.linear.scatter [tilespmem:s30], [sflag:$0x9], $0x2000, $0x38;
	[tilespmem:$0x1D800] =	vst v63  }
0x45: {  	_ =	swait.ge [sflag:s25], $0x2000  }
0x46: {  	[sflag:s25] =	ssyncset.done $0x0  }
0x47: {  	[sflag:s25] =	ssyncadd.s32 $0xFFFFE000  }
0x48: {  	[spmem:s19] =	stream.linear.scatter [tilespmem:s30], [sflag:$0x9], $0x2000, $0x38;
	[tilespmem:$0x1D800] =	vst v63  }
0x49: {  	_ =	swait.ge [sflag:s25], $0x2000  }
0x4a: {  	[sflag:s25] =	ssyncset.done $0x0  }
0x4b: {  	[sflag:s25] =	ssyncadd.s32 $0xFFFFE000  }
0x4c: {  	[spmem:s20] =	stream.linear.scatter [tilespmem:s30], [sflag:$0x9], $0x2000, $0x38;
	[tilespmem:$0x1D800] =	vst v63  }
0x4d: {  	_ =	swait.ge [sflag:s25], $0x2000  }
0x4e: {  	[sflag:s25] =	ssyncset.done $0x0  }
0x4f: {  	[sflag:s25] =	ssyncadd.s32 $0xFFFFE000  }
0x50: {  	[spmem:s21] =	stream.linear.scatter [tilespmem:s30], [sflag:$0x9], $0x2000, $0x38;
	[tilespmem:$0x1D800] =	vst v63  }
0x51: {  	_ =	swait.ge [sflag:s25], $0x2000  }
0x52: {  	[sflag:s25] =	ssyncset.done $0x0  }
0x53: {  	[sflag:s25] =	ssyncadd.s32 $0xFFFFE000  }
0x54: {  	[spmem:s22] =	stream.linear.scatter [tilespmem:s30], [sflag:$0x9], $0x2000, $0x38;
	[tilespmem:$0x1D800] =	vst v63  }
0x55: {  	_ =	swait.ge [sflag:s25], $0x2000  }
0x56: {  	[sflag:s25] =	ssyncset.done $0x0  }
0x57: {  	[sflag:s25] =	ssyncadd.s32 $0xFFFFE000  }
0x58: {  	s29 =	simm.s32 $0x0;
	[bflag:$0x0] =	sbarrier.arrive $0xFFFF  }
0x59: {  	[tilespmem:s30], [sflag:$0x1] =	stream.indirect.gather [hbm4b:s1+s31], $0x80, s29, s31, $0xb8;
	[tilespmem:$0x1D800] =	vst v63  }
0x5a: {  	s26 =	simm.s32 $0x100;
	s2 =	simm.s32 $0x3800  }
0x5b: {  	[tilespmem:s2], [sflag:$0x2] =	stream.indirect.gather [hbm4b:s1+s31], $0x80, s26, s31, $0xb8;
	[tilespmem:$0x1D800] =	vst v63  }
.LBB2_4:
0x5c: {  	s26 =	sshrl.u32 s29, $0x3  }
0x5d: {  	s0 =	sand.u32 $0x7, s29;
	s2 =	sand.u32 $0x1, s26  }
0x5e: {  	s9 =	sshll.u32 s0, $0x7;
	s23 =	sshll.u32 s2, $0xA  }
0x5f: {  	s11 =	sand.u32 $0x3, s29;
	s9 =	sor.u32 s9, s23  }
0x60: {  	s13 =	sadd.s32 $0x1, s11;
	s9 =	sor.u32 $0x1000, s9  }
0x61: {  	s11 =	sshll.u32 s11, $0xD;
	_ =	swait.ge [sflag:s13], $0x2000;
	v17 =	vmov s9  }
0x62: {  	s11 =	sor.u32 $0x1800, s11;
	[sflag:s13] =	ssyncset.done $0x0  }
0x63: {  	v18 =	vmov s11;
	[sflag:s13] =	ssyncadd.s32 $0xFFFFE000;
	s13 =	simm.s32 $0x0  }
.LBB2_5:
0x64: {  	s9 =	sshll.u32 s13, $0x4  }
0x65: {  	s9 =	sand.u32 $0x3FFFFFF0, s9  }
0x66: {  	s23 =	sshll.u32 s13, $0xD;
	v19 =	vld.idx.msk [tilespmem:v17+s9+$0x0 ss:$0x1], $0xffff  }
0x67: {  	s23 =	sshra.s32 s23, $0x2  }
0x68: {  	v20 =	vld.idx.msk [tilespmem:v18+s23+$0x0 ss:$0x1], $0xffff;
	_ =	sdelay $0x2  }
0x69: {  	v21 =	vperm.xlane v19, v1;
	_ =	sdelay $0x1  }
0x6a: {  	v20 =	vmul.f32 v20, v21;
	_ =	sdelay $0x1  }
0x6b: {  	[tilespmem:v18+s23+$0x0 ss:$0x1] =	vst.idx.msk $0xffff, v20  }
0x6c: {  	v20 =	vld.idx.msk [tilespmem:v18+s23+$0x10 ss:$0x1], $0xffff;
	_ =	sdelay $0x4  }
0x6d: {  	v20 =	vmul.f32 v20, v21;
	_ =	sdelay $0x1  }
0x6e: {  	[tilespmem:v18+s23+$0x10 ss:$0x1] =	vst.idx.msk $0xffff, v20  }
0x6f: {  	v20 =	vld.idx.msk [tilespmem:v18+s23+$0x20 ss:$0x1], $0xffff;
	_ =	sdelay $0x4  }
0x70: {  	v20 =	vmul.f32 v20, v21;
	_ =	sdelay $0x1  }
0x71: {  	[tilespmem:v18+s23+$0x20 ss:$0x1] =	vst.idx.msk $0xffff, v20  }
0x72: {  	v20 =	vld.idx.msk [tilespmem:v18+s23+$0x30 ss:$0x1], $0xffff;
	_ =	sdelay $0x4  }
0x73: {  	v20 =	vmul.f32 v20, v21;
	_ =	sdelay $0x1  }
0x74: {  	[tilespmem:v18+s23+$0x30 ss:$0x1] =	vst.idx.msk $0xffff, v20  }
0x75: {  	v20 =	vld.idx.msk [tilespmem:v18+s23+$0x40 ss:$0x1], $0xffff;
	_ =	sdelay $0x4  }
0x76: {  	v20 =	vmul.f32 v20, v21;
	_ =	sdelay $0x1  }
0x77: {  	[tilespmem:v18+s23+$0x40 ss:$0x1] =	vst.idx.msk $0xffff, v20  }
0x78: {  	v20 =	vld.idx.msk [tilespmem:v18+s23+$0x50 ss:$0x1], $0xffff;
	_ =	sdelay $0x4  }
0x79: {  	v20 =	vmul.f32 v20, v21;
	_ =	sdelay $0x1  }
0x7a: {  	[tilespmem:v18+s23+$0x50 ss:$0x1] =	vst.idx.msk $0xffff, v20  }
0x7b: {  	v20 =	vld.idx.msk [tilespmem:v18+s23+$0x60 ss:$0x1], $0xffff;
	_ =	sdelay $0x4  }
0x7c: {  	v20 =	vmul.f32 v20, v21;
	_ =	sdelay $0x1  }
0x7d: {  	[tilespmem:v18+s23+$0x60 ss:$0x1] =	vst.idx.msk $0xffff, v20  }
0x7e: {  	v20 =	vld.idx.msk [tilespmem:v18+s23+$0x70 ss:$0x1], $0xffff;
	_ =	sdelay $0x4  }
0x7f: {  	v20 =	vmul.f32 v20, v21;
	_ =	sdelay $0x1  }
0x80: {  	[tilespmem:v18+s23+$0x70 ss:$0x1] =	vst.idx.msk $0xffff, v20  }
0x81: {  	v20 =	vld.idx.msk [tilespmem:v18+s23+$0x80 ss:$0x1], $0xffff;
	_ =	sdelay $0x2  }
0x82: {  	v50 =	vperm.xlane v19, v2;
	_ =	sdelay $0x1  }
0x83: {  	v20 =	vmul.f32 v20, v50;
	_ =	sdelay $0x1  }
0x84: {  	[tilespmem:v18+s23+$0x80 ss:$0x1] =	vst.idx.msk $0xffff, v20  }
0x85: {  	v20 =	vld.idx.msk [tilespmem:v18+s23+$0x90 ss:$0x1], $0xffff;
	_ =	sdelay $0x4  }
0x86: {  	v20 =	vmul.f32 v20, v50;
	_ =	sdelay $0x1  }
0x87: {  	[tilespmem:v18+s23+$0x90 ss:$0x1] =	vst.idx.msk $0xffff, v20  }
0x88: {  	v20 =	vld.idx.msk [tilespmem:v18+s23+$0xA0 ss:$0x1], $0xffff;
	_ =	sdelay $0x4  }
0x89: {  	v20 =	vmul.f32 v20, v50;
	_ =	sdelay $0x1  }
0x8a: {  	[tilespmem:v18+s23+$0xA0 ss:$0x1] =	vst.idx.msk $0xffff, v20  }
0x8b: {  	v20 =	vld.idx.msk [tilespmem:v18+s23+$0xB0 ss:$0x1], $0xffff;
	_ =	sdelay $0x4  }
0x8c: {  	v20 =	vmul.f32 v20, v50;
	_ =	sdelay $0x1  }
0x8d: {  	[tilespmem:v18+s23+$0xB0 ss:$0x1] =	vst.idx.msk $0xffff, v20  }
0x8e: {  	v20 =	vld.idx.msk [tilespmem:v18+s23+$0xC0 ss:$0x1], $0xffff;
	_ =	sdelay $0x4  }
0x8f: {  	v20 =	vmul.f32 v20, v50;
	_ =	sdelay $0x1  }
0x90: {  	[tilespmem:v18+s23+$0xC0 ss:$0x1] =	vst.idx.msk $0xffff, v20  }
0x91: {  	v20 =	vld.idx.msk [tilespmem:v18+s23+$0xD0 ss:$0x1], $0xffff;
	_ =	sdelay $0x4  }
0x92: {  	v20 =	vmul.f32 v20, v50;
	_ =	sdelay $0x1  }
0x93: {  	[tilespmem:v18+s23+$0xD0 ss:$0x1] =	vst.idx.msk $0xffff, v20  }
0x94: {  	v20 =	vld.idx.msk [tilespmem:v18+s23+$0xE0 ss:$0x1], $0xffff;
	_ =	sdelay $0x4  }
0x95: {  	v20 =	vmul.f32 v20, v50;
	_ =	sdelay $0x1  }
0x96: {  	[tilespmem:v18+s23+$0xE0 ss:$0x1] =	vst.idx.msk $0xffff, v20  }
0x97: {  	v20 =	vld.idx.msk [tilespmem:v18+s23+$0xF0 ss:$0x1], $0xffff;
	_ =	sdelay $0x4  }
0x98: {  	v20 =	vmul.f32 v20, v50;
	_ =	sdelay $0x1  }
0x99: {  	[tilespmem:v18+s23+$0xF0 ss:$0x1] =	vst.idx.msk $0xffff, v20  }
0x9a: {  	v20 =	vld.idx.msk [tilespmem:v18+s23+$0x100 ss:$0x1], $0xffff;
	_ =	sdelay $0x2  }
0x9b: {  	v51 =	vperm.xlane v19, v3;
	_ =	sdelay $0x1  }
0x9c: {  	v20 =	vmul.f32 v20, v51;
	_ =	sdelay $0x1  }
0x9d: {  	[tilespmem:v18+s23+$0x100 ss:$0x1] =	vst.idx.msk $0xffff, v20  }
0x9e: {  	v20 =	vld.idx.msk [tilespmem:v18+s23+$0x110 ss:$0x1], $0xffff;
	_ =	sdelay $0x4  }
0x9f: {  	v20 =	vmul.f32 v20, v51;
	_ =	sdelay $0x1  }
0xa0: {  	[tilespmem:v18+s23+$0x110 ss:$0x1] =	vst.idx.msk $0xffff, v20  }
0xa1: {  	v20 =	vld.idx.msk [tilespmem:v18+s23+$0x120 ss:$0x1], $0xffff;
	_ =	sdelay $0x4  }
0xa2: {  	v20 =	vmul.f32 v20, v51;
	_ =	sdelay $0x1  }
0xa3: {  	[tilespmem:v18+s23+$0x120 ss:$0x1] =	vst.idx.msk $0xffff, v20  }
0xa4: {  	v20 =	vld.idx.msk [tilespmem:v18+s23+$0x130 ss:$0x1], $0xffff;
	_ =	sdelay $0x4  }
0xa5: {  	v20 =	vmul.f32 v20, v51;
	_ =	sdelay $0x1  }
0xa6: {  	[tilespmem:v18+s23+$0x130 ss:$0x1] =	vst.idx.msk $0xffff, v20  }
0xa7: {  	v20 =	vld.idx.msk [tilespmem:v18+s23+$0x140 ss:$0x1], $0xffff;
	_ =	sdelay $0x4  }
0xa8: {  	v20 =	vmul.f32 v20, v51;
	_ =	sdelay $0x1  }
0xa9: {  	[tilespmem:v18+s23+$0x140 ss:$0x1] =	vst.idx.msk $0xffff, v20  }
0xaa: {  	v20 =	vld.idx.msk [tilespmem:v18+s23+$0x150 ss:$0x1], $0xffff;
	_ =	sdelay $0x4  }
0xab: {  	v20 =	vmul.f32 v20, v51;
	_ =	sdelay $0x1  }
0xac: {  	[tilespmem:v18+s23+$0x150 ss:$0x1] =	vst.idx.msk $0xffff, v20  }
0xad: {  	v20 =	vld.idx.msk [tilespmem:v18+s23+$0x160 ss:$0x1], $0xffff;
	_ =	sdelay $0x4  }
0xae: {  	v20 =	vmul.f32 v20, v51;
	_ =	sdelay $0x1  }
0xaf: {  	[tilespmem:v18+s23+$0x160 ss:$0x1] =	vst.idx.msk $0xffff, v20  }
0xb0: {  	v20 =	vld.idx.msk [tilespmem:v18+s23+$0x170 ss:$0x1], $0xffff;
	_ =	sdelay $0x4  }
0xb1: {  	v20 =	vmul.f32 v20, v51;
	_ =	sdelay $0x1  }
0xb2: {  	[tilespmem:v18+s23+$0x170 ss:$0x1] =	vst.idx.msk $0xffff, v20  }
0xb3: {  	v20 =	vld.idx.msk [tilespmem:v18+s23+$0x180 ss:$0x1], $0xffff;
	_ =	sdelay $0x2  }
0xb4: {  	v52 =	vperm.xlane v19, v4;
	_ =	sdelay $0x1  }
0xb5: {  	v20 =	vmul.f32 v20, v52;
	_ =	sdelay $0x1  }
0xb6: {  	[tilespmem:v18+s23+$0x180 ss:$0x1] =	vst.idx.msk $0xffff, v20  }
0xb7: {  	v20 =	vld.idx.msk [tilespmem:v18+s23+$0x190 ss:$0x1], $0xffff;
	_ =	sdelay $0x4  }
0xb8: {  	v20 =	vmul.f32 v20, v52;
	_ =	sdelay $0x1  }
0xb9: {  	[tilespmem:v18+s23+$0x190 ss:$0x1] =	vst.idx.msk $0xffff, v20  }
0xba: {  	v20 =	vld.idx.msk [tilespmem:v18+s23+$0x1A0 ss:$0x1], $0xffff;
	_ =	sdelay $0x4  }
0xbb: {  	v20 =	vmul.f32 v20, v52;
	_ =	sdelay $0x1  }
0xbc: {  	[tilespmem:v18+s23+$0x1A0 ss:$0x1] =	vst.idx.msk $0xffff, v20  }
0xbd: {  	v20 =	vld.idx.msk [tilespmem:v18+s23+$0x1B0 ss:$0x1], $0xffff;
	_ =	sdelay $0x4  }
0xbe: {  	v20 =	vmul.f32 v20, v52;
	_ =	sdelay $0x1  }
0xbf: {  	[tilespmem:v18+s23+$0x1B0 ss:$0x1] =	vst.idx.msk $0xffff, v20  }
0xc0: {  	v20 =	vld.idx.msk [tilespmem:v18+s23+$0x1C0 ss:$0x1], $0xffff;
	_ =	sdelay $0x4  }
0xc1: {  	v20 =	vmul.f32 v20, v52;
	_ =	sdelay $0x1  }
0xc2: {  	[tilespmem:v18+s23+$0x1C0 ss:$0x1] =	vst.idx.msk $0xffff, v20  }
0xc3: {  	v20 =	vld.idx.msk [tilespmem:v18+s23+$0x1D0 ss:$0x1], $0xffff;
	_ =	sdelay $0x4  }
0xc4: {  	v20 =	vmul.f32 v20, v52;
	_ =	sdelay $0x1  }
0xc5: {  	[tilespmem:v18+s23+$0x1D0 ss:$0x1] =	vst.idx.msk $0xffff, v20  }
0xc6: {  	v20 =	vld.idx.msk [tilespmem:v18+s23+$0x1E0 ss:$0x1], $0xffff;
	_ =	sdelay $0x4  }
0xc7: {  	v20 =	vmul.f32 v20, v52;
	_ =	sdelay $0x1  }
0xc8: {  	[tilespmem:v18+s23+$0x1E0 ss:$0x1] =	vst.idx.msk $0xffff, v20  }
0xc9: {  	v20 =	vld.idx.msk [tilespmem:v18+s23+$0x1F0 ss:$0x1], $0xffff;
	_ =	sdelay $0x4  }
0xca: {  	v20 =	vmul.f32 v20, v52;
	_ =	sdelay $0x1  }
0xcb: {  	[tilespmem:v18+s23+$0x1F0 ss:$0x1] =	vst.idx.msk $0xffff, v20  }
0xcc: {  	v20 =	vld.idx.msk [tilespmem:v18+s23+$0x200 ss:$0x1], $0xffff;
	_ =	sdelay $0x2  }
0xcd: {  	v53 =	vperm.xlane v19, v5;
	_ =	sdelay $0x1  }
0xce: {  	v20 =	vmul.f32 v20, v53;
	_ =	sdelay $0x1  }
0xcf: {  	[tilespmem:v18+s23+$0x200 ss:$0x1] =	vst.idx.msk $0xffff, v20  }
0xd0: {  	v20 =	vld.idx.msk [tilespmem:v18+s23+$0x210 ss:$0x1], $0xffff;
	_ =	sdelay $0x4  }
0xd1: {  	v20 =	vmul.f32 v20, v53;
	_ =	sdelay $0x1  }
0xd2: {  	[tilespmem:v18+s23+$0x210 ss:$0x1] =	vst.idx.msk $0xffff, v20  }
0xd3: {  	v20 =	vld.idx.msk [tilespmem:v18+s23+$0x220 ss:$0x1], $0xffff;
	_ =	sdelay $0x4  }
0xd4: {  	v20 =	vmul.f32 v20, v53;
	_ =	sdelay $0x1  }
0xd5: {  	[tilespmem:v18+s23+$0x220 ss:$0x1] =	vst.idx.msk $0xffff, v20  }
0xd6: {  	v20 =	vld.idx.msk [tilespmem:v18+s23+$0x230 ss:$0x1], $0xffff;
	_ =	sdelay $0x4  }
0xd7: {  	v20 =	vmul.f32 v20, v53;
	_ =	sdelay $0x1  }
0xd8: {  	[tilespmem:v18+s23+$0x230 ss:$0x1] =	vst.idx.msk $0xffff, v20  }
0xd9: {  	v20 =	vld.idx.msk [tilespmem:v18+s23+$0x240 ss:$0x1], $0xffff;
	_ =	sdelay $0x4  }
0xda: {  	v20 =	vmul.f32 v20, v53;
	_ =	sdelay $0x1  }
0xdb: {  	[tilespmem:v18+s23+$0x240 ss:$0x1] =	vst.idx.msk $0xffff, v20  }
0xdc: {  	v20 =	vld.idx.msk [tilespmem:v18+s23+$0x250 ss:$0x1], $0xffff;
	_ =	sdelay $0x4  }
0xdd: {  	v20 =	vmul.f32 v20, v53;
	_ =	sdelay $0x1  }
0xde: {  	[tilespmem:v18+s23+$0x250 ss:$0x1] =	vst.idx.msk $0xffff, v20  }
0xdf: {  	v20 =	vld.idx.msk [tilespmem:v18+s23+$0x260 ss:$0x1], $0xffff;
	_ =	sdelay $0x4  }
0xe0: {  	v20 =	vmul.f32 v20, v53;
	_ =	sdelay $0x1  }
0xe1: {  	[tilespmem:v18+s23+$0x260 ss:$0x1] =	vst.idx.msk $0xffff, v20  }
0xe2: {  	v20 =	vld.idx.msk [tilespmem:v18+s23+$0x270 ss:$0x1], $0xffff;
	_ =	sdelay $0x4  }
0xe3: {  	v20 =	vmul.f32 v20, v53;
	_ =	sdelay $0x1  }
0xe4: {  	[tilespmem:v18+s23+$0x270 ss:$0x1] =	vst.idx.msk $0xffff, v20  }
0xe5: {  	v20 =	vld.idx.msk [tilespmem:v18+s23+$0x280 ss:$0x1], $0xffff;
	_ =	sdelay $0x2  }
0xe6: {  	v54 =	vperm.xlane v19, v6;
	_ =	sdelay $0x1  }
0xe7: {  	v20 =	vmul.f32 v20, v54;
	_ =	sdelay $0x1  }
0xe8: {  	[tilespmem:v18+s23+$0x280 ss:$0x1] =	vst.idx.msk $0xffff, v20  }
0xe9: {  	v20 =	vld.idx.msk [tilespmem:v18+s23+$0x290 ss:$0x1], $0xffff;
	_ =	sdelay $0x4  }
0xea: {  	v20 =	vmul.f32 v20, v54;
	_ =	sdelay $0x1  }
0xeb: {  	[tilespmem:v18+s23+$0x290 ss:$0x1] =	vst.idx.msk $0xffff, v20  }
0xec: {  	v20 =	vld.idx.msk [tilespmem:v18+s23+$0x2A0 ss:$0x1], $0xffff;
	_ =	sdelay $0x4  }
0xed: {  	v20 =	vmul.f32 v20, v54;
	_ =	sdelay $0x1  }
0xee: {  	[tilespmem:v18+s23+$0x2A0 ss:$0x1] =	vst.idx.msk $0xffff, v20  }
0xef: {  	v20 =	vld.idx.msk [tilespmem:v18+s23+$0x2B0 ss:$0x1], $0xffff;
	_ =	sdelay $0x4  }
0xf0: {  	v20 =	vmul.f32 v20, v54;
	_ =	sdelay $0x1  }
0xf1: {  	[tilespmem:v18+s23+$0x2B0 ss:$0x1] =	vst.idx.msk $0xffff, v20  }
0xf2: {  	v20 =	vld.idx.msk [tilespmem:v18+s23+$0x2C0 ss:$0x1], $0xffff;
	_ =	sdelay $0x4  }
0xf3: {  	v20 =	vmul.f32 v20, v54;
	_ =	sdelay $0x1  }
0xf4: {  	[tilespmem:v18+s23+$0x2C0 ss:$0x1] =	vst.idx.msk $0xffff, v20  }
0xf5: {  	v20 =	vld.idx.msk [tilespmem:v18+s23+$0x2D0 ss:$0x1], $0xffff;
	_ =	sdelay $0x4  }
0xf6: {  	v20 =	vmul.f32 v20, v54;
	_ =	sdelay $0x1  }
0xf7: {  	[tilespmem:v18+s23+$0x2D0 ss:$0x1] =	vst.idx.msk $0xffff, v20  }
0xf8: {  	v20 =	vld.idx.msk [tilespmem:v18+s23+$0x2E0 ss:$0x1], $0xffff;
	_ =	sdelay $0x4  }
0xf9: {  	v20 =	vmul.f32 v20, v54;
	_ =	sdelay $0x1  }
0xfa: {  	[tilespmem:v18+s23+$0x2E0 ss:$0x1] =	vst.idx.msk $0xffff, v20  }
0xfb: {  	v20 =	vld.idx.msk [tilespmem:v18+s23+$0x2F0 ss:$0x1], $0xffff;
	_ =	sdelay $0x4  }
0xfc: {  	v20 =	vmul.f32 v20, v54;
	_ =	sdelay $0x1  }
0xfd: {  	[tilespmem:v18+s23+$0x2F0 ss:$0x1] =	vst.idx.msk $0xffff, v20  }
0xfe: {  	v20 =	vld.idx.msk [tilespmem:v18+s23+$0x300 ss:$0x1], $0xffff;
	_ =	sdelay $0x2  }
0xff: {  	v55 =	vperm.xlane v19, v7;
	_ =	sdelay $0x1  }
0x100: {  	v20 =	vmul.f32 v20, v55;
	_ =	sdelay $0x1  }
0x101: {  	[tilespmem:v18+s23+$0x300 ss:$0x1] =	vst.idx.msk $0xffff, v20  }
0x102: {  	v20 =	vld.idx.msk [tilespmem:v18+s23+$0x310 ss:$0x1], $0xffff;
	_ =	sdelay $0x4  }
0x103: {  	v20 =	vmul.f32 v20, v55;
	_ =	sdelay $0x1  }
0x104: {  	[tilespmem:v18+s23+$0x310 ss:$0x1] =	vst.idx.msk $0xffff, v20  }
0x105: {  	v20 =	vld.idx.msk [tilespmem:v18+s23+$0x320 ss:$0x1], $0xffff;
	_ =	sdelay $0x4  }
0x106: {  	v20 =	vmul.f32 v20, v55;
	_ =	sdelay $0x1  }
0x107: {  	[tilespmem:v18+s23+$0x320 ss:$0x1] =	vst.idx.msk $0xffff, v20  }
0x108: {  	v20 =	vld.idx.msk [tilespmem:v18+s23+$0x330 ss:$0x1], $0xffff;
	_ =	sdelay $0x4  }
0x109: {  	v20 =	vmul.f32 v20, v55;
	_ =	sdelay $0x1  }
0x10a: {  	[tilespmem:v18+s23+$0x330 ss:$0x1] =	vst.idx.msk $0xffff, v20  }
0x10b: {  	v20 =	vld.idx.msk [tilespmem:v18+s23+$0x340 ss:$0x1], $0xffff;
	_ =	sdelay $0x4  }
0x10c: {  	v20 =	vmul.f32 v20, v55;
	_ =	sdelay $0x1  }
0x10d: {  	[tilespmem:v18+s23+$0x340 ss:$0x1] =	vst.idx.msk $0xffff, v20  }
0x10e: {  	v20 =	vld.idx.msk [tilespmem:v18+s23+$0x350 ss:$0x1], $0xffff;
	_ =	sdelay $0x4  }
0x10f: {  	v20 =	vmul.f32 v20, v55;
	_ =	sdelay $0x1  }
0x110: {  	[tilespmem:v18+s23+$0x350 ss:$0x1] =	vst.idx.msk $0xffff, v20  }
0x111: {  	v20 =	vld.idx.msk [tilespmem:v18+s23+$0x360 ss:$0x1], $0xffff;
	_ =	sdelay $0x4  }
0x112: {  	v20 =	vmul.f32 v20, v55;
	_ =	sdelay $0x1  }
0x113: {  	[tilespmem:v18+s23+$0x360 ss:$0x1] =	vst.idx.msk $0xffff, v20  }
0x114: {  	v20 =	vld.idx.msk [tilespmem:v18+s23+$0x370 ss:$0x1], $0xffff;
	_ =	sdelay $0x4  }
0x115: {  	v20 =	vmul.f32 v20, v55;
	_ =	sdelay $0x1  }
0x116: {  	[tilespmem:v18+s23+$0x370 ss:$0x1] =	vst.idx.msk $0xffff, v20  }
0x117: {  	v20 =	vld.idx.msk [tilespmem:v18+s23+$0x380 ss:$0x1], $0xffff;
	_ =	sdelay $0x2  }
0x118: {  	v56 =	vperm.xlane v19, v8;
	_ =	sdelay $0x1  }
0x119: {  	v20 =	vmul.f32 v20, v56;
	_ =	sdelay $0x1  }
0x11a: {  	[tilespmem:v18+s23+$0x380 ss:$0x1] =	vst.idx.msk $0xffff, v20  }
0x11b: {  	v20 =	vld.idx.msk [tilespmem:v18+s23+$0x390 ss:$0x1], $0xffff;
	_ =	sdelay $0x4  }
0x11c: {  	v20 =	vmul.f32 v20, v56;
	_ =	sdelay $0x1  }
0x11d: {  	[tilespmem:v18+s23+$0x390 ss:$0x1] =	vst.idx.msk $0xffff, v20  }
0x11e: {  	v20 =	vld.idx.msk [tilespmem:v18+s23+$0x3A0 ss:$0x1], $0xffff;
	_ =	sdelay $0x4  }
0x11f: {  	v20 =	vmul.f32 v20, v56;
	_ =	sdelay $0x1  }
0x120: {  	[tilespmem:v18+s23+$0x3A0 ss:$0x1] =	vst.idx.msk $0xffff, v20  }
0x121: {  	v20 =	vld.idx.msk [tilespmem:v18+s23+$0x3B0 ss:$0x1], $0xffff;
	_ =	sdelay $0x4  }
0x122: {  	v20 =	vmul.f32 v20, v56;
	_ =	sdelay $0x1  }
0x123: {  	[tilespmem:v18+s23+$0x3B0 ss:$0x1] =	vst.idx.msk $0xffff, v20  }
0x124: {  	v20 =	vld.idx.msk [tilespmem:v18+s23+$0x3C0 ss:$0x1], $0xffff;
	_ =	sdelay $0x4  }
0x125: {  	v20 =	vmul.f32 v20, v56;
	_ =	sdelay $0x1  }
0x126: {  	[tilespmem:v18+s23+$0x3C0 ss:$0x1] =	vst.idx.msk $0xffff, v20  }
0x127: {  	v20 =	vld.idx.msk [tilespmem:v18+s23+$0x3D0 ss:$0x1], $0xffff;
	_ =	sdelay $0x4  }
0x128: {  	v20 =	vmul.f32 v20, v56;
	_ =	sdelay $0x1  }
0x129: {  	[tilespmem:v18+s23+$0x3D0 ss:$0x1] =	vst.idx.msk $0xffff, v20  }
0x12a: {  	v20 =	vld.idx.msk [tilespmem:v18+s23+$0x3E0 ss:$0x1], $0xffff;
	_ =	sdelay $0x4  }
0x12b: {  	v20 =	vmul.f32 v20, v56;
	_ =	sdelay $0x1  }
0x12c: {  	[tilespmem:v18+s23+$0x3E0 ss:$0x1] =	vst.idx.msk $0xffff, v20  }
0x12d: {  	v20 =	vld.idx.msk [tilespmem:v18+s23+$0x3F0 ss:$0x1], $0xffff;
	_ =	sdelay $0x4  }
0x12e: {  	v20 =	vmul.f32 v20, v56;
	_ =	sdelay $0x1  }
0x12f: {  	[tilespmem:v18+s23+$0x3F0 ss:$0x1] =	vst.idx.msk $0xffff, v20  }
0x130: {  	v20 =	vld.idx.msk [tilespmem:v18+s23+$0x400 ss:$0x1], $0xffff;
	_ =	sdelay $0x2  }
0x131: {  	v57 =	vperm.xlane v19, v9;
	_ =	sdelay $0x1  }
0x132: {  	v20 =	vmul.f32 v20, v57;
	_ =	sdelay $0x1  }
0x133: {  	[tilespmem:v18+s23+$0x400 ss:$0x1] =	vst.idx.msk $0xffff, v20  }
0x134: {  	v20 =	vld.idx.msk [tilespmem:v18+s23+$0x410 ss:$0x1], $0xffff;
	_ =	sdelay $0x4  }
0x135: {  	v20 =	vmul.f32 v20, v57;
	_ =	sdelay $0x1  }
0x136: {  	[tilespmem:v18+s23+$0x410 ss:$0x1] =	vst.idx.msk $0xffff, v20  }
0x137: {  	v20 =	vld.idx.msk [tilespmem:v18+s23+$0x420 ss:$0x1], $0xffff;
	_ =	sdelay $0x4  }
0x138: {  	v20 =	vmul.f32 v20, v57;
	_ =	sdelay $0x1  }
0x139: {  	[tilespmem:v18+s23+$0x420 ss:$0x1] =	vst.idx.msk $0xffff, v20  }
0x13a: {  	v20 =	vld.idx.msk [tilespmem:v18+s23+$0x430 ss:$0x1], $0xffff;
	_ =	sdelay $0x4  }
0x13b: {  	v20 =	vmul.f32 v20, v57;
	_ =	sdelay $0x1  }
0x13c: {  	[tilespmem:v18+s23+$0x430 ss:$0x1] =	vst.idx.msk $0xffff, v20  }
0x13d: {  	v20 =	vld.idx.msk [tilespmem:v18+s23+$0x440 ss:$0x1], $0xffff;
	_ =	sdelay $0x4  }
0x13e: {  	v20 =	vmul.f32 v20, v57;
	_ =	sdelay $0x1  }
0x13f: {  	[tilespmem:v18+s23+$0x440 ss:$0x1] =	vst.idx.msk $0xffff, v20  }
0x140: {  	v20 =	vld.idx.msk [tilespmem:v18+s23+$0x450 ss:$0x1], $0xffff;
	_ =	sdelay $0x4  }
0x141: {  	v20 =	vmul.f32 v20, v57;
	_ =	sdelay $0x1  }
0x142: {  	[tilespmem:v18+s23+$0x450 ss:$0x1] =	vst.idx.msk $0xffff, v20  }
0x143: {  	v20 =	vld.idx.msk [tilespmem:v18+s23+$0x460 ss:$0x1], $0xffff;
	_ =	sdelay $0x4  }
0x144: {  	v20 =	vmul.f32 v20, v57;
	_ =	sdelay $0x1  }
0x145: {  	[tilespmem:v18+s23+$0x460 ss:$0x1] =	vst.idx.msk $0xffff, v20  }
0x146: {  	v20 =	vld.idx.msk [tilespmem:v18+s23+$0x470 ss:$0x1], $0xffff;
	_ =	sdelay $0x4  }
0x147: {  	v20 =	vmul.f32 v20, v57;
	_ =	sdelay $0x1  }
0x148: {  	[tilespmem:v18+s23+$0x470 ss:$0x1] =	vst.idx.msk $0xffff, v20  }
0x149: {  	v20 =	vld.idx.msk [tilespmem:v18+s23+$0x480 ss:$0x1], $0xffff;
	_ =	sdelay $0x2  }
0x14a: {  	v58 =	vperm.xlane v19, v10;
	_ =	sdelay $0x1  }
0x14b: {  	v20 =	vmul.f32 v20, v58;
	_ =	sdelay $0x1  }
0x14c: {  	[tilespmem:v18+s23+$0x480 ss:$0x1] =	vst.idx.msk $0xffff, v20  }
0x14d: {  	v20 =	vld.idx.msk [tilespmem:v18+s23+$0x490 ss:$0x1], $0xffff;
	_ =	sdelay $0x4  }
0x14e: {  	v20 =	vmul.f32 v20, v58;
	_ =	sdelay $0x1  }
0x14f: {  	[tilespmem:v18+s23+$0x490 ss:$0x1] =	vst.idx.msk $0xffff, v20  }
0x150: {  	v20 =	vld.idx.msk [tilespmem:v18+s23+$0x4A0 ss:$0x1], $0xffff;
	_ =	sdelay $0x4  }
0x151: {  	v20 =	vmul.f32 v20, v58;
	_ =	sdelay $0x1  }
0x152: {  	[tilespmem:v18+s23+$0x4A0 ss:$0x1] =	vst.idx.msk $0xffff, v20  }
0x153: {  	v20 =	vld.idx.msk [tilespmem:v18+s23+$0x4B0 ss:$0x1], $0xffff;
	_ =	sdelay $0x4  }
0x154: {  	v20 =	vmul.f32 v20, v58;
	_ =	sdelay $0x1  }
0x155: {  	[tilespmem:v18+s23+$0x4B0 ss:$0x1] =	vst.idx.msk $0xffff, v20  }
0x156: {  	v20 =	vld.idx.msk [tilespmem:v18+s23+$0x4C0 ss:$0x1], $0xffff;
	_ =	sdelay $0x4  }
0x157: {  	v20 =	vmul.f32 v20, v58;
	_ =	sdelay $0x1  }
0x158: {  	[tilespmem:v18+s23+$0x4C0 ss:$0x1] =	vst.idx.msk $0xffff, v20  }
0x159: {  	v20 =	vld.idx.msk [tilespmem:v18+s23+$0x4D0 ss:$0x1], $0xffff;
	_ =	sdelay $0x4  }
0x15a: {  	v20 =	vmul.f32 v20, v58;
	_ =	sdelay $0x1  }
0x15b: {  	[tilespmem:v18+s23+$0x4D0 ss:$0x1] =	vst.idx.msk $0xffff, v20  }
0x15c: {  	v20 =	vld.idx.msk [tilespmem:v18+s23+$0x4E0 ss:$0x1], $0xffff;
	_ =	sdelay $0x4  }
0x15d: {  	v20 =	vmul.f32 v20, v58;
	_ =	sdelay $0x1  }
0x15e: {  	[tilespmem:v18+s23+$0x4E0 ss:$0x1] =	vst.idx.msk $0xffff, v20  }
0x15f: {  	v20 =	vld.idx.msk [tilespmem:v18+s23+$0x4F0 ss:$0x1], $0xffff;
	_ =	sdelay $0x4  }
0x160: {  	v20 =	vmul.f32 v20, v58;
	_ =	sdelay $0x1  }
0x161: {  	[tilespmem:v18+s23+$0x4F0 ss:$0x1] =	vst.idx.msk $0xffff, v20  }
0x162: {  	v20 =	vld.idx.msk [tilespmem:v18+s23+$0x500 ss:$0x1], $0xffff;
	_ =	sdelay $0x2  }
0x163: {  	v59 =	vperm.xlane v19, v11;
	_ =	sdelay $0x1  }
0x164: {  	v20 =	vmul.f32 v20, v59;
	_ =	sdelay $0x1  }
0x165: {  	[tilespmem:v18+s23+$0x500 ss:$0x1] =	vst.idx.msk $0xffff, v20  }
0x166: {  	v20 =	vld.idx.msk [tilespmem:v18+s23+$0x510 ss:$0x1], $0xffff;
	_ =	sdelay $0x4  }
0x167: {  	v20 =	vmul.f32 v20, v59;
	_ =	sdelay $0x1  }
0x168: {  	[tilespmem:v18+s23+$0x510 ss:$0x1] =	vst.idx.msk $0xffff, v20  }
0x169: {  	v20 =	vld.idx.msk [tilespmem:v18+s23+$0x520 ss:$0x1], $0xffff;
	_ =	sdelay $0x4  }
0x16a: {  	v20 =	vmul.f32 v20, v59;
	_ =	sdelay $0x1  }
0x16b: {  	[tilespmem:v18+s23+$0x520 ss:$0x1] =	vst.idx.msk $0xffff, v20  }
0x16c: {  	v20 =	vld.idx.msk [tilespmem:v18+s23+$0x530 ss:$0x1], $0xffff;
	_ =	sdelay $0x4  }
0x16d: {  	v20 =	vmul.f32 v20, v59;
	_ =	sdelay $0x1  }
0x16e: {  	[tilespmem:v18+s23+$0x530 ss:$0x1] =	vst.idx.msk $0xffff, v20  }
0x16f: {  	v20 =	vld.idx.msk [tilespmem:v18+s23+$0x540 ss:$0x1], $0xffff;
	_ =	sdelay $0x4  }
0x170: {  	v20 =	vmul.f32 v20, v59;
	_ =	sdelay $0x1  }
0x171: {  	[tilespmem:v18+s23+$0x540 ss:$0x1] =	vst.idx.msk $0xffff, v20  }
0x172: {  	v20 =	vld.idx.msk [tilespmem:v18+s23+$0x550 ss:$0x1], $0xffff;
	_ =	sdelay $0x4  }
0x173: {  	v20 =	vmul.f32 v20, v59;
	_ =	sdelay $0x1  }
0x174: {  	[tilespmem:v18+s23+$0x550 ss:$0x1] =	vst.idx.msk $0xffff, v20  }
0x175: {  	v20 =	vld.idx.msk [tilespmem:v18+s23+$0x560 ss:$0x1], $0xffff;
	_ =	sdelay $0x4  }
0x176: {  	v20 =	vmul.f32 v20, v59;
	_ =	sdelay $0x1  }
0x177: {  	[tilespmem:v18+s23+$0x560 ss:$0x1] =	vst.idx.msk $0xffff, v20  }
0x178: {  	v20 =	vld.idx.msk [tilespmem:v18+s23+$0x570 ss:$0x1], $0xffff;
	_ =	sdelay $0x4  }
0x179: {  	v20 =	vmul.f32 v20, v59;
	_ =	sdelay $0x1  }
0x17a: {  	[tilespmem:v18+s23+$0x570 ss:$0x1] =	vst.idx.msk $0xffff, v20  }
0x17b: {  	v20 =	vld.idx.msk [tilespmem:v18+s23+$0x580 ss:$0x1], $0xffff;
	_ =	sdelay $0x2  }
0x17c: {  	v60 =	vperm.xlane v19, v12;
	_ =	sdelay $0x1  }
0x17d: {  	v20 =	vmul.f32 v20, v60;
	_ =	sdelay $0x1  }
0x17e: {  	[tilespmem:v18+s23+$0x580 ss:$0x1] =	vst.idx.msk $0xffff, v20  }
0x17f: {  	v20 =	vld.idx.msk [tilespmem:v18+s23+$0x590 ss:$0x1], $0xffff;
	_ =	sdelay $0x4  }
0x180: {  	v20 =	vmul.f32 v20, v60;
	_ =	sdelay $0x1  }
0x181: {  	[tilespmem:v18+s23+$0x590 ss:$0x1] =	vst.idx.msk $0xffff, v20  }
0x182: {  	v20 =	vld.idx.msk [tilespmem:v18+s23+$0x5A0 ss:$0x1], $0xffff;
	_ =	sdelay $0x4  }
0x183: {  	v20 =	vmul.f32 v20, v60;
	_ =	sdelay $0x1  }
0x184: {  	[tilespmem:v18+s23+$0x5A0 ss:$0x1] =	vst.idx.msk $0xffff, v20  }
0x185: {  	v20 =	vld.idx.msk [tilespmem:v18+s23+$0x5B0 ss:$0x1], $0xffff;
	_ =	sdelay $0x4  }
0x186: {  	v20 =	vmul.f32 v20, v60;
	_ =	sdelay $0x1  }
0x187: {  	[tilespmem:v18+s23+$0x5B0 ss:$0x1] =	vst.idx.msk $0xffff, v20  }
0x188: {  	v20 =	vld.idx.msk [tilespmem:v18+s23+$0x5C0 ss:$0x1], $0xffff;
	_ =	sdelay $0x4  }
0x189: {  	v20 =	vmul.f32 v20, v60;
	_ =	sdelay $0x1  }
0x18a: {  	[tilespmem:v18+s23+$0x5C0 ss:$0x1] =	vst.idx.msk $0xffff, v20  }
0x18b: {  	v20 =	vld.idx.msk [tilespmem:v18+s23+$0x5D0 ss:$0x1], $0xffff;
	_ =	sdelay $0x4  }
0x18c: {  	v20 =	vmul.f32 v20, v60;
	_ =	sdelay $0x1  }
0x18d: {  	[tilespmem:v18+s23+$0x5D0 ss:$0x1] =	vst.idx.msk $0xffff, v20  }
0x18e: {  	v20 =	vld.idx.msk [tilespmem:v18+s23+$0x5E0 ss:$0x1], $0xffff;
	_ =	sdelay $0x4  }
0x18f: {  	v20 =	vmul.f32 v20, v60;
	_ =	sdelay $0x1  }
0x190: {  	[tilespmem:v18+s23+$0x5E0 ss:$0x1] =	vst.idx.msk $0xffff, v20  }
0x191: {  	v20 =	vld.idx.msk [tilespmem:v18+s23+$0x5F0 ss:$0x1], $0xffff;
	_ =	sdelay $0x4  }
0x192: {  	v20 =	vmul.f32 v20, v60;
	_ =	sdelay $0x1  }
0x193: {  	[tilespmem:v18+s23+$0x5F0 ss:$0x1] =	vst.idx.msk $0xffff, v20  }
0x194: {  	v20 =	vld.idx.msk [tilespmem:v18+s23+$0x600 ss:$0x1], $0xffff;
	_ =	sdelay $0x2  }
0x195: {  	v61 =	vperm.xlane v19, v13;
	_ =	sdelay $0x1  }
0x196: {  	v20 =	vmul.f32 v20, v61;
	_ =	sdelay $0x1  }
0x197: {  	[tilespmem:v18+s23+$0x600 ss:$0x1] =	vst.idx.msk $0xffff, v20  }
0x198: {  	v20 =	vld.idx.msk [tilespmem:v18+s23+$0x610 ss:$0x1], $0xffff;
	_ =	sdelay $0x4  }
0x199: {  	v20 =	vmul.f32 v20, v61;
	_ =	sdelay $0x1  }
0x19a: {  	[tilespmem:v18+s23+$0x610 ss:$0x1] =	vst.idx.msk $0xffff, v20  }
0x19b: {  	v20 =	vld.idx.msk [tilespmem:v18+s23+$0x620 ss:$0x1], $0xffff;
	_ =	sdelay $0x4  }
0x19c: {  	v20 =	vmul.f32 v20, v61;
	_ =	sdelay $0x1  }
0x19d: {  	[tilespmem:v18+s23+$0x620 ss:$0x1] =	vst.idx.msk $0xffff, v20  }
0x19e: {  	v20 =	vld.idx.msk [tilespmem:v18+s23+$0x630 ss:$0x1], $0xffff;
	_ =	sdelay $0x4  }
0x19f: {  	v20 =	vmul.f32 v20, v61;
	_ =	sdelay $0x1  }
0x1a0: {  	[tilespmem:v18+s23+$0x630 ss:$0x1] =	vst.idx.msk $0xffff, v20  }
0x1a1: {  	v20 =	vld.idx.msk [tilespmem:v18+s23+$0x640 ss:$0x1], $0xffff;
	_ =	sdelay $0x4  }
0x1a2: {  	v20 =	vmul.f32 v20, v61;
	_ =	sdelay $0x1  }
0x1a3: {  	[tilespmem:v18+s23+$0x640 ss:$0x1] =	vst.idx.msk $0xffff, v20  }
0x1a4: {  	v20 =	vld.idx.msk [tilespmem:v18+s23+$0x650 ss:$0x1], $0xffff;
	_ =	sdelay $0x4  }
0x1a5: {  	v20 =	vmul.f32 v20, v61;
	_ =	sdelay $0x1  }
0x1a6: {  	[tilespmem:v18+s23+$0x650 ss:$0x1] =	vst.idx.msk $0xffff, v20  }
0x1a7: {  	v20 =	vld.idx.msk [tilespmem:v18+s23+$0x660 ss:$0x1], $0xffff;
	_ =	sdelay $0x4  }
0x1a8: {  	v20 =	vmul.f32 v20, v61;
	_ =	sdelay $0x1  }
0x1a9: {  	[tilespmem:v18+s23+$0x660 ss:$0x1] =	vst.idx.msk $0xffff, v20  }
0x1aa: {  	v20 =	vld.idx.msk [tilespmem:v18+s23+$0x670 ss:$0x1], $0xffff;
	_ =	sdelay $0x4  }
0x1ab: {  	v20 =	vmul.f32 v20, v61;
	_ =	sdelay $0x1  }
0x1ac: {  	[tilespmem:v18+s23+$0x670 ss:$0x1] =	vst.idx.msk $0xffff, v20  }
0x1ad: {  	v20 =	vld.idx.msk [tilespmem:v18+s23+$0x680 ss:$0x1], $0xffff;
	_ =	sdelay $0x2  }
0x1ae: {  	v62 =	vperm.xlane v19, v14;
	_ =	sdelay $0x1  }
0x1af: {  	v20 =	vmul.f32 v20, v62;
	_ =	sdelay $0x1  }
0x1b0: {  	[tilespmem:v18+s23+$0x680 ss:$0x1] =	vst.idx.msk $0xffff, v20  }
0x1b1: {  	v20 =	vld.idx.msk [tilespmem:v18+s23+$0x690 ss:$0x1], $0xffff;
	_ =	sdelay $0x4  }
0x1b2: {  	v20 =	vmul.f32 v20, v62;
	_ =	sdelay $0x1  }
0x1b3: {  	[tilespmem:v18+s23+$0x690 ss:$0x1] =	vst.idx.msk $0xffff, v20  }
0x1b4: {  	v20 =	vld.idx.msk [tilespmem:v18+s23+$0x6A0 ss:$0x1], $0xffff;
	_ =	sdelay $0x4  }
0x1b5: {  	v20 =	vmul.f32 v20, v62;
	_ =	sdelay $0x1  }
0x1b6: {  	[tilespmem:v18+s23+$0x6A0 ss:$0x1] =	vst.idx.msk $0xffff, v20  }
0x1b7: {  	v20 =	vld.idx.msk [tilespmem:v18+s23+$0x6B0 ss:$0x1], $0xffff;
	_ =	sdelay $0x4  }
0x1b8: {  	v20 =	vmul.f32 v20, v62;
	_ =	sdelay $0x1  }
0x1b9: {  	[tilespmem:v18+s23+$0x6B0 ss:$0x1] =	vst.idx.msk $0xffff, v20  }
0x1ba: {  	v20 =	vld.idx.msk [tilespmem:v18+s23+$0x6C0 ss:$0x1], $0xffff;
	_ =	sdelay $0x4  }
0x1bb: {  	v20 =	vmul.f32 v20, v62;
	_ =	sdelay $0x1  }
0x1bc: {  	[tilespmem:v18+s23+$0x6C0 ss:$0x1] =	vst.idx.msk $0xffff, v20  }
0x1bd: {  	v20 =	vld.idx.msk [tilespmem:v18+s23+$0x6D0 ss:$0x1], $0xffff;
	_ =	sdelay $0x4  }
0x1be: {  	v20 =	vmul.f32 v20, v62;
	_ =	sdelay $0x1  }
0x1bf: {  	[tilespmem:v18+s23+$0x6D0 ss:$0x1] =	vst.idx.msk $0xffff, v20  }
0x1c0: {  	v20 =	vld.idx.msk [tilespmem:v18+s23+$0x6E0 ss:$0x1], $0xffff;
	_ =	sdelay $0x4  }
0x1c1: {  	v20 =	vmul.f32 v20, v62;
	_ =	sdelay $0x1  }
0x1c2: {  	[tilespmem:v18+s23+$0x6E0 ss:$0x1] =	vst.idx.msk $0xffff, v20  }
0x1c3: {  	v20 =	vld.idx.msk [tilespmem:v18+s23+$0x6F0 ss:$0x1], $0xffff;
	_ =	sdelay $0x4  }
0x1c4: {  	v20 =	vmul.f32 v20, v62;
	_ =	sdelay $0x1  }
0x1c5: {  	[tilespmem:v18+s23+$0x6F0 ss:$0x1] =	vst.idx.msk $0xffff, v20  }
0x1c6: {  	v20 =	vld.idx.msk [tilespmem:v18+s23+$0x700 ss:$0x1], $0xffff;
	_ =	sdelay $0x2  }
0x1c7: {  	v63 =	vperm.xlane v19, v15;
	_ =	sdelay $0x1  }
0x1c8: {  	v20 =	vmul.f32 v20, v63;
	_ =	sdelay $0x1  }
0x1c9: {  	[tilespmem:v18+s23+$0x700 ss:$0x1] =	vst.idx.msk $0xffff, v20  }
0x1ca: {  	v20 =	vld.idx.msk [tilespmem:v18+s23+$0x710 ss:$0x1], $0xffff;
	_ =	sdelay $0x4  }
0x1cb: {  	v20 =	vmul.f32 v20, v63;
	_ =	sdelay $0x1  }
0x1cc: {  	[tilespmem:v18+s23+$0x710 ss:$0x1] =	vst.idx.msk $0xffff, v20  }
0x1cd: {  	v20 =	vld.idx.msk [tilespmem:v18+s23+$0x720 ss:$0x1], $0xffff;
	_ =	sdelay $0x4  }
0x1ce: {  	v20 =	vmul.f32 v20, v63;
	_ =	sdelay $0x1  }
0x1cf: {  	[tilespmem:v18+s23+$0x720 ss:$0x1] =	vst.idx.msk $0xffff, v20  }
0x1d0: {  	v20 =	vld.idx.msk [tilespmem:v18+s23+$0x730 ss:$0x1], $0xffff;
	_ =	sdelay $0x4  }
0x1d1: {  	v20 =	vmul.f32 v20, v63;
	_ =	sdelay $0x1  }
0x1d2: {  	[tilespmem:v18+s23+$0x730 ss:$0x1] =	vst.idx.msk $0xffff, v20  }
0x1d3: {  	v20 =	vld.idx.msk [tilespmem:v18+s23+$0x740 ss:$0x1], $0xffff;
	_ =	sdelay $0x4  }
0x1d4: {  	v20 =	vmul.f32 v20, v63;
	_ =	sdelay $0x1  }
0x1d5: {  	[tilespmem:v18+s23+$0x740 ss:$0x1] =	vst.idx.msk $0xffff, v20  }
0x1d6: {  	v20 =	vld.idx.msk [tilespmem:v18+s23+$0x750 ss:$0x1], $0xffff;
	_ =	sdelay $0x4  }
0x1d7: {  	v20 =	vmul.f32 v20, v63;
	_ =	sdelay $0x1  }
0x1d8: {  	[tilespmem:v18+s23+$0x750 ss:$0x1] =	vst.idx.msk $0xffff, v20  }
0x1d9: {  	v20 =	vld.idx.msk [tilespmem:v18+s23+$0x760 ss:$0x1], $0xffff;
	_ =	sdelay $0x4  }
0x1da: {  	v20 =	vmul.f32 v20, v63;
	_ =	sdelay $0x1  }
0x1db: {  	[tilespmem:v18+s23+$0x760 ss:$0x1] =	vst.idx.msk $0xffff, v20  }
0x1dc: {  	v20 =	vld.idx.msk [tilespmem:v18+s23+$0x770 ss:$0x1], $0xffff;
	_ =	sdelay $0x4  }
0x1dd: {  	v20 =	vmul.f32 v20, v63;
	_ =	sdelay $0x1  }
0x1de: {  	[tilespmem:v18+s23+$0x770 ss:$0x1] =	vst.idx.msk $0xffff, v20  }
0x1df: {  	v20 =	vld.idx.msk [tilespmem:v18+s23+$0x780 ss:$0x1], $0xffff;
	_ =	sdelay $0x2  }
0x1e0: {  	v19 =	vperm.xlane v19, v16;
	_ =	sdelay $0x1  }
0x1e1: {  	v20 =	vmul.f32 v20, v19;
	_ =	sdelay $0x1  }
0x1e2: {  	[tilespmem:v18+s23+$0x780 ss:$0x1] =	vst.idx.msk $0xffff, v20  }
0x1e3: {  	v20 =	vld.idx.msk [tilespmem:v18+s23+$0x790 ss:$0x1], $0xffff;
	_ =	sdelay $0x4  }
0x1e4: {  	v20 =	vmul.f32 v20, v19;
	_ =	sdelay $0x1  }
0x1e5: {  	[tilespmem:v18+s23+$0x790 ss:$0x1] =	vst.idx.msk $0xffff, v20  }
0x1e6: {  	v20 =	vld.idx.msk [tilespmem:v18+s23+$0x7A0 ss:$0x1], $0xffff;
	_ =	sdelay $0x4  }
0x1e7: {  	v20 =	vmul.f32 v20, v19;
	_ =	sdelay $0x1  }
0x1e8: {  	[tilespmem:v18+s23+$0x7A0 ss:$0x1] =	vst.idx.msk $0xffff, v20  }
0x1e9: {  	v20 =	vld.idx.msk [tilespmem:v18+s23+$0x7B0 ss:$0x1], $0xffff;
	_ =	sdelay $0x4  }
0x1ea: {  	v20 =	vmul.f32 v20, v19;
	_ =	sdelay $0x1  }
0x1eb: {  	[tilespmem:v18+s23+$0x7B0 ss:$0x1] =	vst.idx.msk $0xffff, v20  }
0x1ec: {  	v20 =	vld.idx.msk [tilespmem:v18+s23+$0x7C0 ss:$0x1], $0xffff;
	_ =	sdelay $0x4  }
0x1ed: {  	v20 =	vmul.f32 v20, v19;
	_ =	sdelay $0x1  }
0x1ee: {  	[tilespmem:v18+s23+$0x7C0 ss:$0x1] =	vst.idx.msk $0xffff, v20  }
0x1ef: {  	v20 =	vld.idx.msk [tilespmem:v18+s23+$0x7D0 ss:$0x1], $0xffff;
	_ =	sdelay $0x4  }
0x1f0: {  	v20 =	vmul.f32 v20, v19;
	_ =	sdelay $0x1  }
0x1f1: {  	[tilespmem:v18+s23+$0x7D0 ss:$0x1] =	vst.idx.msk $0xffff, v20  }
0x1f2: {  	v20 =	vld.idx.msk [tilespmem:v18+s23+$0x7E0 ss:$0x1], $0xffff;
	_ =	sdelay $0x4  }
0x1f3: {  	v20 =	vmul.f32 v20, v19;
	_ =	sdelay $0x1  }
0x1f4: {  	[tilespmem:v18+s23+$0x7E0 ss:$0x1] =	vst.idx.msk $0xffff, v20  }
0x1f5: {  	v20 =	vld.idx.msk [tilespmem:v18+s23+$0x7F0 ss:$0x1], $0xffff;
	_ =	sdelay $0x1  }
0x1f6: {  	p0 =	sne.s32 s13, $0x3  }
.Ltmp1:
0x1f7: {  	_ = 	snop;
	(pc) =	sbr.rel @p0 .LBB2_5-.Ltmp1, $3  }
0x1f8: {  	_ = 	snop  }
0x1f9: {  	v19 =	vmul.f32 v20, v19;
	_ =	sdelay $0x1  }
0x1fa: {  	s13 =	sadd.s32 $0x1, s13;
	[tilespmem:v18+s23+$0x7F0 ss:$0x1] =	vst.idx.msk $0xffff, v19  }
0x1fb: {  	p0 =	sgt.u32 s29, $0x97  }
0x1fc: {  	s2 =	sshll.u32 s2, $0xB;
	s9 =	sshll.u32 s0, $0x8;
	p1 =	sne.s32 @!p0 s0, $0x1  }
0x1fd: {  	s2 =	sor.u32 s9, s2;
	p1 =	por p0, p1  }
.Ltmp2:
0x1fe: {  	s2 =	sor.u32 $0x80, s2;
	(pc) =	sbr.rel @p1 .LBB2_8-.Ltmp2, $4  }
0x1ff: {  	[spmem:s3] =	stream.indirect.scatter.add.f32 [tilespmem:s11], [sflag:$0x9], $0x80, s2, s31, $0xb8;
	[tilespmem:$0x1D800] =	vst v63  }
0x200: {  	_ =	swait.ge [sflag:s25], $0x2000  }
0x201: {  	s11 =	sadd.s32 $0x1, s26;
	[sflag:s25] =	ssyncset.done $0x0  }
0x202: {  	s2 =	sand.u32 $0x1, s11;
	[sflag:s25] =	ssyncadd.s32 $0xFFFFE000  }
0x203: {  	s0 =	sshll.u32 s11, $0xB  }
0x204: {  	s0 =	sadd.s32 s7, s0  }
0x205: {  	s0 =	sshrl.u32 s0, $0x3  }
0x206: {  	s9 =	sshll.u32 s2, $0xB;
	s13 =	sadd.s32 $0x5, s2;
	s0 =	sadd.s32 s5, s0  }
0x207: {  	[tilespmem:s9], [sflag:s13] =	stream.linear.gather [hbm4b:s0+s4], $0x800, $0x38;
	[tilespmem:$0x1D800] =	vst v63  }
.Ltmp3:
0x208: {  	s13 =	sshll.u32 s11, $0xA;
	(pc) =	sbr.rel .LBB2_11-.Ltmp3, $4  }
0x209: {  	s0 =	sadd.s32 s8, s13  }
0x20a: {  	s23 =	sshll.u32 s2, $0xA;
	s0 =	sshrl.u32 s0, $0x3  }
0x20b: {  	s26 =	sadd.s32 $0x7, s2;
	s9 =	sor.u32 $0x1000, s23;
	s0 =	sadd.s32 s6, s0  }
0x20c: {  	[tilespmem:s9], [sflag:s26] =	stream.linear.gather [hbm4b:s0+s4], $0x400, $0x38;
	[tilespmem:$0x1D800] =	vst v63  }
.LBB2_8:
0x20d: {  	p1 =	sne.s32 @!p0 s0, $0x6  }
0x20e: {  	p0 =	por p0, p1  }
.Ltmp4:
0x20f: {  	_ = 	snop;
	(pc) =	sbr.rel @p0 .LBB2_10-.Ltmp4, $1  }
0x210: {  	_ =	sdelay $0x3  }
0x211: {  	s0 =	sadd.s32 $0x5, s2  }
0x212: {  	_ =	swait.ge [sflag:s0], $0x800  }
0x213: {  	[sflag:s0] =	ssyncset.done $0x0  }
0x214: {  	s26 =	sadd.s32 $0x7, s2;
	[sflag:s0] =	ssyncadd.s32 $0xFFFFF800  }
0x215: {  	_ =	swait.ge [sflag:s26], $0x400  }
0x216: {  	[sflag:s26] =	ssyncset.done $0x0  }
0x217: {  	[sflag:s26] =	ssyncadd.s32 $0xFFFFFC00  }
.LBB2_11:
0x218: {  	s0 =	sadd.s32 $0x2, s29  }
0x219: {  	s2 =	sand.u32 $0x3, s0  }
0x21a: {  	s0 =	sshll.u32 s0, $0x8;
	s9 =	sshll.u32 s2, $0xD  }
0x21b: {  	s0 =	sand.u32 $0xF00, s0;
	s2 =	sadd.s32 $0x1, s2;
	s9 =	sor.u32 $0x1800, s9  }
0x21c: {  	[tilespmem:s9], [sflag:s2] =	stream.indirect.gather [hbm4b:s1+s31], $0x80, s0, s31, $0xb8;
	[tilespmem:$0x1D800] =	vst v63  }
.LBB2_12:
0x21d: {  	s29 =	sadd.s32 $0x1, s29  }
0x21e: {  	p0 =	sne.s32 s29, $0xA0  }
.Ltmp5:
0x21f: {  	_ = 	snop;
	(pc) =	sbr.rel @p0 .LBB2_4-.Ltmp5, $4  }
.Ltmp6:
0x220: {  	_ = 	snop;
	(pc) =	sbr.rel @!p0 .LBB2_13-.Ltmp6, $4  }
0x221: {  	_ = 	snop  }
0x222: {  	_ = 	snop  }
0x223: {  	_ = 	snop  }
0x224: {  	_ = 	snop  }
.LBB2_10:
0x225: {  	p0 =	sgt.u32 s29, $0x9D  }
.Ltmp7:
0x226: {  	_ = 	snop;
	(pc) =	sbr.rel @p0 .LBB2_12-.Ltmp7, $4  }
.Ltmp8:
0x227: {  	_ = 	snop;
	(pc) =	sbr.rel @!p0 .LBB2_11-.Ltmp8, $4  }
0x228: {  	_ = 	snop  }
0x229: {  	_ = 	snop  }
0x22a: {  	_ = 	snop  }
0x22b: {  	_ = 	snop  }
.LBB2_13:
0x22c: {  	s0 =	stileid.u32  }
0x22d: {  	[bflag:$0x0] =	sbarrier.arrive $0xFFFF;
	s0 =	sshll.u32 s0, $0x6  }
0x22e: {  	s2 =	sshrl.u32 s12, $0x3;
	s9 =	rddreg [dreg:$0x7];
	s0 =	sor.u32 $0x1C09, s0  }
0x22f: {  	[hbm:s9], [sflag:s0] =	dma.local [spmem:s2], $0x2800  }
0x230: {  	_ =	swait.ge [sflag:s25], $0x2800  }
0x231: {  	[sflag:s25] =	ssyncset.done $0x0  }
0x232: {  	s0 =	simm.s32 $0x0;
	s2 =	simm.s32 $0x200;
	[sflag:s25] =	ssyncadd.s32 $0xFFFFD800  }
.LBB2_14:
0x233: {  	p0 =	sne.s32 s2, $0x7E00;
	[tilespmem:s0+$0x1870] =	vst v0  }
0x234: {  	[tilespmem:s0+$0x1800] =	vst v0  }
0x235: {  	[tilespmem:s0+$0x1810] =	vst v0  }
.Ltmp9:
0x236: {  	[tilespmem:s0+$0x1820] =	vst v0;
	(pc) =	sbr.rel @p0 .LBB2_14-.Ltmp9, $4  }
0x237: {  	[tilespmem:s0+$0x1830] =	vst v0  }
0x238: {  	[tilespmem:s0+$0x1840] =	vst v0  }
0x239: {  	[tilespmem:s0+$0x1850] =	vst v0  }
0x23a: {  	[tilespmem:s0+$0x1860] =	vst v0;
	s0 =	sshra.s32 s2, $0x2;
	s2 =	sadd.s32 $0x200, s2  }
0x23b: {  	[tilespmem:s0+$0x1870] =	vst v0  }
0x23c: {  	[tilespmem:s0+$0x1800] =	vst v0  }
0x23d: {  	[tilespmem:s0+$0x1810] =	vst v0  }
0x23e: {  	[tilespmem:s0+$0x1820] =	vst v0  }
0x23f: {  	[tilespmem:s0+$0x1830] =	vst v0  }
0x240: {  	[tilespmem:s0+$0x1840] =	vst v0  }
0x241: {  	[tilespmem:s0+$0x1850] =	vst v0  }
0x242: {  	[tilespmem:s0+$0x1860] =	vst v0  }
0x243: {  	[spmem:s12] =	stream.linear.scatter [tilespmem:s30], [sflag:$0x9], $0x2000, $0x38;
	[tilespmem:$0x1D800] =	vst v63  }
0x244: {  	_ =	swait.ge [sflag:s25], $0x2000  }
0x245: {  	[sflag:s25] =	ssyncset.done $0x0  }
0x246: {  	[sflag:s25] =	ssyncadd.s32 $0xFFFFE000  }
0x247: {  	[spmem:s14] =	stream.linear.scatter [tilespmem:s30], [sflag:$0x9], $0x2000, $0x38;
	[tilespmem:$0x1D800] =	vst v63  }
0x248: {  	_ =	swait.ge [sflag:s25], $0x2000  }
0x249: {  	[sflag:s25] =	ssyncset.done $0x0  }
0x24a: {  	[sflag:s25] =	ssyncadd.s32 $0xFFFFE000  }
0x24b: {  	[spmem:s15] =	stream.linear.scatter [tilespmem:s30], [sflag:$0x9], $0x2000, $0x38;
	[tilespmem:$0x1D800] =	vst v63  }
0x24c: {  	_ =	swait.ge [sflag:s25], $0x2000  }
0x24d: {  	[sflag:s25] =	ssyncset.done $0x0  }
0x24e: {  	[sflag:s25] =	ssyncadd.s32 $0xFFFFE000  }
0x24f: {  	[spmem:s16] =	stream.linear.scatter [tilespmem:s30], [sflag:$0x9], $0x2000, $0x38;
	[tilespmem:$0x1D800] =	vst v63  }
0x250: {  	_ =	swait.ge [sflag:s25], $0x2000  }
0x251: {  	[sflag:s25] =	ssyncset.done $0x0  }
0x252: {  	[sflag:s25] =	ssyncadd.s32 $0xFFFFE000  }
0x253: {  	[spmem:s17] =	stream.linear.scatter [tilespmem:s30], [sflag:$0x9], $0x2000, $0x38;
	[tilespmem:$0x1D800] =	vst v63  }
0x254: {  	_ =	swait.ge [sflag:s25], $0x2000  }
0x255: {  	[sflag:s25] =	ssyncset.done $0x0  }
0x256: {  	[sflag:s25] =	ssyncadd.s32 $0xFFFFE000  }
0x257: {  	[spmem:s18] =	stream.linear.scatter [tilespmem:s30], [sflag:$0x9], $0x2000, $0x38;
	[tilespmem:$0x1D800] =	vst v63  }
0x258: {  	_ =	swait.ge [sflag:s25], $0x2000  }
0x259: {  	[sflag:s25] =	ssyncset.done $0x0  }
0x25a: {  	[sflag:s25] =	ssyncadd.s32 $0xFFFFE000  }
0x25b: {  	[spmem:s19] =	stream.linear.scatter [tilespmem:s30], [sflag:$0x9], $0x2000, $0x38;
	[tilespmem:$0x1D800] =	vst v63  }
0x25c: {  	_ =	swait.ge [sflag:s25], $0x2000  }
0x25d: {  	[sflag:s25] =	ssyncset.done $0x0  }
0x25e: {  	[sflag:s25] =	ssyncadd.s32 $0xFFFFE000  }
0x25f: {  	[spmem:s20] =	stream.linear.scatter [tilespmem:s30], [sflag:$0x9], $0x2000, $0x38;
	[tilespmem:$0x1D800] =	vst v63  }
0x260: {  	_ =	swait.ge [sflag:s25], $0x2000  }
0x261: {  	[sflag:s25] =	ssyncset.done $0x0  }
0x262: {  	[sflag:s25] =	ssyncadd.s32 $0xFFFFE000  }
0x263: {  	[spmem:s21] =	stream.linear.scatter [tilespmem:s30], [sflag:$0x9], $0x2000, $0x38;
	[tilespmem:$0x1D800] =	vst v63  }
0x264: {  	s28 =	sadd.s32 $0x1, s28;
	_ =	swait.ge [sflag:s25], $0x2000  }
0x265: {  	p0 =	sne.s32 s28, s24;
	[sflag:s25] =	ssyncset.done $0x0  }
.Ltmp10:
0x266: {  	[sflag:s25] =	ssyncadd.s32 $0xFFFFE000;
	(pc) =	sbr.rel @p0 .LBB2_1-.Ltmp10, $4  }
0x267: {  	[spmem:s22] =	stream.linear.scatter [tilespmem:s30], [sflag:$0x9], $0x2000, $0x38;
	[tilespmem:$0x1D800] =	vst v63  }
0x268: {  	_ =	swait.ge [sflag:s25], $0x2000  }
0x269: {  	[sflag:s25] =	ssyncset.done $0x0  }
0x26a: {  	[sflag:s25] =	ssyncadd.s32 $0xFFFFE000  }
0x26b: {  	_ =	sfence.sel $0x180000  }
0x26c: {  	[bflag:$0x0] =	sbarrier.arrive $0xFFFF  }
0x26d: {  	_ =	strace $0x90000047  }
0x26e: {  	s0 =	stileid.u32;
	[bflag:$0x2] =	sbarrier.arrive $0xFFFF  }
0x26f: {  	p0 =	sne.s32 s0, $0x0;
	s0 =	rddreg [dreg:$0x3]  }
0x270: {  	s0 =	sadd.s32 @!p0 $0x100000, s0  }
0x271: {  	[sflag:s0] =	ssyncadd.tile.s32 @!p0 $0x1;
	_ =	shalt  }
.Lfunc_end2:
_tile_overlayer_lowered:
.L_overlay_start_2:
0x272: {  	(tag) =	ssettag $0x2  }
0x273: {  	s0 =	rddreg [dreg:$0x0];
	s2 =	stileid.u32  }
0x274: {  	s1 =	rddreg [dreg:$0x1];
	p0 =	sne.s32 s2, $0x0  }
0x275: {  	s3 =	rddreg [dreg:$0x2];
	[bflag:$0x3] =	sbarrier.arrive $0xFFFF;
	s2 =	simm.s32 @!p0 $0x1C09  }
0x276: {  	[timem:s3], [sflag:s2] =	dma.local @!p0 [hbm:s0], s1  }
0x277: {  	s0 =	simm.s32 @!p0 $0x9  }
0x278: {  	_ =	swait.ge @!p0 [sflag:s0], s1  }
0x279: {  	s1 =	ssub.s32 @!p0 $0x0, s1;
	[sflag:s0] =	ssyncset.done @!p0 $0x0  }
0x27a: {  	[sflag:s0] =	ssyncadd.s32 @!p0 s1  }
0x27b: {  	[bflag:$0x3] =	sbarrier.arrive $0xFFFF  }
0x27c: {  	_ =	shalt  }

</sc_bundles>
